<compile_context>
chip_gen: v7x
topology: tpu7x:2x2x1
jax: 0.10.2.dev20260603
libtpu: 0.0.44.dev20260713+nightly
codegen_flags: <defaults>
</compile_context>

<pallas_src>
import functools

import jax
import jax.numpy as jnp
from jax import lax
from jax.experimental import pallas as pl
from jax.experimental.pallas import tpu as pltpu
from jax.experimental.pallas import tpu_sc as plsc

N_NODES = 10000
N_EDGES = 320000
D_FEAT = 128
D_HID = 16
N_CLASSES = 40
D2 = 48

NC = 2
NS = 16
NW = NC * NS
NPAD = 10240
RPT = NPAD // NS
EPW = N_EDGES // NW
CHUNK = 80
NCHUNK = EPW // CHUNK
NBUF = 5

f32 = jnp.float32
i32 = jnp.int32

_MESH = plsc.VectorSubcoreMesh(core_axis_name="c", subcore_axis_name="s",
                               num_cores=NC, num_subcores=NS)
_SC_PARAMS = pltpu.CompilerParams(use_tc_tiling_on_sc=False,
                                  needs_layout_passes=False)


def _deg_body(cidx_hbm, outa_hbm, outb_hbm, cidx_v, ones_v, acc, sem):
    cid = lax.axis_index("c")
    sid = lax.axis_index("s")
    wid = cid * NS + sid

    pltpu.sync_copy(cidx_hbm.at[wid], cidx_v)

    def fill(i, _):
        ones_v[pl.ds(i * 16, 16)] = jnp.full((16,), 1.0, dtype=f32)
        return 0
    lax.fori_loop(0, RPT // 16, fill, 0)

    sl = pl.ds(sid * RPT, RPT)
    pltpu.sync_copy(ones_v, acc.at[sl])
    plsc.subcore_barrier()

    def step(j, _):
        pltpu.async_copy(ones_v.at[pl.ds(0, CHUNK)], acc.at[cidx_v.at[j]],
                         sem, add=True)
        return 0
    lax.fori_loop(0, NCHUNK, step, 0)

    def drain(j, _):
        pltpu.make_async_copy(ones_v.at[pl.ds(0, CHUNK)],
                              acc.at[cidx_v.at[j]], sem).wait()
        return 0
    lax.fori_loop(0, NCHUNK, drain, 0)

    plsc.subcore_barrier()

    @pl.when(cid == 0)
    def _():
        pltpu.sync_copy(acc.at[sl], outa_hbm.at[sl])

    @pl.when(cid == 1)
    def _():
        pltpu.sync_copy(acc.at[sl], outb_hbm.at[sl])


_deg_kernel = functools.partial(
    pl.kernel,
    out_type=[jax.ShapeDtypeStruct((NPAD,), f32),
              jax.ShapeDtypeStruct((NPAD,), f32)],
    mesh=_MESH,
    scratch_types=[
        pltpu.VMEM((NCHUNK, CHUNK), i32),
        pltpu.VMEM((RPT,), f32),
        pltpu.VMEM_SHARED((NPAD,), f32),
        pltpu.SemaphoreType.DMA,
    ],
    compiler_params=_SC_PARAMS,
)(_deg_body)


def _edge_body(d, h_hbm, dega_hbm, degb_hbm, ridx_hbm, cidx_hbm,
               sa_hbm, sb_hbm, td_hbm,
               ridx_v, cidx_v, rows, hv, dv, da_v, db_v, acc, *sems):
    cid = lax.axis_index("c")
    sid = lax.axis_index("s")
    wid = cid * NS + sid
    sl = pl.ds(sid * RPT, RPT)
    rv = d // 16

    pltpu.sync_copy(ridx_hbm.at[wid], ridx_v)
    pltpu.sync_copy(cidx_hbm.at[wid], cidx_v)
    pltpu.sync_copy(dega_hbm.at[sl], da_v)
    pltpu.sync_copy(degb_hbm.at[sl], db_v)
    pltpu.sync_copy(h_hbm.at[sl, pl.ds(0, d)], hv)

    def newton(g, _):
        gsl = pl.ds(g * 16, 16)
        deg = da_v[gsl] + db_v[gsl] - 1.0
        y = plsc.bitcast(
            0x5F3759DF - (plsc.bitcast(deg, i32) >> 1), f32)
        hx = 0.5 * deg
        y = y * (1.5 - hx * y * y)
        y = y * (1.5 - hx * y * y)
        y = y * (1.5 - hx * y * y)
        dv[gsl] = y
        return 0
    lax.fori_loop(0, RPT // 16, newton, 0)

    def scale(g, _):
        d16 = dv[pl.ds(g * 16, 16)]
        for k in range(16):
            r = g * 16 + k
            bc = jnp.full((16,), d16[k], dtype=f32)
            for v in range(rv):
                csl = pl.ds(v * 16, 16)
                hv[r, csl] = hv[r, csl] * bc
        return 0
    lax.fori_loop(0, RPT // 16, scale, 0)

    pltpu.sync_copy(hv, td_hbm.at[sl])

    def halve(g, _):
        for k in range(16):
            r = g * 16 + k
            for v in range(rv):
                csl = pl.ds(v * 16, 16)
                hv[r, csl] = hv[r, csl] * 0.5
        return 0
    lax.fori_loop(0, RPT // 16, halve, 0)

    pltpu.sync_copy(hv, acc.at[sl])
    plsc.subcore_barrier()

    for b in range(NBUF):
        pltpu.async_copy(td_hbm.at[ridx_v.at[b]], rows.at[b], sems[b])

    def group(g, _):
        for b in range(NBUF):
            j = g * NBUF + b
            pltpu.make_async_copy(td_hbm.at[ridx_v.at[j]], rows.at[b],
                                  sems[b]).wait()
            pltpu.sync_copy(rows.at[b], acc.at[cidx_v.at[j]], add=True)
            jn = j + NBUF

            @pl.when(jn < NCHUNK)
            def _():
                pltpu.async_copy(td_hbm.at[ridx_v.at[jn]], rows.at[b],
                                 sems[b])
        return 0
    lax.fori_loop(0, NCHUNK // NBUF, group, 0)

    plsc.subcore_barrier()

    pltpu.sync_copy(acc.at[sl], hv)

    def scale_out(g, _):
        d16 = dv[pl.ds(g * 16, 16)]
        for k in range(16):
            r = g * 16 + k
            bc = jnp.full((16,), d16[k], dtype=f32)
            for v in range(rv):
                csl = pl.ds(v * 16, 16)
                hv[r, csl] = hv[r, csl] * bc
        return 0
    lax.fori_loop(0, RPT // 16, scale_out, 0)

    @pl.when(cid == 0)
    def _():
        pltpu.sync_copy(hv, sa_hbm.at[sl, pl.ds(0, d)])

    @pl.when(cid == 1)
    def _():
        pltpu.sync_copy(hv, sb_hbm.at[sl, pl.ds(0, d)])


def _make_edge_kernel(d):
    return functools.partial(
        pl.kernel,
        out_type=[jax.ShapeDtypeStruct((NPAD, 128), f32),
                  jax.ShapeDtypeStruct((NPAD, 128), f32),
                  jax.ShapeDtypeStruct((NPAD, d), f32)],
        mesh=_MESH,
        scratch_types=[
            pltpu.VMEM((NCHUNK, CHUNK), i32),
            pltpu.VMEM((NCHUNK, CHUNK), i32),
            pltpu.VMEM((NBUF, CHUNK, d), f32),
            pltpu.VMEM((RPT, d), f32),
            pltpu.VMEM((RPT,), f32),
            pltpu.VMEM((RPT,), f32),
            pltpu.VMEM((RPT,), f32),
            pltpu.VMEM_SHARED((NPAD, d), f32),
        ] + [pltpu.SemaphoreType.DMA] * NBUF,
        compiler_params=_SC_PARAMS,
    )(functools.partial(_edge_body, d))


_edge_kernel_h = _make_edge_kernel(D_HID)
_edge_kernel_c = _make_edge_kernel(D2)


_RB = 1024
_GRID = (NPAD // _RB,)


def _tc1_body(x_ref, w1_ref, h1_ref):
    h1_ref[...] = jnp.dot(x_ref[...], w1_ref[...], preferred_element_type=f32)


def _tc2_body(sa_ref, sb_ref, w2_ref, b1_ref, h2_ref):
    u = sa_ref[:, :D_HID] + sb_ref[:, :D_HID]
    h = jnp.maximum(u + b1_ref[...], 0.0)
    h2_ref[...] = jnp.dot(h, w2_ref[...], preferred_element_type=f32)


def _tc3_body(sa_ref, sb_ref, b2_ref, out_ref):
    z = (sa_ref[:, :N_CLASSES] + sb_ref[:, :N_CLASSES]) + b2_ref[...]
    m = jnp.max(z, axis=1, keepdims=True)
    lse = jnp.log(jnp.sum(jnp.exp(z - m), axis=1, keepdims=True)) + m
    out_ref[...] = z - lse


def _blk128():
    return pl.BlockSpec((_RB, 128), lambda i: (i, 0))


def _full_spec(a, b):
    return pl.BlockSpec((a, b), lambda i: (0, 0))


def kernel(x, edge_index, W1, b1, W2, b2):
    ei = edge_index.astype(i32)
    ridx = ei[0].reshape(NW, NCHUNK, CHUNK)
    cidx = ei[1].reshape(NW, NCHUNK, CHUNK)
    xp = jnp.pad(x, ((0, NPAD - N_NODES), (0, 0)))
    w1p = jnp.pad(W1, ((0, 0), (0, 128 - D_HID)))
    w2p = jnp.pad(W2, ((0, 0), (0, 128 - N_CLASSES)))
    b1r = b1.reshape(1, D_HID)
    b2r = b2.reshape(1, N_CLASSES)

    dega, degb = _deg_kernel(cidx)

    h1 = pl.pallas_call(
        _tc1_body,
        grid=_GRID,
        in_specs=[pl.BlockSpec((_RB, D_FEAT), lambda i: (i, 0)),
                  _full_spec(D_FEAT, 128)],
        out_specs=_blk128(),
        out_shape=jax.ShapeDtypeStruct((NPAD, 128), f32),
    )(xp, w1p)

    s1a, s1b, _ = _edge_kernel_h(h1, dega, degb, ridx, cidx)

    h2 = pl.pallas_call(
        _tc2_body,
        grid=_GRID,
        in_specs=[_blk128(), _blk128(), _full_spec(D_HID, 128),
                  _full_spec(1, D_HID)],
        out_specs=_blk128(),
        out_shape=jax.ShapeDtypeStruct((NPAD, 128), f32),
    )(s1a, s1b, w2p, b1r)

    s2a, s2b, _ = _edge_kernel_c(h2, dega, degb, ridx, cidx)

    out = pl.pallas_call(
        _tc3_body,
        grid=_GRID,
        in_specs=[_blk128(), _blk128(), _full_spec(1, N_CLASSES)],
        out_specs=pl.BlockSpec((_RB, N_CLASSES), lambda i: (i, 0)),
        out_shape=jax.ShapeDtypeStruct((NPAD, N_CLASSES), f32),
    )(s2a, s2b, b2r)

    return out[:N_NODES]

# --- scband reference (transcript-rebuilt; emitter-appended) ---
"""Pipeline reference for scband-net-40063454937538 (READ-ONLY COPY).

The authoritative reference and input builder live on the scoring server;
editing this copy changes nothing except your own understanding.
"""

import jax, jax.numpy as jnp
import numpy as np

N_NODES = 10000
N_EDGES = 320000
D_FEAT = 128
D_HID = 16
N_CLASSES = 40


def setup_inputs(seed: int = 0) -> dict:
    key = jax.random.key(seed)
    k1, k2, k3, k4, k5, k6, k7 = jax.random.split(key, 7)
    x = jax.random.normal(k1, (N_NODES, D_FEAT), dtype=jnp.float32)
    edge_index = jax.random.randint(k2, (2, N_EDGES), 0, N_NODES, dtype=jnp.int64)
    W1 = jax.random.normal(k3, (D_FEAT, D_HID), dtype=jnp.float32) * (1.0 / np.sqrt(D_FEAT))
    b1 = jnp.zeros((D_HID,), dtype=jnp.float32)
    W2 = jax.random.normal(k4, (D_HID, N_CLASSES), dtype=jnp.float32) * (1.0 / np.sqrt(D_HID))
    b2 = jnp.zeros((N_CLASSES,), dtype=jnp.float32)
    return {"x": x, "edge_index": edge_index, "W1": W1, "b1": b1, "W2": W2, "b2": b2}


def _gcn_conv(x, edge_index, W, b):
    # PyG GCNConv (eval mode): x @ W, add self-loops, symmetric normalization, scatter-add, + bias
    N = x.shape[0]
    row = edge_index[0]
    col = edge_index[1]
    loop = jnp.arange(N, dtype=row.dtype)
    row = jnp.concatenate([row, loop])
    col = jnp.concatenate([col, loop])
    h = x @ W
    ones = jnp.ones((row.shape[0],), dtype=h.dtype)
    deg = jax.ops.segment_sum(ones, col, num_segments=N)
    deg_inv_sqrt = jnp.where(deg > 0, deg ** -0.5, 0.0)
    norm = deg_inv_sqrt[row] * deg_inv_sqrt[col]
    msg = h[row] * norm[:, None]
    out = jax.ops.segment_sum(msg, col, num_segments=N)
    return out + b


def reference(x, edge_index, W1, b1, W2, b2):
    # Dropout is identity in eval mode
    h = jax.nn.relu(_gcn_conv(x, edge_index, W1, b1))
    out = _gcn_conv(h, edge_index, W2, b2)
    return jax.nn.log_softmax(out, axis=1)

if __name__ == "__main__":
    import jax
    _d = setup_inputs()
    print(jax.jit(kernel)(*tuple(_d.values())))

</pallas_src>

<mosaic_0001>
#map = affine_map<(d0, d1) -> (0, 0, 0)>
#map1 = affine_map<(d0, d1) -> (0)>
module attributes {stable_mosaic.version = 14 : i64} {
  func.func @_deg_body(%arg0: i32, %arg1: i32, %arg2: memref<32x125x80xi32, #tpu.memory_space<hbm>>, %arg3: memref<10240xf32, #tpu.memory_space<hbm>>, %arg4: memref<10240xf32, #tpu.memory_space<hbm>>, %arg5: memref<125x80xi32, #tpu.memory_space<vmem>>, %arg6: memref<640xf32, #tpu.memory_space<vmem>>, %arg7: memref<10240xf32, #tpu.memory_space<vmem_shared>>, %arg8: memref<!tpu.dma_semaphore, #tpu.memory_space<semaphore_mem>>) attributes {dimension_semantics = [#tpu.dimension_semantics<core_parallel>, #tpu.dimension_semantics<subcore_parallel>], iteration_bounds = array<i64: 2, 16>, scalar_prefetch = 0 : i64, scratch_operands = 4 : i64, tpu.core_type = #tpu.core_type<sc_vector_subcore>, window_params = [{transform_indices = #map}, {transform_indices = #map1}, {transform_indices = #map1}]} {
    %mul3A = arith.constant 16 : i32
    %mul3A_0 = arith.muli %arg0, %mul3A : i32
    %add3A = arith.addi %mul3A_0, %arg1 : i32
    "tpu.region"() ({
      %run_scoped3A = tpu.sem_alloc : memref<!tpu.dma_semaphore, #tpu.memory_space<semaphore_mem>>
      %dma_start3A = arith.constant 0 : i32
      %dma_start3A_31 = arith.constant 0 : i32
      %dma_start3A_32 = tpu.memref_slice %arg2[%add3A, %dma_start3A, %dma_start3A_31] : memref<32x125x80xi32, #tpu.memory_space<hbm>> -> memref<1x125x80xi32, #tpu.memory_space<hbm>>
      %dma_start3A_33 = tpu.memref_squeeze %dma_start3A_32 : memref<1x125x80xi32, #tpu.memory_space<hbm>> -> memref<125x80xi32, #tpu.memory_space<hbm>>
      %dma_start3A_34 = arith.constant 0 : i32
      %dma_start3A_35 = arith.constant 0 : i32
      %dma_start3A_36 = tpu.memref_slice %arg2[%add3A, %dma_start3A_34, %dma_start3A_35] : memref<32x125x80xi32, #tpu.memory_space<hbm>> -> memref<1x125x80xi32, #tpu.memory_space<hbm>>
      %dma_start3A_37 = tpu.memref_squeeze %dma_start3A_36 : memref<1x125x80xi32, #tpu.memory_space<hbm>> -> memref<125x80xi32, #tpu.memory_space<hbm>>
      tpu.enqueue_dma source(%dma_start3A_37 : memref<125x80xi32, #tpu.memory_space<hbm>>) target(%arg5 : memref<125x80xi32, #tpu.memory_space<vmem>>) target_semaphore(%run_scoped3A : memref<!tpu.dma_semaphore, #tpu.memory_space<semaphore_mem>>)
      %dma_wait3A = arith.constant 0 : i32
      %dma_wait3A_38 = arith.constant 0 : i32
      %dma_wait3A_39 = tpu.memref_slice %arg2[%add3A, %dma_wait3A, %dma_wait3A_38] : memref<32x125x80xi32, #tpu.memory_space<hbm>> -> memref<1x125x80xi32, #tpu.memory_space<hbm>>
      %dma_wait3A_40 = tpu.memref_squeeze %dma_wait3A_39 : memref<1x125x80xi32, #tpu.memory_space<hbm>> -> memref<125x80xi32, #tpu.memory_space<hbm>>
      %dma_wait3A_41 = arith.constant 0 : i32
      %dma_wait3A_42 = arith.constant 0 : i32
      %dma_wait3A_43 = tpu.memref_slice %arg2[%add3A, %dma_wait3A_41, %dma_wait3A_42] : memref<32x125x80xi32, #tpu.memory_space<hbm>> -> memref<1x125x80xi32, #tpu.memory_space<hbm>>
      %dma_wait3A_44 = tpu.memref_squeeze %dma_wait3A_43 : memref<1x125x80xi32, #tpu.memory_space<hbm>> -> memref<125x80xi32, #tpu.memory_space<hbm>>
      tpu.wait_dma2 semaphore(%run_scoped3A : memref<!tpu.dma_semaphore, #tpu.memory_space<semaphore_mem>>) src(%dma_wait3A_44 : memref<125x80xi32, #tpu.memory_space<hbm>>) dst(%arg5 : memref<125x80xi32, #tpu.memory_space<vmem>>)
      tpu.yield
    }) : () -> ()
    %scan3A = arith.constant 0 : i32
    %scan3A_1 = arith.constant 0 : i32
    %scan3A_2 = arith.constant 40 : i32
    %scan3A_3 = arith.addi %scan3A_1, %scan3A_2 : i32
    %scan3A_4 = arith.constant 1 : i32
    %scan3A_5 = scf.for %scan3A_31 = %scan3A_1 to %scan3A_3 step %scan3A_4 iter_args(%scan3A_32 = %scan3A) -> (i32)  : i32 {
      %broadcast_in_dim3A = arith.constant 1.000000e+00 : f32
      %broadcast_in_dim3A_33 = vector.broadcast %broadcast_in_dim3A : f32 to vector<16xf32>
      %mul3A_34 = arith.constant 16 : i32
      %mul3A_35 = arith.muli %scan3A_31, %mul3A_34 : i32
      %swap3A = arith.index_cast %mul3A_35 : i32 to index
      %swap3A_36 = tpu.vector_load %arg6[%swap3A] {strides = array<i32>} : memref<640xf32, #tpu.memory_space<vmem>>, vector<16xf32>,
      tpu.vector_store %arg6[%swap3A], %broadcast_in_dim3A_33 {strides = array<i32>} : memref<640xf32, #tpu.memory_space<vmem>>, vector<16xf32>,
      %scan3A_37 = arith.constant 0 : i32
      scf.yield %scan3A_37 : i32
    }
    %scan3A_6 = arith.constant 40 : i32
    %mul3A_7 = arith.constant 640 : i32
    %mul3A_8 = arith.muli %arg1, %mul3A_7 : i32
    "tpu.region"() ({
      %run_scoped3A = tpu.sem_alloc : memref<!tpu.dma_semaphore, #tpu.memory_space<semaphore_mem>>
      %dma_start3A = tpu.memref_slice %arg7[%mul3A_8] : memref<10240xf32, #tpu.memory_space<vmem_shared>> -> memref<640xf32, #tpu.memory_space<vmem_shared>>
      %dma_start3A_31 = tpu.memref_slice %arg7[%mul3A_8] : memref<10240xf32, #tpu.memory_space<vmem_shared>> -> memref<640xf32, #tpu.memory_space<vmem_shared>>
      tpu.enqueue_dma source(%arg6 : memref<640xf32, #tpu.memory_space<vmem>>) target(%dma_start3A_31 : memref<640xf32, #tpu.memory_space<vmem_shared>>) target_semaphore(%run_scoped3A : memref<!tpu.dma_semaphore, #tpu.memory_space<semaphore_mem>>)
      %dma_wait3A = tpu.memref_slice %arg7[%mul3A_8] : memref<10240xf32, #tpu.memory_space<vmem_shared>> -> memref<640xf32, #tpu.memory_space<vmem_shared>>
      %dma_wait3A_32 = tpu.memref_slice %arg7[%mul3A_8] : memref<10240xf32, #tpu.memory_space<vmem_shared>> -> memref<640xf32, #tpu.memory_space<vmem_shared>>
      tpu.wait_dma2 semaphore(%run_scoped3A : memref<!tpu.dma_semaphore, #tpu.memory_space<semaphore_mem>>) src(%arg6 : memref<640xf32, #tpu.memory_space<vmem>>) dst(%dma_wait3A_32 : memref<640xf32, #tpu.memory_space<vmem_shared>>)
      tpu.yield
    }) : () -> ()
    %barrier3A = arith.constant 0 : index
    tpu.barrier barrier_id(%barrier3A)
    %scan3A_9 = arith.constant 0 : i32
    %scan3A_10 = arith.constant 0 : i32
    %scan3A_11 = arith.constant 125 : i32
    %scan3A_12 = arith.addi %scan3A_10, %scan3A_11 : i32
    %scan3A_13 = arith.constant 1 : i32
    %scan3A_14 = scf.for %scan3A_31 = %scan3A_10 to %scan3A_12 step %scan3A_13 iter_args(%scan3A_32 = %scan3A_9) -> (i32)  : i32 {
      %dma_start3A = arith.constant 0 : i32
      %dma_start3A_33 = tpu.memref_slice %arg6[%dma_start3A] : memref<640xf32, #tpu.memory_space<vmem>> -> memref<80xf32, #tpu.memory_space<vmem>>
      %dma_start3A_34 = arith.constant 0 : i32
      %dma_start3A_35 = tpu.memref_slice %arg5[%scan3A_31, %dma_start3A_34] : memref<125x80xi32, #tpu.memory_space<vmem>> -> memref<1x80xi32, #tpu.memory_space<vmem>>
      %dma_start3A_36 = tpu.memref_squeeze %dma_start3A_35 : memref<1x80xi32, #tpu.memory_space<vmem>> -> memref<80xi32, #tpu.memory_space<vmem>>
      %dma_start3A_37 = arith.constant 0 : i32
      %dma_start3A_38 = tpu.memref_slice %arg7[%dma_start3A_37] : memref<10240xf32, #tpu.memory_space<vmem_shared>> -> memref<10240xf32, #tpu.memory_space<vmem_shared>>
      tpu.enqueue_indirect_dma source(%dma_start3A_33 : memref<80xf32, #tpu.memory_space<vmem>>) target(%dma_start3A_38 : memref<10240xf32, #tpu.memory_space<vmem_shared>>) offsets(%dma_start3A_36 : memref<80xi32, #tpu.memory_space<vmem>>) semaphore(%arg8 : memref<!tpu.dma_semaphore, #tpu.memory_space<semaphore_mem>>) {add = true}
      %scan3A_39 = arith.constant 0 : i32
      scf.yield %scan3A_39 : i32
    }
    %scan3A_15 = arith.constant 125 : i32
    %scan3A_16 = arith.constant 0 : i32
    %scan3A_17 = arith.constant 0 : i32
    %scan3A_18 = arith.constant 125 : i32
    %scan3A_19 = arith.addi %scan3A_17, %scan3A_18 : i32
    %scan3A_20 = arith.constant 1 : i32
    %scan3A_21 = scf.for %scan3A_31 = %scan3A_17 to %scan3A_19 step %scan3A_20 iter_args(%scan3A_32 = %scan3A_16) -> (i32)  : i32 {
      %dma_wait3A = arith.constant 0 : i32
      %dma_wait3A_33 = tpu.memref_slice %arg6[%dma_wait3A] : memref<640xf32, #tpu.memory_space<vmem>> -> memref<80xf32, #tpu.memory_space<vmem>>
      %dma_wait3A_34 = arith.constant 0 : i32
      %dma_wait3A_35 = tpu.memref_slice %arg5[%scan3A_31, %dma_wait3A_34] : memref<125x80xi32, #tpu.memory_space<vmem>> -> memref<1x80xi32, #tpu.memory_space<vmem>>
      %dma_wait3A_36 = tpu.memref_squeeze %dma_wait3A_35 : memref<1x80xi32, #tpu.memory_space<vmem>> -> memref<80xi32, #tpu.memory_space<vmem>>
      %dma_wait3A_37 = arith.constant 0 : i32
      %dma_wait3A_38 = tpu.memref_slice %arg7[%dma_wait3A_37] : memref<10240xf32, #tpu.memory_space<vmem_shared>> -> memref<10240xf32, #tpu.memory_space<vmem_shared>>
      tpu.wait_indirect_dma semaphore(%arg8 : memref<!tpu.dma_semaphore, #tpu.memory_space<semaphore_mem>>) src(%dma_wait3A_33 : memref<80xf32, #tpu.memory_space<vmem>>) dst(%dma_wait3A_38 : memref<10240xf32, #tpu.memory_space<vmem_shared>>)
      %scan3A_39 = arith.constant 0 : i32
      scf.yield %scan3A_39 : i32
    }
    %scan3A_22 = arith.constant 125 : i32
    %barrier3A_23 = arith.constant 0 : index
    tpu.barrier barrier_id(%barrier3A_23)
    %eq3A = arith.constant 0 : i32
    %eq3A_24 = arith.cmpi eq, %arg0, %eq3A : i32
    %convert_element_type3A = arith.extui %eq3A_24 : i1 to i32
    %cond3A = arith.constant 0 : i32
    %cond3A_25 = arith.cmpi ne, %convert_element_type3A, %cond3A : i32
    scf.if %cond3A_25 {
      "tpu.region"() ({
        %run_scoped3A = tpu.sem_alloc : memref<!tpu.dma_semaphore, #tpu.memory_space<semaphore_mem>>
        %dma_start3A = tpu.memref_slice %arg3[%mul3A_8] : memref<10240xf32, #tpu.memory_space<hbm>> -> memref<640xf32, #tpu.memory_space<hbm>>
        %dma_start3A_31 = tpu.memref_slice %arg7[%mul3A_8] : memref<10240xf32, #tpu.memory_space<vmem_shared>> -> memref<640xf32, #tpu.memory_space<vmem_shared>>
        tpu.enqueue_dma source(%dma_start3A_31 : memref<640xf32, #tpu.memory_space<vmem_shared>>) target(%dma_start3A : memref<640xf32, #tpu.memory_space<hbm>>) target_semaphore(%run_scoped3A : memref<!tpu.dma_semaphore, #tpu.memory_space<semaphore_mem>>)
        %dma_wait3A = tpu.memref_slice %arg3[%mul3A_8] : memref<10240xf32, #tpu.memory_space<hbm>> -> memref<640xf32, #tpu.memory_space<hbm>>
        %dma_wait3A_32 = tpu.memref_slice %arg7[%mul3A_8] : memref<10240xf32, #tpu.memory_space<vmem_shared>> -> memref<640xf32, #tpu.memory_space<vmem_shared>>
        tpu.wait_dma2 semaphore(%run_scoped3A : memref<!tpu.dma_semaphore, #tpu.memory_space<semaphore_mem>>) src(%dma_wait3A_32 : memref<640xf32, #tpu.memory_space<vmem_shared>>) dst(%dma_wait3A : memref<640xf32, #tpu.memory_space<hbm>>)
        tpu.yield
      }) : () -> ()
    } else {
    }
    %eq3A_26 = arith.constant 1 : i32
    %eq3A_27 = arith.cmpi eq, %arg0, %eq3A_26 : i32
    %convert_element_type3A_28 = arith.extui %eq3A_27 : i1 to i32
    %cond3A_29 = arith.constant 0 : i32
    %cond3A_30 = arith.cmpi ne, %convert_element_type3A_28, %cond3A_29 : i32
    scf.if %cond3A_30 {
      "tpu.region"() ({
        %run_scoped3A = tpu.sem_alloc : memref<!tpu.dma_semaphore, #tpu.memory_space<semaphore_mem>>
        %dma_start3A = tpu.memref_slice %arg4[%mul3A_8] : memref<10240xf32, #tpu.memory_space<hbm>> -> memref<640xf32, #tpu.memory_space<hbm>>
        %dma_start3A_31 = tpu.memref_slice %arg7[%mul3A_8] : memref<10240xf32, #tpu.memory_space<vmem_shared>> -> memref<640xf32, #tpu.memory_space<vmem_shared>>
        tpu.enqueue_dma source(%dma_start3A_31 : memref<640xf32, #tpu.memory_space<vmem_shared>>) target(%dma_start3A : memref<640xf32, #tpu.memory_space<hbm>>) target_semaphore(%run_scoped3A : memref<!tpu.dma_semaphore, #tpu.memory_space<semaphore_mem>>)
        %dma_wait3A = tpu.memref_slice %arg4[%mul3A_8] : memref<10240xf32, #tpu.memory_space<hbm>> -> memref<640xf32, #tpu.memory_space<hbm>>
        %dma_wait3A_32 = tpu.memref_slice %arg7[%mul3A_8] : memref<10240xf32, #tpu.memory_space<vmem_shared>> -> memref<640xf32, #tpu.memory_space<vmem_shared>>
        tpu.wait_dma2 semaphore(%run_scoped3A : memref<!tpu.dma_semaphore, #tpu.memory_space<semaphore_mem>>) src(%dma_wait3A_32 : memref<640xf32, #tpu.memory_space<vmem_shared>>) dst(%dma_wait3A : memref<640xf32, #tpu.memory_space<hbm>>)
        tpu.yield
      }) : () -> ()
    } else {
    }
    return
  }
}

#map = affine_map<(d0, d1) -> (0, 0)>
#map1 = affine_map<(d0, d1) -> (0)>
#map2 = affine_map<(d0, d1) -> (0, 0, 0)>
module attributes {stable_mosaic.version = 14 : i64} {
  func.func @_edge_body(%arg0: i32, %arg1: i32, %arg2: memref<10240x128xf32, #tpu.memory_space<hbm>>, %arg3: memref<10240xf32, #tpu.memory_space<hbm>>, %arg4: memref<10240xf32, #tpu.memory_space<hbm>>, %arg5: memref<32x125x80xi32, #tpu.memory_space<hbm>>, %arg6: memref<32x125x80xi32, #tpu.memory_space<hbm>>, %arg7: memref<10240x128xf32, #tpu.memory_space<hbm>>, %arg8: memref<10240x128xf32, #tpu.memory_space<hbm>>, %arg9: memref<10240x16xf32, #tpu.memory_space<hbm>>, %arg10: memref<125x80xi32, #tpu.memory_space<vmem>>, %arg11: memref<125x80xi32, #tpu.memory_space<vmem>>, %arg12: memref<5x80x16xf32, #tpu.memory_space<vmem>>, %arg13: memref<640x16xf32, #tpu.memory_space<vmem>>, %arg14: memref<640xf32, #tpu.memory_space<vmem>>, %arg15: memref<640xf32, #tpu.memory_space<vmem>>, %arg16: memref<640xf32, #tpu.memory_space<vmem>>, %arg17: memref<10240x16xf32, #tpu.memory_space<vmem_shared>>, %arg18: memref<!tpu.dma_semaphore, #tpu.memory_space<semaphore_mem>>, %arg19: memref<!tpu.dma_semaphore, #tpu.memory_space<semaphore_mem>>, %arg20: memref<!tpu.dma_semaphore, #tpu.memory_space<semaphore_mem>>, %arg21: memref<!tpu.dma_semaphore, #tpu.memory_space<semaphore_mem>>, %arg22: memref<!tpu.dma_semaphore, #tpu.memory_space<semaphore_mem>>) attributes {dimension_semantics = [#tpu.dimension_semantics<core_parallel>, #tpu.dimension_semantics<subcore_parallel>], iteration_bounds = array<i64: 2, 16>, scalar_prefetch = 0 : i64, scratch_operands = 13 : i64, tpu.core_type = #tpu.core_type<sc_vector_subcore>, window_params = [{transform_indices = #map}, {transform_indices = #map1}, {transform_indices = #map1}, {transform_indices = #map2}, {transform_indices = #map2}, {transform_indices = #map}, {transform_indices = #map}, {transform_indices = #map}]} {
    %mul3A = arith.constant 16 : i32
    %mul3A_0 = arith.muli %arg0, %mul3A : i32
    %add3A = arith.addi %mul3A_0, %arg1 : i32
    %mul3A_1 = arith.constant 640 : i32
    %mul3A_2 = arith.muli %arg1, %mul3A_1 : i32
    "tpu.region"() ({
      %run_scoped3A = tpu.sem_alloc : memref<!tpu.dma_semaphore, #tpu.memory_space<semaphore_mem>>
      %dma_start3A_104 = arith.constant 0 : i32
      %dma_start3A_105 = arith.constant 0 : i32
      %dma_start3A_106 = tpu.memref_slice %arg5[%add3A, %dma_start3A_104, %dma_start3A_105] : memref<32x125x80xi32, #tpu.memory_space<hbm>> -> memref<1x125x80xi32, #tpu.memory_space<hbm>>
      %dma_start3A_107 = tpu.memref_squeeze %dma_start3A_106 : memref<1x125x80xi32, #tpu.memory_space<hbm>> -> memref<125x80xi32, #tpu.memory_space<hbm>>
      %dma_start3A_108 = arith.constant 0 : i32
      %dma_start3A_109 = arith.constant 0 : i32
      %dma_start3A_110 = tpu.memref_slice %arg5[%add3A, %dma_start3A_108, %dma_start3A_109] : memref<32x125x80xi32, #tpu.memory_space<hbm>> -> memref<1x125x80xi32, #tpu.memory_space<hbm>>
      %dma_start3A_111 = tpu.memref_squeeze %dma_start3A_110 : memref<1x125x80xi32, #tpu.memory_space<hbm>> -> memref<125x80xi32, #tpu.memory_space<hbm>>
      tpu.enqueue_dma source(%dma_start3A_111 : memref<125x80xi32, #tpu.memory_space<hbm>>) target(%arg10 : memref<125x80xi32, #tpu.memory_space<vmem>>) target_semaphore(%run_scoped3A : memref<!tpu.dma_semaphore, #tpu.memory_space<semaphore_mem>>)
      %dma_wait3A = arith.constant 0 : i32
      %dma_wait3A_112 = arith.constant 0 : i32
      %dma_wait3A_113 = tpu.memref_slice %arg5[%add3A, %dma_wait3A, %dma_wait3A_112] : memref<32x125x80xi32, #tpu.memory_space<hbm>> -> memref<1x125x80xi32, #tpu.memory_space<hbm>>
      %dma_wait3A_114 = tpu.memref_squeeze %dma_wait3A_113 : memref<1x125x80xi32, #tpu.memory_space<hbm>> -> memref<125x80xi32, #tpu.memory_space<hbm>>
      %dma_wait3A_115 = arith.constant 0 : i32
      %dma_wait3A_116 = arith.constant 0 : i32
      %dma_wait3A_117 = tpu.memref_slice %arg5[%add3A, %dma_wait3A_115, %dma_wait3A_116] : memref<32x125x80xi32, #tpu.memory_space<hbm>> -> memref<1x125x80xi32, #tpu.memory_space<hbm>>
      %dma_wait3A_118 = tpu.memref_squeeze %dma_wait3A_117 : memref<1x125x80xi32, #tpu.memory_space<hbm>> -> memref<125x80xi32, #tpu.memory_space<hbm>>
      tpu.wait_dma2 semaphore(%run_scoped3A : memref<!tpu.dma_semaphore, #tpu.memory_space<semaphore_mem>>) src(%dma_wait3A_118 : memref<125x80xi32, #tpu.memory_space<hbm>>) dst(%arg10 : memref<125x80xi32, #tpu.memory_space<vmem>>)
      tpu.yield
    }) : () -> ()
    "tpu.region"() ({
      %run_scoped3A = tpu.sem_alloc : memref<!tpu.dma_semaphore, #tpu.memory_space<semaphore_mem>>
      %dma_start3A_104 = arith.constant 0 : i32
      %dma_start3A_105 = arith.constant 0 : i32
      %dma_start3A_106 = tpu.memref_slice %arg6[%add3A, %dma_start3A_104, %dma_start3A_105] : memref<32x125x80xi32, #tpu.memory_space<hbm>> -> memref<1x125x80xi32, #tpu.memory_space<hbm>>
      %dma_start3A_107 = tpu.memref_squeeze %dma_start3A_106 : memref<1x125x80xi32, #tpu.memory_space<hbm>> -> memref<125x80xi32, #tpu.memory_space<hbm>>
      %dma_start3A_108 = arith.constant 0 : i32
      %dma_start3A_109 = arith.constant 0 : i32
      %dma_start3A_110 = tpu.memref_slice %arg6[%add3A, %dma_start3A_108, %dma_start3A_109] : memref<32x125x80xi32, #tpu.memory_space<hbm>> -> memref<1x125x80xi32, #tpu.memory_space<hbm>>
      %dma_start3A_111 = tpu.memref_squeeze %dma_start3A_110 : memref<1x125x80xi32, #tpu.memory_space<hbm>> -> memref<125x80xi32, #tpu.memory_space<hbm>>
      tpu.enqueue_dma source(%dma_start3A_111 : memref<125x80xi32, #tpu.memory_space<hbm>>) target(%arg11 : memref<125x80xi32, #tpu.memory_space<vmem>>) target_semaphore(%run_scoped3A : memref<!tpu.dma_semaphore, #tpu.memory_space<semaphore_mem>>)
      %dma_wait3A = arith.constant 0 : i32
      %dma_wait3A_112 = arith.constant 0 : i32
      %dma_wait3A_113 = tpu.memref_slice %arg6[%add3A, %dma_wait3A, %dma_wait3A_112] : memref<32x125x80xi32, #tpu.memory_space<hbm>> -> memref<1x125x80xi32, #tpu.memory_space<hbm>>
      %dma_wait3A_114 = tpu.memref_squeeze %dma_wait3A_113 : memref<1x125x80xi32, #tpu.memory_space<hbm>> -> memref<125x80xi32, #tpu.memory_space<hbm>>
      %dma_wait3A_115 = arith.constant 0 : i32
      %dma_wait3A_116 = arith.constant 0 : i32
      %dma_wait3A_117 = tpu.memref_slice %arg6[%add3A, %dma_wait3A_115, %dma_wait3A_116] : memref<32x125x80xi32, #tpu.memory_space<hbm>> -> memref<1x125x80xi32, #tpu.memory_space<hbm>>
      %dma_wait3A_118 = tpu.memref_squeeze %dma_wait3A_117 : memref<1x125x80xi32, #tpu.memory_space<hbm>> -> memref<125x80xi32, #tpu.memory_space<hbm>>
      tpu.wait_dma2 semaphore(%run_scoped3A : memref<!tpu.dma_semaphore, #tpu.memory_space<semaphore_mem>>) src(%dma_wait3A_118 : memref<125x80xi32, #tpu.memory_space<hbm>>) dst(%arg11 : memref<125x80xi32, #tpu.memory_space<vmem>>)
      tpu.yield
    }) : () -> ()
    "tpu.region"() ({
      %run_scoped3A = tpu.sem_alloc : memref<!tpu.dma_semaphore, #tpu.memory_space<semaphore_mem>>
      %dma_start3A_104 = tpu.memref_slice %arg3[%mul3A_2] : memref<10240xf32, #tpu.memory_space<hbm>> -> memref<640xf32, #tpu.memory_space<hbm>>
      %dma_start3A_105 = tpu.memref_slice %arg3[%mul3A_2] : memref<10240xf32, #tpu.memory_space<hbm>> -> memref<640xf32, #tpu.memory_space<hbm>>
      tpu.enqueue_dma source(%dma_start3A_105 : memref<640xf32, #tpu.memory_space<hbm>>) target(%arg15 : memref<640xf32, #tpu.memory_space<vmem>>) target_semaphore(%run_scoped3A : memref<!tpu.dma_semaphore, #tpu.memory_space<semaphore_mem>>)
      %dma_wait3A = tpu.memref_slice %arg3[%mul3A_2] : memref<10240xf32, #tpu.memory_space<hbm>> -> memref<640xf32, #tpu.memory_space<hbm>>
      %dma_wait3A_106 = tpu.memref_slice %arg3[%mul3A_2] : memref<10240xf32, #tpu.memory_space<hbm>> -> memref<640xf32, #tpu.memory_space<hbm>>
      tpu.wait_dma2 semaphore(%run_scoped3A : memref<!tpu.dma_semaphore, #tpu.memory_space<semaphore_mem>>) src(%dma_wait3A_106 : memref<640xf32, #tpu.memory_space<hbm>>) dst(%arg15 : memref<640xf32, #tpu.memory_space<vmem>>)
      tpu.yield
    }) : () -> ()
    "tpu.region"() ({
      %run_scoped3A = tpu.sem_alloc : memref<!tpu.dma_semaphore, #tpu.memory_space<semaphore_mem>>
      %dma_start3A_104 = tpu.memref_slice %arg4[%mul3A_2] : memref<10240xf32, #tpu.memory_space<hbm>> -> memref<640xf32, #tpu.memory_space<hbm>>
      %dma_start3A_105 = tpu.memref_slice %arg4[%mul3A_2] : memref<10240xf32, #tpu.memory_space<hbm>> -> memref<640xf32, #tpu.memory_space<hbm>>
      tpu.enqueue_dma source(%dma_start3A_105 : memref<640xf32, #tpu.memory_space<hbm>>) target(%arg16 : memref<640xf32, #tpu.memory_space<vmem>>) target_semaphore(%run_scoped3A : memref<!tpu.dma_semaphore, #tpu.memory_space<semaphore_mem>>)
      %dma_wait3A = tpu.memref_slice %arg4[%mul3A_2] : memref<10240xf32, #tpu.memory_space<hbm>> -> memref<640xf32, #tpu.memory_space<hbm>>
      %dma_wait3A_106 = tpu.memref_slice %arg4[%mul3A_2] : memref<10240xf32, #tpu.memory_space<hbm>> -> memref<640xf32, #tpu.memory_space<hbm>>
      tpu.wait_dma2 semaphore(%run_scoped3A : memref<!tpu.dma_semaphore, #tpu.memory_space<semaphore_mem>>) src(%dma_wait3A_106 : memref<640xf32, #tpu.memory_space<hbm>>) dst(%arg16 : memref<640xf32, #tpu.memory_space<vmem>>)
      tpu.yield
    }) : () -> ()
    "tpu.region"() ({
      %run_scoped3A = tpu.sem_alloc : memref<!tpu.dma_semaphore, #tpu.memory_space<semaphore_mem>>
      %dma_start3A_104 = arith.constant 0 : i32
      %dma_start3A_105 = tpu.memref_slice %arg2[%mul3A_2, %dma_start3A_104] : memref<10240x128xf32, #tpu.memory_space<hbm>> -> memref<640x16xf32, #tpu.memory_space<hbm>>
      %dma_start3A_106 = arith.constant 0 : i32
      %dma_start3A_107 = tpu.memref_slice %arg2[%mul3A_2, %dma_start3A_106] : memref<10240x128xf32, #tpu.memory_space<hbm>> -> memref<640x16xf32, #tpu.memory_space<hbm>>
      tpu.enqueue_dma source(%dma_start3A_107 : memref<640x16xf32, #tpu.memory_space<hbm>>) target(%arg13 : memref<640x16xf32, #tpu.memory_space<vmem>>) target_semaphore(%run_scoped3A : memref<!tpu.dma_semaphore, #tpu.memory_space<semaphore_mem>>)
      %dma_wait3A = arith.constant 0 : i32
      %dma_wait3A_108 = tpu.memref_slice %arg2[%mul3A_2, %dma_wait3A] : memref<10240x128xf32, #tpu.memory_space<hbm>> -> memref<640x16xf32, #tpu.memory_space<hbm>>
      %dma_wait3A_109 = arith.constant 0 : i32
      %dma_wait3A_110 = tpu.memref_slice %arg2[%mul3A_2, %dma_wait3A_109] : memref<10240x128xf32, #tpu.memory_space<hbm>> -> memref<640x16xf32, #tpu.memory_space<hbm>>
      tpu.wait_dma2 semaphore(%run_scoped3A : memref<!tpu.dma_semaphore, #tpu.memory_space<semaphore_mem>>) src(%dma_wait3A_110 : memref<640x16xf32, #tpu.memory_space<hbm>>) dst(%arg13 : memref<640x16xf32, #tpu.memory_space<vmem>>)
      tpu.yield
    }) : () -> ()
    %scan3A = arith.constant 0 : i32
    %scan3A_3 = arith.constant 0 : i32
    %scan3A_4 = arith.constant 40 : i32
    %scan3A_5 = arith.addi %scan3A_3, %scan3A_4 : i32
    %scan3A_6 = arith.constant 1 : i32
    %scan3A_7 = scf.for %scan3A_104 = %scan3A_3 to %scan3A_5 step %scan3A_6 iter_args(%scan3A_105 = %scan3A) -> (i32)  : i32 {
      %mul3A_106 = arith.constant 16 : i32
      %mul3A_107 = arith.muli %scan3A_104, %mul3A_106 : i32
      %get3A = arith.index_cast %mul3A_107 : i32 to index
      %get3A_108 = tpu.vector_load %arg15[%get3A] {strides = array<i32>} : memref<640xf32, #tpu.memory_space<vmem>>, vector<16xf32>,
      %get3A_109 = arith.index_cast %mul3A_107 : i32 to index
      %get3A_110 = tpu.vector_load %arg16[%get3A_109] {strides = array<i32>} : memref<640xf32, #tpu.memory_space<vmem>>, vector<16xf32>,
      %add3A_111 = arith.addf %get3A_108, %get3A_110 : vector<16xf32>
      %sub3A = arith.constant 1.000000e+00 : f32
      %sub3A_112 = vector.broadcast %sub3A : f32 to vector<16xf32>
      %sub3A_113 = arith.subf %add3A_111, %sub3A_112 : vector<16xf32>
      %bitcast3A = vector.bitcast %sub3A_113 : vector<16xf32> to vector<16xi32>
      %shift_right_arithmetic3A = arith.constant 1 : i32
      %shift_right_arithmetic3A_114 = vector.broadcast %shift_right_arithmetic3A : i32 to vector<16xi32>
      %shift_right_arithmetic3A_115 = arith.shrsi %bitcast3A, %shift_right_arithmetic3A_114 : vector<16xi32>
      %sub3A_116 = arith.constant 1597463007 : i32
      %sub3A_117 = vector.broadcast %sub3A_116 : i32 to vector<16xi32>
      %sub3A_118 = arith.subi %sub3A_117, %shift_right_arithmetic3A_115 : vector<16xi32>
      %bitcast3A_119 = vector.bitcast %sub3A_118 : vector<16xi32> to vector<16xf32>
      %mul3A_120 = arith.constant 5.000000e-01 : f32
      %mul3A_121 = vector.broadcast %mul3A_120 : f32 to vector<16xf32>
      %mul3A_122 = arith.mulf %mul3A_121, %sub3A_113 : vector<16xf32>
      %mul3A_123 = arith.mulf %mul3A_122, %bitcast3A_119 : vector<16xf32>
      %mul3A_124 = arith.mulf %mul3A_123, %bitcast3A_119 : vector<16xf32>
      %sub3A_125 = arith.constant 1.500000e+00 : f32
      %sub3A_126 = vector.broadcast %sub3A_125 : f32 to vector<16xf32>
      %sub3A_127 = arith.subf %sub3A_126, %mul3A_124 : vector<16xf32>
      %mul3A_128 = arith.mulf %bitcast3A_119, %sub3A_127 : vector<16xf32>
      %mul3A_129 = arith.mulf %mul3A_122, %mul3A_128 : vector<16xf32>
      %mul3A_130 = arith.mulf %mul3A_129, %mul3A_128 : vector<16xf32>
      %sub3A_131 = arith.constant 1.500000e+00 : f32
      %sub3A_132 = vector.broadcast %sub3A_131 : f32 to vector<16xf32>
      %sub3A_133 = arith.subf %sub3A_132, %mul3A_130 : vector<16xf32>
      %mul3A_134 = arith.mulf %mul3A_128, %sub3A_133 : vector<16xf32>
      %mul3A_135 = arith.mulf %mul3A_122, %mul3A_134 : vector<16xf32>
      %mul3A_136 = arith.mulf %mul3A_135, %mul3A_134 : vector<16xf32>
      %sub3A_137 = arith.constant 1.500000e+00 : f32
      %sub3A_138 = vector.broadcast %sub3A_137 : f32 to vector<16xf32>
      %sub3A_139 = arith.subf %sub3A_138, %mul3A_136 : vector<16xf32>
      %mul3A_140 = arith.mulf %mul3A_134, %sub3A_139 : vector<16xf32>
      %swap3A = arith.index_cast %mul3A_107 : i32 to index
      %swap3A_141 = tpu.vector_load %arg14[%swap3A] {strides = array<i32>} : memref<640xf32, #tpu.memory_space<vmem>>, vector<16xf32>,
      tpu.vector_store %arg14[%swap3A], %mul3A_140 {strides = array<i32>} : memref<640xf32, #tpu.memory_space<vmem>>, vector<16xf32>,
      %scan3A_142 = arith.constant 0 : i32
      scf.yield %scan3A_142 : i32
    }
    %scan3A_8 = arith.constant 40 : i32
    %scan3A_9 = arith.constant 0 : i32
    %scan3A_10 = arith.constant 0 : i32
    %scan3A_11 = arith.constant 40 : i32
    %scan3A_12 = arith.addi %scan3A_10, %scan3A_11 : i32
    %scan3A_13 = arith.constant 1 : i32
    %scan3A_14 = scf.for %scan3A_104 = %scan3A_10 to %scan3A_12 step %scan3A_13 iter_args(%scan3A_105 = %scan3A_9) -> (i32)  : i32 {
      %mul3A_106 = arith.constant 16 : i32
      %mul3A_107 = arith.muli %scan3A_104, %mul3A_106 : i32
      %get3A = arith.index_cast %mul3A_107 : i32 to index
      %get3A_108 = tpu.vector_load %arg14[%get3A] {strides = array<i32>} : memref<640xf32, #tpu.memory_space<vmem>>, vector<16xf32>,
      %mul3A_109 = arith.constant 16 : i32
      %mul3A_110 = arith.muli %scan3A_104, %mul3A_109 : i32
      %add3A_111 = arith.constant 0 : i32
      %add3A_112 = arith.addi %mul3A_110, %add3A_111 : i32
      %slice3A = vector.extract_strided_slice %get3A_108 {offsets = [0], sizes = [1], strides = [1]} : vector<16xf32> to vector<1xf32>
      %squeeze3A = vector.extract %slice3A[0] : f32 from vector<1xf32>
      %broadcast_in_dim3A = vector.broadcast %squeeze3A : f32 to vector<16xf32>
      %get3A_113 = arith.index_cast %add3A_112 : i32 to index
      %get3A_114 = arith.constant 0 : index
      %get3A_115 = tpu.vector_load %arg13[%get3A_113, %get3A_114] {strides = array<i32>} : memref<640x16xf32, #tpu.memory_space<vmem>>, vector<16xf32>,
      %mul3A_116 = arith.mulf %get3A_115, %broadcast_in_dim3A : vector<16xf32>
      %swap3A = arith.index_cast %add3A_112 : i32 to index
      %swap3A_117 = arith.constant 0 : index
      %swap3A_118 = tpu.vector_load %arg13[%swap3A, %swap3A_117] {strides = array<i32>} : memref<640x16xf32, #tpu.memory_space<vmem>>, vector<16xf32>,
      tpu.vector_store %arg13[%swap3A, %swap3A_117], %mul3A_116 {strides = array<i32>} : memref<640x16xf32, #tpu.memory_space<vmem>>, vector<16xf32>,
      %mul3A_119 = arith.constant 16 : i32
      %mul3A_120 = arith.muli %scan3A_104, %mul3A_119 : i32
      %add3A_121 = arith.constant 1 : i32
      %add3A_122 = arith.addi %mul3A_120, %add3A_121 : i32
      %slice3A_123 = vector.extract_strided_slice %get3A_108 {offsets = [1], sizes = [1], strides = [1]} : vector<16xf32> to vector<1xf32>
      %squeeze3A_124 = vector.extract %slice3A_123[0] : f32 from vector<1xf32>
      %broadcast_in_dim3A_125 = vector.broadcast %squeeze3A_124 : f32 to vector<16xf32>
      %get3A_126 = arith.index_cast %add3A_122 : i32 to index
      %get3A_127 = arith.constant 0 : index
      %get3A_128 = tpu.vector_load %arg13[%get3A_126, %get3A_127] {strides = array<i32>} : memref<640x16xf32, #tpu.memory_space<vmem>>, vector<16xf32>,
      %mul3A_129 = arith.mulf %get3A_128, %broadcast_in_dim3A_125 : vector<16xf32>
      %swap3A_130 = arith.index_cast %add3A_122 : i32 to index
      %swap3A_131 = arith.constant 0 : index
      %swap3A_132 = tpu.vector_load %arg13[%swap3A_130, %swap3A_131] {strides = array<i32>} : memref<640x16xf32, #tpu.memory_space<vmem>>, vector<16xf32>,
      tpu.vector_store %arg13[%swap3A_130, %swap3A_131], %mul3A_129 {strides = array<i32>} : memref<640x16xf32, #tpu.memory_space<vmem>>, vector<16xf32>,
      %mul3A_133 = arith.constant 16 : i32
      %mul3A_134 = arith.muli %scan3A_104, %mul3A_133 : i32
      %add3A_135 = arith.constant 2 : i32
      %add3A_136 = arith.addi %mul3A_134, %add3A_135 : i32
      %slice3A_137 = vector.extract_strided_slice %get3A_108 {offsets = [2], sizes = [1], strides = [1]} : vector<16xf32> to vector<1xf32>
      %squeeze3A_138 = vector.extract %slice3A_137[0] : f32 from vector<1xf32>
      %broadcast_in_dim3A_139 = vector.broadcast %squeeze3A_138 : f32 to vector<16xf32>
      %get3A_140 = arith.index_cast %add3A_136 : i32 to index
      %get3A_141 = arith.constant 0 : index
      %get3A_142 = tpu.vector_load %arg13[%get3A_140, %get3A_141] {strides = array<i32>} : memref<640x16xf32, #tpu.memory_space<vmem>>, vector<16xf32>,
      %mul3A_143 = arith.mulf %get3A_142, %broadcast_in_dim3A_139 : vector<16xf32>
      %swap3A_144 = arith.index_cast %add3A_136 : i32 to index
      %swap3A_145 = arith.constant 0 : index
      %swap3A_146 = tpu.vector_load %arg13[%swap3A_144, %swap3A_145] {strides = array<i32>} : memref<640x16xf32, #tpu.memory_space<vmem>>, vector<16xf32>,
      tpu.vector_store %arg13[%swap3A_144, %swap3A_145], %mul3A_143 {strides = array<i32>} : memref<640x16xf32, #tpu.memory_space<vmem>>, vector<16xf32>,
      %mul3A_147 = arith.constant 16 : i32
      %mul3A_148 = arith.muli %scan3A_104, %mul3A_147 : i32
      %add3A_149 = arith.constant 3 : i32
      %add3A_150 = arith.addi %mul3A_148, %add3A_149 : i32
      %slice3A_151 = vector.extract_strided_slice %get3A_108 {offsets = [3], sizes = [1], strides = [1]} : vector<16xf32> to vector<1xf32>
      %squeeze3A_152 = vector.extract %slice3A_151[0] : f32 from vector<1xf32>
      %broadcast_in_dim3A_153 = vector.broadcast %squeeze3A_152 : f32 to vector<16xf32>
      %get3A_154 = arith.index_cast %add3A_150 : i32 to index
      %get3A_155 = arith.constant 0 : index
      %get3A_156 = tpu.vector_load %arg13[%get3A_154, %get3A_155] {strides = array<i32>} : memref<640x16xf32, #tpu.memory_space<vmem>>, vector<16xf32>,
      %mul3A_157 = arith.mulf %get3A_156, %broadcast_in_dim3A_153 : vector<16xf32>
      %swap3A_158 = arith.index_cast %add3A_150 : i32 to index
      %swap3A_159 = arith.constant 0 : index
      %swap3A_160 = tpu.vector_load %arg13[%swap3A_158, %swap3A_159] {strides = array<i32>} : memref<640x16xf32, #tpu.memory_space<vmem>>, vector<16xf32>,
      tpu.vector_store %arg13[%swap3A_158, %swap3A_159], %mul3A_157 {strides = array<i32>} : memref<640x16xf32, #tpu.memory_space<vmem>>, vector<16xf32>,
      %mul3A_161 = arith.constant 16 : i32
      %mul3A_162 = arith.muli %scan3A_104, %mul3A_161 : i32
      %add3A_163 = arith.constant 4 : i32
      %add3A_164 = arith.addi %mul3A_162, %add3A_163 : i32
      %slice3A_165 = vector.extract_strided_slice %get3A_108 {offsets = [4], sizes = [1], strides = [1]} : vector<16xf32> to vector<1xf32>
      %squeeze3A_166 = vector.extract %slice3A_165[0] : f32 from vector<1xf32>
      %broadcast_in_dim3A_167 = vector.broadcast %squeeze3A_166 : f32 to vector<16xf32>
      %get3A_168 = arith.index_cast %add3A_164 : i32 to index
      %get3A_169 = arith.constant 0 : index
      %get3A_170 = tpu.vector_load %arg13[%get3A_168, %get3A_169] {strides = array<i32>} : memref<640x16xf32, #tpu.memory_space<vmem>>, vector<16xf32>,
      %mul3A_171 = arith.mulf %get3A_170, %broadcast_in_dim3A_167 : vector<16xf32>
      %swap3A_172 = arith.index_cast %add3A_164 : i32 to index
      %swap3A_173 = arith.constant 0 : index
      %swap3A_174 = tpu.vector_load %arg13[%swap3A_172, %swap3A_173] {strides = array<i32>} : memref<640x16xf32, #tpu.memory_space<vmem>>, vector<16xf32>,
      tpu.vector_store %arg13[%swap3A_172, %swap3A_173], %mul3A_171 {strides = array<i32>} : memref<640x16xf32, #tpu.memory_space<vmem>>, vector<16xf32>,
      %mul3A_175 = arith.constant 16 : i32
      %mul3A_176 = arith.muli %scan3A_104, %mul3A_175 : i32
      %add3A_177 = arith.constant 5 : i32
      %add3A_178 = arith.addi %mul3A_176, %add3A_177 : i32
      %slice3A_179 = vector.extract_strided_slice %get3A_108 {offsets = [5], sizes = [1], strides = [1]} : vector<16xf32> to vector<1xf32>
      %squeeze3A_180 = vector.extract %slice3A_179[0] : f32 from vector<1xf32>
      %broadcast_in_dim3A_181 = vector.broadcast %squeeze3A_180 : f32 to vector<16xf32>
      %get3A_182 = arith.index_cast %add3A_178 : i32 to index
      %get3A_183 = arith.constant 0 : index
      %get3A_184 = tpu.vector_load %arg13[%get3A_182, %get3A_183] {strides = array<i32>} : memref<640x16xf32, #tpu.memory_space<vmem>>, vector<16xf32>,
      %mul3A_185 = arith.mulf %get3A_184, %broadcast_in_dim3A_181 : vector<16xf32>
      %swap3A_186 = arith.index_cast %add3A_178 : i32 to index
      %swap3A_187 = arith.constant 0 : index
      %swap3A_188 = tpu.vector_load %arg13[%swap3A_186, %swap3A_187] {strides = array<i32>} : memref<640x16xf32, #tpu.memory_space<vmem>>, vector<16xf32>,
      tpu.vector_store %arg13[%swap3A_186, %swap3A_187], %mul3A_185 {strides = array<i32>} : memref<640x16xf32, #tpu.memory_space<vmem>>, vector<16xf32>,
      %mul3A_189 = arith.constant 16 : i32
      %mul3A_190 = arith.muli %scan3A_104, %mul3A_189 : i32
      %add3A_191 = arith.constant 6 : i32
      %add3A_192 = arith.addi %mul3A_190, %add3A_191 : i32
      %slice3A_193 = vector.extract_strided_slice %get3A_108 {offsets = [6], sizes = [1], strides = [1]} : vector<16xf32> to vector<1xf32>
      %squeeze3A_194 = vector.extract %slice3A_193[0] : f32 from vector<1xf32>
      %broadcast_in_dim3A_195 = vector.broadcast %squeeze3A_194 : f32 to vector<16xf32>
      %get3A_196 = arith.index_cast %add3A_192 : i32 to index
      %get3A_197 = arith.constant 0 : index
      %get3A_198 = tpu.vector_load %arg13[%get3A_196, %get3A_197] {strides = array<i32>} : memref<640x16xf32, #tpu.memory_space<vmem>>, vector<16xf32>,
      %mul3A_199 = arith.mulf %get3A_198, %broadcast_in_dim3A_195 : vector<16xf32>
      %swap3A_200 = arith.index_cast %add3A_192 : i32 to index
      %swap3A_201 = arith.constant 0 : index
      %swap3A_202 = tpu.vector_load %arg13[%swap3A_200, %swap3A_201] {strides = array<i32>} : memref<640x16xf32, #tpu.memory_space<vmem>>, vector<16xf32>,
      tpu.vector_store %arg13[%swap3A_200, %swap3A_201], %mul3A_199 {strides = array<i32>} : memref<640x16xf32, #tpu.memory_space<vmem>>, vector<16xf32>,
      %mul3A_203 = arith.constant 16 : i32
      %mul3A_204 = arith.muli %scan3A_104, %mul3A_203 : i32
      %add3A_205 = arith.constant 7 : i32
      %add3A_206 = arith.addi %mul3A_204, %add3A_205 : i32
      %slice3A_207 = vector.extract_strided_slice %get3A_108 {offsets = [7], sizes = [1], strides = [1]} : vector<16xf32> to vector<1xf32>
      %squeeze3A_208 = vector.extract %slice3A_207[0] : f32 from vector<1xf32>
      %broadcast_in_dim3A_209 = vector.broadcast %squeeze3A_208 : f32 to vector<16xf32>
      %get3A_210 = arith.index_cast %add3A_206 : i32 to index
      %get3A_211 = arith.constant 0 : index
      %get3A_212 = tpu.vector_load %arg13[%get3A_210, %get3A_211] {strides = array<i32>} : memref<640x16xf32, #tpu.memory_space<vmem>>, vector<16xf32>,
      %mul3A_213 = arith.mulf %get3A_212, %broadcast_in_dim3A_209 : vector<16xf32>
      %swap3A_214 = arith.index_cast %add3A_206 : i32 to index
      %swap3A_215 = arith.constant 0 : index
      %swap3A_216 = tpu.vector_load %arg13[%swap3A_214, %swap3A_215] {strides = array<i32>} : memref<640x16xf32, #tpu.memory_space<vmem>>, vector<16xf32>,
      tpu.vector_store %arg13[%swap3A_214, %swap3A_215], %mul3A_213 {strides = array<i32>} : memref<640x16xf32, #tpu.memory_space<vmem>>, vector<16xf32>,
      %mul3A_217 = arith.constant 16 : i32
      %mul3A_218 = arith.muli %scan3A_104, %mul3A_217 : i32
      %add3A_219 = arith.constant 8 : i32
      %add3A_220 = arith.addi %mul3A_218, %add3A_219 : i32
      %slice3A_221 = vector.extract_strided_slice %get3A_108 {offsets = [8], sizes = [1], strides = [1]} : vector<16xf32> to vector<1xf32>
      %squeeze3A_222 = vector.extract %slice3A_221[0] : f32 from vector<1xf32>
      %broadcast_in_dim3A_223 = vector.broadcast %squeeze3A_222 : f32 to vector<16xf32>
      %get3A_224 = arith.index_cast %add3A_220 : i32 to index
      %get3A_225 = arith.constant 0 : index
      %get3A_226 = tpu.vector_load %arg13[%get3A_224, %get3A_225] {strides = array<i32>} : memref<640x16xf32, #tpu.memory_space<vmem>>, vector<16xf32>,
      %mul3A_227 = arith.mulf %get3A_226, %broadcast_in_dim3A_223 : vector<16xf32>
      %swap3A_228 = arith.index_cast %add3A_220 : i32 to index
      %swap3A_229 = arith.constant 0 : index
      %swap3A_230 = tpu.vector_load %arg13[%swap3A_228, %swap3A_229] {strides = array<i32>} : memref<640x16xf32, #tpu.memory_space<vmem>>, vector<16xf32>,
      tpu.vector_store %arg13[%swap3A_228, %swap3A_229], %mul3A_227 {strides = array<i32>} : memref<640x16xf32, #tpu.memory_space<vmem>>, vector<16xf32>,
      %mul3A_231 = arith.constant 16 : i32
      %mul3A_232 = arith.muli %scan3A_104, %mul3A_231 : i32
      %add3A_233 = arith.constant 9 : i32
      %add3A_234 = arith.addi %mul3A_232, %add3A_233 : i32
      %slice3A_235 = vector.extract_strided_slice %get3A_108 {offsets = [9], sizes = [1], strides = [1]} : vector<16xf32> to vector<1xf32>
      %squeeze3A_236 = vector.extract %slice3A_235[0] : f32 from vector<1xf32>
      %broadcast_in_dim3A_237 = vector.broadcast %squeeze3A_236 : f32 to vector<16xf32>
      %get3A_238 = arith.index_cast %add3A_234 : i32 to index
      %get3A_239 = arith.constant 0 : index
      %get3A_240 = tpu.vector_load %arg13[%get3A_238, %get3A_239] {strides = array<i32>} : memref<640x16xf32, #tpu.memory_space<vmem>>, vector<16xf32>,
      %mul3A_241 = arith.mulf %get3A_240, %broadcast_in_dim3A_237 : vector<16xf32>
      %swap3A_242 = arith.index_cast %add3A_234 : i32 to index
      %swap3A_243 = arith.constant 0 : index
      %swap3A_244 = tpu.vector_load %arg13[%swap3A_242, %swap3A_243] {strides = array<i32>} : memref<640x16xf32, #tpu.memory_space<vmem>>, vector<16xf32>,
      tpu.vector_store %arg13[%swap3A_242, %swap3A_243], %mul3A_241 {strides = array<i32>} : memref<640x16xf32, #tpu.memory_space<vmem>>, vector<16xf32>,
      %mul3A_245 = arith.constant 16 : i32
      %mul3A_246 = arith.muli %scan3A_104, %mul3A_245 : i32
      %add3A_247 = arith.constant 10 : i32
      %add3A_248 = arith.addi %mul3A_246, %add3A_247 : i32
      %slice3A_249 = vector.extract_strided_slice %get3A_108 {offsets = [10], sizes = [1], strides = [1]} : vector<16xf32> to vector<1xf32>
      %squeeze3A_250 = vector.extract %slice3A_249[0] : f32 from vector<1xf32>
      %broadcast_in_dim3A_251 = vector.broadcast %squeeze3A_250 : f32 to vector<16xf32>
      %get3A_252 = arith.index_cast %add3A_248 : i32 to index
      %get3A_253 = arith.constant 0 : index
      %get3A_254 = tpu.vector_load %arg13[%get3A_252, %get3A_253] {strides = array<i32>} : memref<640x16xf32, #tpu.memory_space<vmem>>, vector<16xf32>,
      %mul3A_255 = arith.mulf %get3A_254, %broadcast_in_dim3A_251 : vector<16xf32>
      %swap3A_256 = arith.index_cast %add3A_248 : i32 to index
      %swap3A_257 = arith.constant 0 : index
      %swap3A_258 = tpu.vector_load %arg13[%swap3A_256, %swap3A_257] {strides = array<i32>} : memref<640x16xf32, #tpu.memory_space<vmem>>, vector<16xf32>,
      tpu.vector_store %arg13[%swap3A_256, %swap3A_257], %mul3A_255 {strides = array<i32>} : memref<640x16xf32, #tpu.memory_space<vmem>>, vector<16xf32>,
      %mul3A_259 = arith.constant 16 : i32
      %mul3A_260 = arith.muli %scan3A_104, %mul3A_259 : i32
      %add3A_261 = arith.constant 11 : i32
      %add3A_262 = arith.addi %mul3A_260, %add3A_261 : i32
      %slice3A_263 = vector.extract_strided_slice %get3A_108 {offsets = [11], sizes = [1], strides = [1]} : vector<16xf32> to vector<1xf32>
      %squeeze3A_264 = vector.extract %slice3A_263[0] : f32 from vector<1xf32>
      %broadcast_in_dim3A_265 = vector.broadcast %squeeze3A_264 : f32 to vector<16xf32>
      %get3A_266 = arith.index_cast %add3A_262 : i32 to index
      %get3A_267 = arith.constant 0 : index
      %get3A_268 = tpu.vector_load %arg13[%get3A_266, %get3A_267] {strides = array<i32>} : memref<640x16xf32, #tpu.memory_space<vmem>>, vector<16xf32>,
      %mul3A_269 = arith.mulf %get3A_268, %broadcast_in_dim3A_265 : vector<16xf32>
      %swap3A_270 = arith.index_cast %add3A_262 : i32 to index
      %swap3A_271 = arith.constant 0 : index
      %swap3A_272 = tpu.vector_load %arg13[%swap3A_270, %swap3A_271] {strides = array<i32>} : memref<640x16xf32, #tpu.memory_space<vmem>>, vector<16xf32>,
      tpu.vector_store %arg13[%swap3A_270, %swap3A_271], %mul3A_269 {strides = array<i32>} : memref<640x16xf32, #tpu.memory_space<vmem>>, vector<16xf32>,
      %mul3A_273 = arith.constant 16 : i32
      %mul3A_274 = arith.muli %scan3A_104, %mul3A_273 : i32
      %add3A_275 = arith.constant 12 : i32
      %add3A_276 = arith.addi %mul3A_274, %add3A_275 : i32
      %slice3A_277 = vector.extract_strided_slice %get3A_108 {offsets = [12], sizes = [1], strides = [1]} : vector<16xf32> to vector<1xf32>
      %squeeze3A_278 = vector.extract %slice3A_277[0] : f32 from vector<1xf32>
      %broadcast_in_dim3A_279 = vector.broadcast %squeeze3A_278 : f32 to vector<16xf32>
      %get3A_280 = arith.index_cast %add3A_276 : i32 to index
      %get3A_281 = arith.constant 0 : index
      %get3A_282 = tpu.vector_load %arg13[%get3A_280, %get3A_281] {strides = array<i32>} : memref<640x16xf32, #tpu.memory_space<vmem>>, vector<16xf32>,
      %mul3A_283 = arith.mulf %get3A_282, %broadcast_in_dim3A_279 : vector<16xf32>
      %swap3A_284 = arith.index_cast %add3A_276 : i32 to index
      %swap3A_285 = arith.constant 0 : index
      %swap3A_286 = tpu.vector_load %arg13[%swap3A_284, %swap3A_285] {strides = array<i32>} : memref<640x16xf32, #tpu.memory_space<vmem>>, vector<16xf32>,
      tpu.vector_store %arg13[%swap3A_284, %swap3A_285], %mul3A_283 {strides = array<i32>} : memref<640x16xf32, #tpu.memory_space<vmem>>, vector<16xf32>,
      %mul3A_287 = arith.constant 16 : i32
      %mul3A_288 = arith.muli %scan3A_104, %mul3A_287 : i32
      %add3A_289 = arith.constant 13 : i32
      %add3A_290 = arith.addi %mul3A_288, %add3A_289 : i32
      %slice3A_291 = vector.extract_strided_slice %get3A_108 {offsets = [13], sizes = [1], strides = [1]} : vector<16xf32> to vector<1xf32>
      %squeeze3A_292 = vector.extract %slice3A_291[0] : f32 from vector<1xf32>
      %broadcast_in_dim3A_293 = vector.broadcast %squeeze3A_292 : f32 to vector<16xf32>
      %get3A_294 = arith.index_cast %add3A_290 : i32 to index
      %get3A_295 = arith.constant 0 : index
      %get3A_296 = tpu.vector_load %arg13[%get3A_294, %get3A_295] {strides = array<i32>} : memref<640x16xf32, #tpu.memory_space<vmem>>, vector<16xf32>,
      %mul3A_297 = arith.mulf %get3A_296, %broadcast_in_dim3A_293 : vector<16xf32>
      %swap3A_298 = arith.index_cast %add3A_290 : i32 to index
      %swap3A_299 = arith.constant 0 : index
      %swap3A_300 = tpu.vector_load %arg13[%swap3A_298, %swap3A_299] {strides = array<i32>} : memref<640x16xf32, #tpu.memory_space<vmem>>, vector<16xf32>,
      tpu.vector_store %arg13[%swap3A_298, %swap3A_299], %mul3A_297 {strides = array<i32>} : memref<640x16xf32, #tpu.memory_space<vmem>>, vector<16xf32>,
      %mul3A_301 = arith.constant 16 : i32
      %mul3A_302 = arith.muli %scan3A_104, %mul3A_301 : i32
      %add3A_303 = arith.constant 14 : i32
      %add3A_304 = arith.addi %mul3A_302, %add3A_303 : i32
      %slice3A_305 = vector.extract_strided_slice %get3A_108 {offsets = [14], sizes = [1], strides = [1]} : vector<16xf32> to vector<1xf32>
      %squeeze3A_306 = vector.extract %slice3A_305[0] : f32 from vector<1xf32>
      %broadcast_in_dim3A_307 = vector.broadcast %squeeze3A_306 : f32 to vector<16xf32>
      %get3A_308 = arith.index_cast %add3A_304 : i32 to index
      %get3A_309 = arith.constant 0 : index
      %get3A_310 = tpu.vector_load %arg13[%get3A_308, %get3A_309] {strides = array<i32>} : memref<640x16xf32, #tpu.memory_space<vmem>>, vector<16xf32>,
      %mul3A_311 = arith.mulf %get3A_310, %broadcast_in_dim3A_307 : vector<16xf32>
      %swap3A_312 = arith.index_cast %add3A_304 : i32 to index
      %swap3A_313 = arith.constant 0 : index
      %swap3A_314 = tpu.vector_load %arg13[%swap3A_312, %swap3A_313] {strides = array<i32>} : memref<640x16xf32, #tpu.memory_space<vmem>>, vector<16xf32>,
      tpu.vector_store %arg13[%swap3A_312, %swap3A_313], %mul3A_311 {strides = array<i32>} : memref<640x16xf32, #tpu.memory_space<vmem>>, vector<16xf32>,
      %mul3A_315 = arith.constant 16 : i32
      %mul3A_316 = arith.muli %scan3A_104, %mul3A_315 : i32
      %add3A_317 = arith.constant 15 : i32
      %add3A_318 = arith.addi %mul3A_316, %add3A_317 : i32
      %slice3A_319 = vector.extract_strided_slice %get3A_108 {offsets = [15], sizes = [1], strides = [1]} : vector<16xf32> to vector<1xf32>
      %squeeze3A_320 = vector.extract %slice3A_319[0] : f32 from vector<1xf32>
      %broadcast_in_dim3A_321 = vector.broadcast %squeeze3A_320 : f32 to vector<16xf32>
      %get3A_322 = arith.index_cast %add3A_318 : i32 to index
      %get3A_323 = arith.constant 0 : index
      %get3A_324 = tpu.vector_load %arg13[%get3A_322, %get3A_323] {strides = array<i32>} : memref<640x16xf32, #tpu.memory_space<vmem>>, vector<16xf32>,
      %mul3A_325 = arith.mulf %get3A_324, %broadcast_in_dim3A_321 : vector<16xf32>
      %swap3A_326 = arith.index_cast %add3A_318 : i32 to index
      %swap3A_327 = arith.constant 0 : index
      %swap3A_328 = tpu.vector_load %arg13[%swap3A_326, %swap3A_327] {strides = array<i32>} : memref<640x16xf32, #tpu.memory_space<vmem>>, vector<16xf32>,
      tpu.vector_store %arg13[%swap3A_326, %swap3A_327], %mul3A_325 {strides = array<i32>} : memref<640x16xf32, #tpu.memory_space<vmem>>, vector<16xf32>,
      %scan3A_329 = arith.constant 0 : i32
      scf.yield %scan3A_329 : i32
    }
    %scan3A_15 = arith.constant 40 : i32
    "tpu.region"() ({
      %run_scoped3A = tpu.sem_alloc : memref<!tpu.dma_semaphore, #tpu.memory_space<semaphore_mem>>
      %dma_start3A_104 = arith.constant 0 : i32
      %dma_start3A_105 = tpu.memref_slice %arg9[%mul3A_2, %dma_start3A_104] : memref<10240x16xf32, #tpu.memory_space<hbm>> -> memref<640x16xf32, #tpu.memory_space<hbm>>
      %dma_start3A_106 = arith.constant 0 : i32
      %dma_start3A_107 = tpu.memref_slice %arg9[%mul3A_2, %dma_start3A_106] : memref<10240x16xf32, #tpu.memory_space<hbm>> -> memref<640x16xf32, #tpu.memory_space<hbm>>
      tpu.enqueue_dma source(%arg13 : memref<640x16xf32, #tpu.memory_space<vmem>>) target(%dma_start3A_107 : memref<640x16xf32, #tpu.memory_space<hbm>>) target_semaphore(%run_scoped3A : memref<!tpu.dma_semaphore, #tpu.memory_space<semaphore_mem>>)
      %dma_wait3A = arith.constant 0 : i32
      %dma_wait3A_108 = tpu.memref_slice %arg9[%mul3A_2, %dma_wait3A] : memref<10240x16xf32, #tpu.memory_space<hbm>> -> memref<640x16xf32, #tpu.memory_space<hbm>>
      %dma_wait3A_109 = arith.constant 0 : i32
      %dma_wait3A_110 = tpu.memref_slice %arg9[%mul3A_2, %dma_wait3A_109] : memref<10240x16xf32, #tpu.memory_space<hbm>> -> memref<640x16xf32, #tpu.memory_space<hbm>>
      tpu.wait_dma2 semaphore(%run_scoped3A : memref<!tpu.dma_semaphore, #tpu.memory_space<semaphore_mem>>) src(%arg13 : memref<640x16xf32, #tpu.memory_space<vmem>>) dst(%dma_wait3A_110 : memref<640x16xf32, #tpu.memory_space<hbm>>)
      tpu.yield
    }) : () -> ()
    %scan3A_16 = arith.constant 0 : i32
    %scan3A_17 = arith.constant 0 : i32
    %scan3A_18 = arith.constant 40 : i32
    %scan3A_19 = arith.addi %scan3A_17, %scan3A_18 : i32
    %scan3A_20 = arith.constant 1 : i32
    %scan3A_21 = scf.for %scan3A_104 = %scan3A_17 to %scan3A_19 step %scan3A_20 iter_args(%scan3A_105 = %scan3A_16) -> (i32)  : i32 {
      %mul3A_106 = arith.constant 16 : i32
      %mul3A_107 = arith.muli %scan3A_104, %mul3A_106 : i32
      %add3A_108 = arith.constant 0 : i32
      %add3A_109 = arith.addi %mul3A_107, %add3A_108 : i32
      %get3A = arith.index_cast %add3A_109 : i32 to index
      %get3A_110 = arith.constant 0 : index
      %get3A_111 = tpu.vector_load %arg13[%get3A, %get3A_110] {strides = array<i32>} : memref<640x16xf32, #tpu.memory_space<vmem>>, vector<16xf32>,
      %mul3A_112 = arith.constant 5.000000e-01 : f32
      %mul3A_113 = vector.broadcast %mul3A_112 : f32 to vector<16xf32>
      %mul3A_114 = arith.mulf %get3A_111, %mul3A_113 : vector<16xf32>
      %swap3A = arith.index_cast %add3A_109 : i32 to index
      %swap3A_115 = arith.constant 0 : index
      %swap3A_116 = tpu.vector_load %arg13[%swap3A, %swap3A_115] {strides = array<i32>} : memref<640x16xf32, #tpu.memory_space<vmem>>, vector<16xf32>,
      tpu.vector_store %arg13[%swap3A, %swap3A_115], %mul3A_114 {strides = array<i32>} : memref<640x16xf32, #tpu.memory_space<vmem>>, vector<16xf32>,
      %mul3A_117 = arith.constant 16 : i32
      %mul3A_118 = arith.muli %scan3A_104, %mul3A_117 : i32
      %add3A_119 = arith.constant 1 : i32
      %add3A_120 = arith.addi %mul3A_118, %add3A_119 : i32
      %get3A_121 = arith.index_cast %add3A_120 : i32 to index
      %get3A_122 = arith.constant 0 : index
      %get3A_123 = tpu.vector_load %arg13[%get3A_121, %get3A_122] {strides = array<i32>} : memref<640x16xf32, #tpu.memory_space<vmem>>, vector<16xf32>,
      %mul3A_124 = arith.constant 5.000000e-01 : f32
      %mul3A_125 = vector.broadcast %mul3A_124 : f32 to vector<16xf32>
      %mul3A_126 = arith.mulf %get3A_123, %mul3A_125 : vector<16xf32>
      %swap3A_127 = arith.index_cast %add3A_120 : i32 to index
      %swap3A_128 = arith.constant 0 : index
      %swap3A_129 = tpu.vector_load %arg13[%swap3A_127, %swap3A_128] {strides = array<i32>} : memref<640x16xf32, #tpu.memory_space<vmem>>, vector<16xf32>,
      tpu.vector_store %arg13[%swap3A_127, %swap3A_128], %mul3A_126 {strides = array<i32>} : memref<640x16xf32, #tpu.memory_space<vmem>>, vector<16xf32>,
      %mul3A_130 = arith.constant 16 : i32
      %mul3A_131 = arith.muli %scan3A_104, %mul3A_130 : i32
      %add3A_132 = arith.constant 2 : i32
      %add3A_133 = arith.addi %mul3A_131, %add3A_132 : i32
      %get3A_134 = arith.index_cast %add3A_133 : i32 to index
      %get3A_135 = arith.constant 0 : index
      %get3A_136 = tpu.vector_load %arg13[%get3A_134, %get3A_135] {strides = array<i32>} : memref<640x16xf32, #tpu.memory_space<vmem>>, vector<16xf32>,
      %mul3A_137 = arith.constant 5.000000e-01 : f32
      %mul3A_138 = vector.broadcast %mul3A_137 : f32 to vector<16xf32>
      %mul3A_139 = arith.mulf %get3A_136, %mul3A_138 : vector<16xf32>
      %swap3A_140 = arith.index_cast %add3A_133 : i32 to index
      %swap3A_141 = arith.constant 0 : index
      %swap3A_142 = tpu.vector_load %arg13[%swap3A_140, %swap3A_141] {strides = array<i32>} : memref<640x16xf32, #tpu.memory_space<vmem>>, vector<16xf32>,
      tpu.vector_store %arg13[%swap3A_140, %swap3A_141], %mul3A_139 {strides = array<i32>} : memref<640x16xf32, #tpu.memory_space<vmem>>, vector<16xf32>,
      %mul3A_143 = arith.constant 16 : i32
      %mul3A_144 = arith.muli %scan3A_104, %mul3A_143 : i32
      %add3A_145 = arith.constant 3 : i32
      %add3A_146 = arith.addi %mul3A_144, %add3A_145 : i32
      %get3A_147 = arith.index_cast %add3A_146 : i32 to index
      %get3A_148 = arith.constant 0 : index
      %get3A_149 = tpu.vector_load %arg13[%get3A_147, %get3A_148] {strides = array<i32>} : memref<640x16xf32, #tpu.memory_space<vmem>>, vector<16xf32>,
      %mul3A_150 = arith.constant 5.000000e-01 : f32
      %mul3A_151 = vector.broadcast %mul3A_150 : f32 to vector<16xf32>
      %mul3A_152 = arith.mulf %get3A_149, %mul3A_151 : vector<16xf32>
      %swap3A_153 = arith.index_cast %add3A_146 : i32 to index
      %swap3A_154 = arith.constant 0 : index
      %swap3A_155 = tpu.vector_load %arg13[%swap3A_153, %swap3A_154] {strides = array<i32>} : memref<640x16xf32, #tpu.memory_space<vmem>>, vector<16xf32>,
      tpu.vector_store %arg13[%swap3A_153, %swap3A_154], %mul3A_152 {strides = array<i32>} : memref<640x16xf32, #tpu.memory_space<vmem>>, vector<16xf32>,
      %mul3A_156 = arith.constant 16 : i32
      %mul3A_157 = arith.muli %scan3A_104, %mul3A_156 : i32
      %add3A_158 = arith.constant 4 : i32
      %add3A_159 = arith.addi %mul3A_157, %add3A_158 : i32
      %get3A_160 = arith.index_cast %add3A_159 : i32 to index
      %get3A_161 = arith.constant 0 : index
      %get3A_162 = tpu.vector_load %arg13[%get3A_160, %get3A_161] {strides = array<i32>} : memref<640x16xf32, #tpu.memory_space<vmem>>, vector<16xf32>,
      %mul3A_163 = arith.constant 5.000000e-01 : f32
      %mul3A_164 = vector.broadcast %mul3A_163 : f32 to vector<16xf32>
      %mul3A_165 = arith.mulf %get3A_162, %mul3A_164 : vector<16xf32>
      %swap3A_166 = arith.index_cast %add3A_159 : i32 to index
      %swap3A_167 = arith.constant 0 : index
      %swap3A_168 = tpu.vector_load %arg13[%swap3A_166, %swap3A_167] {strides = array<i32>} : memref<640x16xf32, #tpu.memory_space<vmem>>, vector<16xf32>,
      tpu.vector_store %arg13[%swap3A_166, %swap3A_167], %mul3A_165 {strides = array<i32>} : memref<640x16xf32, #tpu.memory_space<vmem>>, vector<16xf32>,
      %mul3A_169 = arith.constant 16 : i32
      %mul3A_170 = arith.muli %scan3A_104, %mul3A_169 : i32
      %add3A_171 = arith.constant 5 : i32
      %add3A_172 = arith.addi %mul3A_170, %add3A_171 : i32
      %get3A_173 = arith.index_cast %add3A_172 : i32 to index
      %get3A_174 = arith.constant 0 : index
      %get3A_175 = tpu.vector_load %arg13[%get3A_173, %get3A_174] {strides = array<i32>} : memref<640x16xf32, #tpu.memory_space<vmem>>, vector<16xf32>,
      %mul3A_176 = arith.constant 5.000000e-01 : f32
      %mul3A_177 = vector.broadcast %mul3A_176 : f32 to vector<16xf32>
      %mul3A_178 = arith.mulf %get3A_175, %mul3A_177 : vector<16xf32>
      %swap3A_179 = arith.index_cast %add3A_172 : i32 to index
      %swap3A_180 = arith.constant 0 : index
      %swap3A_181 = tpu.vector_load %arg13[%swap3A_179, %swap3A_180] {strides = array<i32>} : memref<640x16xf32, #tpu.memory_space<vmem>>, vector<16xf32>,
      tpu.vector_store %arg13[%swap3A_179, %swap3A_180], %mul3A_178 {strides = array<i32>} : memref<640x16xf32, #tpu.memory_space<vmem>>, vector<16xf32>,
      %mul3A_182 = arith.constant 16 : i32
      %mul3A_183 = arith.muli %scan3A_104, %mul3A_182 : i32
      %add3A_184 = arith.constant 6 : i32
      %add3A_185 = arith.addi %mul3A_183, %add3A_184 : i32
      %get3A_186 = arith.index_cast %add3A_185 : i32 to index
      %get3A_187 = arith.constant 0 : index
      %get3A_188 = tpu.vector_load %arg13[%get3A_186, %get3A_187] {strides = array<i32>} : memref<640x16xf32, #tpu.memory_space<vmem>>, vector<16xf32>,
      %mul3A_189 = arith.constant 5.000000e-01 : f32
      %mul3A_190 = vector.broadcast %mul3A_189 : f32 to vector<16xf32>
      %mul3A_191 = arith.mulf %get3A_188, %mul3A_190 : vector<16xf32>
      %swap3A_192 = arith.index_cast %add3A_185 : i32 to index
      %swap3A_193 = arith.constant 0 : index
      %swap3A_194 = tpu.vector_load %arg13[%swap3A_192, %swap3A_193] {strides = array<i32>} : memref<640x16xf32, #tpu.memory_space<vmem>>, vector<16xf32>,
      tpu.vector_store %arg13[%swap3A_192, %swap3A_193], %mul3A_191 {strides = array<i32>} : memref<640x16xf32, #tpu.memory_space<vmem>>, vector<16xf32>,
      %mul3A_195 = arith.constant 16 : i32
      %mul3A_196 = arith.muli %scan3A_104, %mul3A_195 : i32
      %add3A_197 = arith.constant 7 : i32
      %add3A_198 = arith.addi %mul3A_196, %add3A_197 : i32
      %get3A_199 = arith.index_cast %add3A_198 : i32 to index
      %get3A_200 = arith.constant 0 : index
      %get3A_201 = tpu.vector_load %arg13[%get3A_199, %get3A_200] {strides = array<i32>} : memref<640x16xf32, #tpu.memory_space<vmem>>, vector<16xf32>,
      %mul3A_202 = arith.constant 5.000000e-01 : f32
      %mul3A_203 = vector.broadcast %mul3A_202 : f32 to vector<16xf32>
      %mul3A_204 = arith.mulf %get3A_201, %mul3A_203 : vector<16xf32>
      %swap3A_205 = arith.index_cast %add3A_198 : i32 to index
      %swap3A_206 = arith.constant 0 : index
      %swap3A_207 = tpu.vector_load %arg13[%swap3A_205, %swap3A_206] {strides = array<i32>} : memref<640x16xf32, #tpu.memory_space<vmem>>, vector<16xf32>,
      tpu.vector_store %arg13[%swap3A_205, %swap3A_206], %mul3A_204 {strides = array<i32>} : memref<640x16xf32, #tpu.memory_space<vmem>>, vector<16xf32>,
      %mul3A_208 = arith.constant 16 : i32
      %mul3A_209 = arith.muli %scan3A_104, %mul3A_208 : i32
      %add3A_210 = arith.constant 8 : i32
      %add3A_211 = arith.addi %mul3A_209, %add3A_210 : i32
      %get3A_212 = arith.index_cast %add3A_211 : i32 to index
      %get3A_213 = arith.constant 0 : index
      %get3A_214 = tpu.vector_load %arg13[%get3A_212, %get3A_213] {strides = array<i32>} : memref<640x16xf32, #tpu.memory_space<vmem>>, vector<16xf32>,
      %mul3A_215 = arith.constant 5.000000e-01 : f32
      %mul3A_216 = vector.broadcast %mul3A_215 : f32 to vector<16xf32>
      %mul3A_217 = arith.mulf %get3A_214, %mul3A_216 : vector<16xf32>
      %swap3A_218 = arith.index_cast %add3A_211 : i32 to index
      %swap3A_219 = arith.constant 0 : index
      %swap3A_220 = tpu.vector_load %arg13[%swap3A_218, %swap3A_219] {strides = array<i32>} : memref<640x16xf32, #tpu.memory_space<vmem>>, vector<16xf32>,
      tpu.vector_store %arg13[%swap3A_218, %swap3A_219], %mul3A_217 {strides = array<i32>} : memref<640x16xf32, #tpu.memory_space<vmem>>, vector<16xf32>,
      %mul3A_221 = arith.constant 16 : i32
      %mul3A_222 = arith.muli %scan3A_104, %mul3A_221 : i32
      %add3A_223 = arith.constant 9 : i32
      %add3A_224 = arith.addi %mul3A_222, %add3A_223 : i32
      %get3A_225 = arith.index_cast %add3A_224 : i32 to index
      %get3A_226 = arith.constant 0 : index
      %get3A_227 = tpu.vector_load %arg13[%get3A_225, %get3A_226] {strides = array<i32>} : memref<640x16xf32, #tpu.memory_space<vmem>>, vector<16xf32>,
      %mul3A_228 = arith.constant 5.000000e-01 : f32
      %mul3A_229 = vector.broadcast %mul3A_228 : f32 to vector<16xf32>
      %mul3A_230 = arith.mulf %get3A_227, %mul3A_229 : vector<16xf32>
      %swap3A_231 = arith.index_cast %add3A_224 : i32 to index
      %swap3A_232 = arith.constant 0 : index
      %swap3A_233 = tpu.vector_load %arg13[%swap3A_231, %swap3A_232] {strides = array<i32>} : memref<640x16xf32, #tpu.memory_space<vmem>>, vector<16xf32>,
      tpu.vector_store %arg13[%swap3A_231, %swap3A_232], %mul3A_230 {strides = array<i32>} : memref<640x16xf32, #tpu.memory_space<vmem>>, vector<16xf32>,
      %mul3A_234 = arith.constant 16 : i32
      %mul3A_235 = arith.muli %scan3A_104, %mul3A_234 : i32
      %add3A_236 = arith.constant 10 : i32
      %add3A_237 = arith.addi %mul3A_235, %add3A_236 : i32
      %get3A_238 = arith.index_cast %add3A_237 : i32 to index
      %get3A_239 = arith.constant 0 : index
      %get3A_240 = tpu.vector_load %arg13[%get3A_238, %get3A_239] {strides = array<i32>} : memref<640x16xf32, #tpu.memory_space<vmem>>, vector<16xf32>,
      %mul3A_241 = arith.constant 5.000000e-01 : f32
      %mul3A_242 = vector.broadcast %mul3A_241 : f32 to vector<16xf32>
      %mul3A_243 = arith.mulf %get3A_240, %mul3A_242 : vector<16xf32>
      %swap3A_244 = arith.index_cast %add3A_237 : i32 to index
      %swap3A_245 = arith.constant 0 : index
      %swap3A_246 = tpu.vector_load %arg13[%swap3A_244, %swap3A_245] {strides = array<i32>} : memref<640x16xf32, #tpu.memory_space<vmem>>, vector<16xf32>,
      tpu.vector_store %arg13[%swap3A_244, %swap3A_245], %mul3A_243 {strides = array<i32>} : memref<640x16xf32, #tpu.memory_space<vmem>>, vector<16xf32>,
      %mul3A_247 = arith.constant 16 : i32
      %mul3A_248 = arith.muli %scan3A_104, %mul3A_247 : i32
      %add3A_249 = arith.constant 11 : i32
      %add3A_250 = arith.addi %mul3A_248, %add3A_249 : i32
      %get3A_251 = arith.index_cast %add3A_250 : i32 to index
      %get3A_252 = arith.constant 0 : index
      %get3A_253 = tpu.vector_load %arg13[%get3A_251, %get3A_252] {strides = array<i32>} : memref<640x16xf32, #tpu.memory_space<vmem>>, vector<16xf32>,
      %mul3A_254 = arith.constant 5.000000e-01 : f32
      %mul3A_255 = vector.broadcast %mul3A_254 : f32 to vector<16xf32>
      %mul3A_256 = arith.mulf %get3A_253, %mul3A_255 : vector<16xf32>
      %swap3A_257 = arith.index_cast %add3A_250 : i32 to index
      %swap3A_258 = arith.constant 0 : index
      %swap3A_259 = tpu.vector_load %arg13[%swap3A_257, %swap3A_258] {strides = array<i32>} : memref<640x16xf32, #tpu.memory_space<vmem>>, vector<16xf32>,
      tpu.vector_store %arg13[%swap3A_257, %swap3A_258], %mul3A_256 {strides = array<i32>} : memref<640x16xf32, #tpu.memory_space<vmem>>, vector<16xf32>,
      %mul3A_260 = arith.constant 16 : i32
      %mul3A_261 = arith.muli %scan3A_104, %mul3A_260 : i32
      %add3A_262 = arith.constant 12 : i32
      %add3A_263 = arith.addi %mul3A_261, %add3A_262 : i32
      %get3A_264 = arith.index_cast %add3A_263 : i32 to index
      %get3A_265 = arith.constant 0 : index
      %get3A_266 = tpu.vector_load %arg13[%get3A_264, %get3A_265] {strides = array<i32>} : memref<640x16xf32, #tpu.memory_space<vmem>>, vector<16xf32>,
      %mul3A_267 = arith.constant 5.000000e-01 : f32
      %mul3A_268 = vector.broadcast %mul3A_267 : f32 to vector<16xf32>
      %mul3A_269 = arith.mulf %get3A_266, %mul3A_268 : vector<16xf32>
      %swap3A_270 = arith.index_cast %add3A_263 : i32 to index
      %swap3A_271 = arith.constant 0 : index
      %swap3A_272 = tpu.vector_load %arg13[%swap3A_270, %swap3A_271] {strides = array<i32>} : memref<640x16xf32, #tpu.memory_space<vmem>>, vector<16xf32>,
      tpu.vector_store %arg13[%swap3A_270, %swap3A_271], %mul3A_269 {strides = array<i32>} : memref<640x16xf32, #tpu.memory_space<vmem>>, vector<16xf32>,
      %mul3A_273 = arith.constant 16 : i32
      %mul3A_274 = arith.muli %scan3A_104, %mul3A_273 : i32
      %add3A_275 = arith.constant 13 : i32
      %add3A_276 = arith.addi %mul3A_274, %add3A_275 : i32
      %get3A_277 = arith.index_cast %add3A_276 : i32 to index
      %get3A_278 = arith.constant 0 : index
      %get3A_279 = tpu.vector_load %arg13[%get3A_277, %get3A_278] {strides = array<i32>} : memref<640x16xf32, #tpu.memory_space<vmem>>, vector<16xf32>,
      %mul3A_280 = arith.constant 5.000000e-01 : f32
      %mul3A_281 = vector.broadcast %mul3A_280 : f32 to vector<16xf32>
      %mul3A_282 = arith.mulf %get3A_279, %mul3A_281 : vector<16xf32>
      %swap3A_283 = arith.index_cast %add3A_276 : i32 to index
      %swap3A_284 = arith.constant 0 : index
      %swap3A_285 = tpu.vector_load %arg13[%swap3A_283, %swap3A_284] {strides = array<i32>} : memref<640x16xf32, #tpu.memory_space<vmem>>, vector<16xf32>,
      tpu.vector_store %arg13[%swap3A_283, %swap3A_284], %mul3A_282 {strides = array<i32>} : memref<640x16xf32, #tpu.memory_space<vmem>>, vector<16xf32>,
      %mul3A_286 = arith.constant 16 : i32
      %mul3A_287 = arith.muli %scan3A_104, %mul3A_286 : i32
      %add3A_288 = arith.constant 14 : i32
      %add3A_289 = arith.addi %mul3A_287, %add3A_288 : i32
      %get3A_290 = arith.index_cast %add3A_289 : i32 to index
      %get3A_291 = arith.constant 0 : index
      %get3A_292 = tpu.vector_load %arg13[%get3A_290, %get3A_291] {strides = array<i32>} : memref<640x16xf32, #tpu.memory_space<vmem>>, vector<16xf32>,
      %mul3A_293 = arith.constant 5.000000e-01 : f32
      %mul3A_294 = vector.broadcast %mul3A_293 : f32 to vector<16xf32>
      %mul3A_295 = arith.mulf %get3A_292, %mul3A_294 : vector<16xf32>
      %swap3A_296 = arith.index_cast %add3A_289 : i32 to index
      %swap3A_297 = arith.constant 0 : index
      %swap3A_298 = tpu.vector_load %arg13[%swap3A_296, %swap3A_297] {strides = array<i32>} : memref<640x16xf32, #tpu.memory_space<vmem>>, vector<16xf32>,
      tpu.vector_store %arg13[%swap3A_296, %swap3A_297], %mul3A_295 {strides = array<i32>} : memref<640x16xf32, #tpu.memory_space<vmem>>, vector<16xf32>,
      %mul3A_299 = arith.constant 16 : i32
      %mul3A_300 = arith.muli %scan3A_104, %mul3A_299 : i32
      %add3A_301 = arith.constant 15 : i32
      %add3A_302 = arith.addi %mul3A_300, %add3A_301 : i32
      %get3A_303 = arith.index_cast %add3A_302 : i32 to index
      %get3A_304 = arith.constant 0 : index
      %get3A_305 = tpu.vector_load %arg13[%get3A_303, %get3A_304] {strides = array<i32>} : memref<640x16xf32, #tpu.memory_space<vmem>>, vector<16xf32>,
      %mul3A_306 = arith.constant 5.000000e-01 : f32
      %mul3A_307 = vector.broadcast %mul3A_306 : f32 to vector<16xf32>
      %mul3A_308 = arith.mulf %get3A_305, %mul3A_307 : vector<16xf32>
      %swap3A_309 = arith.index_cast %add3A_302 : i32 to index
      %swap3A_310 = arith.constant 0 : index
      %swap3A_311 = tpu.vector_load %arg13[%swap3A_309, %swap3A_310] {strides = array<i32>} : memref<640x16xf32, #tpu.memory_space<vmem>>, vector<16xf32>,
      tpu.vector_store %arg13[%swap3A_309, %swap3A_310], %mul3A_308 {strides = array<i32>} : memref<640x16xf32, #tpu.memory_space<vmem>>, vector<16xf32>,
      %scan3A_312 = arith.constant 0 : i32
      scf.yield %scan3A_312 : i32
    }
    %scan3A_22 = arith.constant 40 : i32
    "tpu.region"() ({
      %run_scoped3A = tpu.sem_alloc : memref<!tpu.dma_semaphore, #tpu.memory_space<semaphore_mem>>
      %dma_start3A_104 = arith.constant 0 : i32
      %dma_start3A_105 = tpu.memref_slice %arg17[%mul3A_2, %dma_start3A_104] : memref<10240x16xf32, #tpu.memory_space<vmem_shared>> -> memref<640x16xf32, #tpu.memory_space<vmem_shared>>
      %dma_start3A_106 = arith.constant 0 : i32
      %dma_start3A_107 = tpu.memref_slice %arg17[%mul3A_2, %dma_start3A_106] : memref<10240x16xf32, #tpu.memory_space<vmem_shared>> -> memref<640x16xf32, #tpu.memory_space<vmem_shared>>
      tpu.enqueue_dma source(%arg13 : memref<640x16xf32, #tpu.memory_space<vmem>>) target(%dma_start3A_107 : memref<640x16xf32, #tpu.memory_space<vmem_shared>>) target_semaphore(%run_scoped3A : memref<!tpu.dma_semaphore, #tpu.memory_space<semaphore_mem>>)
      %dma_wait3A = arith.constant 0 : i32
      %dma_wait3A_108 = tpu.memref_slice %arg17[%mul3A_2, %dma_wait3A] : memref<10240x16xf32, #tpu.memory_space<vmem_shared>> -> memref<640x16xf32, #tpu.memory_space<vmem_shared>>
      %dma_wait3A_109 = arith.constant 0 : i32
      %dma_wait3A_110 = tpu.memref_slice %arg17[%mul3A_2, %dma_wait3A_109] : memref<10240x16xf32, #tpu.memory_space<vmem_shared>> -> memref<640x16xf32, #tpu.memory_space<vmem_shared>>
      tpu.wait_dma2 semaphore(%run_scoped3A : memref<!tpu.dma_semaphore, #tpu.memory_space<semaphore_mem>>) src(%arg13 : memref<640x16xf32, #tpu.memory_space<vmem>>) dst(%dma_wait3A_110 : memref<640x16xf32, #tpu.memory_space<vmem_shared>>)
      tpu.yield
    }) : () -> ()
    %barrier3A = arith.constant 0 : index
    tpu.barrier barrier_id(%barrier3A)
    %dma_start3A = arith.constant 0 : i32
    %dma_start3A_23 = arith.constant 0 : i32
    %dma_start3A_24 = arith.constant 0 : i32
    %dma_start3A_25 = arith.constant 0 : i32
    %dma_start3A_26 = tpu.memref_slice %arg12[%dma_start3A_23, %dma_start3A_24, %dma_start3A_25] : memref<5x80x16xf32, #tpu.memory_space<vmem>> -> memref<1x80x16xf32, #tpu.memory_space<vmem>>
    %dma_start3A_27 = tpu.memref_squeeze %dma_start3A_26 : memref<1x80x16xf32, #tpu.memory_space<vmem>> -> memref<80x16xf32, #tpu.memory_space<vmem>>
    %dma_start3A_28 = arith.constant 0 : i32
    %dma_start3A_29 = tpu.memref_slice %arg10[%dma_start3A, %dma_start3A_28] : memref<125x80xi32, #tpu.memory_space<vmem>> -> memref<1x80xi32, #tpu.memory_space<vmem>>
    %dma_start3A_30 = tpu.memref_squeeze %dma_start3A_29 : memref<1x80xi32, #tpu.memory_space<vmem>> -> memref<80xi32, #tpu.memory_space<vmem>>
    %dma_start3A_31 = arith.constant 0 : i32
    %dma_start3A_32 = arith.constant 0 : i32
    %dma_start3A_33 = tpu.memref_slice %arg9[%dma_start3A_31, %dma_start3A_32] : memref<10240x16xf32, #tpu.memory_space<hbm>> -> memref<10240x16xf32, #tpu.memory_space<hbm>>
    tpu.enqueue_indirect_dma source(%dma_start3A_33 : memref<10240x16xf32, #tpu.memory_space<hbm>>) target(%dma_start3A_27 : memref<80x16xf32, #tpu.memory_space<vmem>>) offsets(%dma_start3A_30 : memref<80xi32, #tpu.memory_space<vmem>>) semaphore(%arg18 : memref<!tpu.dma_semaphore, #tpu.memory_space<semaphore_mem>>)
    %dma_start3A_34 = arith.constant 1 : i32
    %dma_start3A_35 = arith.constant 1 : i32
    %dma_start3A_36 = arith.constant 0 : i32
    %dma_start3A_37 = arith.constant 0 : i32
    %dma_start3A_38 = tpu.memref_slice %arg12[%dma_start3A_35, %dma_start3A_36, %dma_start3A_37] : memref<5x80x16xf32, #tpu.memory_space<vmem>> -> memref<1x80x16xf32, #tpu.memory_space<vmem>>
    %dma_start3A_39 = tpu.memref_squeeze %dma_start3A_38 : memref<1x80x16xf32, #tpu.memory_space<vmem>> -> memref<80x16xf32, #tpu.memory_space<vmem>>
    %dma_start3A_40 = arith.constant 0 : i32
    %dma_start3A_41 = tpu.memref_slice %arg10[%dma_start3A_34, %dma_start3A_40] : memref<125x80xi32, #tpu.memory_space<vmem>> -> memref<1x80xi32, #tpu.memory_space<vmem>>
    %dma_start3A_42 = tpu.memref_squeeze %dma_start3A_41 : memref<1x80xi32, #tpu.memory_space<vmem>> -> memref<80xi32, #tpu.memory_space<vmem>>
    %dma_start3A_43 = arith.constant 0 : i32
    %dma_start3A_44 = arith.constant 0 : i32
    %dma_start3A_45 = tpu.memref_slice %arg9[%dma_start3A_43, %dma_start3A_44] : memref<10240x16xf32, #tpu.memory_space<hbm>> -> memref<10240x16xf32, #tpu.memory_space<hbm>>
    tpu.enqueue_indirect_dma source(%dma_start3A_45 : memref<10240x16xf32, #tpu.memory_space<hbm>>) target(%dma_start3A_39 : memref<80x16xf32, #tpu.memory_space<vmem>>) offsets(%dma_start3A_42 : memref<80xi32, #tpu.memory_space<vmem>>) semaphore(%arg19 : memref<!tpu.dma_semaphore, #tpu.memory_space<semaphore_mem>>)
    %dma_start3A_46 = arith.constant 2 : i32
    %dma_start3A_47 = arith.constant 2 : i32
    %dma_start3A_48 = arith.constant 0 : i32
    %dma_start3A_49 = arith.constant 0 : i32
    %dma_start3A_50 = tpu.memref_slice %arg12[%dma_start3A_47, %dma_start3A_48, %dma_start3A_49] : memref<5x80x16xf32, #tpu.memory_space<vmem>> -> memref<1x80x16xf32, #tpu.memory_space<vmem>>
    %dma_start3A_51 = tpu.memref_squeeze %dma_start3A_50 : memref<1x80x16xf32, #tpu.memory_space<vmem>> -> memref<80x16xf32, #tpu.memory_space<vmem>>
    %dma_start3A_52 = arith.constant 0 : i32
    %dma_start3A_53 = tpu.memref_slice %arg10[%dma_start3A_46, %dma_start3A_52] : memref<125x80xi32, #tpu.memory_space<vmem>> -> memref<1x80xi32, #tpu.memory_space<vmem>>
    %dma_start3A_54 = tpu.memref_squeeze %dma_start3A_53 : memref<1x80xi32, #tpu.memory_space<vmem>> -> memref<80xi32, #tpu.memory_space<vmem>>
    %dma_start3A_55 = arith.constant 0 : i32
    %dma_start3A_56 = arith.constant 0 : i32
    %dma_start3A_57 = tpu.memref_slice %arg9[%dma_start3A_55, %dma_start3A_56] : memref<10240x16xf32, #tpu.memory_space<hbm>> -> memref<10240x16xf32, #tpu.memory_space<hbm>>
    tpu.enqueue_indirect_dma source(%dma_start3A_57 : memref<10240x16xf32, #tpu.memory_space<hbm>>) target(%dma_start3A_51 : memref<80x16xf32, #tpu.memory_space<vmem>>) offsets(%dma_start3A_54 : memref<80xi32, #tpu.memory_space<vmem>>) semaphore(%arg20 : memref<!tpu.dma_semaphore, #tpu.memory_space<semaphore_mem>>)
    %dma_start3A_58 = arith.constant 3 : i32
    %dma_start3A_59 = arith.constant 3 : i32
    %dma_start3A_60 = arith.constant 0 : i32
    %dma_start3A_61 = arith.constant 0 : i32
    %dma_start3A_62 = tpu.memref_slice %arg12[%dma_start3A_59, %dma_start3A_60, %dma_start3A_61] : memref<5x80x16xf32, #tpu.memory_space<vmem>> -> memref<1x80x16xf32, #tpu.memory_space<vmem>>
    %dma_start3A_63 = tpu.memref_squeeze %dma_start3A_62 : memref<1x80x16xf32, #tpu.memory_space<vmem>> -> memref<80x16xf32, #tpu.memory_space<vmem>>
    %dma_start3A_64 = arith.constant 0 : i32
    %dma_start3A_65 = tpu.memref_slice %arg10[%dma_start3A_58, %dma_start3A_64] : memref<125x80xi32, #tpu.memory_space<vmem>> -> memref<1x80xi32, #tpu.memory_space<vmem>>
    %dma_start3A_66 = tpu.memref_squeeze %dma_start3A_65 : memref<1x80xi32, #tpu.memory_space<vmem>> -> memref<80xi32, #tpu.memory_space<vmem>>
    %dma_start3A_67 = arith.constant 0 : i32
    %dma_start3A_68 = arith.constant 0 : i32
    %dma_start3A_69 = tpu.memref_slice %arg9[%dma_start3A_67, %dma_start3A_68] : memref<10240x16xf32, #tpu.memory_space<hbm>> -> memref<10240x16xf32, #tpu.memory_space<hbm>>
    tpu.enqueue_indirect_dma source(%dma_start3A_69 : memref<10240x16xf32, #tpu.memory_space<hbm>>) target(%dma_start3A_63 : memref<80x16xf32, #tpu.memory_space<vmem>>) offsets(%dma_start3A_66 : memref<80xi32, #tpu.memory_space<vmem>>) semaphore(%arg21 : memref<!tpu.dma_semaphore, #tpu.memory_space<semaphore_mem>>)
    %dma_start3A_70 = arith.constant 4 : i32
    %dma_start3A_71 = arith.constant 4 : i32
    %dma_start3A_72 = arith.constant 0 : i32
    %dma_start3A_73 = arith.constant 0 : i32
    %dma_start3A_74 = tpu.memref_slice %arg12[%dma_start3A_71, %dma_start3A_72, %dma_start3A_73] : memref<5x80x16xf32, #tpu.memory_space<vmem>> -> memref<1x80x16xf32, #tpu.memory_space<vmem>>
    %dma_start3A_75 = tpu.memref_squeeze %dma_start3A_74 : memref<1x80x16xf32, #tpu.memory_space<vmem>> -> memref<80x16xf32, #tpu.memory_space<vmem>>
    %dma_start3A_76 = arith.constant 0 : i32
    %dma_start3A_77 = tpu.memref_slice %arg10[%dma_start3A_70, %dma_start3A_76] : memref<125x80xi32, #tpu.memory_space<vmem>> -> memref<1x80xi32, #tpu.memory_space<vmem>>
    %dma_start3A_78 = tpu.memref_squeeze %dma_start3A_77 : memref<1x80xi32, #tpu.memory_space<vmem>> -> memref<80xi32, #tpu.memory_space<vmem>>
    %dma_start3A_79 = arith.constant 0 : i32
    %dma_start3A_80 = arith.constant 0 : i32
    %dma_start3A_81 = tpu.memref_slice %arg9[%dma_start3A_79, %dma_start3A_80] : memref<10240x16xf32, #tpu.memory_space<hbm>> -> memref<10240x16xf32, #tpu.memory_space<hbm>>
    tpu.enqueue_indirect_dma source(%dma_start3A_81 : memref<10240x16xf32, #tpu.memory_space<hbm>>) target(%dma_start3A_75 : memref<80x16xf32, #tpu.memory_space<vmem>>) offsets(%dma_start3A_78 : memref<80xi32, #tpu.memory_space<vmem>>) semaphore(%arg22 : memref<!tpu.dma_semaphore, #tpu.memory_space<semaphore_mem>>)
    %scan3A_82 = arith.constant 0 : i32
    %scan3A_83 = arith.constant 0 : i32
    %scan3A_84 = arith.constant 25 : i32
    %scan3A_85 = arith.addi %scan3A_83, %scan3A_84 : i32
    %scan3A_86 = arith.constant 1 : i32
    %scan3A_87 = scf.for %scan3A_104 = %scan3A_83 to %scan3A_85 step %scan3A_86 iter_args(%scan3A_105 = %scan3A_82) -> (i32)  : i32 {
      %mul3A_106 = arith.constant 5 : i32
      %mul3A_107 = arith.muli %scan3A_104, %mul3A_106 : i32
      %add3A_108 = arith.constant 0 : i32
      %add3A_109 = arith.addi %mul3A_107, %add3A_108 : i32
      %dma_wait3A = arith.constant 0 : i32
      %dma_wait3A_110 = arith.constant 0 : i32
      %dma_wait3A_111 = arith.constant 0 : i32
      %dma_wait3A_112 = tpu.memref_slice %arg12[%dma_wait3A, %dma_wait3A_110, %dma_wait3A_111] : memref<5x80x16xf32, #tpu.memory_space<vmem>> -> memref<1x80x16xf32, #tpu.memory_space<vmem>>
      %dma_wait3A_113 = tpu.memref_squeeze %dma_wait3A_112 : memref<1x80x16xf32, #tpu.memory_space<vmem>> -> memref<80x16xf32, #tpu.memory_space<vmem>>
      %dma_wait3A_114 = arith.constant 0 : i32
      %dma_wait3A_115 = tpu.memref_slice %arg10[%add3A_109, %dma_wait3A_114] : memref<125x80xi32, #tpu.memory_space<vmem>> -> memref<1x80xi32, #tpu.memory_space<vmem>>
      %dma_wait3A_116 = tpu.memref_squeeze %dma_wait3A_115 : memref<1x80xi32, #tpu.memory_space<vmem>> -> memref<80xi32, #tpu.memory_space<vmem>>
      %dma_wait3A_117 = arith.constant 0 : i32
      %dma_wait3A_118 = arith.constant 0 : i32
      %dma_wait3A_119 = tpu.memref_slice %arg9[%dma_wait3A_117, %dma_wait3A_118] : memref<10240x16xf32, #tpu.memory_space<hbm>> -> memref<10240x16xf32, #tpu.memory_space<hbm>>
      tpu.wait_indirect_dma semaphore(%arg18 : memref<!tpu.dma_semaphore, #tpu.memory_space<semaphore_mem>>) src(%dma_wait3A_119 : memref<10240x16xf32, #tpu.memory_space<hbm>>) dst(%dma_wait3A_113 : memref<80x16xf32, #tpu.memory_space<vmem>>)
      %run_scoped3A = arith.constant 0 : i32
      "tpu.region"() ({
        %run_scoped3A_219 = tpu.sem_alloc : memref<!tpu.dma_semaphore, #tpu.memory_space<semaphore_mem>>
        %dma_start3A_220 = arith.constant 0 : i32
        %dma_start3A_221 = arith.constant 0 : i32
        %dma_start3A_222 = tpu.memref_slice %arg12[%run_scoped3A, %dma_start3A_220, %dma_start3A_221] : memref<5x80x16xf32, #tpu.memory_space<vmem>> -> memref<1x80x16xf32, #tpu.memory_space<vmem>>
        %dma_start3A_223 = tpu.memref_squeeze %dma_start3A_222 : memref<1x80x16xf32, #tpu.memory_space<vmem>> -> memref<80x16xf32, #tpu.memory_space<vmem>>
        %dma_start3A_224 = arith.constant 0 : i32
        %dma_start3A_225 = tpu.memref_slice %arg11[%add3A_109, %dma_start3A_224] : memref<125x80xi32, #tpu.memory_space<vmem>> -> memref<1x80xi32, #tpu.memory_space<vmem>>
        %dma_start3A_226 = tpu.memref_squeeze %dma_start3A_225 : memref<1x80xi32, #tpu.memory_space<vmem>> -> memref<80xi32, #tpu.memory_space<vmem>>
        %dma_start3A_227 = arith.constant 0 : i32
        %dma_start3A_228 = arith.constant 0 : i32
        %dma_start3A_229 = tpu.memref_slice %arg17[%dma_start3A_227, %dma_start3A_228] : memref<10240x16xf32, #tpu.memory_space<vmem_shared>> -> memref<10240x16xf32, #tpu.memory_space<vmem_shared>>
        tpu.enqueue_indirect_dma source(%dma_start3A_223 : memref<80x16xf32, #tpu.memory_space<vmem>>) target(%dma_start3A_229 : memref<10240x16xf32, #tpu.memory_space<vmem_shared>>) offsets(%dma_start3A_226 : memref<80xi32, #tpu.memory_space<vmem>>) semaphore(%run_scoped3A_219 : memref<!tpu.dma_semaphore, #tpu.memory_space<semaphore_mem>>) {add = true}
        %dma_wait3A_230 = arith.constant 0 : i32
        %dma_wait3A_231 = arith.constant 0 : i32
        %dma_wait3A_232 = tpu.memref_slice %arg12[%run_scoped3A, %dma_wait3A_230, %dma_wait3A_231] : memref<5x80x16xf32, #tpu.memory_space<vmem>> -> memref<1x80x16xf32, #tpu.memory_space<vmem>>
        %dma_wait3A_233 = tpu.memref_squeeze %dma_wait3A_232 : memref<1x80x16xf32, #tpu.memory_space<vmem>> -> memref<80x16xf32, #tpu.memory_space<vmem>>
        %dma_wait3A_234 = arith.constant 0 : i32
        %dma_wait3A_235 = tpu.memref_slice %arg11[%add3A_109, %dma_wait3A_234] : memref<125x80xi32, #tpu.memory_space<vmem>> -> memref<1x80xi32, #tpu.memory_space<vmem>>
        %dma_wait3A_236 = tpu.memref_squeeze %dma_wait3A_235 : memref<1x80xi32, #tpu.memory_space<vmem>> -> memref<80xi32, #tpu.memory_space<vmem>>
        %dma_wait3A_237 = arith.constant 0 : i32
        %dma_wait3A_238 = arith.constant 0 : i32
        %dma_wait3A_239 = tpu.memref_slice %arg17[%dma_wait3A_237, %dma_wait3A_238] : memref<10240x16xf32, #tpu.memory_space<vmem_shared>> -> memref<10240x16xf32, #tpu.memory_space<vmem_shared>>
        tpu.wait_indirect_dma semaphore(%run_scoped3A_219 : memref<!tpu.dma_semaphore, #tpu.memory_space<semaphore_mem>>) src(%dma_wait3A_233 : memref<80x16xf32, #tpu.memory_space<vmem>>) dst(%dma_wait3A_239 : memref<10240x16xf32, #tpu.memory_space<vmem_shared>>)
        tpu.yield
      }) : () -> ()
      %add3A_120 = arith.constant 5 : i32
      %add3A_121 = arith.addi %add3A_109, %add3A_120 : i32
      %lt3A = arith.constant 125 : i32
      %lt3A_122 = arith.cmpi slt, %add3A_121, %lt3A : i32
      %convert_element_type3A_123 = arith.extui %lt3A_122 : i1 to i32
      %cond3A_124 = arith.constant 0 : i32
      %cond3A_125 = arith.cmpi ne, %convert_element_type3A_123, %cond3A_124 : i32
      scf.if %cond3A_125 {
        %dma_start3A_219 = arith.constant 0 : i32
        %dma_start3A_220 = arith.constant 0 : i32
        %dma_start3A_221 = arith.constant 0 : i32
        %dma_start3A_222 = tpu.memref_slice %arg12[%dma_start3A_219, %dma_start3A_220, %dma_start3A_221] : memref<5x80x16xf32, #tpu.memory_space<vmem>> -> memref<1x80x16xf32, #tpu.memory_space<vmem>>
        %dma_start3A_223 = tpu.memref_squeeze %dma_start3A_222 : memref<1x80x16xf32, #tpu.memory_space<vmem>> -> memref<80x16xf32, #tpu.memory_space<vmem>>
        %dma_start3A_224 = arith.constant 0 : i32
        %dma_start3A_225 = tpu.memref_slice %arg10[%add3A_121, %dma_start3A_224] : memref<125x80xi32, #tpu.memory_space<vmem>> -> memref<1x80xi32, #tpu.memory_space<vmem>>
        %dma_start3A_226 = tpu.memref_squeeze %dma_start3A_225 : memref<1x80xi32, #tpu.memory_space<vmem>> -> memref<80xi32, #tpu.memory_space<vmem>>
        %dma_start3A_227 = arith.constant 0 : i32
        %dma_start3A_228 = arith.constant 0 : i32
        %dma_start3A_229 = tpu.memref_slice %arg9[%dma_start3A_227, %dma_start3A_228] : memref<10240x16xf32, #tpu.memory_space<hbm>> -> memref<10240x16xf32, #tpu.memory_space<hbm>>
        tpu.enqueue_indirect_dma source(%dma_start3A_229 : memref<10240x16xf32, #tpu.memory_space<hbm>>) target(%dma_start3A_223 : memref<80x16xf32, #tpu.memory_space<vmem>>) offsets(%dma_start3A_226 : memref<80xi32, #tpu.memory_space<vmem>>) semaphore(%arg18 : memref<!tpu.dma_semaphore, #tpu.memory_space<semaphore_mem>>)
      } else {
      }
      %mul3A_126 = arith.constant 5 : i32
      %mul3A_127 = arith.muli %scan3A_104, %mul3A_126 : i32
      %add3A_128 = arith.constant 1 : i32
      %add3A_129 = arith.addi %mul3A_127, %add3A_128 : i32
      %dma_wait3A_130 = arith.constant 1 : i32
      %dma_wait3A_131 = arith.constant 0 : i32
      %dma_wait3A_132 = arith.constant 0 : i32
      %dma_wait3A_133 = tpu.memref_slice %arg12[%dma_wait3A_130, %dma_wait3A_131, %dma_wait3A_132] : memref<5x80x16xf32, #tpu.memory_space<vmem>> -> memref<1x80x16xf32, #tpu.memory_space<vmem>>
      %dma_wait3A_134 = tpu.memref_squeeze %dma_wait3A_133 : memref<1x80x16xf32, #tpu.memory_space<vmem>> -> memref<80x16xf32, #tpu.memory_space<vmem>>
      %dma_wait3A_135 = arith.constant 0 : i32
      %dma_wait3A_136 = tpu.memref_slice %arg10[%add3A_129, %dma_wait3A_135] : memref<125x80xi32, #tpu.memory_space<vmem>> -> memref<1x80xi32, #tpu.memory_space<vmem>>
      %dma_wait3A_137 = tpu.memref_squeeze %dma_wait3A_136 : memref<1x80xi32, #tpu.memory_space<vmem>> -> memref<80xi32, #tpu.memory_space<vmem>>
      %dma_wait3A_138 = arith.constant 0 : i32
      %dma_wait3A_139 = arith.constant 0 : i32
      %dma_wait3A_140 = tpu.memref_slice %arg9[%dma_wait3A_138, %dma_wait3A_139] : memref<10240x16xf32, #tpu.memory_space<hbm>> -> memref<10240x16xf32, #tpu.memory_space<hbm>>
      tpu.wait_indirect_dma semaphore(%arg19 : memref<!tpu.dma_semaphore, #tpu.memory_space<semaphore_mem>>) src(%dma_wait3A_140 : memref<10240x16xf32, #tpu.memory_space<hbm>>) dst(%dma_wait3A_134 : memref<80x16xf32, #tpu.memory_space<vmem>>)
      %run_scoped3A_141 = arith.constant 1 : i32
      "tpu.region"() ({
        %run_scoped3A_219 = tpu.sem_alloc : memref<!tpu.dma_semaphore, #tpu.memory_space<semaphore_mem>>
        %dma_start3A_220 = arith.constant 0 : i32
        %dma_start3A_221 = arith.constant 0 : i32
        %dma_start3A_222 = tpu.memref_slice %arg12[%run_scoped3A_141, %dma_start3A_220, %dma_start3A_221] : memref<5x80x16xf32, #tpu.memory_space<vmem>> -> memref<1x80x16xf32, #tpu.memory_space<vmem>>
        %dma_start3A_223 = tpu.memref_squeeze %dma_start3A_222 : memref<1x80x16xf32, #tpu.memory_space<vmem>> -> memref<80x16xf32, #tpu.memory_space<vmem>>
        %dma_start3A_224 = arith.constant 0 : i32
        %dma_start3A_225 = tpu.memref_slice %arg11[%add3A_129, %dma_start3A_224] : memref<125x80xi32, #tpu.memory_space<vmem>> -> memref<1x80xi32, #tpu.memory_space<vmem>>
        %dma_start3A_226 = tpu.memref_squeeze %dma_start3A_225 : memref<1x80xi32, #tpu.memory_space<vmem>> -> memref<80xi32, #tpu.memory_space<vmem>>
        %dma_start3A_227 = arith.constant 0 : i32
        %dma_start3A_228 = arith.constant 0 : i32
        %dma_start3A_229 = tpu.memref_slice %arg17[%dma_start3A_227, %dma_start3A_228] : memref<10240x16xf32, #tpu.memory_space<vmem_shared>> -> memref<10240x16xf32, #tpu.memory_space<vmem_shared>>
        tpu.enqueue_indirect_dma source(%dma_start3A_223 : memref<80x16xf32, #tpu.memory_space<vmem>>) target(%dma_start3A_229 : memref<10240x16xf32, #tpu.memory_space<vmem_shared>>) offsets(%dma_start3A_226 : memref<80xi32, #tpu.memory_space<vmem>>) semaphore(%run_scoped3A_219 : memref<!tpu.dma_semaphore, #tpu.memory_space<semaphore_mem>>) {add = true}
        %dma_wait3A_230 = arith.constant 0 : i32
        %dma_wait3A_231 = arith.constant 0 : i32
        %dma_wait3A_232 = tpu.memref_slice %arg12[%run_scoped3A_141, %dma_wait3A_230, %dma_wait3A_231] : memref<5x80x16xf32, #tpu.memory_space<vmem>> -> memref<1x80x16xf32, #tpu.memory_space<vmem>>
        %dma_wait3A_233 = tpu.memref_squeeze %dma_wait3A_232 : memref<1x80x16xf32, #tpu.memory_space<vmem>> -> memref<80x16xf32, #tpu.memory_space<vmem>>
        %dma_wait3A_234 = arith.constant 0 : i32
        %dma_wait3A_235 = tpu.memref_slice %arg11[%add3A_129, %dma_wait3A_234] : memref<125x80xi32, #tpu.memory_space<vmem>> -> memref<1x80xi32, #tpu.memory_space<vmem>>
        %dma_wait3A_236 = tpu.memref_squeeze %dma_wait3A_235 : memref<1x80xi32, #tpu.memory_space<vmem>> -> memref<80xi32, #tpu.memory_space<vmem>>
        %dma_wait3A_237 = arith.constant 0 : i32
        %dma_wait3A_238 = arith.constant 0 : i32
        %dma_wait3A_239 = tpu.memref_slice %arg17[%dma_wait3A_237, %dma_wait3A_238] : memref<10240x16xf32, #tpu.memory_space<vmem_shared>> -> memref<10240x16xf32, #tpu.memory_space<vmem_shared>>
        tpu.wait_indirect_dma semaphore(%run_scoped3A_219 : memref<!tpu.dma_semaphore, #tpu.memory_space<semaphore_mem>>) src(%dma_wait3A_233 : memref<80x16xf32, #tpu.memory_space<vmem>>) dst(%dma_wait3A_239 : memref<10240x16xf32, #tpu.memory_space<vmem_shared>>)
        tpu.yield
      }) : () -> ()
      %add3A_142 = arith.constant 5 : i32
      %add3A_143 = arith.addi %add3A_129, %add3A_142 : i32
      %lt3A_144 = arith.constant 125 : i32
      %lt3A_145 = arith.cmpi slt, %add3A_143, %lt3A_144 : i32
      %convert_element_type3A_146 = arith.extui %lt3A_145 : i1 to i32
      %cond3A_147 = arith.constant 0 : i32
      %cond3A_148 = arith.cmpi ne, %convert_element_type3A_146, %cond3A_147 : i32
      scf.if %cond3A_148 {
        %dma_start3A_219 = arith.constant 1 : i32
        %dma_start3A_220 = arith.constant 0 : i32
        %dma_start3A_221 = arith.constant 0 : i32
        %dma_start3A_222 = tpu.memref_slice %arg12[%dma_start3A_219, %dma_start3A_220, %dma_start3A_221] : memref<5x80x16xf32, #tpu.memory_space<vmem>> -> memref<1x80x16xf32, #tpu.memory_space<vmem>>
        %dma_start3A_223 = tpu.memref_squeeze %dma_start3A_222 : memref<1x80x16xf32, #tpu.memory_space<vmem>> -> memref<80x16xf32, #tpu.memory_space<vmem>>
        %dma_start3A_224 = arith.constant 0 : i32
        %dma_start3A_225 = tpu.memref_slice %arg10[%add3A_143, %dma_start3A_224] : memref<125x80xi32, #tpu.memory_space<vmem>> -> memref<1x80xi32, #tpu.memory_space<vmem>>
        %dma_start3A_226 = tpu.memref_squeeze %dma_start3A_225 : memref<1x80xi32, #tpu.memory_space<vmem>> -> memref<80xi32, #tpu.memory_space<vmem>>
        %dma_start3A_227 = arith.constant 0 : i32
        %dma_start3A_228 = arith.constant 0 : i32
        %dma_start3A_229 = tpu.memref_slice %arg9[%dma_start3A_227, %dma_start3A_228] : memref<10240x16xf32, #tpu.memory_space<hbm>> -> memref<10240x16xf32, #tpu.memory_space<hbm>>
        tpu.enqueue_indirect_dma source(%dma_start3A_229 : memref<10240x16xf32, #tpu.memory_space<hbm>>) target(%dma_start3A_223 : memref<80x16xf32, #tpu.memory_space<vmem>>) offsets(%dma_start3A_226 : memref<80xi32, #tpu.memory_space<vmem>>) semaphore(%arg19 : memref<!tpu.dma_semaphore, #tpu.memory_space<semaphore_mem>>)
      } else {
      }
      %mul3A_149 = arith.constant 5 : i32
      %mul3A_150 = arith.muli %scan3A_104, %mul3A_149 : i32
      %add3A_151 = arith.constant 2 : i32
      %add3A_152 = arith.addi %mul3A_150, %add3A_151 : i32
      %dma_wait3A_153 = arith.constant 2 : i32
      %dma_wait3A_154 = arith.constant 0 : i32
      %dma_wait3A_155 = arith.constant 0 : i32
      %dma_wait3A_156 = tpu.memref_slice %arg12[%dma_wait3A_153, %dma_wait3A_154, %dma_wait3A_155] : memref<5x80x16xf32, #tpu.memory_space<vmem>> -> memref<1x80x16xf32, #tpu.memory_space<vmem>>
      %dma_wait3A_157 = tpu.memref_squeeze %dma_wait3A_156 : memref<1x80x16xf32, #tpu.memory_space<vmem>> -> memref<80x16xf32, #tpu.memory_space<vmem>>
      %dma_wait3A_158 = arith.constant 0 : i32
      %dma_wait3A_159 = tpu.memref_slice %arg10[%add3A_152, %dma_wait3A_158] : memref<125x80xi32, #tpu.memory_space<vmem>> -> memref<1x80xi32, #tpu.memory_space<vmem>>
      %dma_wait3A_160 = tpu.memref_squeeze %dma_wait3A_159 : memref<1x80xi32, #tpu.memory_space<vmem>> -> memref<80xi32, #tpu.memory_space<vmem>>
      %dma_wait3A_161 = arith.constant 0 : i32
      %dma_wait3A_162 = arith.constant 0 : i32
      %dma_wait3A_163 = tpu.memref_slice %arg9[%dma_wait3A_161, %dma_wait3A_162] : memref<10240x16xf32, #tpu.memory_space<hbm>> -> memref<10240x16xf32, #tpu.memory_space<hbm>>
      tpu.wait_indirect_dma semaphore(%arg20 : memref<!tpu.dma_semaphore, #tpu.memory_space<semaphore_mem>>) src(%dma_wait3A_163 : memref<10240x16xf32, #tpu.memory_space<hbm>>) dst(%dma_wait3A_157 : memref<80x16xf32, #tpu.memory_space<vmem>>)
      %run_scoped3A_164 = arith.constant 2 : i32
      "tpu.region"() ({
        %run_scoped3A_219 = tpu.sem_alloc : memref<!tpu.dma_semaphore, #tpu.memory_space<semaphore_mem>>
        %dma_start3A_220 = arith.constant 0 : i32
        %dma_start3A_221 = arith.constant 0 : i32
        %dma_start3A_222 = tpu.memref_slice %arg12[%run_scoped3A_164, %dma_start3A_220, %dma_start3A_221] : memref<5x80x16xf32, #tpu.memory_space<vmem>> -> memref<1x80x16xf32, #tpu.memory_space<vmem>>
        %dma_start3A_223 = tpu.memref_squeeze %dma_start3A_222 : memref<1x80x16xf32, #tpu.memory_space<vmem>> -> memref<80x16xf32, #tpu.memory_space<vmem>>
        %dma_start3A_224 = arith.constant 0 : i32
        %dma_start3A_225 = tpu.memref_slice %arg11[%add3A_152, %dma_start3A_224] : memref<125x80xi32, #tpu.memory_space<vmem>> -> memref<1x80xi32, #tpu.memory_space<vmem>>
        %dma_start3A_226 = tpu.memref_squeeze %dma_start3A_225 : memref<1x80xi32, #tpu.memory_space<vmem>> -> memref<80xi32, #tpu.memory_space<vmem>>
        %dma_start3A_227 = arith.constant 0 : i32
        %dma_start3A_228 = arith.constant 0 : i32
        %dma_start3A_229 = tpu.memref_slice %arg17[%dma_start3A_227, %dma_start3A_228] : memref<10240x16xf32, #tpu.memory_space<vmem_shared>> -> memref<10240x16xf32, #tpu.memory_space<vmem_shared>>
        tpu.enqueue_indirect_dma source(%dma_start3A_223 : memref<80x16xf32, #tpu.memory_space<vmem>>) target(%dma_start3A_229 : memref<10240x16xf32, #tpu.memory_space<vmem_shared>>) offsets(%dma_start3A_226 : memref<80xi32, #tpu.memory_space<vmem>>) semaphore(%run_scoped3A_219 : memref<!tpu.dma_semaphore, #tpu.memory_space<semaphore_mem>>) {add = true}
        %dma_wait3A_230 = arith.constant 0 : i32
        %dma_wait3A_231 = arith.constant 0 : i32
        %dma_wait3A_232 = tpu.memref_slice %arg12[%run_scoped3A_164, %dma_wait3A_230, %dma_wait3A_231] : memref<5x80x16xf32, #tpu.memory_space<vmem>> -> memref<1x80x16xf32, #tpu.memory_space<vmem>>
        %dma_wait3A_233 = tpu.memref_squeeze %dma_wait3A_232 : memref<1x80x16xf32, #tpu.memory_space<vmem>> -> memref<80x16xf32, #tpu.memory_space<vmem>>
        %dma_wait3A_234 = arith.constant 0 : i32
        %dma_wait3A_235 = tpu.memref_slice %arg11[%add3A_152, %dma_wait3A_234] : memref<125x80xi32, #tpu.memory_space<vmem>> -> memref<1x80xi32, #tpu.memory_space<vmem>>
        %dma_wait3A_236 = tpu.memref_squeeze %dma_wait3A_235 : memref<1x80xi32, #tpu.memory_space<vmem>> -> memref<80xi32, #tpu.memory_space<vmem>>
        %dma_wait3A_237 = arith.constant 0 : i32
        %dma_wait3A_238 = arith.constant 0 : i32
        %dma_wait3A_239 = tpu.memref_slice %arg17[%dma_wait3A_237, %dma_wait3A_238] : memref<10240x16xf32, #tpu.memory_space<vmem_shared>> -> memref<10240x16xf32, #tpu.memory_space<vmem_shared>>
        tpu.wait_indirect_dma semaphore(%run_scoped3A_219 : memref<!tpu.dma_semaphore, #tpu.memory_space<semaphore_mem>>) src(%dma_wait3A_233 : memref<80x16xf32, #tpu.memory_space<vmem>>) dst(%dma_wait3A_239 : memref<10240x16xf32, #tpu.memory_space<vmem_shared>>)
        tpu.yield
      }) : () -> ()
      %add3A_165 = arith.constant 5 : i32
      %add3A_166 = arith.addi %add3A_152, %add3A_165 : i32
      %lt3A_167 = arith.constant 125 : i32
      %lt3A_168 = arith.cmpi slt, %add3A_166, %lt3A_167 : i32
      %convert_element_type3A_169 = arith.extui %lt3A_168 : i1 to i32
      %cond3A_170 = arith.constant 0 : i32
      %cond3A_171 = arith.cmpi ne, %convert_element_type3A_169, %cond3A_170 : i32
      scf.if %cond3A_171 {
        %dma_start3A_219 = arith.constant 2 : i32
        %dma_start3A_220 = arith.constant 0 : i32
        %dma_start3A_221 = arith.constant 0 : i32
        %dma_start3A_222 = tpu.memref_slice %arg12[%dma_start3A_219, %dma_start3A_220, %dma_start3A_221] : memref<5x80x16xf32, #tpu.memory_space<vmem>> -> memref<1x80x16xf32, #tpu.memory_space<vmem>>
        %dma_start3A_223 = tpu.memref_squeeze %dma_start3A_222 : memref<1x80x16xf32, #tpu.memory_space<vmem>> -> memref<80x16xf32, #tpu.memory_space<vmem>>
        %dma_start3A_224 = arith.constant 0 : i32
        %dma_start3A_225 = tpu.memref_slice %arg10[%add3A_166, %dma_start3A_224] : memref<125x80xi32, #tpu.memory_space<vmem>> -> memref<1x80xi32, #tpu.memory_space<vmem>>
        %dma_start3A_226 = tpu.memref_squeeze %dma_start3A_225 : memref<1x80xi32, #tpu.memory_space<vmem>> -> memref<80xi32, #tpu.memory_space<vmem>>
        %dma_start3A_227 = arith.constant 0 : i32
        %dma_start3A_228 = arith.constant 0 : i32
        %dma_start3A_229 = tpu.memref_slice %arg9[%dma_start3A_227, %dma_start3A_228] : memref<10240x16xf32, #tpu.memory_space<hbm>> -> memref<10240x16xf32, #tpu.memory_space<hbm>>
        tpu.enqueue_indirect_dma source(%dma_start3A_229 : memref<10240x16xf32, #tpu.memory_space<hbm>>) target(%dma_start3A_223 : memref<80x16xf32, #tpu.memory_space<vmem>>) offsets(%dma_start3A_226 : memref<80xi32, #tpu.memory_space<vmem>>) semaphore(%arg20 : memref<!tpu.dma_semaphore, #tpu.memory_space<semaphore_mem>>)
      } else {
      }
      %mul3A_172 = arith.constant 5 : i32
      %mul3A_173 = arith.muli %scan3A_104, %mul3A_172 : i32
      %add3A_174 = arith.constant 3 : i32
      %add3A_175 = arith.addi %mul3A_173, %add3A_174 : i32
      %dma_wait3A_176 = arith.constant 3 : i32
      %dma_wait3A_177 = arith.constant 0 : i32
      %dma_wait3A_178 = arith.constant 0 : i32
      %dma_wait3A_179 = tpu.memref_slice %arg12[%dma_wait3A_176, %dma_wait3A_177, %dma_wait3A_178] : memref<5x80x16xf32, #tpu.memory_space<vmem>> -> memref<1x80x16xf32, #tpu.memory_space<vmem>>
      %dma_wait3A_180 = tpu.memref_squeeze %dma_wait3A_179 : memref<1x80x16xf32, #tpu.memory_space<vmem>> -> memref<80x16xf32, #tpu.memory_space<vmem>>
      %dma_wait3A_181 = arith.constant 0 : i32
      %dma_wait3A_182 = tpu.memref_slice %arg10[%add3A_175, %dma_wait3A_181] : memref<125x80xi32, #tpu.memory_space<vmem>> -> memref<1x80xi32, #tpu.memory_space<vmem>>
      %dma_wait3A_183 = tpu.memref_squeeze %dma_wait3A_182 : memref<1x80xi32, #tpu.memory_space<vmem>> -> memref<80xi32, #tpu.memory_space<vmem>>
      %dma_wait3A_184 = arith.constant 0 : i32
      %dma_wait3A_185 = arith.constant 0 : i32
      %dma_wait3A_186 = tpu.memref_slice %arg9[%dma_wait3A_184, %dma_wait3A_185] : memref<10240x16xf32, #tpu.memory_space<hbm>> -> memref<10240x16xf32, #tpu.memory_space<hbm>>
      tpu.wait_indirect_dma semaphore(%arg21 : memref<!tpu.dma_semaphore, #tpu.memory_space<semaphore_mem>>) src(%dma_wait3A_186 : memref<10240x16xf32, #tpu.memory_space<hbm>>) dst(%dma_wait3A_180 : memref<80x16xf32, #tpu.memory_space<vmem>>)
      %run_scoped3A_187 = arith.constant 3 : i32
      "tpu.region"() ({
        %run_scoped3A_219 = tpu.sem_alloc : memref<!tpu.dma_semaphore, #tpu.memory_space<semaphore_mem>>
        %dma_start3A_220 = arith.constant 0 : i32
        %dma_start3A_221 = arith.constant 0 : i32
        %dma_start3A_222 = tpu.memref_slice %arg12[%run_scoped3A_187, %dma_start3A_220, %dma_start3A_221] : memref<5x80x16xf32, #tpu.memory_space<vmem>> -> memref<1x80x16xf32, #tpu.memory_space<vmem>>
        %dma_start3A_223 = tpu.memref_squeeze %dma_start3A_222 : memref<1x80x16xf32, #tpu.memory_space<vmem>> -> memref<80x16xf32, #tpu.memory_space<vmem>>
        %dma_start3A_224 = arith.constant 0 : i32
        %dma_start3A_225 = tpu.memref_slice %arg11[%add3A_175, %dma_start3A_224] : memref<125x80xi32, #tpu.memory_space<vmem>> -> memref<1x80xi32, #tpu.memory_space<vmem>>
        %dma_start3A_226 = tpu.memref_squeeze %dma_start3A_225 : memref<1x80xi32, #tpu.memory_space<vmem>> -> memref<80xi32, #tpu.memory_space<vmem>>
        %dma_start3A_227 = arith.constant 0 : i32
        %dma_start3A_228 = arith.constant 0 : i32
        %dma_start3A_229 = tpu.memref_slice %arg17[%dma_start3A_227, %dma_start3A_228] : memref<10240x16xf32, #tpu.memory_space<vmem_shared>> -> memref<10240x16xf32, #tpu.memory_space<vmem_shared>>
        tpu.enqueue_indirect_dma source(%dma_start3A_223 : memref<80x16xf32, #tpu.memory_space<vmem>>) target(%dma_start3A_229 : memref<10240x16xf32, #tpu.memory_space<vmem_shared>>) offsets(%dma_start3A_226 : memref<80xi32, #tpu.memory_space<vmem>>) semaphore(%run_scoped3A_219 : memref<!tpu.dma_semaphore, #tpu.memory_space<semaphore_mem>>) {add = true}
        %dma_wait3A_230 = arith.constant 0 : i32
        %dma_wait3A_231 = arith.constant 0 : i32
        %dma_wait3A_232 = tpu.memref_slice %arg12[%run_scoped3A_187, %dma_wait3A_230, %dma_wait3A_231] : memref<5x80x16xf32, #tpu.memory_space<vmem>> -> memref<1x80x16xf32, #tpu.memory_space<vmem>>
        %dma_wait3A_233 = tpu.memref_squeeze %dma_wait3A_232 : memref<1x80x16xf32, #tpu.memory_space<vmem>> -> memref<80x16xf32, #tpu.memory_space<vmem>>
        %dma_wait3A_234 = arith.constant 0 : i32
        %dma_wait3A_235 = tpu.memref_slice %arg11[%add3A_175, %dma_wait3A_234] : memref<125x80xi32, #tpu.memory_space<vmem>> -> memref<1x80xi32, #tpu.memory_space<vmem>>
        %dma_wait3A_236 = tpu.memref_squeeze %dma_wait3A_235 : memref<1x80xi32, #tpu.memory_space<vmem>> -> memref<80xi32, #tpu.memory_space<vmem>>
        %dma_wait3A_237 = arith.constant 0 : i32
        %dma_wait3A_238 = arith.constant 0 : i32
        %dma_wait3A_239 = tpu.memref_slice %arg17[%dma_wait3A_237, %dma_wait3A_238] : memref<10240x16xf32, #tpu.memory_space<vmem_shared>> -> memref<10240x16xf32, #tpu.memory_space<vmem_shared>>
        tpu.wait_indirect_dma semaphore(%run_scoped3A_219 : memref<!tpu.dma_semaphore, #tpu.memory_space<semaphore_mem>>) src(%dma_wait3A_233 : memref<80x16xf32, #tpu.memory_space<vmem>>) dst(%dma_wait3A_239 : memref<10240x16xf32, #tpu.memory_space<vmem_shared>>)
        tpu.yield
      }) : () -> ()
      %add3A_188 = arith.constant 5 : i32
      %add3A_189 = arith.addi %add3A_175, %add3A_188 : i32
      %lt3A_190 = arith.constant 125 : i32
      %lt3A_191 = arith.cmpi slt, %add3A_189, %lt3A_190 : i32
      %convert_element_type3A_192 = arith.extui %lt3A_191 : i1 to i32
      %cond3A_193 = arith.constant 0 : i32
      %cond3A_194 = arith.cmpi ne, %convert_element_type3A_192, %cond3A_193 : i32
      scf.if %cond3A_194 {
        %dma_start3A_219 = arith.constant 3 : i32
        %dma_start3A_220 = arith.constant 0 : i32
        %dma_start3A_221 = arith.constant 0 : i32
        %dma_start3A_222 = tpu.memref_slice %arg12[%dma_start3A_219, %dma_start3A_220, %dma_start3A_221] : memref<5x80x16xf32, #tpu.memory_space<vmem>> -> memref<1x80x16xf32, #tpu.memory_space<vmem>>
        %dma_start3A_223 = tpu.memref_squeeze %dma_start3A_222 : memref<1x80x16xf32, #tpu.memory_space<vmem>> -> memref<80x16xf32, #tpu.memory_space<vmem>>
        %dma_start3A_224 = arith.constant 0 : i32
        %dma_start3A_225 = tpu.memref_slice %arg10[%add3A_189, %dma_start3A_224] : memref<125x80xi32, #tpu.memory_space<vmem>> -> memref<1x80xi32, #tpu.memory_space<vmem>>
        %dma_start3A_226 = tpu.memref_squeeze %dma_start3A_225 : memref<1x80xi32, #tpu.memory_space<vmem>> -> memref<80xi32, #tpu.memory_space<vmem>>
        %dma_start3A_227 = arith.constant 0 : i32
        %dma_start3A_228 = arith.constant 0 : i32
        %dma_start3A_229 = tpu.memref_slice %arg9[%dma_start3A_227, %dma_start3A_228] : memref<10240x16xf32, #tpu.memory_space<hbm>> -> memref<10240x16xf32, #tpu.memory_space<hbm>>
        tpu.enqueue_indirect_dma source(%dma_start3A_229 : memref<10240x16xf32, #tpu.memory_space<hbm>>) target(%dma_start3A_223 : memref<80x16xf32, #tpu.memory_space<vmem>>) offsets(%dma_start3A_226 : memref<80xi32, #tpu.memory_space<vmem>>) semaphore(%arg21 : memref<!tpu.dma_semaphore, #tpu.memory_space<semaphore_mem>>)
      } else {
      }
      %mul3A_195 = arith.constant 5 : i32
      %mul3A_196 = arith.muli %scan3A_104, %mul3A_195 : i32
      %add3A_197 = arith.constant 4 : i32
      %add3A_198 = arith.addi %mul3A_196, %add3A_197 : i32
      %dma_wait3A_199 = arith.constant 4 : i32
      %dma_wait3A_200 = arith.constant 0 : i32
      %dma_wait3A_201 = arith.constant 0 : i32
      %dma_wait3A_202 = tpu.memref_slice %arg12[%dma_wait3A_199, %dma_wait3A_200, %dma_wait3A_201] : memref<5x80x16xf32, #tpu.memory_space<vmem>> -> memref<1x80x16xf32, #tpu.memory_space<vmem>>
      %dma_wait3A_203 = tpu.memref_squeeze %dma_wait3A_202 : memref<1x80x16xf32, #tpu.memory_space<vmem>> -> memref<80x16xf32, #tpu.memory_space<vmem>>
      %dma_wait3A_204 = arith.constant 0 : i32
      %dma_wait3A_205 = tpu.memref_slice %arg10[%add3A_198, %dma_wait3A_204] : memref<125x80xi32, #tpu.memory_space<vmem>> -> memref<1x80xi32, #tpu.memory_space<vmem>>
      %dma_wait3A_206 = tpu.memref_squeeze %dma_wait3A_205 : memref<1x80xi32, #tpu.memory_space<vmem>> -> memref<80xi32, #tpu.memory_space<vmem>>
      %dma_wait3A_207 = arith.constant 0 : i32
      %dma_wait3A_208 = arith.constant 0 : i32
      %dma_wait3A_209 = tpu.memref_slice %arg9[%dma_wait3A_207, %dma_wait3A_208] : memref<10240x16xf32, #tpu.memory_space<hbm>> -> memref<10240x16xf32, #tpu.memory_space<hbm>>
      tpu.wait_indirect_dma semaphore(%arg22 : memref<!tpu.dma_semaphore, #tpu.memory_space<semaphore_mem>>) src(%dma_wait3A_209 : memref<10240x16xf32, #tpu.memory_space<hbm>>) dst(%dma_wait3A_203 : memref<80x16xf32, #tpu.memory_space<vmem>>)
      %run_scoped3A_210 = arith.constant 4 : i32
      "tpu.region"() ({
        %run_scoped3A_219 = tpu.sem_alloc : memref<!tpu.dma_semaphore, #tpu.memory_space<semaphore_mem>>
        %dma_start3A_220 = arith.constant 0 : i32
        %dma_start3A_221 = arith.constant 0 : i32
        %dma_start3A_222 = tpu.memref_slice %arg12[%run_scoped3A_210, %dma_start3A_220, %dma_start3A_221] : memref<5x80x16xf32, #tpu.memory_space<vmem>> -> memref<1x80x16xf32, #tpu.memory_space<vmem>>
        %dma_start3A_223 = tpu.memref_squeeze %dma_start3A_222 : memref<1x80x16xf32, #tpu.memory_space<vmem>> -> memref<80x16xf32, #tpu.memory_space<vmem>>
        %dma_start3A_224 = arith.constant 0 : i32
        %dma_start3A_225 = tpu.memref_slice %arg11[%add3A_198, %dma_start3A_224] : memref<125x80xi32, #tpu.memory_space<vmem>> -> memref<1x80xi32, #tpu.memory_space<vmem>>
        %dma_start3A_226 = tpu.memref_squeeze %dma_start3A_225 : memref<1x80xi32, #tpu.memory_space<vmem>> -> memref<80xi32, #tpu.memory_space<vmem>>
        %dma_start3A_227 = arith.constant 0 : i32
        %dma_start3A_228 = arith.constant 0 : i32
        %dma_start3A_229 = tpu.memref_slice %arg17[%dma_start3A_227, %dma_start3A_228] : memref<10240x16xf32, #tpu.memory_space<vmem_shared>> -> memref<10240x16xf32, #tpu.memory_space<vmem_shared>>
        tpu.enqueue_indirect_dma source(%dma_start3A_223 : memref<80x16xf32, #tpu.memory_space<vmem>>) target(%dma_start3A_229 : memref<10240x16xf32, #tpu.memory_space<vmem_shared>>) offsets(%dma_start3A_226 : memref<80xi32, #tpu.memory_space<vmem>>) semaphore(%run_scoped3A_219 : memref<!tpu.dma_semaphore, #tpu.memory_space<semaphore_mem>>) {add = true}
        %dma_wait3A_230 = arith.constant 0 : i32
        %dma_wait3A_231 = arith.constant 0 : i32
        %dma_wait3A_232 = tpu.memref_slice %arg12[%run_scoped3A_210, %dma_wait3A_230, %dma_wait3A_231] : memref<5x80x16xf32, #tpu.memory_space<vmem>> -> memref<1x80x16xf32, #tpu.memory_space<vmem>>
        %dma_wait3A_233 = tpu.memref_squeeze %dma_wait3A_232 : memref<1x80x16xf32, #tpu.memory_space<vmem>> -> memref<80x16xf32, #tpu.memory_space<vmem>>
        %dma_wait3A_234 = arith.constant 0 : i32
        %dma_wait3A_235 = tpu.memref_slice %arg11[%add3A_198, %dma_wait3A_234] : memref<125x80xi32, #tpu.memory_space<vmem>> -> memref<1x80xi32, #tpu.memory_space<vmem>>
        %dma_wait3A_236 = tpu.memref_squeeze %dma_wait3A_235 : memref<1x80xi32, #tpu.memory_space<vmem>> -> memref<80xi32, #tpu.memory_space<vmem>>
        %dma_wait3A_237 = arith.constant 0 : i32
        %dma_wait3A_238 = arith.constant 0 : i32
        %dma_wait3A_239 = tpu.memref_slice %arg17[%dma_wait3A_237, %dma_wait3A_238] : memref<10240x16xf32, #tpu.memory_space<vmem_shared>> -> memref<10240x16xf32, #tpu.memory_space<vmem_shared>>
        tpu.wait_indirect_dma semaphore(%run_scoped3A_219 : memref<!tpu.dma_semaphore, #tpu.memory_space<semaphore_mem>>) src(%dma_wait3A_233 : memref<80x16xf32, #tpu.memory_space<vmem>>) dst(%dma_wait3A_239 : memref<10240x16xf32, #tpu.memory_space<vmem_shared>>)
        tpu.yield
      }) : () -> ()
      %add3A_211 = arith.constant 5 : i32
      %add3A_212 = arith.addi %add3A_198, %add3A_211 : i32
      %lt3A_213 = arith.constant 125 : i32
      %lt3A_214 = arith.cmpi slt, %add3A_212, %lt3A_213 : i32
      %convert_element_type3A_215 = arith.extui %lt3A_214 : i1 to i32
      %cond3A_216 = arith.constant 0 : i32
      %cond3A_217 = arith.cmpi ne, %convert_element_type3A_215, %cond3A_216 : i32
      scf.if %cond3A_217 {
        %dma_start3A_219 = arith.constant 4 : i32
        %dma_start3A_220 = arith.constant 0 : i32
        %dma_start3A_221 = arith.constant 0 : i32
        %dma_start3A_222 = tpu.memref_slice %arg12[%dma_start3A_219, %dma_start3A_220, %dma_start3A_221] : memref<5x80x16xf32, #tpu.memory_space<vmem>> -> memref<1x80x16xf32, #tpu.memory_space<vmem>>
        %dma_start3A_223 = tpu.memref_squeeze %dma_start3A_222 : memref<1x80x16xf32, #tpu.memory_space<vmem>> -> memref<80x16xf32, #tpu.memory_space<vmem>>
        %dma_start3A_224 = arith.constant 0 : i32
        %dma_start3A_225 = tpu.memref_slice %arg10[%add3A_212, %dma_start3A_224] : memref<125x80xi32, #tpu.memory_space<vmem>> -> memref<1x80xi32, #tpu.memory_space<vmem>>
        %dma_start3A_226 = tpu.memref_squeeze %dma_start3A_225 : memref<1x80xi32, #tpu.memory_space<vmem>> -> memref<80xi32, #tpu.memory_space<vmem>>
        %dma_start3A_227 = arith.constant 0 : i32
        %dma_start3A_228 = arith.constant 0 : i32
        %dma_start3A_229 = tpu.memref_slice %arg9[%dma_start3A_227, %dma_start3A_228] : memref<10240x16xf32, #tpu.memory_space<hbm>> -> memref<10240x16xf32, #tpu.memory_space<hbm>>
        tpu.enqueue_indirect_dma source(%dma_start3A_229 : memref<10240x16xf32, #tpu.memory_space<hbm>>) target(%dma_start3A_223 : memref<80x16xf32, #tpu.memory_space<vmem>>) offsets(%dma_start3A_226 : memref<80xi32, #tpu.memory_space<vmem>>) semaphore(%arg22 : memref<!tpu.dma_semaphore, #tpu.memory_space<semaphore_mem>>)
      } else {
      }
      %scan3A_218 = arith.constant 0 : i32
      scf.yield %scan3A_218 : i32
    }
    %scan3A_88 = arith.constant 25 : i32
    %barrier3A_89 = arith.constant 0 : index
    tpu.barrier barrier_id(%barrier3A_89)
    "tpu.region"() ({
      %run_scoped3A = tpu.sem_alloc : memref<!tpu.dma_semaphore, #tpu.memory_space<semaphore_mem>>
      %dma_start3A_104 = arith.constant 0 : i32
      %dma_start3A_105 = tpu.memref_slice %arg17[%mul3A_2, %dma_start3A_104] : memref<10240x16xf32, #tpu.memory_space<vmem_shared>> -> memref<640x16xf32, #tpu.memory_space<vmem_shared>>
      %dma_start3A_106 = arith.constant 0 : i32
      %dma_start3A_107 = tpu.memref_slice %arg17[%mul3A_2, %dma_start3A_106] : memref<10240x16xf32, #tpu.memory_space<vmem_shared>> -> memref<640x16xf32, #tpu.memory_space<vmem_shared>>
      tpu.enqueue_dma source(%dma_start3A_107 : memref<640x16xf32, #tpu.memory_space<vmem_shared>>) target(%arg13 : memref<640x16xf32, #tpu.memory_space<vmem>>) target_semaphore(%run_scoped3A : memref<!tpu.dma_semaphore, #tpu.memory_space<semaphore_mem>>)
      %dma_wait3A = arith.constant 0 : i32
      %dma_wait3A_108 = tpu.memref_slice %arg17[%mul3A_2, %dma_wait3A] : memref<10240x16xf32, #tpu.memory_space<vmem_shared>> -> memref<640x16xf32, #tpu.memory_space<vmem_shared>>
      %dma_wait3A_109 = arith.constant 0 : i32
      %dma_wait3A_110 = tpu.memref_slice %arg17[%mul3A_2, %dma_wait3A_109] : memref<10240x16xf32, #tpu.memory_space<vmem_shared>> -> memref<640x16xf32, #tpu.memory_space<vmem_shared>>
      tpu.wait_dma2 semaphore(%run_scoped3A : memref<!tpu.dma_semaphore, #tpu.memory_space<semaphore_mem>>) src(%dma_wait3A_110 : memref<640x16xf32, #tpu.memory_space<vmem_shared>>) dst(%arg13 : memref<640x16xf32, #tpu.memory_space<vmem>>)
      tpu.yield
    }) : () -> ()
    %scan3A_90 = arith.constant 0 : i32
    %scan3A_91 = arith.constant 0 : i32
    %scan3A_92 = arith.constant 40 : i32
    %scan3A_93 = arith.addi %scan3A_91, %scan3A_92 : i32
    %scan3A_94 = arith.constant 1 : i32
    %scan3A_95 = scf.for %scan3A_104 = %scan3A_91 to %scan3A_93 step %scan3A_94 iter_args(%scan3A_105 = %scan3A_90) -> (i32)  : i32 {
      %mul3A_106 = arith.constant 16 : i32
      %mul3A_107 = arith.muli %scan3A_104, %mul3A_106 : i32
      %get3A = arith.index_cast %mul3A_107 : i32 to index
      %get3A_108 = tpu.vector_load %arg14[%get3A] {strides = array<i32>} : memref<640xf32, #tpu.memory_space<vmem>>, vector<16xf32>,
      %mul3A_109 = arith.constant 16 : i32
      %mul3A_110 = arith.muli %scan3A_104, %mul3A_109 : i32
      %add3A_111 = arith.constant 0 : i32
      %add3A_112 = arith.addi %mul3A_110, %add3A_111 : i32
      %slice3A = vector.extract_strided_slice %get3A_108 {offsets = [0], sizes = [1], strides = [1]} : vector<16xf32> to vector<1xf32>
      %squeeze3A = vector.extract %slice3A[0] : f32 from vector<1xf32>
      %broadcast_in_dim3A = vector.broadcast %squeeze3A : f32 to vector<16xf32>
      %get3A_113 = arith.index_cast %add3A_112 : i32 to index
      %get3A_114 = arith.constant 0 : index
      %get3A_115 = tpu.vector_load %arg13[%get3A_113, %get3A_114] {strides = array<i32>} : memref<640x16xf32, #tpu.memory_space<vmem>>, vector<16xf32>,
      %mul3A_116 = arith.mulf %get3A_115, %broadcast_in_dim3A : vector<16xf32>
      %swap3A = arith.index_cast %add3A_112 : i32 to index
      %swap3A_117 = arith.constant 0 : index
      %swap3A_118 = tpu.vector_load %arg13[%swap3A, %swap3A_117] {strides = array<i32>} : memref<640x16xf32, #tpu.memory_space<vmem>>, vector<16xf32>,
      tpu.vector_store %arg13[%swap3A, %swap3A_117], %mul3A_116 {strides = array<i32>} : memref<640x16xf32, #tpu.memory_space<vmem>>, vector<16xf32>,
      %mul3A_119 = arith.constant 16 : i32
      %mul3A_120 = arith.muli %scan3A_104, %mul3A_119 : i32
      %add3A_121 = arith.constant 1 : i32
      %add3A_122 = arith.addi %mul3A_120, %add3A_121 : i32
      %slice3A_123 = vector.extract_strided_slice %get3A_108 {offsets = [1], sizes = [1], strides = [1]} : vector<16xf32> to vector<1xf32>
      %squeeze3A_124 = vector.extract %slice3A_123[0] : f32 from vector<1xf32>
      %broadcast_in_dim3A_125 = vector.broadcast %squeeze3A_124 : f32 to vector<16xf32>
      %get3A_126 = arith.index_cast %add3A_122 : i32 to index
      %get3A_127 = arith.constant 0 : index
      %get3A_128 = tpu.vector_load %arg13[%get3A_126, %get3A_127] {strides = array<i32>} : memref<640x16xf32, #tpu.memory_space<vmem>>, vector<16xf32>,
      %mul3A_129 = arith.mulf %get3A_128, %broadcast_in_dim3A_125 : vector<16xf32>
      %swap3A_130 = arith.index_cast %add3A_122 : i32 to index
      %swap3A_131 = arith.constant 0 : index
      %swap3A_132 = tpu.vector_load %arg13[%swap3A_130, %swap3A_131] {strides = array<i32>} : memref<640x16xf32, #tpu.memory_space<vmem>>, vector<16xf32>,
      tpu.vector_store %arg13[%swap3A_130, %swap3A_131], %mul3A_129 {strides = array<i32>} : memref<640x16xf32, #tpu.memory_space<vmem>>, vector<16xf32>,
      %mul3A_133 = arith.constant 16 : i32
      %mul3A_134 = arith.muli %scan3A_104, %mul3A_133 : i32
      %add3A_135 = arith.constant 2 : i32
      %add3A_136 = arith.addi %mul3A_134, %add3A_135 : i32
      %slice3A_137 = vector.extract_strided_slice %get3A_108 {offsets = [2], sizes = [1], strides = [1]} : vector<16xf32> to vector<1xf32>
      %squeeze3A_138 = vector.extract %slice3A_137[0] : f32 from vector<1xf32>
      %broadcast_in_dim3A_139 = vector.broadcast %squeeze3A_138 : f32 to vector<16xf32>
      %get3A_140 = arith.index_cast %add3A_136 : i32 to index
      %get3A_141 = arith.constant 0 : index
      %get3A_142 = tpu.vector_load %arg13[%get3A_140, %get3A_141] {strides = array<i32>} : memref<640x16xf32, #tpu.memory_space<vmem>>, vector<16xf32>,
      %mul3A_143 = arith.mulf %get3A_142, %broadcast_in_dim3A_139 : vector<16xf32>
      %swap3A_144 = arith.index_cast %add3A_136 : i32 to index
      %swap3A_145 = arith.constant 0 : index
      %swap3A_146 = tpu.vector_load %arg13[%swap3A_144, %swap3A_145] {strides = array<i32>} : memref<640x16xf32, #tpu.memory_space<vmem>>, vector<16xf32>,
      tpu.vector_store %arg13[%swap3A_144, %swap3A_145], %mul3A_143 {strides = array<i32>} : memref<640x16xf32, #tpu.memory_space<vmem>>, vector<16xf32>,
      %mul3A_147 = arith.constant 16 : i32
      %mul3A_148 = arith.muli %scan3A_104, %mul3A_147 : i32
      %add3A_149 = arith.constant 3 : i32
      %add3A_150 = arith.addi %mul3A_148, %add3A_149 : i32
      %slice3A_151 = vector.extract_strided_slice %get3A_108 {offsets = [3], sizes = [1], strides = [1]} : vector<16xf32> to vector<1xf32>
      %squeeze3A_152 = vector.extract %slice3A_151[0] : f32 from vector<1xf32>
      %broadcast_in_dim3A_153 = vector.broadcast %squeeze3A_152 : f32 to vector<16xf32>
      %get3A_154 = arith.index_cast %add3A_150 : i32 to index
      %get3A_155 = arith.constant 0 : index
      %get3A_156 = tpu.vector_load %arg13[%get3A_154, %get3A_155] {strides = array<i32>} : memref<640x16xf32, #tpu.memory_space<vmem>>, vector<16xf32>,
      %mul3A_157 = arith.mulf %get3A_156, %broadcast_in_dim3A_153 : vector<16xf32>
      %swap3A_158 = arith.index_cast %add3A_150 : i32 to index
      %swap3A_159 = arith.constant 0 : index
      %swap3A_160 = tpu.vector_load %arg13[%swap3A_158, %swap3A_159] {strides = array<i32>} : memref<640x16xf32, #tpu.memory_space<vmem>>, vector<16xf32>,
      tpu.vector_store %arg13[%swap3A_158, %swap3A_159], %mul3A_157 {strides = array<i32>} : memref<640x16xf32, #tpu.memory_space<vmem>>, vector<16xf32>,
      %mul3A_161 = arith.constant 16 : i32
      %mul3A_162 = arith.muli %scan3A_104, %mul3A_161 : i32
      %add3A_163 = arith.constant 4 : i32
      %add3A_164 = arith.addi %mul3A_162, %add3A_163 : i32
      %slice3A_165 = vector.extract_strided_slice %get3A_108 {offsets = [4], sizes = [1], strides = [1]} : vector<16xf32> to vector<1xf32>
      %squeeze3A_166 = vector.extract %slice3A_165[0] : f32 from vector<1xf32>
      %broadcast_in_dim3A_167 = vector.broadcast %squeeze3A_166 : f32 to vector<16xf32>
      %get3A_168 = arith.index_cast %add3A_164 : i32 to index
      %get3A_169 = arith.constant 0 : index
      %get3A_170 = tpu.vector_load %arg13[%get3A_168, %get3A_169] {strides = array<i32>} : memref<640x16xf32, #tpu.memory_space<vmem>>, vector<16xf32>,
      %mul3A_171 = arith.mulf %get3A_170, %broadcast_in_dim3A_167 : vector<16xf32>
      %swap3A_172 = arith.index_cast %add3A_164 : i32 to index
      %swap3A_173 = arith.constant 0 : index
      %swap3A_174 = tpu.vector_load %arg13[%swap3A_172, %swap3A_173] {strides = array<i32>} : memref<640x16xf32, #tpu.memory_space<vmem>>, vector<16xf32>,
      tpu.vector_store %arg13[%swap3A_172, %swap3A_173], %mul3A_171 {strides = array<i32>} : memref<640x16xf32, #tpu.memory_space<vmem>>, vector<16xf32>,
      %mul3A_175 = arith.constant 16 : i32
      %mul3A_176 = arith.muli %scan3A_104, %mul3A_175 : i32
      %add3A_177 = arith.constant 5 : i32
      %add3A_178 = arith.addi %mul3A_176, %add3A_177 : i32
      %slice3A_179 = vector.extract_strided_slice %get3A_108 {offsets = [5], sizes = [1], strides = [1]} : vector<16xf32> to vector<1xf32>
      %squeeze3A_180 = vector.extract %slice3A_179[0] : f32 from vector<1xf32>
      %broadcast_in_dim3A_181 = vector.broadcast %squeeze3A_180 : f32 to vector<16xf32>
      %get3A_182 = arith.index_cast %add3A_178 : i32 to index
      %get3A_183 = arith.constant 0 : index
      %get3A_184 = tpu.vector_load %arg13[%get3A_182, %get3A_183] {strides = array<i32>} : memref<640x16xf32, #tpu.memory_space<vmem>>, vector<16xf32>,
      %mul3A_185 = arith.mulf %get3A_184, %broadcast_in_dim3A_181 : vector<16xf32>
      %swap3A_186 = arith.index_cast %add3A_178 : i32 to index
      %swap3A_187 = arith.constant 0 : index
      %swap3A_188 = tpu.vector_load %arg13[%swap3A_186, %swap3A_187] {strides = array<i32>} : memref<640x16xf32, #tpu.memory_space<vmem>>, vector<16xf32>,
      tpu.vector_store %arg13[%swap3A_186, %swap3A_187], %mul3A_185 {strides = array<i32>} : memref<640x16xf32, #tpu.memory_space<vmem>>, vector<16xf32>,
      %mul3A_189 = arith.constant 16 : i32
      %mul3A_190 = arith.muli %scan3A_104, %mul3A_189 : i32
      %add3A_191 = arith.constant 6 : i32
      %add3A_192 = arith.addi %mul3A_190, %add3A_191 : i32
      %slice3A_193 = vector.extract_strided_slice %get3A_108 {offsets = [6], sizes = [1], strides = [1]} : vector<16xf32> to vector<1xf32>
      %squeeze3A_194 = vector.extract %slice3A_193[0] : f32 from vector<1xf32>
      %broadcast_in_dim3A_195 = vector.broadcast %squeeze3A_194 : f32 to vector<16xf32>
      %get3A_196 = arith.index_cast %add3A_192 : i32 to index
      %get3A_197 = arith.constant 0 : index
      %get3A_198 = tpu.vector_load %arg13[%get3A_196, %get3A_197] {strides = array<i32>} : memref<640x16xf32, #tpu.memory_space<vmem>>, vector<16xf32>,
      %mul3A_199 = arith.mulf %get3A_198, %broadcast_in_dim3A_195 : vector<16xf32>
      %swap3A_200 = arith.index_cast %add3A_192 : i32 to index
      %swap3A_201 = arith.constant 0 : index
      %swap3A_202 = tpu.vector_load %arg13[%swap3A_200, %swap3A_201] {strides = array<i32>} : memref<640x16xf32, #tpu.memory_space<vmem>>, vector<16xf32>,
      tpu.vector_store %arg13[%swap3A_200, %swap3A_201], %mul3A_199 {strides = array<i32>} : memref<640x16xf32, #tpu.memory_space<vmem>>, vector<16xf32>,
      %mul3A_203 = arith.constant 16 : i32
      %mul3A_204 = arith.muli %scan3A_104, %mul3A_203 : i32
      %add3A_205 = arith.constant 7 : i32
      %add3A_206 = arith.addi %mul3A_204, %add3A_205 : i32
      %slice3A_207 = vector.extract_strided_slice %get3A_108 {offsets = [7], sizes = [1], strides = [1]} : vector<16xf32> to vector<1xf32>
      %squeeze3A_208 = vector.extract %slice3A_207[0] : f32 from vector<1xf32>
      %broadcast_in_dim3A_209 = vector.broadcast %squeeze3A_208 : f32 to vector<16xf32>
      %get3A_210 = arith.index_cast %add3A_206 : i32 to index
      %get3A_211 = arith.constant 0 : index
      %get3A_212 = tpu.vector_load %arg13[%get3A_210, %get3A_211] {strides = array<i32>} : memref<640x16xf32, #tpu.memory_space<vmem>>, vector<16xf32>,
      %mul3A_213 = arith.mulf %get3A_212, %broadcast_in_dim3A_209 : vector<16xf32>
      %swap3A_214 = arith.index_cast %add3A_206 : i32 to index
      %swap3A_215 = arith.constant 0 : index
      %swap3A_216 = tpu.vector_load %arg13[%swap3A_214, %swap3A_215] {strides = array<i32>} : memref<640x16xf32, #tpu.memory_space<vmem>>, vector<16xf32>,
      tpu.vector_store %arg13[%swap3A_214, %swap3A_215], %mul3A_213 {strides = array<i32>} : memref<640x16xf32, #tpu.memory_space<vmem>>, vector<16xf32>,
      %mul3A_217 = arith.constant 16 : i32
      %mul3A_218 = arith.muli %scan3A_104, %mul3A_217 : i32
      %add3A_219 = arith.constant 8 : i32
      %add3A_220 = arith.addi %mul3A_218, %add3A_219 : i32
      %slice3A_221 = vector.extract_strided_slice %get3A_108 {offsets = [8], sizes = [1], strides = [1]} : vector<16xf32> to vector<1xf32>
      %squeeze3A_222 = vector.extract %slice3A_221[0] : f32 from vector<1xf32>
      %broadcast_in_dim3A_223 = vector.broadcast %squeeze3A_222 : f32 to vector<16xf32>
      %get3A_224 = arith.index_cast %add3A_220 : i32 to index
      %get3A_225 = arith.constant 0 : index
      %get3A_226 = tpu.vector_load %arg13[%get3A_224, %get3A_225] {strides = array<i32>} : memref<640x16xf32, #tpu.memory_space<vmem>>, vector<16xf32>,
      %mul3A_227 = arith.mulf %get3A_226, %broadcast_in_dim3A_223 : vector<16xf32>
      %swap3A_228 = arith.index_cast %add3A_220 : i32 to index
      %swap3A_229 = arith.constant 0 : index
      %swap3A_230 = tpu.vector_load %arg13[%swap3A_228, %swap3A_229] {strides = array<i32>} : memref<640x16xf32, #tpu.memory_space<vmem>>, vector<16xf32>,
      tpu.vector_store %arg13[%swap3A_228, %swap3A_229], %mul3A_227 {strides = array<i32>} : memref<640x16xf32, #tpu.memory_space<vmem>>, vector<16xf32>,
      %mul3A_231 = arith.constant 16 : i32
      %mul3A_232 = arith.muli %scan3A_104, %mul3A_231 : i32
      %add3A_233 = arith.constant 9 : i32
      %add3A_234 = arith.addi %mul3A_232, %add3A_233 : i32
      %slice3A_235 = vector.extract_strided_slice %get3A_108 {offsets = [9], sizes = [1], strides = [1]} : vector<16xf32> to vector<1xf32>
      %squeeze3A_236 = vector.extract %slice3A_235[0] : f32 from vector<1xf32>
      %broadcast_in_dim3A_237 = vector.broadcast %squeeze3A_236 : f32 to vector<16xf32>
      %get3A_238 = arith.index_cast %add3A_234 : i32 to index
      %get3A_239 = arith.constant 0 : index
      %get3A_240 = tpu.vector_load %arg13[%get3A_238, %get3A_239] {strides = array<i32>} : memref<640x16xf32, #tpu.memory_space<vmem>>, vector<16xf32>,
      %mul3A_241 = arith.mulf %get3A_240, %broadcast_in_dim3A_237 : vector<16xf32>
      %swap3A_242 = arith.index_cast %add3A_234 : i32 to index
      %swap3A_243 = arith.constant 0 : index
      %swap3A_244 = tpu.vector_load %arg13[%swap3A_242, %swap3A_243] {strides = array<i32>} : memref<640x16xf32, #tpu.memory_space<vmem>>, vector<16xf32>,
      tpu.vector_store %arg13[%swap3A_242, %swap3A_243], %mul3A_241 {strides = array<i32>} : memref<640x16xf32, #tpu.memory_space<vmem>>, vector<16xf32>,
      %mul3A_245 = arith.constant 16 : i32
      %mul3A_246 = arith.muli %scan3A_104, %mul3A_245 : i32
      %add3A_247 = arith.constant 10 : i32
      %add3A_248 = arith.addi %mul3A_246, %add3A_247 : i32
      %slice3A_249 = vector.extract_strided_slice %get3A_108 {offsets = [10], sizes = [1], strides = [1]} : vector<16xf32> to vector<1xf32>
      %squeeze3A_250 = vector.extract %slice3A_249[0] : f32 from vector<1xf32>
      %broadcast_in_dim3A_251 = vector.broadcast %squeeze3A_250 : f32 to vector<16xf32>
      %get3A_252 = arith.index_cast %add3A_248 : i32 to index
      %get3A_253 = arith.constant 0 : index
      %get3A_254 = tpu.vector_load %arg13[%get3A_252, %get3A_253] {strides = array<i32>} : memref<640x16xf32, #tpu.memory_space<vmem>>, vector<16xf32>,
      %mul3A_255 = arith.mulf %get3A_254, %broadcast_in_dim3A_251 : vector<16xf32>
      %swap3A_256 = arith.index_cast %add3A_248 : i32 to index
      %swap3A_257 = arith.constant 0 : index
      %swap3A_258 = tpu.vector_load %arg13[%swap3A_256, %swap3A_257] {strides = array<i32>} : memref<640x16xf32, #tpu.memory_space<vmem>>, vector<16xf32>,
      tpu.vector_store %arg13[%swap3A_256, %swap3A_257], %mul3A_255 {strides = array<i32>} : memref<640x16xf32, #tpu.memory_space<vmem>>, vector<16xf32>,
      %mul3A_259 = arith.constant 16 : i32
      %mul3A_260 = arith.muli %scan3A_104, %mul3A_259 : i32
      %add3A_261 = arith.constant 11 : i32
      %add3A_262 = arith.addi %mul3A_260, %add3A_261 : i32
      %slice3A_263 = vector.extract_strided_slice %get3A_108 {offsets = [11], sizes = [1], strides = [1]} : vector<16xf32> to vector<1xf32>
      %squeeze3A_264 = vector.extract %slice3A_263[0] : f32 from vector<1xf32>
      %broadcast_in_dim3A_265 = vector.broadcast %squeeze3A_264 : f32 to vector<16xf32>
      %get3A_266 = arith.index_cast %add3A_262 : i32 to index
      %get3A_267 = arith.constant 0 : index
      %get3A_268 = tpu.vector_load %arg13[%get3A_266, %get3A_267] {strides = array<i32>} : memref<640x16xf32, #tpu.memory_space<vmem>>, vector<16xf32>,
      %mul3A_269 = arith.mulf %get3A_268, %broadcast_in_dim3A_265 : vector<16xf32>
      %swap3A_270 = arith.index_cast %add3A_262 : i32 to index
      %swap3A_271 = arith.constant 0 : index
      %swap3A_272 = tpu.vector_load %arg13[%swap3A_270, %swap3A_271] {strides = array<i32>} : memref<640x16xf32, #tpu.memory_space<vmem>>, vector<16xf32>,
      tpu.vector_store %arg13[%swap3A_270, %swap3A_271], %mul3A_269 {strides = array<i32>} : memref<640x16xf32, #tpu.memory_space<vmem>>, vector<16xf32>,
      %mul3A_273 = arith.constant 16 : i32
      %mul3A_274 = arith.muli %scan3A_104, %mul3A_273 : i32
      %add3A_275 = arith.constant 12 : i32
      %add3A_276 = arith.addi %mul3A_274, %add3A_275 : i32
      %slice3A_277 = vector.extract_strided_slice %get3A_108 {offsets = [12], sizes = [1], strides = [1]} : vector<16xf32> to vector<1xf32>
      %squeeze3A_278 = vector.extract %slice3A_277[0] : f32 from vector<1xf32>
      %broadcast_in_dim3A_279 = vector.broadcast %squeeze3A_278 : f32 to vector<16xf32>
      %get3A_280 = arith.index_cast %add3A_276 : i32 to index
      %get3A_281 = arith.constant 0 : index
      %get3A_282 = tpu.vector_load %arg13[%get3A_280, %get3A_281] {strides = array<i32>} : memref<640x16xf32, #tpu.memory_space<vmem>>, vector<16xf32>,
      %mul3A_283 = arith.mulf %get3A_282, %broadcast_in_dim3A_279 : vector<16xf32>
      %swap3A_284 = arith.index_cast %add3A_276 : i32 to index
      %swap3A_285 = arith.constant 0 : index
      %swap3A_286 = tpu.vector_load %arg13[%swap3A_284, %swap3A_285] {strides = array<i32>} : memref<640x16xf32, #tpu.memory_space<vmem>>, vector<16xf32>,
      tpu.vector_store %arg13[%swap3A_284, %swap3A_285], %mul3A_283 {strides = array<i32>} : memref<640x16xf32, #tpu.memory_space<vmem>>, vector<16xf32>,
      %mul3A_287 = arith.constant 16 : i32
      %mul3A_288 = arith.muli %scan3A_104, %mul3A_287 : i32
      %add3A_289 = arith.constant 13 : i32
      %add3A_290 = arith.addi %mul3A_288, %add3A_289 : i32
      %slice3A_291 = vector.extract_strided_slice %get3A_108 {offsets = [13], sizes = [1], strides = [1]} : vector<16xf32> to vector<1xf32>
      %squeeze3A_292 = vector.extract %slice3A_291[0] : f32 from vector<1xf32>
      %broadcast_in_dim3A_293 = vector.broadcast %squeeze3A_292 : f32 to vector<16xf32>
      %get3A_294 = arith.index_cast %add3A_290 : i32 to index
      %get3A_295 = arith.constant 0 : index
      %get3A_296 = tpu.vector_load %arg13[%get3A_294, %get3A_295] {strides = array<i32>} : memref<640x16xf32, #tpu.memory_space<vmem>>, vector<16xf32>,
      %mul3A_297 = arith.mulf %get3A_296, %broadcast_in_dim3A_293 : vector<16xf32>
      %swap3A_298 = arith.index_cast %add3A_290 : i32 to index
      %swap3A_299 = arith.constant 0 : index
      %swap3A_300 = tpu.vector_load %arg13[%swap3A_298, %swap3A_299] {strides = array<i32>} : memref<640x16xf32, #tpu.memory_space<vmem>>, vector<16xf32>,
      tpu.vector_store %arg13[%swap3A_298, %swap3A_299], %mul3A_297 {strides = array<i32>} : memref<640x16xf32, #tpu.memory_space<vmem>>, vector<16xf32>,
      %mul3A_301 = arith.constant 16 : i32
      %mul3A_302 = arith.muli %scan3A_104, %mul3A_301 : i32
      %add3A_303 = arith.constant 14 : i32
      %add3A_304 = arith.addi %mul3A_302, %add3A_303 : i32
      %slice3A_305 = vector.extract_strided_slice %get3A_108 {offsets = [14], sizes = [1], strides = [1]} : vector<16xf32> to vector<1xf32>
      %squeeze3A_306 = vector.extract %slice3A_305[0] : f32 from vector<1xf32>
      %broadcast_in_dim3A_307 = vector.broadcast %squeeze3A_306 : f32 to vector<16xf32>
      %get3A_308 = arith.index_cast %add3A_304 : i32 to index
      %get3A_309 = arith.constant 0 : index
      %get3A_310 = tpu.vector_load %arg13[%get3A_308, %get3A_309] {strides = array<i32>} : memref<640x16xf32, #tpu.memory_space<vmem>>, vector<16xf32>,
      %mul3A_311 = arith.mulf %get3A_310, %broadcast_in_dim3A_307 : vector<16xf32>
      %swap3A_312 = arith.index_cast %add3A_304 : i32 to index
      %swap3A_313 = arith.constant 0 : index
      %swap3A_314 = tpu.vector_load %arg13[%swap3A_312, %swap3A_313] {strides = array<i32>} : memref<640x16xf32, #tpu.memory_space<vmem>>, vector<16xf32>,
      tpu.vector_store %arg13[%swap3A_312, %swap3A_313], %mul3A_311 {strides = array<i32>} : memref<640x16xf32, #tpu.memory_space<vmem>>, vector<16xf32>,
      %mul3A_315 = arith.constant 16 : i32
      %mul3A_316 = arith.muli %scan3A_104, %mul3A_315 : i32
      %add3A_317 = arith.constant 15 : i32
      %add3A_318 = arith.addi %mul3A_316, %add3A_317 : i32
      %slice3A_319 = vector.extract_strided_slice %get3A_108 {offsets = [15], sizes = [1], strides = [1]} : vector<16xf32> to vector<1xf32>
      %squeeze3A_320 = vector.extract %slice3A_319[0] : f32 from vector<1xf32>
      %broadcast_in_dim3A_321 = vector.broadcast %squeeze3A_320 : f32 to vector<16xf32>
      %get3A_322 = arith.index_cast %add3A_318 : i32 to index
      %get3A_323 = arith.constant 0 : index
      %get3A_324 = tpu.vector_load %arg13[%get3A_322, %get3A_323] {strides = array<i32>} : memref<640x16xf32, #tpu.memory_space<vmem>>, vector<16xf32>,
      %mul3A_325 = arith.mulf %get3A_324, %broadcast_in_dim3A_321 : vector<16xf32>
      %swap3A_326 = arith.index_cast %add3A_318 : i32 to index
      %swap3A_327 = arith.constant 0 : index
      %swap3A_328 = tpu.vector_load %arg13[%swap3A_326, %swap3A_327] {strides = array<i32>} : memref<640x16xf32, #tpu.memory_space<vmem>>, vector<16xf32>,
      tpu.vector_store %arg13[%swap3A_326, %swap3A_327], %mul3A_325 {strides = array<i32>} : memref<640x16xf32, #tpu.memory_space<vmem>>, vector<16xf32>,
      %scan3A_329 = arith.constant 0 : i32
      scf.yield %scan3A_329 : i32
    }
    %scan3A_96 = arith.constant 40 : i32
    %eq3A = arith.constant 0 : i32
    %eq3A_97 = arith.cmpi eq, %arg0, %eq3A : i32
    %convert_element_type3A = arith.extui %eq3A_97 : i1 to i32
    %cond3A = arith.constant 0 : i32
    %cond3A_98 = arith.cmpi ne, %convert_element_type3A, %cond3A : i32
    scf.if %cond3A_98 {
      "tpu.region"() ({
        %run_scoped3A = tpu.sem_alloc : memref<!tpu.dma_semaphore, #tpu.memory_space<semaphore_mem>>
        %dma_start3A_104 = arith.constant 0 : i32
        %dma_start3A_105 = tpu.memref_slice %arg7[%mul3A_2, %dma_start3A_104] : memref<10240x128xf32, #tpu.memory_space<hbm>> -> memref<640x16xf32, #tpu.memory_space<hbm>>
        %dma_start3A_106 = arith.constant 0 : i32
        %dma_start3A_107 = tpu.memref_slice %arg7[%mul3A_2, %dma_start3A_106] : memref<10240x128xf32, #tpu.memory_space<hbm>> -> memref<640x16xf32, #tpu.memory_space<hbm>>
        tpu.enqueue_dma source(%arg13 : memref<640x16xf32, #tpu.memory_space<vmem>>) target(%dma_start3A_107 : memref<640x16xf32, #tpu.memory_space<hbm>>) target_semaphore(%run_scoped3A : memref<!tpu.dma_semaphore, #tpu.memory_space<semaphore_mem>>)
        %dma_wait3A = arith.constant 0 : i32
        %dma_wait3A_108 = tpu.memref_slice %arg7[%mul3A_2, %dma_wait3A] : memref<10240x128xf32, #tpu.memory_space<hbm>> -> memref<640x16xf32, #tpu.memory_space<hbm>>
        %dma_wait3A_109 = arith.constant 0 : i32
        %dma_wait3A_110 = tpu.memref_slice %arg7[%mul3A_2, %dma_wait3A_109] : memref<10240x128xf32, #tpu.memory_space<hbm>> -> memref<640x16xf32, #tpu.memory_space<hbm>>
        tpu.wait_dma2 semaphore(%run_scoped3A : memref<!tpu.dma_semaphore, #tpu.memory_space<semaphore_mem>>) src(%arg13 : memref<640x16xf32, #tpu.memory_space<vmem>>) dst(%dma_wait3A_110 : memref<640x16xf32, #tpu.memory_space<hbm>>)
        tpu.yield
      }) : () -> ()
    } else {
    }
    %eq3A_99 = arith.constant 1 : i32
    %eq3A_100 = arith.cmpi eq, %arg0, %eq3A_99 : i32
    %convert_element_type3A_101 = arith.extui %eq3A_100 : i1 to i32
    %cond3A_102 = arith.constant 0 : i32
    %cond3A_103 = arith.cmpi ne, %convert_element_type3A_101, %cond3A_102 : i32
    scf.if %cond3A_103 {
      "tpu.region"() ({
        %run_scoped3A = tpu.sem_alloc : memref<!tpu.dma_semaphore, #tpu.memory_space<semaphore_mem>>
        %dma_start3A_104 = arith.constant 0 : i32
        %dma_start3A_105 = tpu.memref_slice %arg8[%mul3A_2, %dma_start3A_104] : memref<10240x128xf32, #tpu.memory_space<hbm>> -> memref<640x16xf32, #tpu.memory_space<hbm>>
        %dma_start3A_106 = arith.constant 0 : i32
        %dma_start3A_107 = tpu.memref_slice %arg8[%mul3A_2, %dma_start3A_106] : memref<10240x128xf32, #tpu.memory_space<hbm>> -> memref<640x16xf32, #tpu.memory_space<hbm>>
        tpu.enqueue_dma source(%arg13 : memref<640x16xf32, #tpu.memory_space<vmem>>) target(%dma_start3A_107 : memref<640x16xf32, #tpu.memory_space<hbm>>) target_semaphore(%run_scoped3A : memref<!tpu.dma_semaphore, #tpu.memory_space<semaphore_mem>>)
        %dma_wait3A = arith.constant 0 : i32
        %dma_wait3A_108 = tpu.memref_slice %arg8[%mul3A_2, %dma_wait3A] : memref<10240x128xf32, #tpu.memory_space<hbm>> -> memref<640x16xf32, #tpu.memory_space<hbm>>
        %dma_wait3A_109 = arith.constant 0 : i32
        %dma_wait3A_110 = tpu.memref_slice %arg8[%mul3A_2, %dma_wait3A_109] : memref<10240x128xf32, #tpu.memory_space<hbm>> -> memref<640x16xf32, #tpu.memory_space<hbm>>
        tpu.wait_dma2 semaphore(%run_scoped3A : memref<!tpu.dma_semaphore, #tpu.memory_space<semaphore_mem>>) src(%arg13 : memref<640x16xf32, #tpu.memory_space<vmem>>) dst(%dma_wait3A_110 : memref<640x16xf32, #tpu.memory_space<hbm>>)
        tpu.yield
      }) : () -> ()
    } else {
    }
    return
  }
}

#map = affine_map<(d0, d1) -> (0, 0)>
#map1 = affine_map<(d0, d1) -> (0)>
#map2 = affine_map<(d0, d1) -> (0, 0, 0)>
module attributes {stable_mosaic.version = 14 : i64} {
  func.func @_edge_body(%arg0: i32, %arg1: i32, %arg2: memref<10240x128xf32, #tpu.memory_space<hbm>>, %arg3: memref<10240xf32, #tpu.memory_space<hbm>>, %arg4: memref<10240xf32, #tpu.memory_space<hbm>>, %arg5: memref<32x125x80xi32, #tpu.memory_space<hbm>>, %arg6: memref<32x125x80xi32, #tpu.memory_space<hbm>>, %arg7: memref<10240x128xf32, #tpu.memory_space<hbm>>, %arg8: memref<10240x128xf32, #tpu.memory_space<hbm>>, %arg9: memref<10240x48xf32, #tpu.memory_space<hbm>>, %arg10: memref<125x80xi32, #tpu.memory_space<vmem>>, %arg11: memref<125x80xi32, #tpu.memory_space<vmem>>, %arg12: memref<5x80x48xf32, #tpu.memory_space<vmem>>, %arg13: memref<640x48xf32, #tpu.memory_space<vmem>>, %arg14: memref<640xf32, #tpu.memory_space<vmem>>, %arg15: memref<640xf32, #tpu.memory_space<vmem>>, %arg16: memref<640xf32, #tpu.memory_space<vmem>>, %arg17: memref<10240x48xf32, #tpu.memory_space<vmem_shared>>, %arg18: memref<!tpu.dma_semaphore, #tpu.memory_space<semaphore_mem>>, %arg19: memref<!tpu.dma_semaphore, #tpu.memory_space<semaphore_mem>>, %arg20: memref<!tpu.dma_semaphore, #tpu.memory_space<semaphore_mem>>, %arg21: memref<!tpu.dma_semaphore, #tpu.memory_space<semaphore_mem>>, %arg22: memref<!tpu.dma_semaphore, #tpu.memory_space<semaphore_mem>>) attributes {dimension_semantics = [#tpu.dimension_semantics<core_parallel>, #tpu.dimension_semantics<subcore_parallel>], iteration_bounds = array<i64: 2, 16>, scalar_prefetch = 0 : i64, scratch_operands = 13 : i64, tpu.core_type = #tpu.core_type<sc_vector_subcore>, window_params = [{transform_indices = #map}, {transform_indices = #map1}, {transform_indices = #map1}, {transform_indices = #map2}, {transform_indices = #map2}, {transform_indices = #map}, {transform_indices = #map}, {transform_indices = #map}]} {
    %mul3A = arith.constant 16 : i32
    %mul3A_0 = arith.muli %arg0, %mul3A : i32
    %add3A = arith.addi %mul3A_0, %arg1 : i32
    %mul3A_1 = arith.constant 640 : i32
    %mul3A_2 = arith.muli %arg1, %mul3A_1 : i32
    "tpu.region"() ({
      %run_scoped3A = tpu.sem_alloc : memref<!tpu.dma_semaphore, #tpu.memory_space<semaphore_mem>>
      %dma_start3A_104 = arith.constant 0 : i32
      %dma_start3A_105 = arith.constant 0 : i32
      %dma_start3A_106 = tpu.memref_slice %arg5[%add3A, %dma_start3A_104, %dma_start3A_105] : memref<32x125x80xi32, #tpu.memory_space<hbm>> -> memref<1x125x80xi32, #tpu.memory_space<hbm>>
      %dma_start3A_107 = tpu.memref_squeeze %dma_start3A_106 : memref<1x125x80xi32, #tpu.memory_space<hbm>> -> memref<125x80xi32, #tpu.memory_space<hbm>>
      %dma_start3A_108 = arith.constant 0 : i32
      %dma_start3A_109 = arith.constant 0 : i32
      %dma_start3A_110 = tpu.memref_slice %arg5[%add3A, %dma_start3A_108, %dma_start3A_109] : memref<32x125x80xi32, #tpu.memory_space<hbm>> -> memref<1x125x80xi32, #tpu.memory_space<hbm>>
      %dma_start3A_111 = tpu.memref_squeeze %dma_start3A_110 : memref<1x125x80xi32, #tpu.memory_space<hbm>> -> memref<125x80xi32, #tpu.memory_space<hbm>>
      tpu.enqueue_dma source(%dma_start3A_111 : memref<125x80xi32, #tpu.memory_space<hbm>>) target(%arg10 : memref<125x80xi32, #tpu.memory_space<vmem>>) target_semaphore(%run_scoped3A : memref<!tpu.dma_semaphore, #tpu.memory_space<semaphore_mem>>)
      %dma_wait3A = arith.constant 0 : i32
      %dma_wait3A_112 = arith.constant 0 : i32
      %dma_wait3A_113 = tpu.memref_slice %arg5[%add3A, %dma_wait3A, %dma_wait3A_112] : memref<32x125x80xi32, #tpu.memory_space<hbm>> -> memref<1x125x80xi32, #tpu.memory_space<hbm>>
      %dma_wait3A_114 = tpu.memref_squeeze %dma_wait3A_113 : memref<1x125x80xi32, #tpu.memory_space<hbm>> -> memref<125x80xi32, #tpu.memory_space<hbm>>
      %dma_wait3A_115 = arith.constant 0 : i32
      %dma_wait3A_116 = arith.constant 0 : i32
      %dma_wait3A_117 = tpu.memref_slice %arg5[%add3A, %dma_wait3A_115, %dma_wait3A_116] : memref<32x125x80xi32, #tpu.memory_space<hbm>> -> memref<1x125x80xi32, #tpu.memory_space<hbm>>
      %dma_wait3A_118 = tpu.memref_squeeze %dma_wait3A_117 : memref<1x125x80xi32, #tpu.memory_space<hbm>> -> memref<125x80xi32, #tpu.memory_space<hbm>>
      tpu.wait_dma2 semaphore(%run_scoped3A : memref<!tpu.dma_semaphore, #tpu.memory_space<semaphore_mem>>) src(%dma_wait3A_118 : memref<125x80xi32, #tpu.memory_space<hbm>>) dst(%arg10 : memref<125x80xi32, #tpu.memory_space<vmem>>)
      tpu.yield
    }) : () -> ()
    "tpu.region"() ({
      %run_scoped3A = tpu.sem_alloc : memref<!tpu.dma_semaphore, #tpu.memory_space<semaphore_mem>>
      %dma_start3A_104 = arith.constant 0 : i32
      %dma_start3A_105 = arith.constant 0 : i32
      %dma_start3A_106 = tpu.memref_slice %arg6[%add3A, %dma_start3A_104, %dma_start3A_105] : memref<32x125x80xi32, #tpu.memory_space<hbm>> -> memref<1x125x80xi32, #tpu.memory_space<hbm>>
      %dma_start3A_107 = tpu.memref_squeeze %dma_start3A_106 : memref<1x125x80xi32, #tpu.memory_space<hbm>> -> memref<125x80xi32, #tpu.memory_space<hbm>>
      %dma_start3A_108 = arith.constant 0 : i32
      %dma_start3A_109 = arith.constant 0 : i32
      %dma_start3A_110 = tpu.memref_slice %arg6[%add3A, %dma_start3A_108, %dma_start3A_109] : memref<32x125x80xi32, #tpu.memory_space<hbm>> -> memref<1x125x80xi32, #tpu.memory_space<hbm>>
      %dma_start3A_111 = tpu.memref_squeeze %dma_start3A_110 : memref<1x125x80xi32, #tpu.memory_space<hbm>> -> memref<125x80xi32, #tpu.memory_space<hbm>>
      tpu.enqueue_dma source(%dma_start3A_111 : memref<125x80xi32, #tpu.memory_space<hbm>>) target(%arg11 : memref<125x80xi32, #tpu.memory_space<vmem>>) target_semaphore(%run_scoped3A : memref<!tpu.dma_semaphore, #tpu.memory_space<semaphore_mem>>)
      %dma_wait3A = arith.constant 0 : i32
      %dma_wait3A_112 = arith.constant 0 : i32
      %dma_wait3A_113 = tpu.memref_slice %arg6[%add3A, %dma_wait3A, %dma_wait3A_112] : memref<32x125x80xi32, #tpu.memory_space<hbm>> -> memref<1x125x80xi32, #tpu.memory_space<hbm>>
      %dma_wait3A_114 = tpu.memref_squeeze %dma_wait3A_113 : memref<1x125x80xi32, #tpu.memory_space<hbm>> -> memref<125x80xi32, #tpu.memory_space<hbm>>
      %dma_wait3A_115 = arith.constant 0 : i32
      %dma_wait3A_116 = arith.constant 0 : i32
      %dma_wait3A_117 = tpu.memref_slice %arg6[%add3A, %dma_wait3A_115, %dma_wait3A_116] : memref<32x125x80xi32, #tpu.memory_space<hbm>> -> memref<1x125x80xi32, #tpu.memory_space<hbm>>
      %dma_wait3A_118 = tpu.memref_squeeze %dma_wait3A_117 : memref<1x125x80xi32, #tpu.memory_space<hbm>> -> memref<125x80xi32, #tpu.memory_space<hbm>>
      tpu.wait_dma2 semaphore(%run_scoped3A : memref<!tpu.dma_semaphore, #tpu.memory_space<semaphore_mem>>) src(%dma_wait3A_118 : memref<125x80xi32, #tpu.memory_space<hbm>>) dst(%arg11 : memref<125x80xi32, #tpu.memory_space<vmem>>)
      tpu.yield
    }) : () -> ()
    "tpu.region"() ({
      %run_scoped3A = tpu.sem_alloc : memref<!tpu.dma_semaphore, #tpu.memory_space<semaphore_mem>>
      %dma_start3A_104 = tpu.memref_slice %arg3[%mul3A_2] : memref<10240xf32, #tpu.memory_space<hbm>> -> memref<640xf32, #tpu.memory_space<hbm>>
      %dma_start3A_105 = tpu.memref_slice %arg3[%mul3A_2] : memref<10240xf32, #tpu.memory_space<hbm>> -> memref<640xf32, #tpu.memory_space<hbm>>
      tpu.enqueue_dma source(%dma_start3A_105 : memref<640xf32, #tpu.memory_space<hbm>>) target(%arg15 : memref<640xf32, #tpu.memory_space<vmem>>) target_semaphore(%run_scoped3A : memref<!tpu.dma_semaphore, #tpu.memory_space<semaphore_mem>>)
      %dma_wait3A = tpu.memref_slice %arg3[%mul3A_2] : memref<10240xf32, #tpu.memory_space<hbm>> -> memref<640xf32, #tpu.memory_space<hbm>>
      %dma_wait3A_106 = tpu.memref_slice %arg3[%mul3A_2] : memref<10240xf32, #tpu.memory_space<hbm>> -> memref<640xf32, #tpu.memory_space<hbm>>
      tpu.wait_dma2 semaphore(%run_scoped3A : memref<!tpu.dma_semaphore, #tpu.memory_space<semaphore_mem>>) src(%dma_wait3A_106 : memref<640xf32, #tpu.memory_space<hbm>>) dst(%arg15 : memref<640xf32, #tpu.memory_space<vmem>>)
      tpu.yield
    }) : () -> ()
    "tpu.region"() ({
      %run_scoped3A = tpu.sem_alloc : memref<!tpu.dma_semaphore, #tpu.memory_space<semaphore_mem>>
      %dma_start3A_104 = tpu.memref_slice %arg4[%mul3A_2] : memref<10240xf32, #tpu.memory_space<hbm>> -> memref<640xf32, #tpu.memory_space<hbm>>
      %dma_start3A_105 = tpu.memref_slice %arg4[%mul3A_2] : memref<10240xf32, #tpu.memory_space<hbm>> -> memref<640xf32, #tpu.memory_space<hbm>>
      tpu.enqueue_dma source(%dma_start3A_105 : memref<640xf32, #tpu.memory_space<hbm>>) target(%arg16 : memref<640xf32, #tpu.memory_space<vmem>>) target_semaphore(%run_scoped3A : memref<!tpu.dma_semaphore, #tpu.memory_space<semaphore_mem>>)
      %dma_wait3A = tpu.memref_slice %arg4[%mul3A_2] : memref<10240xf32, #tpu.memory_space<hbm>> -> memref<640xf32, #tpu.memory_space<hbm>>
      %dma_wait3A_106 = tpu.memref_slice %arg4[%mul3A_2] : memref<10240xf32, #tpu.memory_space<hbm>> -> memref<640xf32, #tpu.memory_space<hbm>>
      tpu.wait_dma2 semaphore(%run_scoped3A : memref<!tpu.dma_semaphore, #tpu.memory_space<semaphore_mem>>) src(%dma_wait3A_106 : memref<640xf32, #tpu.memory_space<hbm>>) dst(%arg16 : memref<640xf32, #tpu.memory_space<vmem>>)
      tpu.yield
    }) : () -> ()
    "tpu.region"() ({
      %run_scoped3A = tpu.sem_alloc : memref<!tpu.dma_semaphore, #tpu.memory_space<semaphore_mem>>
      %dma_start3A_104 = arith.constant 0 : i32
      %dma_start3A_105 = tpu.memref_slice %arg2[%mul3A_2, %dma_start3A_104] : memref<10240x128xf32, #tpu.memory_space<hbm>> -> memref<640x48xf32, #tpu.memory_space<hbm>>
      %dma_start3A_106 = arith.constant 0 : i32
      %dma_start3A_107 = tpu.memref_slice %arg2[%mul3A_2, %dma_start3A_106] : memref<10240x128xf32, #tpu.memory_space<hbm>> -> memref<640x48xf32, #tpu.memory_space<hbm>>
      tpu.enqueue_dma source(%dma_start3A_107 : memref<640x48xf32, #tpu.memory_space<hbm>>) target(%arg13 : memref<640x48xf32, #tpu.memory_space<vmem>>) target_semaphore(%run_scoped3A : memref<!tpu.dma_semaphore, #tpu.memory_space<semaphore_mem>>)
      %dma_wait3A = arith.constant 0 : i32
      %dma_wait3A_108 = tpu.memref_slice %arg2[%mul3A_2, %dma_wait3A] : memref<10240x128xf32, #tpu.memory_space<hbm>> -> memref<640x48xf32, #tpu.memory_space<hbm>>
      %dma_wait3A_109 = arith.constant 0 : i32
      %dma_wait3A_110 = tpu.memref_slice %arg2[%mul3A_2, %dma_wait3A_109] : memref<10240x128xf32, #tpu.memory_space<hbm>> -> memref<640x48xf32, #tpu.memory_space<hbm>>
      tpu.wait_dma2 semaphore(%run_scoped3A : memref<!tpu.dma_semaphore, #tpu.memory_space<semaphore_mem>>) src(%dma_wait3A_110 : memref<640x48xf32, #tpu.memory_space<hbm>>) dst(%arg13 : memref<640x48xf32, #tpu.memory_space<vmem>>)
      tpu.yield
    }) : () -> ()
    %scan3A = arith.constant 0 : i32
    %scan3A_3 = arith.constant 0 : i32
    %scan3A_4 = arith.constant 40 : i32
    %scan3A_5 = arith.addi %scan3A_3, %scan3A_4 : i32
    %scan3A_6 = arith.constant 1 : i32
    %scan3A_7 = scf.for %scan3A_104 = %scan3A_3 to %scan3A_5 step %scan3A_6 iter_args(%scan3A_105 = %scan3A) -> (i32)  : i32 {
      %mul3A_106 = arith.constant 16 : i32
      %mul3A_107 = arith.muli %scan3A_104, %mul3A_106 : i32
      %get3A = arith.index_cast %mul3A_107 : i32 to index
      %get3A_108 = tpu.vector_load %arg15[%get3A] {strides = array<i32>} : memref<640xf32, #tpu.memory_space<vmem>>, vector<16xf32>,
      %get3A_109 = arith.index_cast %mul3A_107 : i32 to index
      %get3A_110 = tpu.vector_load %arg16[%get3A_109] {strides = array<i32>} : memref<640xf32, #tpu.memory_space<vmem>>, vector<16xf32>,
      %add3A_111 = arith.addf %get3A_108, %get3A_110 : vector<16xf32>
      %sub3A = arith.constant 1.000000e+00 : f32
      %sub3A_112 = vector.broadcast %sub3A : f32 to vector<16xf32>
      %sub3A_113 = arith.subf %add3A_111, %sub3A_112 : vector<16xf32>
      %bitcast3A = vector.bitcast %sub3A_113 : vector<16xf32> to vector<16xi32>
      %shift_right_arithmetic3A = arith.constant 1 : i32
      %shift_right_arithmetic3A_114 = vector.broadcast %shift_right_arithmetic3A : i32 to vector<16xi32>
      %shift_right_arithmetic3A_115 = arith.shrsi %bitcast3A, %shift_right_arithmetic3A_114 : vector<16xi32>
      %sub3A_116 = arith.constant 1597463007 : i32
      %sub3A_117 = vector.broadcast %sub3A_116 : i32 to vector<16xi32>
      %sub3A_118 = arith.subi %sub3A_117, %shift_right_arithmetic3A_115 : vector<16xi32>
      %bitcast3A_119 = vector.bitcast %sub3A_118 : vector<16xi32> to vector<16xf32>
      %mul3A_120 = arith.constant 5.000000e-01 : f32
      %mul3A_121 = vector.broadcast %mul3A_120 : f32 to vector<16xf32>
      %mul3A_122 = arith.mulf %mul3A_121, %sub3A_113 : vector<16xf32>
      %mul3A_123 = arith.mulf %mul3A_122, %bitcast3A_119 : vector<16xf32>
      %mul3A_124 = arith.mulf %mul3A_123, %bitcast3A_119 : vector<16xf32>
      %sub3A_125 = arith.constant 1.500000e+00 : f32
      %sub3A_126 = vector.broadcast %sub3A_125 : f32 to vector<16xf32>
      %sub3A_127 = arith.subf %sub3A_126, %mul3A_124 : vector<16xf32>
      %mul3A_128 = arith.mulf %bitcast3A_119, %sub3A_127 : vector<16xf32>
      %mul3A_129 = arith.mulf %mul3A_122, %mul3A_128 : vector<16xf32>
      %mul3A_130 = arith.mulf %mul3A_129, %mul3A_128 : vector<16xf32>
      %sub3A_131 = arith.constant 1.500000e+00 : f32
      %sub3A_132 = vector.broadcast %sub3A_131 : f32 to vector<16xf32>
      %sub3A_133 = arith.subf %sub3A_132, %mul3A_130 : vector<16xf32>
      %mul3A_134 = arith.mulf %mul3A_128, %sub3A_133 : vector<16xf32>
      %mul3A_135 = arith.mulf %mul3A_122, %mul3A_134 : vector<16xf32>
      %mul3A_136 = arith.mulf %mul3A_135, %mul3A_134 : vector<16xf32>
      %sub3A_137 = arith.constant 1.500000e+00 : f32
      %sub3A_138 = vector.broadcast %sub3A_137 : f32 to vector<16xf32>
      %sub3A_139 = arith.subf %sub3A_138, %mul3A_136 : vector<16xf32>
      %mul3A_140 = arith.mulf %mul3A_134, %sub3A_139 : vector<16xf32>
      %swap3A = arith.index_cast %mul3A_107 : i32 to index
      %swap3A_141 = tpu.vector_load %arg14[%swap3A] {strides = array<i32>} : memref<640xf32, #tpu.memory_space<vmem>>, vector<16xf32>,
      tpu.vector_store %arg14[%swap3A], %mul3A_140 {strides = array<i32>} : memref<640xf32, #tpu.memory_space<vmem>>, vector<16xf32>,
      %scan3A_142 = arith.constant 0 : i32
      scf.yield %scan3A_142 : i32
    }
    %scan3A_8 = arith.constant 40 : i32
    %scan3A_9 = arith.constant 0 : i32
    %scan3A_10 = arith.constant 0 : i32
    %scan3A_11 = arith.constant 40 : i32
    %scan3A_12 = arith.addi %scan3A_10, %scan3A_11 : i32
    %scan3A_13 = arith.constant 1 : i32
    %scan3A_14 = scf.for %scan3A_104 = %scan3A_10 to %scan3A_12 step %scan3A_13 iter_args(%scan3A_105 = %scan3A_9) -> (i32)  : i32 {
      %mul3A_106 = arith.constant 16 : i32
      %mul3A_107 = arith.muli %scan3A_104, %mul3A_106 : i32
      %get3A = arith.index_cast %mul3A_107 : i32 to index
      %get3A_108 = tpu.vector_load %arg14[%get3A] {strides = array<i32>} : memref<640xf32, #tpu.memory_space<vmem>>, vector<16xf32>,
      %mul3A_109 = arith.constant 16 : i32
      %mul3A_110 = arith.muli %scan3A_104, %mul3A_109 : i32
      %add3A_111 = arith.constant 0 : i32
      %add3A_112 = arith.addi %mul3A_110, %add3A_111 : i32
      %slice3A = vector.extract_strided_slice %get3A_108 {offsets = [0], sizes = [1], strides = [1]} : vector<16xf32> to vector<1xf32>
      %squeeze3A = vector.extract %slice3A[0] : f32 from vector<1xf32>
      %broadcast_in_dim3A = vector.broadcast %squeeze3A : f32 to vector<16xf32>
      %get3A_113 = arith.index_cast %add3A_112 : i32 to index
      %get3A_114 = arith.constant 0 : index
      %get3A_115 = tpu.vector_load %arg13[%get3A_113, %get3A_114] {strides = array<i32>} : memref<640x48xf32, #tpu.memory_space<vmem>>, vector<16xf32>,
      %mul3A_116 = arith.mulf %get3A_115, %broadcast_in_dim3A : vector<16xf32>
      %swap3A = arith.index_cast %add3A_112 : i32 to index
      %swap3A_117 = arith.constant 0 : index
      %swap3A_118 = tpu.vector_load %arg13[%swap3A, %swap3A_117] {strides = array<i32>} : memref<640x48xf32, #tpu.memory_space<vmem>>, vector<16xf32>,
      tpu.vector_store %arg13[%swap3A, %swap3A_117], %mul3A_116 {strides = array<i32>} : memref<640x48xf32, #tpu.memory_space<vmem>>, vector<16xf32>,
      %get3A_119 = arith.index_cast %add3A_112 : i32 to index
      %get3A_120 = arith.constant 16 : index
      %get3A_121 = tpu.vector_load %arg13[%get3A_119, %get3A_120] {strides = array<i32>} : memref<640x48xf32, #tpu.memory_space<vmem>>, vector<16xf32>,
      %mul3A_122 = arith.mulf %get3A_121, %broadcast_in_dim3A : vector<16xf32>
      %swap3A_123 = arith.index_cast %add3A_112 : i32 to index
      %swap3A_124 = arith.constant 16 : index
      %swap3A_125 = tpu.vector_load %arg13[%swap3A_123, %swap3A_124] {strides = array<i32>} : memref<640x48xf32, #tpu.memory_space<vmem>>, vector<16xf32>,
      tpu.vector_store %arg13[%swap3A_123, %swap3A_124], %mul3A_122 {strides = array<i32>} : memref<640x48xf32, #tpu.memory_space<vmem>>, vector<16xf32>,
      %get3A_126 = arith.index_cast %add3A_112 : i32 to index
      %get3A_127 = arith.constant 32 : index
      %get3A_128 = tpu.vector_load %arg13[%get3A_126, %get3A_127] {strides = array<i32>} : memref<640x48xf32, #tpu.memory_space<vmem>>, vector<16xf32>,
      %mul3A_129 = arith.mulf %get3A_128, %broadcast_in_dim3A : vector<16xf32>
      %swap3A_130 = arith.index_cast %add3A_112 : i32 to index
      %swap3A_131 = arith.constant 32 : index
      %swap3A_132 = tpu.vector_load %arg13[%swap3A_130, %swap3A_131] {strides = array<i32>} : memref<640x48xf32, #tpu.memory_space<vmem>>, vector<16xf32>,
      tpu.vector_store %arg13[%swap3A_130, %swap3A_131], %mul3A_129 {strides = array<i32>} : memref<640x48xf32, #tpu.memory_space<vmem>>, vector<16xf32>,
      %mul3A_133 = arith.constant 16 : i32
      %mul3A_134 = arith.muli %scan3A_104, %mul3A_133 : i32
      %add3A_135 = arith.constant 1 : i32
      %add3A_136 = arith.addi %mul3A_134, %add3A_135 : i32
      %slice3A_137 = vector.extract_strided_slice %get3A_108 {offsets = [1], sizes = [1], strides = [1]} : vector<16xf32> to vector<1xf32>
      %squeeze3A_138 = vector.extract %slice3A_137[0] : f32 from vector<1xf32>
      %broadcast_in_dim3A_139 = vector.broadcast %squeeze3A_138 : f32 to vector<16xf32>
      %get3A_140 = arith.index_cast %add3A_136 : i32 to index
      %get3A_141 = arith.constant 0 : index
      %get3A_142 = tpu.vector_load %arg13[%get3A_140, %get3A_141] {strides = array<i32>} : memref<640x48xf32, #tpu.memory_space<vmem>>, vector<16xf32>,
      %mul3A_143 = arith.mulf %get3A_142, %broadcast_in_dim3A_139 : vector<16xf32>
      %swap3A_144 = arith.index_cast %add3A_136 : i32 to index
      %swap3A_145 = arith.constant 0 : index
      %swap3A_146 = tpu.vector_load %arg13[%swap3A_144, %swap3A_145] {strides = array<i32>} : memref<640x48xf32, #tpu.memory_space<vmem>>, vector<16xf32>,
      tpu.vector_store %arg13[%swap3A_144, %swap3A_145], %mul3A_143 {strides = array<i32>} : memref<640x48xf32, #tpu.memory_space<vmem>>, vector<16xf32>,
      %get3A_147 = arith.index_cast %add3A_136 : i32 to index
      %get3A_148 = arith.constant 16 : index
      %get3A_149 = tpu.vector_load %arg13[%get3A_147, %get3A_148] {strides = array<i32>} : memref<640x48xf32, #tpu.memory_space<vmem>>, vector<16xf32>,
      %mul3A_150 = arith.mulf %get3A_149, %broadcast_in_dim3A_139 : vector<16xf32>
      %swap3A_151 = arith.index_cast %add3A_136 : i32 to index
      %swap3A_152 = arith.constant 16 : index
      %swap3A_153 = tpu.vector_load %arg13[%swap3A_151, %swap3A_152] {strides = array<i32>} : memref<640x48xf32, #tpu.memory_space<vmem>>, vector<16xf32>,
      tpu.vector_store %arg13[%swap3A_151, %swap3A_152], %mul3A_150 {strides = array<i32>} : memref<640x48xf32, #tpu.memory_space<vmem>>, vector<16xf32>,
      %get3A_154 = arith.index_cast %add3A_136 : i32 to index
      %get3A_155 = arith.constant 32 : index
      %get3A_156 = tpu.vector_load %arg13[%get3A_154, %get3A_155] {strides = array<i32>} : memref<640x48xf32, #tpu.memory_space<vmem>>, vector<16xf32>,
      %mul3A_157 = arith.mulf %get3A_156, %broadcast_in_dim3A_139 : vector<16xf32>
      %swap3A_158 = arith.index_cast %add3A_136 : i32 to index
      %swap3A_159 = arith.constant 32 : index
      %swap3A_160 = tpu.vector_load %arg13[%swap3A_158, %swap3A_159] {strides = array<i32>} : memref<640x48xf32, #tpu.memory_space<vmem>>, vector<16xf32>,
      tpu.vector_store %arg13[%swap3A_158, %swap3A_159], %mul3A_157 {strides = array<i32>} : memref<640x48xf32, #tpu.memory_space<vmem>>, vector<16xf32>,
      %mul3A_161 = arith.constant 16 : i32
      %mul3A_162 = arith.muli %scan3A_104, %mul3A_161 : i32
      %add3A_163 = arith.constant 2 : i32
      %add3A_164 = arith.addi %mul3A_162, %add3A_163 : i32
      %slice3A_165 = vector.extract_strided_slice %get3A_108 {offsets = [2], sizes = [1], strides = [1]} : vector<16xf32> to vector<1xf32>
      %squeeze3A_166 = vector.extract %slice3A_165[0] : f32 from vector<1xf32>
      %broadcast_in_dim3A_167 = vector.broadcast %squeeze3A_166 : f32 to vector<16xf32>
      %get3A_168 = arith.index_cast %add3A_164 : i32 to index
      %get3A_169 = arith.constant 0 : index
      %get3A_170 = tpu.vector_load %arg13[%get3A_168, %get3A_169] {strides = array<i32>} : memref<640x48xf32, #tpu.memory_space<vmem>>, vector<16xf32>,
      %mul3A_171 = arith.mulf %get3A_170, %broadcast_in_dim3A_167 : vector<16xf32>
      %swap3A_172 = arith.index_cast %add3A_164 : i32 to index
      %swap3A_173 = arith.constant 0 : index
      %swap3A_174 = tpu.vector_load %arg13[%swap3A_172, %swap3A_173] {strides = array<i32>} : memref<640x48xf32, #tpu.memory_space<vmem>>, vector<16xf32>,
      tpu.vector_store %arg13[%swap3A_172, %swap3A_173], %mul3A_171 {strides = array<i32>} : memref<640x48xf32, #tpu.memory_space<vmem>>, vector<16xf32>,
      %get3A_175 = arith.index_cast %add3A_164 : i32 to index
      %get3A_176 = arith.constant 16 : index
      %get3A_177 = tpu.vector_load %arg13[%get3A_175, %get3A_176] {strides = array<i32>} : memref<640x48xf32, #tpu.memory_space<vmem>>, vector<16xf32>,
      %mul3A_178 = arith.mulf %get3A_177, %broadcast_in_dim3A_167 : vector<16xf32>
      %swap3A_179 = arith.index_cast %add3A_164 : i32 to index
      %swap3A_180 = arith.constant 16 : index
      %swap3A_181 = tpu.vector_load %arg13[%swap3A_179, %swap3A_180] {strides = array<i32>} : memref<640x48xf32, #tpu.memory_space<vmem>>, vector<16xf32>,
      tpu.vector_store %arg13[%swap3A_179, %swap3A_180], %mul3A_178 {strides = array<i32>} : memref<640x48xf32, #tpu.memory_space<vmem>>, vector<16xf32>,
      %get3A_182 = arith.index_cast %add3A_164 : i32 to index
      %get3A_183 = arith.constant 32 : index
      %get3A_184 = tpu.vector_load %arg13[%get3A_182, %get3A_183] {strides = array<i32>} : memref<640x48xf32, #tpu.memory_space<vmem>>, vector<16xf32>,
      %mul3A_185 = arith.mulf %get3A_184, %broadcast_in_dim3A_167 : vector<16xf32>
      %swap3A_186 = arith.index_cast %add3A_164 : i32 to index
      %swap3A_187 = arith.constant 32 : index
      %swap3A_188 = tpu.vector_load %arg13[%swap3A_186, %swap3A_187] {strides = array<i32>} : memref<640x48xf32, #tpu.memory_space<vmem>>, vector<16xf32>,
      tpu.vector_store %arg13[%swap3A_186, %swap3A_187], %mul3A_185 {strides = array<i32>} : memref<640x48xf32, #tpu.memory_space<vmem>>, vector<16xf32>,
      %mul3A_189 = arith.constant 16 : i32
      %mul3A_190 = arith.muli %scan3A_104, %mul3A_189 : i32
      %add3A_191 = arith.constant 3 : i32
      %add3A_192 = arith.addi %mul3A_190, %add3A_191 : i32
      %slice3A_193 = vector.extract_strided_slice %get3A_108 {offsets = [3], sizes = [1], strides = [1]} : vector<16xf32> to vector<1xf32>
      %squeeze3A_194 = vector.extract %slice3A_193[0] : f32 from vector<1xf32>
      %broadcast_in_dim3A_195 = vector.broadcast %squeeze3A_194 : f32 to vector<16xf32>
      %get3A_196 = arith.index_cast %add3A_192 : i32 to index
      %get3A_197 = arith.constant 0 : index
      %get3A_198 = tpu.vector_load %arg13[%get3A_196, %get3A_197] {strides = array<i32>} : memref<640x48xf32, #tpu.memory_space<vmem>>, vector<16xf32>,
      %mul3A_199 = arith.mulf %get3A_198, %broadcast_in_dim3A_195 : vector<16xf32>
      %swap3A_200 = arith.index_cast %add3A_192 : i32 to index
      %swap3A_201 = arith.constant 0 : index
      %swap3A_202 = tpu.vector_load %arg13[%swap3A_200, %swap3A_201] {strides = array<i32>} : memref<640x48xf32, #tpu.memory_space<vmem>>, vector<16xf32>,
      tpu.vector_store %arg13[%swap3A_200, %swap3A_201], %mul3A_199 {strides = array<i32>} : memref<640x48xf32, #tpu.memory_space<vmem>>, vector<16xf32>,
      %get3A_203 = arith.index_cast %add3A_192 : i32 to index
      %get3A_204 = arith.constant 16 : index
      %get3A_205 = tpu.vector_load %arg13[%get3A_203, %get3A_204] {strides = array<i32>} : memref<640x48xf32, #tpu.memory_space<vmem>>, vector<16xf32>,
      %mul3A_206 = arith.mulf %get3A_205, %broadcast_in_dim3A_195 : vector<16xf32>
      %swap3A_207 = arith.index_cast %add3A_192 : i32 to index
      %swap3A_208 = arith.constant 16 : index
      %swap3A_209 = tpu.vector_load %arg13[%swap3A_207, %swap3A_208] {strides = array<i32>} : memref<640x48xf32, #tpu.memory_space<vmem>>, vector<16xf32>,
      tpu.vector_store %arg13[%swap3A_207, %swap3A_208], %mul3A_206 {strides = array<i32>} : memref<640x48xf32, #tpu.memory_space<vmem>>, vector<16xf32>,
      %get3A_210 = arith.index_cast %add3A_192 : i32 to index
      %get3A_211 = arith.constant 32 : index
      %get3A_212 = tpu.vector_load %arg13[%get3A_210, %get3A_211] {strides = array<i32>} : memref<640x48xf32, #tpu.memory_space<vmem>>, vector<16xf32>,
      %mul3A_213 = arith.mulf %get3A_212, %broadcast_in_dim3A_195 : vector<16xf32>
      %swap3A_214 = arith.index_cast %add3A_192 : i32 to index
      %swap3A_215 = arith.constant 32 : index
      %swap3A_216 = tpu.vector_load %arg13[%swap3A_214, %swap3A_215] {strides = array<i32>} : memref<640x48xf32, #tpu.memory_space<vmem>>, vector<16xf32>,
      tpu.vector_store %arg13[%swap3A_214, %swap3A_215], %mul3A_213 {strides = array<i32>} : memref<640x48xf32, #tpu.memory_space<vmem>>, vector<16xf32>,
      %mul3A_217 = arith.constant 16 : i32
      %mul3A_218 = arith.muli %scan3A_104, %mul3A_217 : i32
      %add3A_219 = arith.constant 4 : i32
      %add3A_220 = arith.addi %mul3A_218, %add3A_219 : i32
      %slice3A_221 = vector.extract_strided_slice %get3A_108 {offsets = [4], sizes = [1], strides = [1]} : vector<16xf32> to vector<1xf32>
      %squeeze3A_222 = vector.extract %slice3A_221[0] : f32 from vector<1xf32>
      %broadcast_in_dim3A_223 = vector.broadcast %squeeze3A_222 : f32 to vector<16xf32>
      %get3A_224 = arith.index_cast %add3A_220 : i32 to index
      %get3A_225 = arith.constant 0 : index
      %get3A_226 = tpu.vector_load %arg13[%get3A_224, %get3A_225] {strides = array<i32>} : memref<640x48xf32, #tpu.memory_space<vmem>>, vector<16xf32>,
      %mul3A_227 = arith.mulf %get3A_226, %broadcast_in_dim3A_223 : vector<16xf32>
      %swap3A_228 = arith.index_cast %add3A_220 : i32 to index
      %swap3A_229 = arith.constant 0 : index
      %swap3A_230 = tpu.vector_load %arg13[%swap3A_228, %swap3A_229] {strides = array<i32>} : memref<640x48xf32, #tpu.memory_space<vmem>>, vector<16xf32>,
      tpu.vector_store %arg13[%swap3A_228, %swap3A_229], %mul3A_227 {strides = array<i32>} : memref<640x48xf32, #tpu.memory_space<vmem>>, vector<16xf32>,
      %get3A_231 = arith.index_cast %add3A_220 : i32 to index
      %get3A_232 = arith.constant 16 : index
      %get3A_233 = tpu.vector_load %arg13[%get3A_231, %get3A_232] {strides = array<i32>} : memref<640x48xf32, #tpu.memory_space<vmem>>, vector<16xf32>,
      %mul3A_234 = arith.mulf %get3A_233, %broadcast_in_dim3A_223 : vector<16xf32>
      %swap3A_235 = arith.index_cast %add3A_220 : i32 to index
      %swap3A_236 = arith.constant 16 : index
      %swap3A_237 = tpu.vector_load %arg13[%swap3A_235, %swap3A_236] {strides = array<i32>} : memref<640x48xf32, #tpu.memory_space<vmem>>, vector<16xf32>,
      tpu.vector_store %arg13[%swap3A_235, %swap3A_236], %mul3A_234 {strides = array<i32>} : memref<640x48xf32, #tpu.memory_space<vmem>>, vector<16xf32>,
      %get3A_238 = arith.index_cast %add3A_220 : i32 to index
      %get3A_239 = arith.constant 32 : index
      %get3A_240 = tpu.vector_load %arg13[%get3A_238, %get3A_239] {strides = array<i32>} : memref<640x48xf32, #tpu.memory_space<vmem>>, vector<16xf32>,
      %mul3A_241 = arith.mulf %get3A_240, %broadcast_in_dim3A_223 : vector<16xf32>
      %swap3A_242 = arith.index_cast %add3A_220 : i32 to index
      %swap3A_243 = arith.constant 32 : index
      %swap3A_244 = tpu.vector_load %arg13[%swap3A_242, %swap3A_243] {strides = array<i32>} : memref<640x48xf32, #tpu.memory_space<vmem>>, vector<16xf32>,
      tpu.vector_store %arg13[%swap3A_242, %swap3A_243], %mul3A_241 {strides = array<i32>} : memref<640x48xf32, #tpu.memory_space<vmem>>, vector<16xf32>,
      %mul3A_245 = arith.constant 16 : i32
      %mul3A_246 = arith.muli %scan3A_104, %mul3A_245 : i32
      %add3A_247 = arith.constant 5 : i32
      %add3A_248 = arith.addi %mul3A_246, %add3A_247 : i32
      %slice3A_249 = vector.extract_strided_slice %get3A_108 {offsets = [5], sizes = [1], strides = [1]} : vector<16xf32> to vector<1xf32>
      %squeeze3A_250 = vector.extract %slice3A_249[0] : f32 from vector<1xf32>
      %broadcast_in_dim3A_251 = vector.broadcast %squeeze3A_250 : f32 to vector<16xf32>
      %get3A_252 = arith.index_cast %add3A_248 : i32 to index
      %get3A_253 = arith.constant 0 : index
      %get3A_254 = tpu.vector_load %arg13[%get3A_252, %get3A_253] {strides = array<i32>} : memref<640x48xf32, #tpu.memory_space<vmem>>, vector<16xf32>,
      %mul3A_255 = arith.mulf %get3A_254, %broadcast_in_dim3A_251 : vector<16xf32>
      %swap3A_256 = arith.index_cast %add3A_248 : i32 to index
      %swap3A_257 = arith.constant 0 : index
      %swap3A_258 = tpu.vector_load %arg13[%swap3A_256, %swap3A_257] {strides = array<i32>} : memref<640x48xf32, #tpu.memory_space<vmem>>, vector<16xf32>,
      tpu.vector_store %arg13[%swap3A_256, %swap3A_257], %mul3A_255 {strides = array<i32>} : memref<640x48xf32, #tpu.memory_space<vmem>>, vector<16xf32>,
      %get3A_259 = arith.index_cast %add3A_248 : i32 to index
      %get3A_260 = arith.constant 16 : index
      %get3A_261 = tpu.vector_load %arg13[%get3A_259, %get3A_260] {strides = array<i32>} : memref<640x48xf32, #tpu.memory_space<vmem>>, vector<16xf32>,
      %mul3A_262 = arith.mulf %get3A_261, %broadcast_in_dim3A_251 : vector<16xf32>
      %swap3A_263 = arith.index_cast %add3A_248 : i32 to index
      %swap3A_264 = arith.constant 16 : index
      %swap3A_265 = tpu.vector_load %arg13[%swap3A_263, %swap3A_264] {strides = array<i32>} : memref<640x48xf32, #tpu.memory_space<vmem>>, vector<16xf32>,
      tpu.vector_store %arg13[%swap3A_263, %swap3A_264], %mul3A_262 {strides = array<i32>} : memref<640x48xf32, #tpu.memory_space<vmem>>, vector<16xf32>,
      %get3A_266 = arith.index_cast %add3A_248 : i32 to index
      %get3A_267 = arith.constant 32 : index
      %get3A_268 = tpu.vector_load %arg13[%get3A_266, %get3A_267] {strides = array<i32>} : memref<640x48xf32, #tpu.memory_space<vmem>>, vector<16xf32>,
      %mul3A_269 = arith.mulf %get3A_268, %broadcast_in_dim3A_251 : vector<16xf32>
      %swap3A_270 = arith.index_cast %add3A_248 : i32 to index
      %swap3A_271 = arith.constant 32 : index
      %swap3A_272 = tpu.vector_load %arg13[%swap3A_270, %swap3A_271] {strides = array<i32>} : memref<640x48xf32, #tpu.memory_space<vmem>>, vector<16xf32>,
      tpu.vector_store %arg13[%swap3A_270, %swap3A_271], %mul3A_269 {strides = array<i32>} : memref<640x48xf32, #tpu.memory_space<vmem>>, vector<16xf32>,
      %mul3A_273 = arith.constant 16 : i32
      %mul3A_274 = arith.muli %scan3A_104, %mul3A_273 : i32
      %add3A_275 = arith.constant 6 : i32
      %add3A_276 = arith.addi %mul3A_274, %add3A_275 : i32
      %slice3A_277 = vector.extract_strided_slice %get3A_108 {offsets = [6], sizes = [1], strides = [1]} : vector<16xf32> to vector<1xf32>
      %squeeze3A_278 = vector.extract %slice3A_277[0] : f32 from vector<1xf32>
      %broadcast_in_dim3A_279 = vector.broadcast %squeeze3A_278 : f32 to vector<16xf32>
      %get3A_280 = arith.index_cast %add3A_276 : i32 to index
      %get3A_281 = arith.constant 0 : index
      %get3A_282 = tpu.vector_load %arg13[%get3A_280, %get3A_281] {strides = array<i32>} : memref<640x48xf32, #tpu.memory_space<vmem>>, vector<16xf32>,
      %mul3A_283 = arith.mulf %get3A_282, %broadcast_in_dim3A_279 : vector<16xf32>
      %swap3A_284 = arith.index_cast %add3A_276 : i32 to index
      %swap3A_285 = arith.constant 0 : index
      %swap3A_286 = tpu.vector_load %arg13[%swap3A_284, %swap3A_285] {strides = array<i32>} : memref<640x48xf32, #tpu.memory_space<vmem>>, vector<16xf32>,
      tpu.vector_store %arg13[%swap3A_284, %swap3A_285], %mul3A_283 {strides = array<i32>} : memref<640x48xf32, #tpu.memory_space<vmem>>, vector<16xf32>,
      %get3A_287 = arith.index_cast %add3A_276 : i32 to index
      %get3A_288 = arith.constant 16 : index
      %get3A_289 = tpu.vector_load %arg13[%get3A_287, %get3A_288] {strides = array<i32>} : memref<640x48xf32, #tpu.memory_space<vmem>>, vector<16xf32>,
      %mul3A_290 = arith.mulf %get3A_289, %broadcast_in_dim3A_279 : vector<16xf32>
      %swap3A_291 = arith.index_cast %add3A_276 : i32 to index
      %swap3A_292 = arith.constant 16 : index
      %swap3A_293 = tpu.vector_load %arg13[%swap3A_291, %swap3A_292] {strides = array<i32>} : memref<640x48xf32, #tpu.memory_space<vmem>>, vector<16xf32>,
      tpu.vector_store %arg13[%swap3A_291, %swap3A_292], %mul3A_290 {strides = array<i32>} : memref<640x48xf32, #tpu.memory_space<vmem>>, vector<16xf32>,
      %get3A_294 = arith.index_cast %add3A_276 : i32 to index
      %get3A_295 = arith.constant 32 : index
      %get3A_296 = tpu.vector_load %arg13[%get3A_294, %get3A_295] {strides = array<i32>} : memref<640x48xf32, #tpu.memory_space<vmem>>, vector<16xf32>,
      %mul3A_297 = arith.mulf %get3A_296, %broadcast_in_dim3A_279 : vector<16xf32>
      %swap3A_298 = arith.index_cast %add3A_276 : i32 to index
      %swap3A_299 = arith.constant 32 : index
      %swap3A_300 = tpu.vector_load %arg13[%swap3A_298, %swap3A_299] {strides = array<i32>} : memref<640x48xf32, #tpu.memory_space<vmem>>, vector<16xf32>,
      tpu.vector_store %arg13[%swap3A_298, %swap3A_299], %mul3A_297 {strides = array<i32>} : memref<640x48xf32, #tpu.memory_space<vmem>>, vector<16xf32>,
      %mul3A_301 = arith.constant 16 : i32
      %mul3A_302 = arith.muli %scan3A_104, %mul3A_301 : i32
      %add3A_303 = arith.constant 7 : i32
      %add3A_304 = arith.addi %mul3A_302, %add3A_303 : i32
      %slice3A_305 = vector.extract_strided_slice %get3A_108 {offsets = [7], sizes = [1], strides = [1]} : vector<16xf32> to vector<1xf32>
      %squeeze3A_306 = vector.extract %slice3A_305[0] : f32 from vector<1xf32>
      %broadcast_in_dim3A_307 = vector.broadcast %squeeze3A_306 : f32 to vector<16xf32>
      %get3A_308 = arith.index_cast %add3A_304 : i32 to index
      %get3A_309 = arith.constant 0 : index
      %get3A_310 = tpu.vector_load %arg13[%get3A_308, %get3A_309] {strides = array<i32>} : memref<640x48xf32, #tpu.memory_space<vmem>>, vector<16xf32>,
      %mul3A_311 = arith.mulf %get3A_310, %broadcast_in_dim3A_307 : vector<16xf32>
      %swap3A_312 = arith.index_cast %add3A_304 : i32 to index
      %swap3A_313 = arith.constant 0 : index
      %swap3A_314 = tpu.vector_load %arg13[%swap3A_312, %swap3A_313] {strides = array<i32>} : memref<640x48xf32, #tpu.memory_space<vmem>>, vector<16xf32>,
      tpu.vector_store %arg13[%swap3A_312, %swap3A_313], %mul3A_311 {strides = array<i32>} : memref<640x48xf32, #tpu.memory_space<vmem>>, vector<16xf32>,
      %get3A_315 = arith.index_cast %add3A_304 : i32 to index
      %get3A_316 = arith.constant 16 : index
      %get3A_317 = tpu.vector_load %arg13[%get3A_315, %get3A_316] {strides = array<i32>} : memref<640x48xf32, #tpu.memory_space<vmem>>, vector<16xf32>,
      %mul3A_318 = arith.mulf %get3A_317, %broadcast_in_dim3A_307 : vector<16xf32>
      %swap3A_319 = arith.index_cast %add3A_304 : i32 to index
      %swap3A_320 = arith.constant 16 : index
      %swap3A_321 = tpu.vector_load %arg13[%swap3A_319, %swap3A_320] {strides = array<i32>} : memref<640x48xf32, #tpu.memory_space<vmem>>, vector<16xf32>,
      tpu.vector_store %arg13[%swap3A_319, %swap3A_320], %mul3A_318 {strides = array<i32>} : memref<640x48xf32, #tpu.memory_space<vmem>>, vector<16xf32>,
      %get3A_322 = arith.index_cast %add3A_304 : i32 to index
      %get3A_323 = arith.constant 32 : index
      %get3A_324 = tpu.vector_load %arg13[%get3A_322, %get3A_323] {strides = array<i32>} : memref<640x48xf32, #tpu.memory_space<vmem>>, vector<16xf32>,
      %mul3A_325 = arith.mulf %get3A_324, %broadcast_in_dim3A_307 : vector<16xf32>
      %swap3A_326 = arith.index_cast %add3A_304 : i32 to index
      %swap3A_327 = arith.constant 32 : index
      %swap3A_328 = tpu.vector_load %arg13[%swap3A_326, %swap3A_327] {strides = array<i32>} : memref<640x48xf32, #tpu.memory_space<vmem>>, vector<16xf32>,
      tpu.vector_store %arg13[%swap3A_326, %swap3A_327], %mul3A_325 {strides = array<i32>} : memref<640x48xf32, #tpu.memory_space<vmem>>, vector<16xf32>,
      %mul3A_329 = arith.constant 16 : i32
      %mul3A_330 = arith.muli %scan3A_104, %mul3A_329 : i32
      %add3A_331 = arith.constant 8 : i32
      %add3A_332 = arith.addi %mul3A_330, %add3A_331 : i32
      %slice3A_333 = vector.extract_strided_slice %get3A_108 {offsets = [8], sizes = [1], strides = [1]} : vector<16xf32> to vector<1xf32>
      %squeeze3A_334 = vector.extract %slice3A_333[0] : f32 from vector<1xf32>
      %broadcast_in_dim3A_335 = vector.broadcast %squeeze3A_334 : f32 to vector<16xf32>
      %get3A_336 = arith.index_cast %add3A_332 : i32 to index
      %get3A_337 = arith.constant 0 : index
      %get3A_338 = tpu.vector_load %arg13[%get3A_336, %get3A_337] {strides = array<i32>} : memref<640x48xf32, #tpu.memory_space<vmem>>, vector<16xf32>,
      %mul3A_339 = arith.mulf %get3A_338, %broadcast_in_dim3A_335 : vector<16xf32>
      %swap3A_340 = arith.index_cast %add3A_332 : i32 to index
      %swap3A_341 = arith.constant 0 : index
      %swap3A_342 = tpu.vector_load %arg13[%swap3A_340, %swap3A_341] {strides = array<i32>} : memref<640x48xf32, #tpu.memory_space<vmem>>, vector<16xf32>,
      tpu.vector_store %arg13[%swap3A_340, %swap3A_341], %mul3A_339 {strides = array<i32>} : memref<640x48xf32, #tpu.memory_space<vmem>>, vector<16xf32>,
      %get3A_343 = arith.index_cast %add3A_332 : i32 to index
      %get3A_344 = arith.constant 16 : index
      %get3A_345 = tpu.vector_load %arg13[%get3A_343, %get3A_344] {strides = array<i32>} : memref<640x48xf32, #tpu.memory_space<vmem>>, vector<16xf32>,
      %mul3A_346 = arith.mulf %get3A_345, %broadcast_in_dim3A_335 : vector<16xf32>
      %swap3A_347 = arith.index_cast %add3A_332 : i32 to index
      %swap3A_348 = arith.constant 16 : index
      %swap3A_349 = tpu.vector_load %arg13[%swap3A_347, %swap3A_348] {strides = array<i32>} : memref<640x48xf32, #tpu.memory_space<vmem>>, vector<16xf32>,
      tpu.vector_store %arg13[%swap3A_347, %swap3A_348], %mul3A_346 {strides = array<i32>} : memref<640x48xf32, #tpu.memory_space<vmem>>, vector<16xf32>,
      %get3A_350 = arith.index_cast %add3A_332 : i32 to index
      %get3A_351 = arith.constant 32 : index
      %get3A_352 = tpu.vector_load %arg13[%get3A_350, %get3A_351] {strides = array<i32>} : memref<640x48xf32, #tpu.memory_space<vmem>>, vector<16xf32>,
      %mul3A_353 = arith.mulf %get3A_352, %broadcast_in_dim3A_335 : vector<16xf32>
      %swap3A_354 = arith.index_cast %add3A_332 : i32 to index
      %swap3A_355 = arith.constant 32 : index
      %swap3A_356 = tpu.vector_load %arg13[%swap3A_354, %swap3A_355] {strides = array<i32>} : memref<640x48xf32, #tpu.memory_space<vmem>>, vector<16xf32>,
      tpu.vector_store %arg13[%swap3A_354, %swap3A_355], %mul3A_353 {strides = array<i32>} : memref<640x48xf32, #tpu.memory_space<vmem>>, vector<16xf32>,
      %mul3A_357 = arith.constant 16 : i32
      %mul3A_358 = arith.muli %scan3A_104, %mul3A_357 : i32
      %add3A_359 = arith.constant 9 : i32
      %add3A_360 = arith.addi %mul3A_358, %add3A_359 : i32
      %slice3A_361 = vector.extract_strided_slice %get3A_108 {offsets = [9], sizes = [1], strides = [1]} : vector<16xf32> to vector<1xf32>
      %squeeze3A_362 = vector.extract %slice3A_361[0] : f32 from vector<1xf32>
      %broadcast_in_dim3A_363 = vector.broadcast %squeeze3A_362 : f32 to vector<16xf32>
      %get3A_364 = arith.index_cast %add3A_360 : i32 to index
      %get3A_365 = arith.constant 0 : index
      %get3A_366 = tpu.vector_load %arg13[%get3A_364, %get3A_365] {strides = array<i32>} : memref<640x48xf32, #tpu.memory_space<vmem>>, vector<16xf32>,
      %mul3A_367 = arith.mulf %get3A_366, %broadcast_in_dim3A_363 : vector<16xf32>
      %swap3A_368 = arith.index_cast %add3A_360 : i32 to index
      %swap3A_369 = arith.constant 0 : index
      %swap3A_370 = tpu.vector_load %arg13[%swap3A_368, %swap3A_369] {strides = array<i32>} : memref<640x48xf32, #tpu.memory_space<vmem>>, vector<16xf32>,
      tpu.vector_store %arg13[%swap3A_368, %swap3A_369], %mul3A_367 {strides = array<i32>} : memref<640x48xf32, #tpu.memory_space<vmem>>, vector<16xf32>,
      %get3A_371 = arith.index_cast %add3A_360 : i32 to index
      %get3A_372 = arith.constant 16 : index
      %get3A_373 = tpu.vector_load %arg13[%get3A_371, %get3A_372] {strides = array<i32>} : memref<640x48xf32, #tpu.memory_space<vmem>>, vector<16xf32>,
      %mul3A_374 = arith.mulf %get3A_373, %broadcast_in_dim3A_363 : vector<16xf32>
      %swap3A_375 = arith.index_cast %add3A_360 : i32 to index
      %swap3A_376 = arith.constant 16 : index
      %swap3A_377 = tpu.vector_load %arg13[%swap3A_375, %swap3A_376] {strides = array<i32>} : memref<640x48xf32, #tpu.memory_space<vmem>>, vector<16xf32>,
      tpu.vector_store %arg13[%swap3A_375, %swap3A_376], %mul3A_374 {strides = array<i32>} : memref<640x48xf32, #tpu.memory_space<vmem>>, vector<16xf32>,
      %get3A_378 = arith.index_cast %add3A_360 : i32 to index
      %get3A_379 = arith.constant 32 : index
      %get3A_380 = tpu.vector_load %arg13[%get3A_378, %get3A_379] {strides = array<i32>} : memref<640x48xf32, #tpu.memory_space<vmem>>, vector<16xf32>,
      %mul3A_381 = arith.mulf %get3A_380, %broadcast_in_dim3A_363 : vector<16xf32>
      %swap3A_382 = arith.index_cast %add3A_360 : i32 to index
      %swap3A_383 = arith.constant 32 : index
      %swap3A_384 = tpu.vector_load %arg13[%swap3A_382, %swap3A_383] {strides = array<i32>} : memref<640x48xf32, #tpu.memory_space<vmem>>, vector<16xf32>,
      tpu.vector_store %arg13[%swap3A_382, %swap3A_383], %mul3A_381 {strides = array<i32>} : memref<640x48xf32, #tpu.memory_space<vmem>>, vector<16xf32>,
      %mul3A_385 = arith.constant 16 : i32
      %mul3A_386 = arith.muli %scan3A_104, %mul3A_385 : i32
      %add3A_387 = arith.constant 10 : i32
      %add3A_388 = arith.addi %mul3A_386, %add3A_387 : i32
      %slice3A_389 = vector.extract_strided_slice %get3A_108 {offsets = [10], sizes = [1], strides = [1]} : vector<16xf32> to vector<1xf32>
      %squeeze3A_390 = vector.extract %slice3A_389[0] : f32 from vector<1xf32>
      %broadcast_in_dim3A_391 = vector.broadcast %squeeze3A_390 : f32 to vector<16xf32>
      %get3A_392 = arith.index_cast %add3A_388 : i32 to index
      %get3A_393 = arith.constant 0 : index
      %get3A_394 = tpu.vector_load %arg13[%get3A_392, %get3A_393] {strides = array<i32>} : memref<640x48xf32, #tpu.memory_space<vmem>>, vector<16xf32>,
      %mul3A_395 = arith.mulf %get3A_394, %broadcast_in_dim3A_391 : vector<16xf32>
      %swap3A_396 = arith.index_cast %add3A_388 : i32 to index
      %swap3A_397 = arith.constant 0 : index
      %swap3A_398 = tpu.vector_load %arg13[%swap3A_396, %swap3A_397] {strides = array<i32>} : memref<640x48xf32, #tpu.memory_space<vmem>>, vector<16xf32>,
      tpu.vector_store %arg13[%swap3A_396, %swap3A_397], %mul3A_395 {strides = array<i32>} : memref<640x48xf32, #tpu.memory_space<vmem>>, vector<16xf32>,
      %get3A_399 = arith.index_cast %add3A_388 : i32 to index
      %get3A_400 = arith.constant 16 : index
      %get3A_401 = tpu.vector_load %arg13[%get3A_399, %get3A_400] {strides = array<i32>} : memref<640x48xf32, #tpu.memory_space<vmem>>, vector<16xf32>,
      %mul3A_402 = arith.mulf %get3A_401, %broadcast_in_dim3A_391 : vector<16xf32>
      %swap3A_403 = arith.index_cast %add3A_388 : i32 to index
      %swap3A_404 = arith.constant 16 : index
      %swap3A_405 = tpu.vector_load %arg13[%swap3A_403, %swap3A_404] {strides = array<i32>} : memref<640x48xf32, #tpu.memory_space<vmem>>, vector<16xf32>,
      tpu.vector_store %arg13[%swap3A_403, %swap3A_404], %mul3A_402 {strides = array<i32>} : memref<640x48xf32, #tpu.memory_space<vmem>>, vector<16xf32>,
      %get3A_406 = arith.index_cast %add3A_388 : i32 to index
      %get3A_407 = arith.constant 32 : index
      %get3A_408 = tpu.vector_load %arg13[%get3A_406, %get3A_407] {strides = array<i32>} : memref<640x48xf32, #tpu.memory_space<vmem>>, vector<16xf32>,
      %mul3A_409 = arith.mulf %get3A_408, %broadcast_in_dim3A_391 : vector<16xf32>
      %swap3A_410 = arith.index_cast %add3A_388 : i32 to index
      %swap3A_411 = arith.constant 32 : index
      %swap3A_412 = tpu.vector_load %arg13[%swap3A_410, %swap3A_411] {strides = array<i32>} : memref<640x48xf32, #tpu.memory_space<vmem>>, vector<16xf32>,
      tpu.vector_store %arg13[%swap3A_410, %swap3A_411], %mul3A_409 {strides = array<i32>} : memref<640x48xf32, #tpu.memory_space<vmem>>, vector<16xf32>,
      %mul3A_413 = arith.constant 16 : i32
      %mul3A_414 = arith.muli %scan3A_104, %mul3A_413 : i32
      %add3A_415 = arith.constant 11 : i32
      %add3A_416 = arith.addi %mul3A_414, %add3A_415 : i32
      %slice3A_417 = vector.extract_strided_slice %get3A_108 {offsets = [11], sizes = [1], strides = [1]} : vector<16xf32> to vector<1xf32>
      %squeeze3A_418 = vector.extract %slice3A_417[0] : f32 from vector<1xf32>
      %broadcast_in_dim3A_419 = vector.broadcast %squeeze3A_418 : f32 to vector<16xf32>
      %get3A_420 = arith.index_cast %add3A_416 : i32 to index
      %get3A_421 = arith.constant 0 : index
      %get3A_422 = tpu.vector_load %arg13[%get3A_420, %get3A_421] {strides = array<i32>} : memref<640x48xf32, #tpu.memory_space<vmem>>, vector<16xf32>,
      %mul3A_423 = arith.mulf %get3A_422, %broadcast_in_dim3A_419 : vector<16xf32>
      %swap3A_424 = arith.index_cast %add3A_416 : i32 to index
      %swap3A_425 = arith.constant 0 : index
      %swap3A_426 = tpu.vector_load %arg13[%swap3A_424, %swap3A_425] {strides = array<i32>} : memref<640x48xf32, #tpu.memory_space<vmem>>, vector<16xf32>,
      tpu.vector_store %arg13[%swap3A_424, %swap3A_425], %mul3A_423 {strides = array<i32>} : memref<640x48xf32, #tpu.memory_space<vmem>>, vector<16xf32>,
      %get3A_427 = arith.index_cast %add3A_416 : i32 to index
      %get3A_428 = arith.constant 16 : index
      %get3A_429 = tpu.vector_load %arg13[%get3A_427, %get3A_428] {strides = array<i32>} : memref<640x48xf32, #tpu.memory_space<vmem>>, vector<16xf32>,
      %mul3A_430 = arith.mulf %get3A_429, %broadcast_in_dim3A_419 : vector<16xf32>
      %swap3A_431 = arith.index_cast %add3A_416 : i32 to index
      %swap3A_432 = arith.constant 16 : index
      %swap3A_433 = tpu.vector_load %arg13[%swap3A_431, %swap3A_432] {strides = array<i32>} : memref<640x48xf32, #tpu.memory_space<vmem>>, vector<16xf32>,
      tpu.vector_store %arg13[%swap3A_431, %swap3A_432], %mul3A_430 {strides = array<i32>} : memref<640x48xf32, #tpu.memory_space<vmem>>, vector<16xf32>,
      %get3A_434 = arith.index_cast %add3A_416 : i32 to index
      %get3A_435 = arith.constant 32 : index
      %get3A_436 = tpu.vector_load %arg13[%get3A_434, %get3A_435] {strides = array<i32>} : memref<640x48xf32, #tpu.memory_space<vmem>>, vector<16xf32>,
      %mul3A_437 = arith.mulf %get3A_436, %broadcast_in_dim3A_419 : vector<16xf32>
      %swap3A_438 = arith.index_cast %add3A_416 : i32 to index
      %swap3A_439 = arith.constant 32 : index
      %swap3A_440 = tpu.vector_load %arg13[%swap3A_438, %swap3A_439] {strides = array<i32>} : memref<640x48xf32, #tpu.memory_space<vmem>>, vector<16xf32>,
      tpu.vector_store %arg13[%swap3A_438, %swap3A_439], %mul3A_437 {strides = array<i32>} : memref<640x48xf32, #tpu.memory_space<vmem>>, vector<16xf32>,
      %mul3A_441 = arith.constant 16 : i32
      %mul3A_442 = arith.muli %scan3A_104, %mul3A_441 : i32
      %add3A_443 = arith.constant 12 : i32
      %add3A_444 = arith.addi %mul3A_442, %add3A_443 : i32
      %slice3A_445 = vector.extract_strided_slice %get3A_108 {offsets = [12], sizes = [1], strides = [1]} : vector<16xf32> to vector<1xf32>
      %squeeze3A_446 = vector.extract %slice3A_445[0] : f32 from vector<1xf32>
      %broadcast_in_dim3A_447 = vector.broadcast %squeeze3A_446 : f32 to vector<16xf32>
      %get3A_448 = arith.index_cast %add3A_444 : i32 to index
      %get3A_449 = arith.constant 0 : index
      %get3A_450 = tpu.vector_load %arg13[%get3A_448, %get3A_449] {strides = array<i32>} : memref<640x48xf32, #tpu.memory_space<vmem>>, vector<16xf32>,
      %mul3A_451 = arith.mulf %get3A_450, %broadcast_in_dim3A_447 : vector<16xf32>
      %swap3A_452 = arith.index_cast %add3A_444 : i32 to index
      %swap3A_453 = arith.constant 0 : index
      %swap3A_454 = tpu.vector_load %arg13[%swap3A_452, %swap3A_453] {strides = array<i32>} : memref<640x48xf32, #tpu.memory_space<vmem>>, vector<16xf32>,
      tpu.vector_store %arg13[%swap3A_452, %swap3A_453], %mul3A_451 {strides = array<i32>} : memref<640x48xf32, #tpu.memory_space<vmem>>, vector<16xf32>,
      %get3A_455 = arith.index_cast %add3A_444 : i32 to index
      %get3A_456 = arith.constant 16 : index
      %get3A_457 = tpu.vector_load %arg13[%get3A_455, %get3A_456] {strides = array<i32>} : memref<640x48xf32, #tpu.memory_space<vmem>>, vector<16xf32>,
      %mul3A_458 = arith.mulf %get3A_457, %broadcast_in_dim3A_447 : vector<16xf32>
      %swap3A_459 = arith.index_cast %add3A_444 : i32 to index
      %swap3A_460 = arith.constant 16 : index
      %swap3A_461 = tpu.vector_load %arg13[%swap3A_459, %swap3A_460] {strides = array<i32>} : memref<640x48xf32, #tpu.memory_space<vmem>>, vector<16xf32>,
      tpu.vector_store %arg13[%swap3A_459, %swap3A_460], %mul3A_458 {strides = array<i32>} : memref<640x48xf32, #tpu.memory_space<vmem>>, vector<16xf32>,
      %get3A_462 = arith.index_cast %add3A_444 : i32 to index
      %get3A_463 = arith.constant 32 : index
      %get3A_464 = tpu.vector_load %arg13[%get3A_462, %get3A_463] {strides = array<i32>} : memref<640x48xf32, #tpu.memory_space<vmem>>, vector<16xf32>,
      %mul3A_465 = arith.mulf %get3A_464, %broadcast_in_dim3A_447 : vector<16xf32>
      %swap3A_466 = arith.index_cast %add3A_444 : i32 to index
      %swap3A_467 = arith.constant 32 : index
      %swap3A_468 = tpu.vector_load %arg13[%swap3A_466, %swap3A_467] {strides = array<i32>} : memref<640x48xf32, #tpu.memory_space<vmem>>, vector<16xf32>,
      tpu.vector_store %arg13[%swap3A_466, %swap3A_467], %mul3A_465 {strides = array<i32>} : memref<640x48xf32, #tpu.memory_space<vmem>>, vector<16xf32>,
      %mul3A_469 = arith.constant 16 : i32
      %mul3A_470 = arith.muli %scan3A_104, %mul3A_469 : i32
      %add3A_471 = arith.constant 13 : i32
      %add3A_472 = arith.addi %mul3A_470, %add3A_471 : i32
      %slice3A_473 = vector.extract_strided_slice %get3A_108 {offsets = [13], sizes = [1], strides = [1]} : vector<16xf32> to vector<1xf32>
      %squeeze3A_474 = vector.extract %slice3A_473[0] : f32 from vector<1xf32>
      %broadcast_in_dim3A_475 = vector.broadcast %squeeze3A_474 : f32 to vector<16xf32>
      %get3A_476 = arith.index_cast %add3A_472 : i32 to index
      %get3A_477 = arith.constant 0 : index
      %get3A_478 = tpu.vector_load %arg13[%get3A_476, %get3A_477] {strides = array<i32>} : memref<640x48xf32, #tpu.memory_space<vmem>>, vector<16xf32>,
      %mul3A_479 = arith.mulf %get3A_478, %broadcast_in_dim3A_475 : vector<16xf32>
      %swap3A_480 = arith.index_cast %add3A_472 : i32 to index
      %swap3A_481 = arith.constant 0 : index
      %swap3A_482 = tpu.vector_load %arg13[%swap3A_480, %swap3A_481] {strides = array<i32>} : memref<640x48xf32, #tpu.memory_space<vmem>>, vector<16xf32>,
      tpu.vector_store %arg13[%swap3A_480, %swap3A_481], %mul3A_479 {strides = array<i32>} : memref<640x48xf32, #tpu.memory_space<vmem>>, vector<16xf32>,
      %get3A_483 = arith.index_cast %add3A_472 : i32 to index
      %get3A_484 = arith.constant 16 : index
      %get3A_485 = tpu.vector_load %arg13[%get3A_483, %get3A_484] {strides = array<i32>} : memref<640x48xf32, #tpu.memory_space<vmem>>, vector<16xf32>,
      %mul3A_486 = arith.mulf %get3A_485, %broadcast_in_dim3A_475 : vector<16xf32>
      %swap3A_487 = arith.index_cast %add3A_472 : i32 to index
      %swap3A_488 = arith.constant 16 : index
      %swap3A_489 = tpu.vector_load %arg13[%swap3A_487, %swap3A_488] {strides = array<i32>} : memref<640x48xf32, #tpu.memory_space<vmem>>, vector<16xf32>,
      tpu.vector_store %arg13[%swap3A_487, %swap3A_488], %mul3A_486 {strides = array<i32>} : memref<640x48xf32, #tpu.memory_space<vmem>>, vector<16xf32>,
      %get3A_490 = arith.index_cast %add3A_472 : i32 to index
      %get3A_491 = arith.constant 32 : index
      %get3A_492 = tpu.vector_load %arg13[%get3A_490, %get3A_491] {strides = array<i32>} : memref<640x48xf32, #tpu.memory_space<vmem>>, vector<16xf32>,
      %mul3A_493 = arith.mulf %get3A_492, %broadcast_in_dim3A_475 : vector<16xf32>
      %swap3A_494 = arith.index_cast %add3A_472 : i32 to index
      %swap3A_495 = arith.constant 32 : index
      %swap3A_496 = tpu.vector_load %arg13[%swap3A_494, %swap3A_495] {strides = array<i32>} : memref<640x48xf32, #tpu.memory_space<vmem>>, vector<16xf32>,
      tpu.vector_store %arg13[%swap3A_494, %swap3A_495], %mul3A_493 {strides = array<i32>} : memref<640x48xf32, #tpu.memory_space<vmem>>, vector<16xf32>,
      %mul3A_497 = arith.constant 16 : i32
      %mul3A_498 = arith.muli %scan3A_104, %mul3A_497 : i32
      %add3A_499 = arith.constant 14 : i32
      %add3A_500 = arith.addi %mul3A_498, %add3A_499 : i32
      %slice3A_501 = vector.extract_strided_slice %get3A_108 {offsets = [14], sizes = [1], strides = [1]} : vector<16xf32> to vector<1xf32>
      %squeeze3A_502 = vector.extract %slice3A_501[0] : f32 from vector<1xf32>
      %broadcast_in_dim3A_503 = vector.broadcast %squeeze3A_502 : f32 to vector<16xf32>
      %get3A_504 = arith.index_cast %add3A_500 : i32 to index
      %get3A_505 = arith.constant 0 : index
      %get3A_506 = tpu.vector_load %arg13[%get3A_504, %get3A_505] {strides = array<i32>} : memref<640x48xf32, #tpu.memory_space<vmem>>, vector<16xf32>,
      %mul3A_507 = arith.mulf %get3A_506, %broadcast_in_dim3A_503 : vector<16xf32>
      %swap3A_508 = arith.index_cast %add3A_500 : i32 to index
      %swap3A_509 = arith.constant 0 : index
      %swap3A_510 = tpu.vector_load %arg13[%swap3A_508, %swap3A_509] {strides = array<i32>} : memref<640x48xf32, #tpu.memory_space<vmem>>, vector<16xf32>,
      tpu.vector_store %arg13[%swap3A_508, %swap3A_509], %mul3A_507 {strides = array<i32>} : memref<640x48xf32, #tpu.memory_space<vmem>>, vector<16xf32>,
      %get3A_511 = arith.index_cast %add3A_500 : i32 to index
      %get3A_512 = arith.constant 16 : index
      %get3A_513 = tpu.vector_load %arg13[%get3A_511, %get3A_512] {strides = array<i32>} : memref<640x48xf32, #tpu.memory_space<vmem>>, vector<16xf32>,
      %mul3A_514 = arith.mulf %get3A_513, %broadcast_in_dim3A_503 : vector<16xf32>
      %swap3A_515 = arith.index_cast %add3A_500 : i32 to index
      %swap3A_516 = arith.constant 16 : index
      %swap3A_517 = tpu.vector_load %arg13[%swap3A_515, %swap3A_516] {strides = array<i32>} : memref<640x48xf32, #tpu.memory_space<vmem>>, vector<16xf32>,
      tpu.vector_store %arg13[%swap3A_515, %swap3A_516], %mul3A_514 {strides = array<i32>} : memref<640x48xf32, #tpu.memory_space<vmem>>, vector<16xf32>,
      %get3A_518 = arith.index_cast %add3A_500 : i32 to index
      %get3A_519 = arith.constant 32 : index
      %get3A_520 = tpu.vector_load %arg13[%get3A_518, %get3A_519] {strides = array<i32>} : memref<640x48xf32, #tpu.memory_space<vmem>>, vector<16xf32>,
      %mul3A_521 = arith.mulf %get3A_520, %broadcast_in_dim3A_503 : vector<16xf32>
      %swap3A_522 = arith.index_cast %add3A_500 : i32 to index
      %swap3A_523 = arith.constant 32 : index
      %swap3A_524 = tpu.vector_load %arg13[%swap3A_522, %swap3A_523] {strides = array<i32>} : memref<640x48xf32, #tpu.memory_space<vmem>>, vector<16xf32>,
      tpu.vector_store %arg13[%swap3A_522, %swap3A_523], %mul3A_521 {strides = array<i32>} : memref<640x48xf32, #tpu.memory_space<vmem>>, vector<16xf32>,
      %mul3A_525 = arith.constant 16 : i32
      %mul3A_526 = arith.muli %scan3A_104, %mul3A_525 : i32
      %add3A_527 = arith.constant 15 : i32
      %add3A_528 = arith.addi %mul3A_526, %add3A_527 : i32
      %slice3A_529 = vector.extract_strided_slice %get3A_108 {offsets = [15], sizes = [1], strides = [1]} : vector<16xf32> to vector<1xf32>
      %squeeze3A_530 = vector.extract %slice3A_529[0] : f32 from vector<1xf32>
      %broadcast_in_dim3A_531 = vector.broadcast %squeeze3A_530 : f32 to vector<16xf32>
      %get3A_532 = arith.index_cast %add3A_528 : i32 to index
      %get3A_533 = arith.constant 0 : index
      %get3A_534 = tpu.vector_load %arg13[%get3A_532, %get3A_533] {strides = array<i32>} : memref<640x48xf32, #tpu.memory_space<vmem>>, vector<16xf32>,
      %mul3A_535 = arith.mulf %get3A_534, %broadcast_in_dim3A_531 : vector<16xf32>
      %swap3A_536 = arith.index_cast %add3A_528 : i32 to index
      %swap3A_537 = arith.constant 0 : index
      %swap3A_538 = tpu.vector_load %arg13[%swap3A_536, %swap3A_537] {strides = array<i32>} : memref<640x48xf32, #tpu.memory_space<vmem>>, vector<16xf32>,
      tpu.vector_store %arg13[%swap3A_536, %swap3A_537], %mul3A_535 {strides = array<i32>} : memref<640x48xf32, #tpu.memory_space<vmem>>, vector<16xf32>,
      %get3A_539 = arith.index_cast %add3A_528 : i32 to index
      %get3A_540 = arith.constant 16 : index
      %get3A_541 = tpu.vector_load %arg13[%get3A_539, %get3A_540] {strides = array<i32>} : memref<640x48xf32, #tpu.memory_space<vmem>>, vector<16xf32>,
      %mul3A_542 = arith.mulf %get3A_541, %broadcast_in_dim3A_531 : vector<16xf32>
      %swap3A_543 = arith.index_cast %add3A_528 : i32 to index
      %swap3A_544 = arith.constant 16 : index
      %swap3A_545 = tpu.vector_load %arg13[%swap3A_543, %swap3A_544] {strides = array<i32>} : memref<640x48xf32, #tpu.memory_space<vmem>>, vector<16xf32>,
      tpu.vector_store %arg13[%swap3A_543, %swap3A_544], %mul3A_542 {strides = array<i32>} : memref<640x48xf32, #tpu.memory_space<vmem>>, vector<16xf32>,
      %get3A_546 = arith.index_cast %add3A_528 : i32 to index
      %get3A_547 = arith.constant 32 : index
      %get3A_548 = tpu.vector_load %arg13[%get3A_546, %get3A_547] {strides = array<i32>} : memref<640x48xf32, #tpu.memory_space<vmem>>, vector<16xf32>,
      %mul3A_549 = arith.mulf %get3A_548, %broadcast_in_dim3A_531 : vector<16xf32>
      %swap3A_550 = arith.index_cast %add3A_528 : i32 to index
      %swap3A_551 = arith.constant 32 : index
      %swap3A_552 = tpu.vector_load %arg13[%swap3A_550, %swap3A_551] {strides = array<i32>} : memref<640x48xf32, #tpu.memory_space<vmem>>, vector<16xf32>,
      tpu.vector_store %arg13[%swap3A_550, %swap3A_551], %mul3A_549 {strides = array<i32>} : memref<640x48xf32, #tpu.memory_space<vmem>>, vector<16xf32>,
      %scan3A_553 = arith.constant 0 : i32
      scf.yield %scan3A_553 : i32
    }
    %scan3A_15 = arith.constant 40 : i32
    "tpu.region"() ({
      %run_scoped3A = tpu.sem_alloc : memref<!tpu.dma_semaphore, #tpu.memory_space<semaphore_mem>>
      %dma_start3A_104 = arith.constant 0 : i32
      %dma_start3A_105 = tpu.memref_slice %arg9[%mul3A_2, %dma_start3A_104] : memref<10240x48xf32, #tpu.memory_space<hbm>> -> memref<640x48xf32, #tpu.memory_space<hbm>>
      %dma_start3A_106 = arith.constant 0 : i32
      %dma_start3A_107 = tpu.memref_slice %arg9[%mul3A_2, %dma_start3A_106] : memref<10240x48xf32, #tpu.memory_space<hbm>> -> memref<640x48xf32, #tpu.memory_space<hbm>>
      tpu.enqueue_dma source(%arg13 : memref<640x48xf32, #tpu.memory_space<vmem>>) target(%dma_start3A_107 : memref<640x48xf32, #tpu.memory_space<hbm>>) target_semaphore(%run_scoped3A : memref<!tpu.dma_semaphore, #tpu.memory_space<semaphore_mem>>)
      %dma_wait3A = arith.constant 0 : i32
      %dma_wait3A_108 = tpu.memref_slice %arg9[%mul3A_2, %dma_wait3A] : memref<10240x48xf32, #tpu.memory_space<hbm>> -> memref<640x48xf32, #tpu.memory_space<hbm>>
      %dma_wait3A_109 = arith.constant 0 : i32
      %dma_wait3A_110 = tpu.memref_slice %arg9[%mul3A_2, %dma_wait3A_109] : memref<10240x48xf32, #tpu.memory_space<hbm>> -> memref<640x48xf32, #tpu.memory_space<hbm>>
      tpu.wait_dma2 semaphore(%run_scoped3A : memref<!tpu.dma_semaphore, #tpu.memory_space<semaphore_mem>>) src(%arg13 : memref<640x48xf32, #tpu.memory_space<vmem>>) dst(%dma_wait3A_110 : memref<640x48xf32, #tpu.memory_space<hbm>>)
      tpu.yield
    }) : () -> ()
    %scan3A_16 = arith.constant 0 : i32
    %scan3A_17 = arith.constant 0 : i32
    %scan3A_18 = arith.constant 40 : i32
    %scan3A_19 = arith.addi %scan3A_17, %scan3A_18 : i32
    %scan3A_20 = arith.constant 1 : i32
    %scan3A_21 = scf.for %scan3A_104 = %scan3A_17 to %scan3A_19 step %scan3A_20 iter_args(%scan3A_105 = %scan3A_16) -> (i32)  : i32 {
      %mul3A_106 = arith.constant 16 : i32
      %mul3A_107 = arith.muli %scan3A_104, %mul3A_106 : i32
      %add3A_108 = arith.constant 0 : i32
      %add3A_109 = arith.addi %mul3A_107, %add3A_108 : i32
      %get3A = arith.index_cast %add3A_109 : i32 to index
      %get3A_110 = arith.constant 0 : index
      %get3A_111 = tpu.vector_load %arg13[%get3A, %get3A_110] {strides = array<i32>} : memref<640x48xf32, #tpu.memory_space<vmem>>, vector<16xf32>,
      %mul3A_112 = arith.constant 5.000000e-01 : f32
      %mul3A_113 = vector.broadcast %mul3A_112 : f32 to vector<16xf32>
      %mul3A_114 = arith.mulf %get3A_111, %mul3A_113 : vector<16xf32>
      %swap3A = arith.index_cast %add3A_109 : i32 to index
      %swap3A_115 = arith.constant 0 : index
      %swap3A_116 = tpu.vector_load %arg13[%swap3A, %swap3A_115] {strides = array<i32>} : memref<640x48xf32, #tpu.memory_space<vmem>>, vector<16xf32>,
      tpu.vector_store %arg13[%swap3A, %swap3A_115], %mul3A_114 {strides = array<i32>} : memref<640x48xf32, #tpu.memory_space<vmem>>, vector<16xf32>,
      %get3A_117 = arith.index_cast %add3A_109 : i32 to index
      %get3A_118 = arith.constant 16 : index
      %get3A_119 = tpu.vector_load %arg13[%get3A_117, %get3A_118] {strides = array<i32>} : memref<640x48xf32, #tpu.memory_space<vmem>>, vector<16xf32>,
      %mul3A_120 = arith.constant 5.000000e-01 : f32
      %mul3A_121 = vector.broadcast %mul3A_120 : f32 to vector<16xf32>
      %mul3A_122 = arith.mulf %get3A_119, %mul3A_121 : vector<16xf32>
      %swap3A_123 = arith.index_cast %add3A_109 : i32 to index
      %swap3A_124 = arith.constant 16 : index
      %swap3A_125 = tpu.vector_load %arg13[%swap3A_123, %swap3A_124] {strides = array<i32>} : memref<640x48xf32, #tpu.memory_space<vmem>>, vector<16xf32>,
      tpu.vector_store %arg13[%swap3A_123, %swap3A_124], %mul3A_122 {strides = array<i32>} : memref<640x48xf32, #tpu.memory_space<vmem>>, vector<16xf32>,
      %get3A_126 = arith.index_cast %add3A_109 : i32 to index
      %get3A_127 = arith.constant 32 : index
      %get3A_128 = tpu.vector_load %arg13[%get3A_126, %get3A_127] {strides = array<i32>} : memref<640x48xf32, #tpu.memory_space<vmem>>, vector<16xf32>,
      %mul3A_129 = arith.constant 5.000000e-01 : f32
      %mul3A_130 = vector.broadcast %mul3A_129 : f32 to vector<16xf32>
      %mul3A_131 = arith.mulf %get3A_128, %mul3A_130 : vector<16xf32>
      %swap3A_132 = arith.index_cast %add3A_109 : i32 to index
      %swap3A_133 = arith.constant 32 : index
      %swap3A_134 = tpu.vector_load %arg13[%swap3A_132, %swap3A_133] {strides = array<i32>} : memref<640x48xf32, #tpu.memory_space<vmem>>, vector<16xf32>,
      tpu.vector_store %arg13[%swap3A_132, %swap3A_133], %mul3A_131 {strides = array<i32>} : memref<640x48xf32, #tpu.memory_space<vmem>>, vector<16xf32>,
      %mul3A_135 = arith.constant 16 : i32
      %mul3A_136 = arith.muli %scan3A_104, %mul3A_135 : i32
      %add3A_137 = arith.constant 1 : i32
      %add3A_138 = arith.addi %mul3A_136, %add3A_137 : i32
      %get3A_139 = arith.index_cast %add3A_138 : i32 to index
      %get3A_140 = arith.constant 0 : index
      %get3A_141 = tpu.vector_load %arg13[%get3A_139, %get3A_140] {strides = array<i32>} : memref<640x48xf32, #tpu.memory_space<vmem>>, vector<16xf32>,
      %mul3A_142 = arith.constant 5.000000e-01 : f32
      %mul3A_143 = vector.broadcast %mul3A_142 : f32 to vector<16xf32>
      %mul3A_144 = arith.mulf %get3A_141, %mul3A_143 : vector<16xf32>
      %swap3A_145 = arith.index_cast %add3A_138 : i32 to index
      %swap3A_146 = arith.constant 0 : index
      %swap3A_147 = tpu.vector_load %arg13[%swap3A_145, %swap3A_146] {strides = array<i32>} : memref<640x48xf32, #tpu.memory_space<vmem>>, vector<16xf32>,
      tpu.vector_store %arg13[%swap3A_145, %swap3A_146], %mul3A_144 {strides = array<i32>} : memref<640x48xf32, #tpu.memory_space<vmem>>, vector<16xf32>,
      %get3A_148 = arith.index_cast %add3A_138 : i32 to index
      %get3A_149 = arith.constant 16 : index
      %get3A_150 = tpu.vector_load %arg13[%get3A_148, %get3A_149] {strides = array<i32>} : memref<640x48xf32, #tpu.memory_space<vmem>>, vector<16xf32>,
      %mul3A_151 = arith.constant 5.000000e-01 : f32
      %mul3A_152 = vector.broadcast %mul3A_151 : f32 to vector<16xf32>
      %mul3A_153 = arith.mulf %get3A_150, %mul3A_152 : vector<16xf32>
      %swap3A_154 = arith.index_cast %add3A_138 : i32 to index
      %swap3A_155 = arith.constant 16 : index
      %swap3A_156 = tpu.vector_load %arg13[%swap3A_154, %swap3A_155] {strides = array<i32>} : memref<640x48xf32, #tpu.memory_space<vmem>>, vector<16xf32>,
      tpu.vector_store %arg13[%swap3A_154, %swap3A_155], %mul3A_153 {strides = array<i32>} : memref<640x48xf32, #tpu.memory_space<vmem>>, vector<16xf32>,
      %get3A_157 = arith.index_cast %add3A_138 : i32 to index
      %get3A_158 = arith.constant 32 : index
      %get3A_159 = tpu.vector_load %arg13[%get3A_157, %get3A_158] {strides = array<i32>} : memref<640x48xf32, #tpu.memory_space<vmem>>, vector<16xf32>,
      %mul3A_160 = arith.constant 5.000000e-01 : f32
      %mul3A_161 = vector.broadcast %mul3A_160 : f32 to vector<16xf32>
      %mul3A_162 = arith.mulf %get3A_159, %mul3A_161 : vector<16xf32>
      %swap3A_163 = arith.index_cast %add3A_138 : i32 to index
      %swap3A_164 = arith.constant 32 : index
      %swap3A_165 = tpu.vector_load %arg13[%swap3A_163, %swap3A_164] {strides = array<i32>} : memref<640x48xf32, #tpu.memory_space<vmem>>, vector<16xf32>,
      tpu.vector_store %arg13[%swap3A_163, %swap3A_164], %mul3A_162 {strides = array<i32>} : memref<640x48xf32, #tpu.memory_space<vmem>>, vector<16xf32>,
      %mul3A_166 = arith.constant 16 : i32
      %mul3A_167 = arith.muli %scan3A_104, %mul3A_166 : i32
      %add3A_168 = arith.constant 2 : i32
      %add3A_169 = arith.addi %mul3A_167, %add3A_168 : i32
      %get3A_170 = arith.index_cast %add3A_169 : i32 to index
      %get3A_171 = arith.constant 0 : index
      %get3A_172 = tpu.vector_load %arg13[%get3A_170, %get3A_171] {strides = array<i32>} : memref<640x48xf32, #tpu.memory_space<vmem>>, vector<16xf32>,
      %mul3A_173 = arith.constant 5.000000e-01 : f32
      %mul3A_174 = vector.broadcast %mul3A_173 : f32 to vector<16xf32>
      %mul3A_175 = arith.mulf %get3A_172, %mul3A_174 : vector<16xf32>
      %swap3A_176 = arith.index_cast %add3A_169 : i32 to index
      %swap3A_177 = arith.constant 0 : index
      %swap3A_178 = tpu.vector_load %arg13[%swap3A_176, %swap3A_177] {strides = array<i32>} : memref<640x48xf32, #tpu.memory_space<vmem>>, vector<16xf32>,
      tpu.vector_store %arg13[%swap3A_176, %swap3A_177], %mul3A_175 {strides = array<i32>} : memref<640x48xf32, #tpu.memory_space<vmem>>, vector<16xf32>,
      %get3A_179 = arith.index_cast %add3A_169 : i32 to index
      %get3A_180 = arith.constant 16 : index
      %get3A_181 = tpu.vector_load %arg13[%get3A_179, %get3A_180] {strides = array<i32>} : memref<640x48xf32, #tpu.memory_space<vmem>>, vector<16xf32>,
      %mul3A_182 = arith.constant 5.000000e-01 : f32
      %mul3A_183 = vector.broadcast %mul3A_182 : f32 to vector<16xf32>
      %mul3A_184 = arith.mulf %get3A_181, %mul3A_183 : vector<16xf32>
      %swap3A_185 = arith.index_cast %add3A_169 : i32 to index
      %swap3A_186 = arith.constant 16 : index
      %swap3A_187 = tpu.vector_load %arg13[%swap3A_185, %swap3A_186] {strides = array<i32>} : memref<640x48xf32, #tpu.memory_space<vmem>>, vector<16xf32>,
      tpu.vector_store %arg13[%swap3A_185, %swap3A_186], %mul3A_184 {strides = array<i32>} : memref<640x48xf32, #tpu.memory_space<vmem>>, vector<16xf32>,
      %get3A_188 = arith.index_cast %add3A_169 : i32 to index
      %get3A_189 = arith.constant 32 : index
      %get3A_190 = tpu.vector_load %arg13[%get3A_188, %get3A_189] {strides = array<i32>} : memref<640x48xf32, #tpu.memory_space<vmem>>, vector<16xf32>,
      %mul3A_191 = arith.constant 5.000000e-01 : f32
      %mul3A_192 = vector.broadcast %mul3A_191 : f32 to vector<16xf32>
      %mul3A_193 = arith.mulf %get3A_190, %mul3A_192 : vector<16xf32>
      %swap3A_194 = arith.index_cast %add3A_169 : i32 to index
      %swap3A_195 = arith.constant 32 : index
      %swap3A_196 = tpu.vector_load %arg13[%swap3A_194, %swap3A_195] {strides = array<i32>} : memref<640x48xf32, #tpu.memory_space<vmem>>, vector<16xf32>,
      tpu.vector_store %arg13[%swap3A_194, %swap3A_195], %mul3A_193 {strides = array<i32>} : memref<640x48xf32, #tpu.memory_space<vmem>>, vector<16xf32>,
      %mul3A_197 = arith.constant 16 : i32
      %mul3A_198 = arith.muli %scan3A_104, %mul3A_197 : i32
      %add3A_199 = arith.constant 3 : i32
      %add3A_200 = arith.addi %mul3A_198, %add3A_199 : i32
      %get3A_201 = arith.index_cast %add3A_200 : i32 to index
      %get3A_202 = arith.constant 0 : index
      %get3A_203 = tpu.vector_load %arg13[%get3A_201, %get3A_202] {strides = array<i32>} : memref<640x48xf32, #tpu.memory_space<vmem>>, vector<16xf32>,
      %mul3A_204 = arith.constant 5.000000e-01 : f32
      %mul3A_205 = vector.broadcast %mul3A_204 : f32 to vector<16xf32>
      %mul3A_206 = arith.mulf %get3A_203, %mul3A_205 : vector<16xf32>
      %swap3A_207 = arith.index_cast %add3A_200 : i32 to index
      %swap3A_208 = arith.constant 0 : index
      %swap3A_209 = tpu.vector_load %arg13[%swap3A_207, %swap3A_208] {strides = array<i32>} : memref<640x48xf32, #tpu.memory_space<vmem>>, vector<16xf32>,
      tpu.vector_store %arg13[%swap3A_207, %swap3A_208], %mul3A_206 {strides = array<i32>} : memref<640x48xf32, #tpu.memory_space<vmem>>, vector<16xf32>,
      %get3A_210 = arith.index_cast %add3A_200 : i32 to index
      %get3A_211 = arith.constant 16 : index
      %get3A_212 = tpu.vector_load %arg13[%get3A_210, %get3A_211] {strides = array<i32>} : memref<640x48xf32, #tpu.memory_space<vmem>>, vector<16xf32>,
      %mul3A_213 = arith.constant 5.000000e-01 : f32
      %mul3A_214 = vector.broadcast %mul3A_213 : f32 to vector<16xf32>
      %mul3A_215 = arith.mulf %get3A_212, %mul3A_214 : vector<16xf32>
      %swap3A_216 = arith.index_cast %add3A_200 : i32 to index
      %swap3A_217 = arith.constant 16 : index
      %swap3A_218 = tpu.vector_load %arg13[%swap3A_216, %swap3A_217] {strides = array<i32>} : memref<640x48xf32, #tpu.memory_space<vmem>>, vector<16xf32>,
      tpu.vector_store %arg13[%swap3A_216, %swap3A_217], %mul3A_215 {strides = array<i32>} : memref<640x48xf32, #tpu.memory_space<vmem>>, vector<16xf32>,
      %get3A_219 = arith.index_cast %add3A_200 : i32 to index
      %get3A_220 = arith.constant 32 : index
      %get3A_221 = tpu.vector_load %arg13[%get3A_219, %get3A_220] {strides = array<i32>} : memref<640x48xf32, #tpu.memory_space<vmem>>, vector<16xf32>,
      %mul3A_222 = arith.constant 5.000000e-01 : f32
      %mul3A_223 = vector.broadcast %mul3A_222 : f32 to vector<16xf32>
      %mul3A_224 = arith.mulf %get3A_221, %mul3A_223 : vector<16xf32>
      %swap3A_225 = arith.index_cast %add3A_200 : i32 to index
      %swap3A_226 = arith.constant 32 : index
      %swap3A_227 = tpu.vector_load %arg13[%swap3A_225, %swap3A_226] {strides = array<i32>} : memref<640x48xf32, #tpu.memory_space<vmem>>, vector<16xf32>,
      tpu.vector_store %arg13[%swap3A_225, %swap3A_226], %mul3A_224 {strides = array<i32>} : memref<640x48xf32, #tpu.memory_space<vmem>>, vector<16xf32>,
      %mul3A_228 = arith.constant 16 : i32
      %mul3A_229 = arith.muli %scan3A_104, %mul3A_228 : i32
      %add3A_230 = arith.constant 4 : i32
      %add3A_231 = arith.addi %mul3A_229, %add3A_230 : i32
      %get3A_232 = arith.index_cast %add3A_231 : i32 to index
      %get3A_233 = arith.constant 0 : index
      %get3A_234 = tpu.vector_load %arg13[%get3A_232, %get3A_233] {strides = array<i32>} : memref<640x48xf32, #tpu.memory_space<vmem>>, vector<16xf32>,
      %mul3A_235 = arith.constant 5.000000e-01 : f32
      %mul3A_236 = vector.broadcast %mul3A_235 : f32 to vector<16xf32>
      %mul3A_237 = arith.mulf %get3A_234, %mul3A_236 : vector<16xf32>
      %swap3A_238 = arith.index_cast %add3A_231 : i32 to index
      %swap3A_239 = arith.constant 0 : index
      %swap3A_240 = tpu.vector_load %arg13[%swap3A_238, %swap3A_239] {strides = array<i32>} : memref<640x48xf32, #tpu.memory_space<vmem>>, vector<16xf32>,
      tpu.vector_store %arg13[%swap3A_238, %swap3A_239], %mul3A_237 {strides = array<i32>} : memref<640x48xf32, #tpu.memory_space<vmem>>, vector<16xf32>,
      %get3A_241 = arith.index_cast %add3A_231 : i32 to index
      %get3A_242 = arith.constant 16 : index
      %get3A_243 = tpu.vector_load %arg13[%get3A_241, %get3A_242] {strides = array<i32>} : memref<640x48xf32, #tpu.memory_space<vmem>>, vector<16xf32>,
      %mul3A_244 = arith.constant 5.000000e-01 : f32
      %mul3A_245 = vector.broadcast %mul3A_244 : f32 to vector<16xf32>
      %mul3A_246 = arith.mulf %get3A_243, %mul3A_245 : vector<16xf32>
      %swap3A_247 = arith.index_cast %add3A_231 : i32 to index
      %swap3A_248 = arith.constant 16 : index
      %swap3A_249 = tpu.vector_load %arg13[%swap3A_247, %swap3A_248] {strides = array<i32>} : memref<640x48xf32, #tpu.memory_space<vmem>>, vector<16xf32>,
      tpu.vector_store %arg13[%swap3A_247, %swap3A_248], %mul3A_246 {strides = array<i32>} : memref<640x48xf32, #tpu.memory_space<vmem>>, vector<16xf32>,
      %get3A_250 = arith.index_cast %add3A_231 : i32 to index
      %get3A_251 = arith.constant 32 : index
      %get3A_252 = tpu.vector_load %arg13[%get3A_250, %get3A_251] {strides = array<i32>} : memref<640x48xf32, #tpu.memory_space<vmem>>, vector<16xf32>,
      %mul3A_253 = arith.constant 5.000000e-01 : f32
      %mul3A_254 = vector.broadcast %mul3A_253 : f32 to vector<16xf32>
      %mul3A_255 = arith.mulf %get3A_252, %mul3A_254 : vector<16xf32>
      %swap3A_256 = arith.index_cast %add3A_231 : i32 to index
      %swap3A_257 = arith.constant 32 : index
      %swap3A_258 = tpu.vector_load %arg13[%swap3A_256, %swap3A_257] {strides = array<i32>} : memref<640x48xf32, #tpu.memory_space<vmem>>, vector<16xf32>,
      tpu.vector_store %arg13[%swap3A_256, %swap3A_257], %mul3A_255 {strides = array<i32>} : memref<640x48xf32, #tpu.memory_space<vmem>>, vector<16xf32>,
      %mul3A_259 = arith.constant 16 : i32
      %mul3A_260 = arith.muli %scan3A_104, %mul3A_259 : i32
      %add3A_261 = arith.constant 5 : i32
      %add3A_262 = arith.addi %mul3A_260, %add3A_261 : i32
      %get3A_263 = arith.index_cast %add3A_262 : i32 to index
      %get3A_264 = arith.constant 0 : index
      %get3A_265 = tpu.vector_load %arg13[%get3A_263, %get3A_264] {strides = array<i32>} : memref<640x48xf32, #tpu.memory_space<vmem>>, vector<16xf32>,
      %mul3A_266 = arith.constant 5.000000e-01 : f32
      %mul3A_267 = vector.broadcast %mul3A_266 : f32 to vector<16xf32>
      %mul3A_268 = arith.mulf %get3A_265, %mul3A_267 : vector<16xf32>
      %swap3A_269 = arith.index_cast %add3A_262 : i32 to index
      %swap3A_270 = arith.constant 0 : index
      %swap3A_271 = tpu.vector_load %arg13[%swap3A_269, %swap3A_270] {strides = array<i32>} : memref<640x48xf32, #tpu.memory_space<vmem>>, vector<16xf32>,
      tpu.vector_store %arg13[%swap3A_269, %swap3A_270], %mul3A_268 {strides = array<i32>} : memref<640x48xf32, #tpu.memory_space<vmem>>, vector<16xf32>,
      %get3A_272 = arith.index_cast %add3A_262 : i32 to index
      %get3A_273 = arith.constant 16 : index
      %get3A_274 = tpu.vector_load %arg13[%get3A_272, %get3A_273] {strides = array<i32>} : memref<640x48xf32, #tpu.memory_space<vmem>>, vector<16xf32>,
      %mul3A_275 = arith.constant 5.000000e-01 : f32
      %mul3A_276 = vector.broadcast %mul3A_275 : f32 to vector<16xf32>
      %mul3A_277 = arith.mulf %get3A_274, %mul3A_276 : vector<16xf32>
      %swap3A_278 = arith.index_cast %add3A_262 : i32 to index
      %swap3A_279 = arith.constant 16 : index
      %swap3A_280 = tpu.vector_load %arg13[%swap3A_278, %swap3A_279] {strides = array<i32>} : memref<640x48xf32, #tpu.memory_space<vmem>>, vector<16xf32>,
      tpu.vector_store %arg13[%swap3A_278, %swap3A_279], %mul3A_277 {strides = array<i32>} : memref<640x48xf32, #tpu.memory_space<vmem>>, vector<16xf32>,
      %get3A_281 = arith.index_cast %add3A_262 : i32 to index
      %get3A_282 = arith.constant 32 : index
      %get3A_283 = tpu.vector_load %arg13[%get3A_281, %get3A_282] {strides = array<i32>} : memref<640x48xf32, #tpu.memory_space<vmem>>, vector<16xf32>,
      %mul3A_284 = arith.constant 5.000000e-01 : f32
      %mul3A_285 = vector.broadcast %mul3A_284 : f32 to vector<16xf32>
      %mul3A_286 = arith.mulf %get3A_283, %mul3A_285 : vector<16xf32>
      %swap3A_287 = arith.index_cast %add3A_262 : i32 to index
      %swap3A_288 = arith.constant 32 : index
      %swap3A_289 = tpu.vector_load %arg13[%swap3A_287, %swap3A_288] {strides = array<i32>} : memref<640x48xf32, #tpu.memory_space<vmem>>, vector<16xf32>,
      tpu.vector_store %arg13[%swap3A_287, %swap3A_288], %mul3A_286 {strides = array<i32>} : memref<640x48xf32, #tpu.memory_space<vmem>>, vector<16xf32>,
      %mul3A_290 = arith.constant 16 : i32
      %mul3A_291 = arith.muli %scan3A_104, %mul3A_290 : i32
      %add3A_292 = arith.constant 6 : i32
      %add3A_293 = arith.addi %mul3A_291, %add3A_292 : i32
      %get3A_294 = arith.index_cast %add3A_293 : i32 to index
      %get3A_295 = arith.constant 0 : index
      %get3A_296 = tpu.vector_load %arg13[%get3A_294, %get3A_295] {strides = array<i32>} : memref<640x48xf32, #tpu.memory_space<vmem>>, vector<16xf32>,
      %mul3A_297 = arith.constant 5.000000e-01 : f32
      %mul3A_298 = vector.broadcast %mul3A_297 : f32 to vector<16xf32>
      %mul3A_299 = arith.mulf %get3A_296, %mul3A_298 : vector<16xf32>
      %swap3A_300 = arith.index_cast %add3A_293 : i32 to index
      %swap3A_301 = arith.constant 0 : index
      %swap3A_302 = tpu.vector_load %arg13[%swap3A_300, %swap3A_301] {strides = array<i32>} : memref<640x48xf32, #tpu.memory_space<vmem>>, vector<16xf32>,
      tpu.vector_store %arg13[%swap3A_300, %swap3A_301], %mul3A_299 {strides = array<i32>} : memref<640x48xf32, #tpu.memory_space<vmem>>, vector<16xf32>,
      %get3A_303 = arith.index_cast %add3A_293 : i32 to index
      %get3A_304 = arith.constant 16 : index
      %get3A_305 = tpu.vector_load %arg13[%get3A_303, %get3A_304] {strides = array<i32>} : memref<640x48xf32, #tpu.memory_space<vmem>>, vector<16xf32>,
      %mul3A_306 = arith.constant 5.000000e-01 : f32
      %mul3A_307 = vector.broadcast %mul3A_306 : f32 to vector<16xf32>
      %mul3A_308 = arith.mulf %get3A_305, %mul3A_307 : vector<16xf32>
      %swap3A_309 = arith.index_cast %add3A_293 : i32 to index
      %swap3A_310 = arith.constant 16 : index
      %swap3A_311 = tpu.vector_load %arg13[%swap3A_309, %swap3A_310] {strides = array<i32>} : memref<640x48xf32, #tpu.memory_space<vmem>>, vector<16xf32>,
      tpu.vector_store %arg13[%swap3A_309, %swap3A_310], %mul3A_308 {strides = array<i32>} : memref<640x48xf32, #tpu.memory_space<vmem>>, vector<16xf32>,
      %get3A_312 = arith.index_cast %add3A_293 : i32 to index
      %get3A_313 = arith.constant 32 : index
      %get3A_314 = tpu.vector_load %arg13[%get3A_312, %get3A_313] {strides = array<i32>} : memref<640x48xf32, #tpu.memory_space<vmem>>, vector<16xf32>,
      %mul3A_315 = arith.constant 5.000000e-01 : f32
      %mul3A_316 = vector.broadcast %mul3A_315 : f32 to vector<16xf32>
      %mul3A_317 = arith.mulf %get3A_314, %mul3A_316 : vector<16xf32>
      %swap3A_318 = arith.index_cast %add3A_293 : i32 to index
      %swap3A_319 = arith.constant 32 : index
      %swap3A_320 = tpu.vector_load %arg13[%swap3A_318, %swap3A_319] {strides = array<i32>} : memref<640x48xf32, #tpu.memory_space<vmem>>, vector<16xf32>,
      tpu.vector_store %arg13[%swap3A_318, %swap3A_319], %mul3A_317 {strides = array<i32>} : memref<640x48xf32, #tpu.memory_space<vmem>>, vector<16xf32>,
      %mul3A_321 = arith.constant 16 : i32
      %mul3A_322 = arith.muli %scan3A_104, %mul3A_321 : i32
      %add3A_323 = arith.constant 7 : i32
      %add3A_324 = arith.addi %mul3A_322, %add3A_323 : i32
      %get3A_325 = arith.index_cast %add3A_324 : i32 to index
      %get3A_326 = arith.constant 0 : index
      %get3A_327 = tpu.vector_load %arg13[%get3A_325, %get3A_326] {strides = array<i32>} : memref<640x48xf32, #tpu.memory_space<vmem>>, vector<16xf32>,
      %mul3A_328 = arith.constant 5.000000e-01 : f32
      %mul3A_329 = vector.broadcast %mul3A_328 : f32 to vector<16xf32>
      %mul3A_330 = arith.mulf %get3A_327, %mul3A_329 : vector<16xf32>
      %swap3A_331 = arith.index_cast %add3A_324 : i32 to index
      %swap3A_332 = arith.constant 0 : index
      %swap3A_333 = tpu.vector_load %arg13[%swap3A_331, %swap3A_332] {strides = array<i32>} : memref<640x48xf32, #tpu.memory_space<vmem>>, vector<16xf32>,
      tpu.vector_store %arg13[%swap3A_331, %swap3A_332], %mul3A_330 {strides = array<i32>} : memref<640x48xf32, #tpu.memory_space<vmem>>, vector<16xf32>,
      %get3A_334 = arith.index_cast %add3A_324 : i32 to index
      %get3A_335 = arith.constant 16 : index
      %get3A_336 = tpu.vector_load %arg13[%get3A_334, %get3A_335] {strides = array<i32>} : memref<640x48xf32, #tpu.memory_space<vmem>>, vector<16xf32>,
      %mul3A_337 = arith.constant 5.000000e-01 : f32
      %mul3A_338 = vector.broadcast %mul3A_337 : f32 to vector<16xf32>
      %mul3A_339 = arith.mulf %get3A_336, %mul3A_338 : vector<16xf32>
      %swap3A_340 = arith.index_cast %add3A_324 : i32 to index
      %swap3A_341 = arith.constant 16 : index
      %swap3A_342 = tpu.vector_load %arg13[%swap3A_340, %swap3A_341] {strides = array<i32>} : memref<640x48xf32, #tpu.memory_space<vmem>>, vector<16xf32>,
      tpu.vector_store %arg13[%swap3A_340, %swap3A_341], %mul3A_339 {strides = array<i32>} : memref<640x48xf32, #tpu.memory_space<vmem>>, vector<16xf32>,
      %get3A_343 = arith.index_cast %add3A_324 : i32 to index
      %get3A_344 = arith.constant 32 : index
      %get3A_345 = tpu.vector_load %arg13[%get3A_343, %get3A_344] {strides = array<i32>} : memref<640x48xf32, #tpu.memory_space<vmem>>, vector<16xf32>,
      %mul3A_346 = arith.constant 5.000000e-01 : f32
      %mul3A_347 = vector.broadcast %mul3A_346 : f32 to vector<16xf32>
      %mul3A_348 = arith.mulf %get3A_345, %mul3A_347 : vector<16xf32>
      %swap3A_349 = arith.index_cast %add3A_324 : i32 to index
      %swap3A_350 = arith.constant 32 : index
      %swap3A_351 = tpu.vector_load %arg13[%swap3A_349, %swap3A_350] {strides = array<i32>} : memref<640x48xf32, #tpu.memory_space<vmem>>, vector<16xf32>,
      tpu.vector_store %arg13[%swap3A_349, %swap3A_350], %mul3A_348 {strides = array<i32>} : memref<640x48xf32, #tpu.memory_space<vmem>>, vector<16xf32>,
      %mul3A_352 = arith.constant 16 : i32
      %mul3A_353 = arith.muli %scan3A_104, %mul3A_352 : i32
      %add3A_354 = arith.constant 8 : i32
      %add3A_355 = arith.addi %mul3A_353, %add3A_354 : i32
      %get3A_356 = arith.index_cast %add3A_355 : i32 to index
      %get3A_357 = arith.constant 0 : index
      %get3A_358 = tpu.vector_load %arg13[%get3A_356, %get3A_357] {strides = array<i32>} : memref<640x48xf32, #tpu.memory_space<vmem>>, vector<16xf32>,
      %mul3A_359 = arith.constant 5.000000e-01 : f32
      %mul3A_360 = vector.broadcast %mul3A_359 : f32 to vector<16xf32>
      %mul3A_361 = arith.mulf %get3A_358, %mul3A_360 : vector<16xf32>
      %swap3A_362 = arith.index_cast %add3A_355 : i32 to index
      %swap3A_363 = arith.constant 0 : index
      %swap3A_364 = tpu.vector_load %arg13[%swap3A_362, %swap3A_363] {strides = array<i32>} : memref<640x48xf32, #tpu.memory_space<vmem>>, vector<16xf32>,
      tpu.vector_store %arg13[%swap3A_362, %swap3A_363], %mul3A_361 {strides = array<i32>} : memref<640x48xf32, #tpu.memory_space<vmem>>, vector<16xf32>,
      %get3A_365 = arith.index_cast %add3A_355 : i32 to index
      %get3A_366 = arith.constant 16 : index
      %get3A_367 = tpu.vector_load %arg13[%get3A_365, %get3A_366] {strides = array<i32>} : memref<640x48xf32, #tpu.memory_space<vmem>>, vector<16xf32>,
      %mul3A_368 = arith.constant 5.000000e-01 : f32
      %mul3A_369 = vector.broadcast %mul3A_368 : f32 to vector<16xf32>
      %mul3A_370 = arith.mulf %get3A_367, %mul3A_369 : vector<16xf32>
      %swap3A_371 = arith.index_cast %add3A_355 : i32 to index
      %swap3A_372 = arith.constant 16 : index
      %swap3A_373 = tpu.vector_load %arg13[%swap3A_371, %swap3A_372] {strides = array<i32>} : memref<640x48xf32, #tpu.memory_space<vmem>>, vector<16xf32>,
      tpu.vector_store %arg13[%swap3A_371, %swap3A_372], %mul3A_370 {strides = array<i32>} : memref<640x48xf32, #tpu.memory_space<vmem>>, vector<16xf32>,
      %get3A_374 = arith.index_cast %add3A_355 : i32 to index
      %get3A_375 = arith.constant 32 : index
      %get3A_376 = tpu.vector_load %arg13[%get3A_374, %get3A_375] {strides = array<i32>} : memref<640x48xf32, #tpu.memory_space<vmem>>, vector<16xf32>,
      %mul3A_377 = arith.constant 5.000000e-01 : f32
      %mul3A_378 = vector.broadcast %mul3A_377 : f32 to vector<16xf32>
      %mul3A_379 = arith.mulf %get3A_376, %mul3A_378 : vector<16xf32>
      %swap3A_380 = arith.index_cast %add3A_355 : i32 to index
      %swap3A_381 = arith.constant 32 : index
      %swap3A_382 = tpu.vector_load %arg13[%swap3A_380, %swap3A_381] {strides = array<i32>} : memref<640x48xf32, #tpu.memory_space<vmem>>, vector<16xf32>,
      tpu.vector_store %arg13[%swap3A_380, %swap3A_381], %mul3A_379 {strides = array<i32>} : memref<640x48xf32, #tpu.memory_space<vmem>>, vector<16xf32>,
      %mul3A_383 = arith.constant 16 : i32
      %mul3A_384 = arith.muli %scan3A_104, %mul3A_383 : i32
      %add3A_385 = arith.constant 9 : i32
      %add3A_386 = arith.addi %mul3A_384, %add3A_385 : i32
      %get3A_387 = arith.index_cast %add3A_386 : i32 to index
      %get3A_388 = arith.constant 0 : index
      %get3A_389 = tpu.vector_load %arg13[%get3A_387, %get3A_388] {strides = array<i32>} : memref<640x48xf32, #tpu.memory_space<vmem>>, vector<16xf32>,
      %mul3A_390 = arith.constant 5.000000e-01 : f32
      %mul3A_391 = vector.broadcast %mul3A_390 : f32 to vector<16xf32>
      %mul3A_392 = arith.mulf %get3A_389, %mul3A_391 : vector<16xf32>
      %swap3A_393 = arith.index_cast %add3A_386 : i32 to index
      %swap3A_394 = arith.constant 0 : index
      %swap3A_395 = tpu.vector_load %arg13[%swap3A_393, %swap3A_394] {strides = array<i32>} : memref<640x48xf32, #tpu.memory_space<vmem>>, vector<16xf32>,
      tpu.vector_store %arg13[%swap3A_393, %swap3A_394], %mul3A_392 {strides = array<i32>} : memref<640x48xf32, #tpu.memory_space<vmem>>, vector<16xf32>,
      %get3A_396 = arith.index_cast %add3A_386 : i32 to index
      %get3A_397 = arith.constant 16 : index
      %get3A_398 = tpu.vector_load %arg13[%get3A_396, %get3A_397] {strides = array<i32>} : memref<640x48xf32, #tpu.memory_space<vmem>>, vector<16xf32>,
      %mul3A_399 = arith.constant 5.000000e-01 : f32
      %mul3A_400 = vector.broadcast %mul3A_399 : f32 to vector<16xf32>
      %mul3A_401 = arith.mulf %get3A_398, %mul3A_400 : vector<16xf32>
      %swap3A_402 = arith.index_cast %add3A_386 : i32 to index
      %swap3A_403 = arith.constant 16 : index
      %swap3A_404 = tpu.vector_load %arg13[%swap3A_402, %swap3A_403] {strides = array<i32>} : memref<640x48xf32, #tpu.memory_space<vmem>>, vector<16xf32>,
      tpu.vector_store %arg13[%swap3A_402, %swap3A_403], %mul3A_401 {strides = array<i32>} : memref<640x48xf32, #tpu.memory_space<vmem>>, vector<16xf32>,
      %get3A_405 = arith.index_cast %add3A_386 : i32 to index
      %get3A_406 = arith.constant 32 : index
      %get3A_407 = tpu.vector_load %arg13[%get3A_405, %get3A_406] {strides = array<i32>} : memref<640x48xf32, #tpu.memory_space<vmem>>, vector<16xf32>,
      %mul3A_408 = arith.constant 5.000000e-01 : f32
      %mul3A_409 = vector.broadcast %mul3A_408 : f32 to vector<16xf32>
      %mul3A_410 = arith.mulf %get3A_407, %mul3A_409 : vector<16xf32>
      %swap3A_411 = arith.index_cast %add3A_386 : i32 to index
      %swap3A_412 = arith.constant 32 : index
      %swap3A_413 = tpu.vector_load %arg13[%swap3A_411, %swap3A_412] {strides = array<i32>} : memref<640x48xf32, #tpu.memory_space<vmem>>, vector<16xf32>,
      tpu.vector_store %arg13[%swap3A_411, %swap3A_412], %mul3A_410 {strides = array<i32>} : memref<640x48xf32, #tpu.memory_space<vmem>>, vector<16xf32>,
      %mul3A_414 = arith.constant 16 : i32
      %mul3A_415 = arith.muli %scan3A_104, %mul3A_414 : i32
      %add3A_416 = arith.constant 10 : i32
      %add3A_417 = arith.addi %mul3A_415, %add3A_416 : i32
      %get3A_418 = arith.index_cast %add3A_417 : i32 to index
      %get3A_419 = arith.constant 0 : index
      %get3A_420 = tpu.vector_load %arg13[%get3A_418, %get3A_419] {strides = array<i32>} : memref<640x48xf32, #tpu.memory_space<vmem>>, vector<16xf32>,
      %mul3A_421 = arith.constant 5.000000e-01 : f32
      %mul3A_422 = vector.broadcast %mul3A_421 : f32 to vector<16xf32>
      %mul3A_423 = arith.mulf %get3A_420, %mul3A_422 : vector<16xf32>
      %swap3A_424 = arith.index_cast %add3A_417 : i32 to index
      %swap3A_425 = arith.constant 0 : index
      %swap3A_426 = tpu.vector_load %arg13[%swap3A_424, %swap3A_425] {strides = array<i32>} : memref<640x48xf32, #tpu.memory_space<vmem>>, vector<16xf32>,
      tpu.vector_store %arg13[%swap3A_424, %swap3A_425], %mul3A_423 {strides = array<i32>} : memref<640x48xf32, #tpu.memory_space<vmem>>, vector<16xf32>,
      %get3A_427 = arith.index_cast %add3A_417 : i32 to index
      %get3A_428 = arith.constant 16 : index
      %get3A_429 = tpu.vector_load %arg13[%get3A_427, %get3A_428] {strides = array<i32>} : memref<640x48xf32, #tpu.memory_space<vmem>>, vector<16xf32>,
      %mul3A_430 = arith.constant 5.000000e-01 : f32
      %mul3A_431 = vector.broadcast %mul3A_430 : f32 to vector<16xf32>
      %mul3A_432 = arith.mulf %get3A_429, %mul3A_431 : vector<16xf32>
      %swap3A_433 = arith.index_cast %add3A_417 : i32 to index
      %swap3A_434 = arith.constant 16 : index
      %swap3A_435 = tpu.vector_load %arg13[%swap3A_433, %swap3A_434] {strides = array<i32>} : memref<640x48xf32, #tpu.memory_space<vmem>>, vector<16xf32>,
      tpu.vector_store %arg13[%swap3A_433, %swap3A_434], %mul3A_432 {strides = array<i32>} : memref<640x48xf32, #tpu.memory_space<vmem>>, vector<16xf32>,
      %get3A_436 = arith.index_cast %add3A_417 : i32 to index
      %get3A_437 = arith.constant 32 : index
      %get3A_438 = tpu.vector_load %arg13[%get3A_436, %get3A_437] {strides = array<i32>} : memref<640x48xf32, #tpu.memory_space<vmem>>, vector<16xf32>,
      %mul3A_439 = arith.constant 5.000000e-01 : f32
      %mul3A_440 = vector.broadcast %mul3A_439 : f32 to vector<16xf32>
      %mul3A_441 = arith.mulf %get3A_438, %mul3A_440 : vector<16xf32>
      %swap3A_442 = arith.index_cast %add3A_417 : i32 to index
      %swap3A_443 = arith.constant 32 : index
      %swap3A_444 = tpu.vector_load %arg13[%swap3A_442, %swap3A_443] {strides = array<i32>} : memref<640x48xf32, #tpu.memory_space<vmem>>, vector<16xf32>,
      tpu.vector_store %arg13[%swap3A_442, %swap3A_443], %mul3A_441 {strides = array<i32>} : memref<640x48xf32, #tpu.memory_space<vmem>>, vector<16xf32>,
      %mul3A_445 = arith.constant 16 : i32
      %mul3A_446 = arith.muli %scan3A_104, %mul3A_445 : i32
      %add3A_447 = arith.constant 11 : i32
      %add3A_448 = arith.addi %mul3A_446, %add3A_447 : i32
      %get3A_449 = arith.index_cast %add3A_448 : i32 to index
      %get3A_450 = arith.constant 0 : index
      %get3A_451 = tpu.vector_load %arg13[%get3A_449, %get3A_450] {strides = array<i32>} : memref<640x48xf32, #tpu.memory_space<vmem>>, vector<16xf32>,
      %mul3A_452 = arith.constant 5.000000e-01 : f32
      %mul3A_453 = vector.broadcast %mul3A_452 : f32 to vector<16xf32>
      %mul3A_454 = arith.mulf %get3A_451, %mul3A_453 : vector<16xf32>
      %swap3A_455 = arith.index_cast %add3A_448 : i32 to index
      %swap3A_456 = arith.constant 0 : index
      %swap3A_457 = tpu.vector_load %arg13[%swap3A_455, %swap3A_456] {strides = array<i32>} : memref<640x48xf32, #tpu.memory_space<vmem>>, vector<16xf32>,
      tpu.vector_store %arg13[%swap3A_455, %swap3A_456], %mul3A_454 {strides = array<i32>} : memref<640x48xf32, #tpu.memory_space<vmem>>, vector<16xf32>,
      %get3A_458 = arith.index_cast %add3A_448 : i32 to index
      %get3A_459 = arith.constant 16 : index
      %get3A_460 = tpu.vector_load %arg13[%get3A_458, %get3A_459] {strides = array<i32>} : memref<640x48xf32, #tpu.memory_space<vmem>>, vector<16xf32>,
      %mul3A_461 = arith.constant 5.000000e-01 : f32
      %mul3A_462 = vector.broadcast %mul3A_461 : f32 to vector<16xf32>
      %mul3A_463 = arith.mulf %get3A_460, %mul3A_462 : vector<16xf32>
      %swap3A_464 = arith.index_cast %add3A_448 : i32 to index
      %swap3A_465 = arith.constant 16 : index
      %swap3A_466 = tpu.vector_load %arg13[%swap3A_464, %swap3A_465] {strides = array<i32>} : memref<640x48xf32, #tpu.memory_space<vmem>>, vector<16xf32>,
      tpu.vector_store %arg13[%swap3A_464, %swap3A_465], %mul3A_463 {strides = array<i32>} : memref<640x48xf32, #tpu.memory_space<vmem>>, vector<16xf32>,
      %get3A_467 = arith.index_cast %add3A_448 : i32 to index
      %get3A_468 = arith.constant 32 : index
      %get3A_469 = tpu.vector_load %arg13[%get3A_467, %get3A_468] {strides = array<i32>} : memref<640x48xf32, #tpu.memory_space<vmem>>, vector<16xf32>,
      %mul3A_470 = arith.constant 5.000000e-01 : f32
      %mul3A_471 = vector.broadcast %mul3A_470 : f32 to vector<16xf32>
      %mul3A_472 = arith.mulf %get3A_469, %mul3A_471 : vector<16xf32>
      %swap3A_473 = arith.index_cast %add3A_448 : i32 to index
      %swap3A_474 = arith.constant 32 : index
      %swap3A_475 = tpu.vector_load %arg13[%swap3A_473, %swap3A_474] {strides = array<i32>} : memref<640x48xf32, #tpu.memory_space<vmem>>, vector<16xf32>,
      tpu.vector_store %arg13[%swap3A_473, %swap3A_474], %mul3A_472 {strides = array<i32>} : memref<640x48xf32, #tpu.memory_space<vmem>>, vector<16xf32>,
      %mul3A_476 = arith.constant 16 : i32
      %mul3A_477 = arith.muli %scan3A_104, %mul3A_476 : i32
      %add3A_478 = arith.constant 12 : i32
      %add3A_479 = arith.addi %mul3A_477, %add3A_478 : i32
      %get3A_480 = arith.index_cast %add3A_479 : i32 to index
      %get3A_481 = arith.constant 0 : index
      %get3A_482 = tpu.vector_load %arg13[%get3A_480, %get3A_481] {strides = array<i32>} : memref<640x48xf32, #tpu.memory_space<vmem>>, vector<16xf32>,
      %mul3A_483 = arith.constant 5.000000e-01 : f32
      %mul3A_484 = vector.broadcast %mul3A_483 : f32 to vector<16xf32>
      %mul3A_485 = arith.mulf %get3A_482, %mul3A_484 : vector<16xf32>
      %swap3A_486 = arith.index_cast %add3A_479 : i32 to index
      %swap3A_487 = arith.constant 0 : index
      %swap3A_488 = tpu.vector_load %arg13[%swap3A_486, %swap3A_487] {strides = array<i32>} : memref<640x48xf32, #tpu.memory_space<vmem>>, vector<16xf32>,
      tpu.vector_store %arg13[%swap3A_486, %swap3A_487], %mul3A_485 {strides = array<i32>} : memref<640x48xf32, #tpu.memory_space<vmem>>, vector<16xf32>,
      %get3A_489 = arith.index_cast %add3A_479 : i32 to index
      %get3A_490 = arith.constant 16 : index
      %get3A_491 = tpu.vector_load %arg13[%get3A_489, %get3A_490] {strides = array<i32>} : memref<640x48xf32, #tpu.memory_space<vmem>>, vector<16xf32>,
      %mul3A_492 = arith.constant 5.000000e-01 : f32
      %mul3A_493 = vector.broadcast %mul3A_492 : f32 to vector<16xf32>
      %mul3A_494 = arith.mulf %get3A_491, %mul3A_493 : vector<16xf32>
      %swap3A_495 = arith.index_cast %add3A_479 : i32 to index
      %swap3A_496 = arith.constant 16 : index
      %swap3A_497 = tpu.vector_load %arg13[%swap3A_495, %swap3A_496] {strides = array<i32>} : memref<640x48xf32, #tpu.memory_space<vmem>>, vector<16xf32>,
      tpu.vector_store %arg13[%swap3A_495, %swap3A_496], %mul3A_494 {strides = array<i32>} : memref<640x48xf32, #tpu.memory_space<vmem>>, vector<16xf32>,
      %get3A_498 = arith.index_cast %add3A_479 : i32 to index
      %get3A_499 = arith.constant 32 : index
      %get3A_500 = tpu.vector_load %arg13[%get3A_498, %get3A_499] {strides = array<i32>} : memref<640x48xf32, #tpu.memory_space<vmem>>, vector<16xf32>,
      %mul3A_501 = arith.constant 5.000000e-01 : f32
      %mul3A_502 = vector.broadcast %mul3A_501 : f32 to vector<16xf32>
      %mul3A_503 = arith.mulf %get3A_500, %mul3A_502 : vector<16xf32>
      %swap3A_504 = arith.index_cast %add3A_479 : i32 to index
      %swap3A_505 = arith.constant 32 : index
      %swap3A_506 = tpu.vector_load %arg13[%swap3A_504, %swap3A_505] {strides = array<i32>} : memref<640x48xf32, #tpu.memory_space<vmem>>, vector<16xf32>,
      tpu.vector_store %arg13[%swap3A_504, %swap3A_505], %mul3A_503 {strides = array<i32>} : memref<640x48xf32, #tpu.memory_space<vmem>>, vector<16xf32>,
      %mul3A_507 = arith.constant 16 : i32
      %mul3A_508 = arith.muli %scan3A_104, %mul3A_507 : i32
      %add3A_509 = arith.constant 13 : i32
      %add3A_510 = arith.addi %mul3A_508, %add3A_509 : i32
      %get3A_511 = arith.index_cast %add3A_510 : i32 to index
      %get3A_512 = arith.constant 0 : index
      %get3A_513 = tpu.vector_load %arg13[%get3A_511, %get3A_512] {strides = array<i32>} : memref<640x48xf32, #tpu.memory_space<vmem>>, vector<16xf32>,
      %mul3A_514 = arith.constant 5.000000e-01 : f32
      %mul3A_515 = vector.broadcast %mul3A_514 : f32 to vector<16xf32>
      %mul3A_516 = arith.mulf %get3A_513, %mul3A_515 : vector<16xf32>
      %swap3A_517 = arith.index_cast %add3A_510 : i32 to index
      %swap3A_518 = arith.constant 0 : index
      %swap3A_519 = tpu.vector_load %arg13[%swap3A_517, %swap3A_518] {strides = array<i32>} : memref<640x48xf32, #tpu.memory_space<vmem>>, vector<16xf32>,
      tpu.vector_store %arg13[%swap3A_517, %swap3A_518], %mul3A_516 {strides = array<i32>} : memref<640x48xf32, #tpu.memory_space<vmem>>, vector<16xf32>,
      %get3A_520 = arith.index_cast %add3A_510 : i32 to index
      %get3A_521 = arith.constant 16 : index
      %get3A_522 = tpu.vector_load %arg13[%get3A_520, %get3A_521] {strides = array<i32>} : memref<640x48xf32, #tpu.memory_space<vmem>>, vector<16xf32>,
      %mul3A_523 = arith.constant 5.000000e-01 : f32
      %mul3A_524 = vector.broadcast %mul3A_523 : f32 to vector<16xf32>
      %mul3A_525 = arith.mulf %get3A_522, %mul3A_524 : vector<16xf32>
      %swap3A_526 = arith.index_cast %add3A_510 : i32 to index
      %swap3A_527 = arith.constant 16 : index
      %swap3A_528 = tpu.vector_load %arg13[%swap3A_526, %swap3A_527] {strides = array<i32>} : memref<640x48xf32, #tpu.memory_space<vmem>>, vector<16xf32>,
      tpu.vector_store %arg13[%swap3A_526, %swap3A_527], %mul3A_525 {strides = array<i32>} : memref<640x48xf32, #tpu.memory_space<vmem>>, vector<16xf32>,
      %get3A_529 = arith.index_cast %add3A_510 : i32 to index
      %get3A_530 = arith.constant 32 : index
      %get3A_531 = tpu.vector_load %arg13[%get3A_529, %get3A_530] {strides = array<i32>} : memref<640x48xf32, #tpu.memory_space<vmem>>, vector<16xf32>,
      %mul3A_532 = arith.constant 5.000000e-01 : f32
      %mul3A_533 = vector.broadcast %mul3A_532 : f32 to vector<16xf32>
      %mul3A_534 = arith.mulf %get3A_531, %mul3A_533 : vector<16xf32>
      %swap3A_535 = arith.index_cast %add3A_510 : i32 to index
      %swap3A_536 = arith.constant 32 : index
      %swap3A_537 = tpu.vector_load %arg13[%swap3A_535, %swap3A_536] {strides = array<i32>} : memref<640x48xf32, #tpu.memory_space<vmem>>, vector<16xf32>,
      tpu.vector_store %arg13[%swap3A_535, %swap3A_536], %mul3A_534 {strides = array<i32>} : memref<640x48xf32, #tpu.memory_space<vmem>>, vector<16xf32>,
      %mul3A_538 = arith.constant 16 : i32
      %mul3A_539 = arith.muli %scan3A_104, %mul3A_538 : i32
      %add3A_540 = arith.constant 14 : i32
      %add3A_541 = arith.addi %mul3A_539, %add3A_540 : i32
      %get3A_542 = arith.index_cast %add3A_541 : i32 to index
      %get3A_543 = arith.constant 0 : index
      %get3A_544 = tpu.vector_load %arg13[%get3A_542, %get3A_543] {strides = array<i32>} : memref<640x48xf32, #tpu.memory_space<vmem>>, vector<16xf32>,
      %mul3A_545 = arith.constant 5.000000e-01 : f32
      %mul3A_546 = vector.broadcast %mul3A_545 : f32 to vector<16xf32>
      %mul3A_547 = arith.mulf %get3A_544, %mul3A_546 : vector<16xf32>
      %swap3A_548 = arith.index_cast %add3A_541 : i32 to index
      %swap3A_549 = arith.constant 0 : index
      %swap3A_550 = tpu.vector_load %arg13[%swap3A_548, %swap3A_549] {strides = array<i32>} : memref<640x48xf32, #tpu.memory_space<vmem>>, vector<16xf32>,
      tpu.vector_store %arg13[%swap3A_548, %swap3A_549], %mul3A_547 {strides = array<i32>} : memref<640x48xf32, #tpu.memory_space<vmem>>, vector<16xf32>,
      %get3A_551 = arith.index_cast %add3A_541 : i32 to index
      %get3A_552 = arith.constant 16 : index
      %get3A_553 = tpu.vector_load %arg13[%get3A_551, %get3A_552] {strides = array<i32>} : memref<640x48xf32, #tpu.memory_space<vmem>>, vector<16xf32>,
      %mul3A_554 = arith.constant 5.000000e-01 : f32
      %mul3A_555 = vector.broadcast %mul3A_554 : f32 to vector<16xf32>
      %mul3A_556 = arith.mulf %get3A_553, %mul3A_555 : vector<16xf32>
      %swap3A_557 = arith.index_cast %add3A_541 : i32 to index
      %swap3A_558 = arith.constant 16 : index
      %swap3A_559 = tpu.vector_load %arg13[%swap3A_557, %swap3A_558] {strides = array<i32>} : memref<640x48xf32, #tpu.memory_space<vmem>>, vector<16xf32>,
      tpu.vector_store %arg13[%swap3A_557, %swap3A_558], %mul3A_556 {strides = array<i32>} : memref<640x48xf32, #tpu.memory_space<vmem>>, vector<16xf32>,
      %get3A_560 = arith.index_cast %add3A_541 : i32 to index
      %get3A_561 = arith.constant 32 : index
      %get3A_562 = tpu.vector_load %arg13[%get3A_560, %get3A_561] {strides = array<i32>} : memref<640x48xf32, #tpu.memory_space<vmem>>, vector<16xf32>,
      %mul3A_563 = arith.constant 5.000000e-01 : f32
      %mul3A_564 = vector.broadcast %mul3A_563 : f32 to vector<16xf32>
      %mul3A_565 = arith.mulf %get3A_562, %mul3A_564 : vector<16xf32>
      %swap3A_566 = arith.index_cast %add3A_541 : i32 to index
      %swap3A_567 = arith.constant 32 : index
      %swap3A_568 = tpu.vector_load %arg13[%swap3A_566, %swap3A_567] {strides = array<i32>} : memref<640x48xf32, #tpu.memory_space<vmem>>, vector<16xf32>,
      tpu.vector_store %arg13[%swap3A_566, %swap3A_567], %mul3A_565 {strides = array<i32>} : memref<640x48xf32, #tpu.memory_space<vmem>>, vector<16xf32>,
      %mul3A_569 = arith.constant 16 : i32
      %mul3A_570 = arith.muli %scan3A_104, %mul3A_569 : i32
      %add3A_571 = arith.constant 15 : i32
      %add3A_572 = arith.addi %mul3A_570, %add3A_571 : i32
      %get3A_573 = arith.index_cast %add3A_572 : i32 to index
      %get3A_574 = arith.constant 0 : index
      %get3A_575 = tpu.vector_load %arg13[%get3A_573, %get3A_574] {strides = array<i32>} : memref<640x48xf32, #tpu.memory_space<vmem>>, vector<16xf32>,
      %mul3A_576 = arith.constant 5.000000e-01 : f32
      %mul3A_577 = vector.broadcast %mul3A_576 : f32 to vector<16xf32>
      %mul3A_578 = arith.mulf %get3A_575, %mul3A_577 : vector<16xf32>
      %swap3A_579 = arith.index_cast %add3A_572 : i32 to index
      %swap3A_580 = arith.constant 0 : index
      %swap3A_581 = tpu.vector_load %arg13[%swap3A_579, %swap3A_580] {strides = array<i32>} : memref<640x48xf32, #tpu.memory_space<vmem>>, vector<16xf32>,
      tpu.vector_store %arg13[%swap3A_579, %swap3A_580], %mul3A_578 {strides = array<i32>} : memref<640x48xf32, #tpu.memory_space<vmem>>, vector<16xf32>,
      %get3A_582 = arith.index_cast %add3A_572 : i32 to index
      %get3A_583 = arith.constant 16 : index
      %get3A_584 = tpu.vector_load %arg13[%get3A_582, %get3A_583] {strides = array<i32>} : memref<640x48xf32, #tpu.memory_space<vmem>>, vector<16xf32>,
      %mul3A_585 = arith.constant 5.000000e-01 : f32
      %mul3A_586 = vector.broadcast %mul3A_585 : f32 to vector<16xf32>
      %mul3A_587 = arith.mulf %get3A_584, %mul3A_586 : vector<16xf32>
      %swap3A_588 = arith.index_cast %add3A_572 : i32 to index
      %swap3A_589 = arith.constant 16 : index
      %swap3A_590 = tpu.vector_load %arg13[%swap3A_588, %swap3A_589] {strides = array<i32>} : memref<640x48xf32, #tpu.memory_space<vmem>>, vector<16xf32>,
      tpu.vector_store %arg13[%swap3A_588, %swap3A_589], %mul3A_587 {strides = array<i32>} : memref<640x48xf32, #tpu.memory_space<vmem>>, vector<16xf32>,
      %get3A_591 = arith.index_cast %add3A_572 : i32 to index
      %get3A_592 = arith.constant 32 : index
      %get3A_593 = tpu.vector_load %arg13[%get3A_591, %get3A_592] {strides = array<i32>} : memref<640x48xf32, #tpu.memory_space<vmem>>, vector<16xf32>,
      %mul3A_594 = arith.constant 5.000000e-01 : f32
      %mul3A_595 = vector.broadcast %mul3A_594 : f32 to vector<16xf32>
      %mul3A_596 = arith.mulf %get3A_593, %mul3A_595 : vector<16xf32>
      %swap3A_597 = arith.index_cast %add3A_572 : i32 to index
      %swap3A_598 = arith.constant 32 : index
      %swap3A_599 = tpu.vector_load %arg13[%swap3A_597, %swap3A_598] {strides = array<i32>} : memref<640x48xf32, #tpu.memory_space<vmem>>, vector<16xf32>,
      tpu.vector_store %arg13[%swap3A_597, %swap3A_598], %mul3A_596 {strides = array<i32>} : memref<640x48xf32, #tpu.memory_space<vmem>>, vector<16xf32>,
      %scan3A_600 = arith.constant 0 : i32
      scf.yield %scan3A_600 : i32
    }
    %scan3A_22 = arith.constant 40 : i32
    "tpu.region"() ({
      %run_scoped3A = tpu.sem_alloc : memref<!tpu.dma_semaphore, #tpu.memory_space<semaphore_mem>>
      %dma_start3A_104 = arith.constant 0 : i32
      %dma_start3A_105 = tpu.memref_slice %arg17[%mul3A_2, %dma_start3A_104] : memref<10240x48xf32, #tpu.memory_space<vmem_shared>> -> memref<640x48xf32, #tpu.memory_space<vmem_shared>>
      %dma_start3A_106 = arith.constant 0 : i32
      %dma_start3A_107 = tpu.memref_slice %arg17[%mul3A_2, %dma_start3A_106] : memref<10240x48xf32, #tpu.memory_space<vmem_shared>> -> memref<640x48xf32, #tpu.memory_space<vmem_shared>>
      tpu.enqueue_dma source(%arg13 : memref<640x48xf32, #tpu.memory_space<vmem>>) target(%dma_start3A_107 : memref<640x48xf32, #tpu.memory_space<vmem_shared>>) target_semaphore(%run_scoped3A : memref<!tpu.dma_semaphore, #tpu.memory_space<semaphore_mem>>)
      %dma_wait3A = arith.constant 0 : i32
      %dma_wait3A_108 = tpu.memref_slice %arg17[%mul3A_2, %dma_wait3A] : memref<10240x48xf32, #tpu.memory_space<vmem_shared>> -> memref<640x48xf32, #tpu.memory_space<vmem_shared>>
      %dma_wait3A_109 = arith.constant 0 : i32
      %dma_wait3A_110 = tpu.memref_slice %arg17[%mul3A_2, %dma_wait3A_109] : memref<10240x48xf32, #tpu.memory_space<vmem_shared>> -> memref<640x48xf32, #tpu.memory_space<vmem_shared>>
      tpu.wait_dma2 semaphore(%run_scoped3A : memref<!tpu.dma_semaphore, #tpu.memory_space<semaphore_mem>>) src(%arg13 : memref<640x48xf32, #tpu.memory_space<vmem>>) dst(%dma_wait3A_110 : memref<640x48xf32, #tpu.memory_space<vmem_shared>>)
      tpu.yield
    }) : () -> ()
    %barrier3A = arith.constant 0 : index
    tpu.barrier barrier_id(%barrier3A)
    %dma_start3A = arith.constant 0 : i32
    %dma_start3A_23 = arith.constant 0 : i32
    %dma_start3A_24 = arith.constant 0 : i32
    %dma_start3A_25 = arith.constant 0 : i32
    %dma_start3A_26 = tpu.memref_slice %arg12[%dma_start3A_23, %dma_start3A_24, %dma_start3A_25] : memref<5x80x48xf32, #tpu.memory_space<vmem>> -> memref<1x80x48xf32, #tpu.memory_space<vmem>>
    %dma_start3A_27 = tpu.memref_squeeze %dma_start3A_26 : memref<1x80x48xf32, #tpu.memory_space<vmem>> -> memref<80x48xf32, #tpu.memory_space<vmem>>
    %dma_start3A_28 = arith.constant 0 : i32
    %dma_start3A_29 = tpu.memref_slice %arg10[%dma_start3A, %dma_start3A_28] : memref<125x80xi32, #tpu.memory_space<vmem>> -> memref<1x80xi32, #tpu.memory_space<vmem>>
    %dma_start3A_30 = tpu.memref_squeeze %dma_start3A_29 : memref<1x80xi32, #tpu.memory_space<vmem>> -> memref<80xi32, #tpu.memory_space<vmem>>
    %dma_start3A_31 = arith.constant 0 : i32
    %dma_start3A_32 = arith.constant 0 : i32
    %dma_start3A_33 = tpu.memref_slice %arg9[%dma_start3A_31, %dma_start3A_32] : memref<10240x48xf32, #tpu.memory_space<hbm>> -> memref<10240x48xf32, #tpu.memory_space<hbm>>
    tpu.enqueue_indirect_dma source(%dma_start3A_33 : memref<10240x48xf32, #tpu.memory_space<hbm>>) target(%dma_start3A_27 : memref<80x48xf32, #tpu.memory_space<vmem>>) offsets(%dma_start3A_30 : memref<80xi32, #tpu.memory_space<vmem>>) semaphore(%arg18 : memref<!tpu.dma_semaphore, #tpu.memory_space<semaphore_mem>>)
    %dma_start3A_34 = arith.constant 1 : i32
    %dma_start3A_35 = arith.constant 1 : i32
    %dma_start3A_36 = arith.constant 0 : i32
    %dma_start3A_37 = arith.constant 0 : i32
    %dma_start3A_38 = tpu.memref_slice %arg12[%dma_start3A_35, %dma_start3A_36, %dma_start3A_37] : memref<5x80x48xf32, #tpu.memory_space<vmem>> -> memref<1x80x48xf32, #tpu.memory_space<vmem>>
    %dma_start3A_39 = tpu.memref_squeeze %dma_start3A_38 : memref<1x80x48xf32, #tpu.memory_space<vmem>> -> memref<80x48xf32, #tpu.memory_space<vmem>>
    %dma_start3A_40 = arith.constant 0 : i32
    %dma_start3A_41 = tpu.memref_slice %arg10[%dma_start3A_34, %dma_start3A_40] : memref<125x80xi32, #tpu.memory_space<vmem>> -> memref<1x80xi32, #tpu.memory_space<vmem>>
    %dma_start3A_42 = tpu.memref_squeeze %dma_start3A_41 : memref<1x80xi32, #tpu.memory_space<vmem>> -> memref<80xi32, #tpu.memory_space<vmem>>
    %dma_start3A_43 = arith.constant 0 : i32
    %dma_start3A_44 = arith.constant 0 : i32
    %dma_start3A_45 = tpu.memref_slice %arg9[%dma_start3A_43, %dma_start3A_44] : memref<10240x48xf32, #tpu.memory_space<hbm>> -> memref<10240x48xf32, #tpu.memory_space<hbm>>
    tpu.enqueue_indirect_dma source(%dma_start3A_45 : memref<10240x48xf32, #tpu.memory_space<hbm>>) target(%dma_start3A_39 : memref<80x48xf32, #tpu.memory_space<vmem>>) offsets(%dma_start3A_42 : memref<80xi32, #tpu.memory_space<vmem>>) semaphore(%arg19 : memref<!tpu.dma_semaphore, #tpu.memory_space<semaphore_mem>>)
    %dma_start3A_46 = arith.constant 2 : i32
    %dma_start3A_47 = arith.constant 2 : i32
    %dma_start3A_48 = arith.constant 0 : i32
    %dma_start3A_49 = arith.constant 0 : i32
    %dma_start3A_50 = tpu.memref_slice %arg12[%dma_start3A_47, %dma_start3A_48, %dma_start3A_49] : memref<5x80x48xf32, #tpu.memory_space<vmem>> -> memref<1x80x48xf32, #tpu.memory_space<vmem>>
    %dma_start3A_51 = tpu.memref_squeeze %dma_start3A_50 : memref<1x80x48xf32, #tpu.memory_space<vmem>> -> memref<80x48xf32, #tpu.memory_space<vmem>>
    %dma_start3A_52 = arith.constant 0 : i32
    %dma_start3A_53 = tpu.memref_slice %arg10[%dma_start3A_46, %dma_start3A_52] : memref<125x80xi32, #tpu.memory_space<vmem>> -> memref<1x80xi32, #tpu.memory_space<vmem>>
    %dma_start3A_54 = tpu.memref_squeeze %dma_start3A_53 : memref<1x80xi32, #tpu.memory_space<vmem>> -> memref<80xi32, #tpu.memory_space<vmem>>
    %dma_start3A_55 = arith.constant 0 : i32
    %dma_start3A_56 = arith.constant 0 : i32
    %dma_start3A_57 = tpu.memref_slice %arg9[%dma_start3A_55, %dma_start3A_56] : memref<10240x48xf32, #tpu.memory_space<hbm>> -> memref<10240x48xf32, #tpu.memory_space<hbm>>
    tpu.enqueue_indirect_dma source(%dma_start3A_57 : memref<10240x48xf32, #tpu.memory_space<hbm>>) target(%dma_start3A_51 : memref<80x48xf32, #tpu.memory_space<vmem>>) offsets(%dma_start3A_54 : memref<80xi32, #tpu.memory_space<vmem>>) semaphore(%arg20 : memref<!tpu.dma_semaphore, #tpu.memory_space<semaphore_mem>>)
    %dma_start3A_58 = arith.constant 3 : i32
    %dma_start3A_59 = arith.constant 3 : i32
    %dma_start3A_60 = arith.constant 0 : i32
    %dma_start3A_61 = arith.constant 0 : i32
    %dma_start3A_62 = tpu.memref_slice %arg12[%dma_start3A_59, %dma_start3A_60, %dma_start3A_61] : memref<5x80x48xf32, #tpu.memory_space<vmem>> -> memref<1x80x48xf32, #tpu.memory_space<vmem>>
    %dma_start3A_63 = tpu.memref_squeeze %dma_start3A_62 : memref<1x80x48xf32, #tpu.memory_space<vmem>> -> memref<80x48xf32, #tpu.memory_space<vmem>>
    %dma_start3A_64 = arith.constant 0 : i32
    %dma_start3A_65 = tpu.memref_slice %arg10[%dma_start3A_58, %dma_start3A_64] : memref<125x80xi32, #tpu.memory_space<vmem>> -> memref<1x80xi32, #tpu.memory_space<vmem>>
    %dma_start3A_66 = tpu.memref_squeeze %dma_start3A_65 : memref<1x80xi32, #tpu.memory_space<vmem>> -> memref<80xi32, #tpu.memory_space<vmem>>
    %dma_start3A_67 = arith.constant 0 : i32
    %dma_start3A_68 = arith.constant 0 : i32
    %dma_start3A_69 = tpu.memref_slice %arg9[%dma_start3A_67, %dma_start3A_68] : memref<10240x48xf32, #tpu.memory_space<hbm>> -> memref<10240x48xf32, #tpu.memory_space<hbm>>
    tpu.enqueue_indirect_dma source(%dma_start3A_69 : memref<10240x48xf32, #tpu.memory_space<hbm>>) target(%dma_start3A_63 : memref<80x48xf32, #tpu.memory_space<vmem>>) offsets(%dma_start3A_66 : memref<80xi32, #tpu.memory_space<vmem>>) semaphore(%arg21 : memref<!tpu.dma_semaphore, #tpu.memory_space<semaphore_mem>>)
    %dma_start3A_70 = arith.constant 4 : i32
    %dma_start3A_71 = arith.constant 4 : i32
    %dma_start3A_72 = arith.constant 0 : i32
    %dma_start3A_73 = arith.constant 0 : i32
    %dma_start3A_74 = tpu.memref_slice %arg12[%dma_start3A_71, %dma_start3A_72, %dma_start3A_73] : memref<5x80x48xf32, #tpu.memory_space<vmem>> -> memref<1x80x48xf32, #tpu.memory_space<vmem>>
    %dma_start3A_75 = tpu.memref_squeeze %dma_start3A_74 : memref<1x80x48xf32, #tpu.memory_space<vmem>> -> memref<80x48xf32, #tpu.memory_space<vmem>>
    %dma_start3A_76 = arith.constant 0 : i32
    %dma_start3A_77 = tpu.memref_slice %arg10[%dma_start3A_70, %dma_start3A_76] : memref<125x80xi32, #tpu.memory_space<vmem>> -> memref<1x80xi32, #tpu.memory_space<vmem>>
    %dma_start3A_78 = tpu.memref_squeeze %dma_start3A_77 : memref<1x80xi32, #tpu.memory_space<vmem>> -> memref<80xi32, #tpu.memory_space<vmem>>
    %dma_start3A_79 = arith.constant 0 : i32
    %dma_start3A_80 = arith.constant 0 : i32
    %dma_start3A_81 = tpu.memref_slice %arg9[%dma_start3A_79, %dma_start3A_80] : memref<10240x48xf32, #tpu.memory_space<hbm>> -> memref<10240x48xf32, #tpu.memory_space<hbm>>
    tpu.enqueue_indirect_dma source(%dma_start3A_81 : memref<10240x48xf32, #tpu.memory_space<hbm>>) target(%dma_start3A_75 : memref<80x48xf32, #tpu.memory_space<vmem>>) offsets(%dma_start3A_78 : memref<80xi32, #tpu.memory_space<vmem>>) semaphore(%arg22 : memref<!tpu.dma_semaphore, #tpu.memory_space<semaphore_mem>>)
    %scan3A_82 = arith.constant 0 : i32
    %scan3A_83 = arith.constant 0 : i32
    %scan3A_84 = arith.constant 25 : i32
    %scan3A_85 = arith.addi %scan3A_83, %scan3A_84 : i32
    %scan3A_86 = arith.constant 1 : i32
    %scan3A_87 = scf.for %scan3A_104 = %scan3A_83 to %scan3A_85 step %scan3A_86 iter_args(%scan3A_105 = %scan3A_82) -> (i32)  : i32 {
      %mul3A_106 = arith.constant 5 : i32
      %mul3A_107 = arith.muli %scan3A_104, %mul3A_106 : i32
      %add3A_108 = arith.constant 0 : i32
      %add3A_109 = arith.addi %mul3A_107, %add3A_108 : i32
      %dma_wait3A = arith.constant 0 : i32
      %dma_wait3A_110 = arith.constant 0 : i32
      %dma_wait3A_111 = arith.constant 0 : i32
      %dma_wait3A_112 = tpu.memref_slice %arg12[%dma_wait3A, %dma_wait3A_110, %dma_wait3A_111] : memref<5x80x48xf32, #tpu.memory_space<vmem>> -> memref<1x80x48xf32, #tpu.memory_space<vmem>>
      %dma_wait3A_113 = tpu.memref_squeeze %dma_wait3A_112 : memref<1x80x48xf32, #tpu.memory_space<vmem>> -> memref<80x48xf32, #tpu.memory_space<vmem>>
      %dma_wait3A_114 = arith.constant 0 : i32
      %dma_wait3A_115 = tpu.memref_slice %arg10[%add3A_109, %dma_wait3A_114] : memref<125x80xi32, #tpu.memory_space<vmem>> -> memref<1x80xi32, #tpu.memory_space<vmem>>
      %dma_wait3A_116 = tpu.memref_squeeze %dma_wait3A_115 : memref<1x80xi32, #tpu.memory_space<vmem>> -> memref<80xi32, #tpu.memory_space<vmem>>
      %dma_wait3A_117 = arith.constant 0 : i32
      %dma_wait3A_118 = arith.constant 0 : i32
      %dma_wait3A_119 = tpu.memref_slice %arg9[%dma_wait3A_117, %dma_wait3A_118] : memref<10240x48xf32, #tpu.memory_space<hbm>> -> memref<10240x48xf32, #tpu.memory_space<hbm>>
      tpu.wait_indirect_dma semaphore(%arg18 : memref<!tpu.dma_semaphore, #tpu.memory_space<semaphore_mem>>) src(%dma_wait3A_119 : memref<10240x48xf32, #tpu.memory_space<hbm>>) dst(%dma_wait3A_113 : memref<80x48xf32, #tpu.memory_space<vmem>>)
      %run_scoped3A = arith.constant 0 : i32
      "tpu.region"() ({
        %run_scoped3A_219 = tpu.sem_alloc : memref<!tpu.dma_semaphore, #tpu.memory_space<semaphore_mem>>
        %dma_start3A_220 = arith.constant 0 : i32
        %dma_start3A_221 = arith.constant 0 : i32
        %dma_start3A_222 = tpu.memref_slice %arg12[%run_scoped3A, %dma_start3A_220, %dma_start3A_221] : memref<5x80x48xf32, #tpu.memory_space<vmem>> -> memref<1x80x48xf32, #tpu.memory_space<vmem>>
        %dma_start3A_223 = tpu.memref_squeeze %dma_start3A_222 : memref<1x80x48xf32, #tpu.memory_space<vmem>> -> memref<80x48xf32, #tpu.memory_space<vmem>>
        %dma_start3A_224 = arith.constant 0 : i32
        %dma_start3A_225 = tpu.memref_slice %arg11[%add3A_109, %dma_start3A_224] : memref<125x80xi32, #tpu.memory_space<vmem>> -> memref<1x80xi32, #tpu.memory_space<vmem>>
        %dma_start3A_226 = tpu.memref_squeeze %dma_start3A_225 : memref<1x80xi32, #tpu.memory_space<vmem>> -> memref<80xi32, #tpu.memory_space<vmem>>
        %dma_start3A_227 = arith.constant 0 : i32
        %dma_start3A_228 = arith.constant 0 : i32
        %dma_start3A_229 = tpu.memref_slice %arg17[%dma_start3A_227, %dma_start3A_228] : memref<10240x48xf32, #tpu.memory_space<vmem_shared>> -> memref<10240x48xf32, #tpu.memory_space<vmem_shared>>
        tpu.enqueue_indirect_dma source(%dma_start3A_223 : memref<80x48xf32, #tpu.memory_space<vmem>>) target(%dma_start3A_229 : memref<10240x48xf32, #tpu.memory_space<vmem_shared>>) offsets(%dma_start3A_226 : memref<80xi32, #tpu.memory_space<vmem>>) semaphore(%run_scoped3A_219 : memref<!tpu.dma_semaphore, #tpu.memory_space<semaphore_mem>>) {add = true}
        %dma_wait3A_230 = arith.constant 0 : i32
        %dma_wait3A_231 = arith.constant 0 : i32
        %dma_wait3A_232 = tpu.memref_slice %arg12[%run_scoped3A, %dma_wait3A_230, %dma_wait3A_231] : memref<5x80x48xf32, #tpu.memory_space<vmem>> -> memref<1x80x48xf32, #tpu.memory_space<vmem>>
        %dma_wait3A_233 = tpu.memref_squeeze %dma_wait3A_232 : memref<1x80x48xf32, #tpu.memory_space<vmem>> -> memref<80x48xf32, #tpu.memory_space<vmem>>
        %dma_wait3A_234 = arith.constant 0 : i32
        %dma_wait3A_235 = tpu.memref_slice %arg11[%add3A_109, %dma_wait3A_234] : memref<125x80xi32, #tpu.memory_space<vmem>> -> memref<1x80xi32, #tpu.memory_space<vmem>>
        %dma_wait3A_236 = tpu.memref_squeeze %dma_wait3A_235 : memref<1x80xi32, #tpu.memory_space<vmem>> -> memref<80xi32, #tpu.memory_space<vmem>>
        %dma_wait3A_237 = arith.constant 0 : i32
        %dma_wait3A_238 = arith.constant 0 : i32
        %dma_wait3A_239 = tpu.memref_slice %arg17[%dma_wait3A_237, %dma_wait3A_238] : memref<10240x48xf32, #tpu.memory_space<vmem_shared>> -> memref<10240x48xf32, #tpu.memory_space<vmem_shared>>
        tpu.wait_indirect_dma semaphore(%run_scoped3A_219 : memref<!tpu.dma_semaphore, #tpu.memory_space<semaphore_mem>>) src(%dma_wait3A_233 : memref<80x48xf32, #tpu.memory_space<vmem>>) dst(%dma_wait3A_239 : memref<10240x48xf32, #tpu.memory_space<vmem_shared>>)
        tpu.yield
      }) : () -> ()
      %add3A_120 = arith.constant 5 : i32
      %add3A_121 = arith.addi %add3A_109, %add3A_120 : i32
      %lt3A = arith.constant 125 : i32
      %lt3A_122 = arith.cmpi slt, %add3A_121, %lt3A : i32
      %convert_element_type3A_123 = arith.extui %lt3A_122 : i1 to i32
      %cond3A_124 = arith.constant 0 : i32
      %cond3A_125 = arith.cmpi ne, %convert_element_type3A_123, %cond3A_124 : i32
      scf.if %cond3A_125 {
        %dma_start3A_219 = arith.constant 0 : i32
        %dma_start3A_220 = arith.constant 0 : i32
        %dma_start3A_221 = arith.constant 0 : i32
        %dma_start3A_222 = tpu.memref_slice %arg12[%dma_start3A_219, %dma_start3A_220, %dma_start3A_221] : memref<5x80x48xf32, #tpu.memory_space<vmem>> -> memref<1x80x48xf32, #tpu.memory_space<vmem>>
        %dma_start3A_223 = tpu.memref_squeeze %dma_start3A_222 : memref<1x80x48xf32, #tpu.memory_space<vmem>> -> memref<80x48xf32, #tpu.memory_space<vmem>>
        %dma_start3A_224 = arith.constant 0 : i32
        %dma_start3A_225 = tpu.memref_slice %arg10[%add3A_121, %dma_start3A_224] : memref<125x80xi32, #tpu.memory_space<vmem>> -> memref<1x80xi32, #tpu.memory_space<vmem>>
        %dma_start3A_226 = tpu.memref_squeeze %dma_start3A_225 : memref<1x80xi32, #tpu.memory_space<vmem>> -> memref<80xi32, #tpu.memory_space<vmem>>
        %dma_start3A_227 = arith.constant 0 : i32
        %dma_start3A_228 = arith.constant 0 : i32
        %dma_start3A_229 = tpu.memref_slice %arg9[%dma_start3A_227, %dma_start3A_228] : memref<10240x48xf32, #tpu.memory_space<hbm>> -> memref<10240x48xf32, #tpu.memory_space<hbm>>
        tpu.enqueue_indirect_dma source(%dma_start3A_229 : memref<10240x48xf32, #tpu.memory_space<hbm>>) target(%dma_start3A_223 : memref<80x48xf32, #tpu.memory_space<vmem>>) offsets(%dma_start3A_226 : memref<80xi32, #tpu.memory_space<vmem>>) semaphore(%arg18 : memref<!tpu.dma_semaphore, #tpu.memory_space<semaphore_mem>>)
      } else {
      }
      %mul3A_126 = arith.constant 5 : i32
      %mul3A_127 = arith.muli %scan3A_104, %mul3A_126 : i32
      %add3A_128 = arith.constant 1 : i32
      %add3A_129 = arith.addi %mul3A_127, %add3A_128 : i32
      %dma_wait3A_130 = arith.constant 1 : i32
      %dma_wait3A_131 = arith.constant 0 : i32
      %dma_wait3A_132 = arith.constant 0 : i32
      %dma_wait3A_133 = tpu.memref_slice %arg12[%dma_wait3A_130, %dma_wait3A_131, %dma_wait3A_132] : memref<5x80x48xf32, #tpu.memory_space<vmem>> -> memref<1x80x48xf32, #tpu.memory_space<vmem>>
      %dma_wait3A_134 = tpu.memref_squeeze %dma_wait3A_133 : memref<1x80x48xf32, #tpu.memory_space<vmem>> -> memref<80x48xf32, #tpu.memory_space<vmem>>
      %dma_wait3A_135 = arith.constant 0 : i32
      %dma_wait3A_136 = tpu.memref_slice %arg10[%add3A_129, %dma_wait3A_135] : memref<125x80xi32, #tpu.memory_space<vmem>> -> memref<1x80xi32, #tpu.memory_space<vmem>>
      %dma_wait3A_137 = tpu.memref_squeeze %dma_wait3A_136 : memref<1x80xi32, #tpu.memory_space<vmem>> -> memref<80xi32, #tpu.memory_space<vmem>>
      %dma_wait3A_138 = arith.constant 0 : i32
      %dma_wait3A_139 = arith.constant 0 : i32
      %dma_wait3A_140 = tpu.memref_slice %arg9[%dma_wait3A_138, %dma_wait3A_139] : memref<10240x48xf32, #tpu.memory_space<hbm>> -> memref<10240x48xf32, #tpu.memory_space<hbm>>
      tpu.wait_indirect_dma semaphore(%arg19 : memref<!tpu.dma_semaphore, #tpu.memory_space<semaphore_mem>>) src(%dma_wait3A_140 : memref<10240x48xf32, #tpu.memory_space<hbm>>) dst(%dma_wait3A_134 : memref<80x48xf32, #tpu.memory_space<vmem>>)
      %run_scoped3A_141 = arith.constant 1 : i32
      "tpu.region"() ({
        %run_scoped3A_219 = tpu.sem_alloc : memref<!tpu.dma_semaphore, #tpu.memory_space<semaphore_mem>>
        %dma_start3A_220 = arith.constant 0 : i32
        %dma_start3A_221 = arith.constant 0 : i32
        %dma_start3A_222 = tpu.memref_slice %arg12[%run_scoped3A_141, %dma_start3A_220, %dma_start3A_221] : memref<5x80x48xf32, #tpu.memory_space<vmem>> -> memref<1x80x48xf32, #tpu.memory_space<vmem>>
        %dma_start3A_223 = tpu.memref_squeeze %dma_start3A_222 : memref<1x80x48xf32, #tpu.memory_space<vmem>> -> memref<80x48xf32, #tpu.memory_space<vmem>>
        %dma_start3A_224 = arith.constant 0 : i32
        %dma_start3A_225 = tpu.memref_slice %arg11[%add3A_129, %dma_start3A_224] : memref<125x80xi32, #tpu.memory_space<vmem>> -> memref<1x80xi32, #tpu.memory_space<vmem>>
        %dma_start3A_226 = tpu.memref_squeeze %dma_start3A_225 : memref<1x80xi32, #tpu.memory_space<vmem>> -> memref<80xi32, #tpu.memory_space<vmem>>
        %dma_start3A_227 = arith.constant 0 : i32
        %dma_start3A_228 = arith.constant 0 : i32
        %dma_start3A_229 = tpu.memref_slice %arg17[%dma_start3A_227, %dma_start3A_228] : memref<10240x48xf32, #tpu.memory_space<vmem_shared>> -> memref<10240x48xf32, #tpu.memory_space<vmem_shared>>
        tpu.enqueue_indirect_dma source(%dma_start3A_223 : memref<80x48xf32, #tpu.memory_space<vmem>>) target(%dma_start3A_229 : memref<10240x48xf32, #tpu.memory_space<vmem_shared>>) offsets(%dma_start3A_226 : memref<80xi32, #tpu.memory_space<vmem>>) semaphore(%run_scoped3A_219 : memref<!tpu.dma_semaphore, #tpu.memory_space<semaphore_mem>>) {add = true}
        %dma_wait3A_230 = arith.constant 0 : i32
        %dma_wait3A_231 = arith.constant 0 : i32
        %dma_wait3A_232 = tpu.memref_slice %arg12[%run_scoped3A_141, %dma_wait3A_230, %dma_wait3A_231] : memref<5x80x48xf32, #tpu.memory_space<vmem>> -> memref<1x80x48xf32, #tpu.memory_space<vmem>>
        %dma_wait3A_233 = tpu.memref_squeeze %dma_wait3A_232 : memref<1x80x48xf32, #tpu.memory_space<vmem>> -> memref<80x48xf32, #tpu.memory_space<vmem>>
        %dma_wait3A_234 = arith.constant 0 : i32
        %dma_wait3A_235 = tpu.memref_slice %arg11[%add3A_129, %dma_wait3A_234] : memref<125x80xi32, #tpu.memory_space<vmem>> -> memref<1x80xi32, #tpu.memory_space<vmem>>
        %dma_wait3A_236 = tpu.memref_squeeze %dma_wait3A_235 : memref<1x80xi32, #tpu.memory_space<vmem>> -> memref<80xi32, #tpu.memory_space<vmem>>
        %dma_wait3A_237 = arith.constant 0 : i32
        %dma_wait3A_238 = arith.constant 0 : i32
        %dma_wait3A_239 = tpu.memref_slice %arg17[%dma_wait3A_237, %dma_wait3A_238] : memref<10240x48xf32, #tpu.memory_space<vmem_shared>> -> memref<10240x48xf32, #tpu.memory_space<vmem_shared>>
        tpu.wait_indirect_dma semaphore(%run_scoped3A_219 : memref<!tpu.dma_semaphore, #tpu.memory_space<semaphore_mem>>) src(%dma_wait3A_233 : memref<80x48xf32, #tpu.memory_space<vmem>>) dst(%dma_wait3A_239 : memref<10240x48xf32, #tpu.memory_space<vmem_shared>>)
        tpu.yield
      }) : () -> ()
      %add3A_142 = arith.constant 5 : i32
      %add3A_143 = arith.addi %add3A_129, %add3A_142 : i32
      %lt3A_144 = arith.constant 125 : i32
      %lt3A_145 = arith.cmpi slt, %add3A_143, %lt3A_144 : i32
      %convert_element_type3A_146 = arith.extui %lt3A_145 : i1 to i32
      %cond3A_147 = arith.constant 0 : i32
      %cond3A_148 = arith.cmpi ne, %convert_element_type3A_146, %cond3A_147 : i32
      scf.if %cond3A_148 {
        %dma_start3A_219 = arith.constant 1 : i32
        %dma_start3A_220 = arith.constant 0 : i32
        %dma_start3A_221 = arith.constant 0 : i32
        %dma_start3A_222 = tpu.memref_slice %arg12[%dma_start3A_219, %dma_start3A_220, %dma_start3A_221] : memref<5x80x48xf32, #tpu.memory_space<vmem>> -> memref<1x80x48xf32, #tpu.memory_space<vmem>>
        %dma_start3A_223 = tpu.memref_squeeze %dma_start3A_222 : memref<1x80x48xf32, #tpu.memory_space<vmem>> -> memref<80x48xf32, #tpu.memory_space<vmem>>
        %dma_start3A_224 = arith.constant 0 : i32
        %dma_start3A_225 = tpu.memref_slice %arg10[%add3A_143, %dma_start3A_224] : memref<125x80xi32, #tpu.memory_space<vmem>> -> memref<1x80xi32, #tpu.memory_space<vmem>>
        %dma_start3A_226 = tpu.memref_squeeze %dma_start3A_225 : memref<1x80xi32, #tpu.memory_space<vmem>> -> memref<80xi32, #tpu.memory_space<vmem>>
        %dma_start3A_227 = arith.constant 0 : i32
        %dma_start3A_228 = arith.constant 0 : i32
        %dma_start3A_229 = tpu.memref_slice %arg9[%dma_start3A_227, %dma_start3A_228] : memref<10240x48xf32, #tpu.memory_space<hbm>> -> memref<10240x48xf32, #tpu.memory_space<hbm>>
        tpu.enqueue_indirect_dma source(%dma_start3A_229 : memref<10240x48xf32, #tpu.memory_space<hbm>>) target(%dma_start3A_223 : memref<80x48xf32, #tpu.memory_space<vmem>>) offsets(%dma_start3A_226 : memref<80xi32, #tpu.memory_space<vmem>>) semaphore(%arg19 : memref<!tpu.dma_semaphore, #tpu.memory_space<semaphore_mem>>)
      } else {
      }
      %mul3A_149 = arith.constant 5 : i32
      %mul3A_150 = arith.muli %scan3A_104, %mul3A_149 : i32
      %add3A_151 = arith.constant 2 : i32
      %add3A_152 = arith.addi %mul3A_150, %add3A_151 : i32
      %dma_wait3A_153 = arith.constant 2 : i32
      %dma_wait3A_154 = arith.constant 0 : i32
      %dma_wait3A_155 = arith.constant 0 : i32
      %dma_wait3A_156 = tpu.memref_slice %arg12[%dma_wait3A_153, %dma_wait3A_154, %dma_wait3A_155] : memref<5x80x48xf32, #tpu.memory_space<vmem>> -> memref<1x80x48xf32, #tpu.memory_space<vmem>>
      %dma_wait3A_157 = tpu.memref_squeeze %dma_wait3A_156 : memref<1x80x48xf32, #tpu.memory_space<vmem>> -> memref<80x48xf32, #tpu.memory_space<vmem>>
      %dma_wait3A_158 = arith.constant 0 : i32
      %dma_wait3A_159 = tpu.memref_slice %arg10[%add3A_152, %dma_wait3A_158] : memref<125x80xi32, #tpu.memory_space<vmem>> -> memref<1x80xi32, #tpu.memory_space<vmem>>
      %dma_wait3A_160 = tpu.memref_squeeze %dma_wait3A_159 : memref<1x80xi32, #tpu.memory_space<vmem>> -> memref<80xi32, #tpu.memory_space<vmem>>
      %dma_wait3A_161 = arith.constant 0 : i32
      %dma_wait3A_162 = arith.constant 0 : i32
      %dma_wait3A_163 = tpu.memref_slice %arg9[%dma_wait3A_161, %dma_wait3A_162] : memref<10240x48xf32, #tpu.memory_space<hbm>> -> memref<10240x48xf32, #tpu.memory_space<hbm>>
      tpu.wait_indirect_dma semaphore(%arg20 : memref<!tpu.dma_semaphore, #tpu.memory_space<semaphore_mem>>) src(%dma_wait3A_163 : memref<10240x48xf32, #tpu.memory_space<hbm>>) dst(%dma_wait3A_157 : memref<80x48xf32, #tpu.memory_space<vmem>>)
      %run_scoped3A_164 = arith.constant 2 : i32
      "tpu.region"() ({
        %run_scoped3A_219 = tpu.sem_alloc : memref<!tpu.dma_semaphore, #tpu.memory_space<semaphore_mem>>
        %dma_start3A_220 = arith.constant 0 : i32
        %dma_start3A_221 = arith.constant 0 : i32
        %dma_start3A_222 = tpu.memref_slice %arg12[%run_scoped3A_164, %dma_start3A_220, %dma_start3A_221] : memref<5x80x48xf32, #tpu.memory_space<vmem>> -> memref<1x80x48xf32, #tpu.memory_space<vmem>>
        %dma_start3A_223 = tpu.memref_squeeze %dma_start3A_222 : memref<1x80x48xf32, #tpu.memory_space<vmem>> -> memref<80x48xf32, #tpu.memory_space<vmem>>
        %dma_start3A_224 = arith.constant 0 : i32
        %dma_start3A_225 = tpu.memref_slice %arg11[%add3A_152, %dma_start3A_224] : memref<125x80xi32, #tpu.memory_space<vmem>> -> memref<1x80xi32, #tpu.memory_space<vmem>>
        %dma_start3A_226 = tpu.memref_squeeze %dma_start3A_225 : memref<1x80xi32, #tpu.memory_space<vmem>> -> memref<80xi32, #tpu.memory_space<vmem>>
        %dma_start3A_227 = arith.constant 0 : i32
        %dma_start3A_228 = arith.constant 0 : i32
        %dma_start3A_229 = tpu.memref_slice %arg17[%dma_start3A_227, %dma_start3A_228] : memref<10240x48xf32, #tpu.memory_space<vmem_shared>> -> memref<10240x48xf32, #tpu.memory_space<vmem_shared>>
        tpu.enqueue_indirect_dma source(%dma_start3A_223 : memref<80x48xf32, #tpu.memory_space<vmem>>) target(%dma_start3A_229 : memref<10240x48xf32, #tpu.memory_space<vmem_shared>>) offsets(%dma_start3A_226 : memref<80xi32, #tpu.memory_space<vmem>>) semaphore(%run_scoped3A_219 : memref<!tpu.dma_semaphore, #tpu.memory_space<semaphore_mem>>) {add = true}
        %dma_wait3A_230 = arith.constant 0 : i32
        %dma_wait3A_231 = arith.constant 0 : i32
        %dma_wait3A_232 = tpu.memref_slice %arg12[%run_scoped3A_164, %dma_wait3A_230, %dma_wait3A_231] : memref<5x80x48xf32, #tpu.memory_space<vmem>> -> memref<1x80x48xf32, #tpu.memory_space<vmem>>
        %dma_wait3A_233 = tpu.memref_squeeze %dma_wait3A_232 : memref<1x80x48xf32, #tpu.memory_space<vmem>> -> memref<80x48xf32, #tpu.memory_space<vmem>>
        %dma_wait3A_234 = arith.constant 0 : i32
        %dma_wait3A_235 = tpu.memref_slice %arg11[%add3A_152, %dma_wait3A_234] : memref<125x80xi32, #tpu.memory_space<vmem>> -> memref<1x80xi32, #tpu.memory_space<vmem>>
        %dma_wait3A_236 = tpu.memref_squeeze %dma_wait3A_235 : memref<1x80xi32, #tpu.memory_space<vmem>> -> memref<80xi32, #tpu.memory_space<vmem>>
        %dma_wait3A_237 = arith.constant 0 : i32
        %dma_wait3A_238 = arith.constant 0 : i32
        %dma_wait3A_239 = tpu.memref_slice %arg17[%dma_wait3A_237, %dma_wait3A_238] : memref<10240x48xf32, #tpu.memory_space<vmem_shared>> -> memref<10240x48xf32, #tpu.memory_space<vmem_shared>>
        tpu.wait_indirect_dma semaphore(%run_scoped3A_219 : memref<!tpu.dma_semaphore, #tpu.memory_space<semaphore_mem>>) src(%dma_wait3A_233 : memref<80x48xf32, #tpu.memory_space<vmem>>) dst(%dma_wait3A_239 : memref<10240x48xf32, #tpu.memory_space<vmem_shared>>)
        tpu.yield
      }) : () -> ()
      %add3A_165 = arith.constant 5 : i32
      %add3A_166 = arith.addi %add3A_152, %add3A_165 : i32
      %lt3A_167 = arith.constant 125 : i32
      %lt3A_168 = arith.cmpi slt, %add3A_166, %lt3A_167 : i32
      %convert_element_type3A_169 = arith.extui %lt3A_168 : i1 to i32
      %cond3A_170 = arith.constant 0 : i32
      %cond3A_171 = arith.cmpi ne, %convert_element_type3A_169, %cond3A_170 : i32
      scf.if %cond3A_171 {
        %dma_start3A_219 = arith.constant 2 : i32
        %dma_start3A_220 = arith.constant 0 : i32
        %dma_start3A_221 = arith.constant 0 : i32
        %dma_start3A_222 = tpu.memref_slice %arg12[%dma_start3A_219, %dma_start3A_220, %dma_start3A_221] : memref<5x80x48xf32, #tpu.memory_space<vmem>> -> memref<1x80x48xf32, #tpu.memory_space<vmem>>
        %dma_start3A_223 = tpu.memref_squeeze %dma_start3A_222 : memref<1x80x48xf32, #tpu.memory_space<vmem>> -> memref<80x48xf32, #tpu.memory_space<vmem>>
        %dma_start3A_224 = arith.constant 0 : i32
        %dma_start3A_225 = tpu.memref_slice %arg10[%add3A_166, %dma_start3A_224] : memref<125x80xi32, #tpu.memory_space<vmem>> -> memref<1x80xi32, #tpu.memory_space<vmem>>
        %dma_start3A_226 = tpu.memref_squeeze %dma_start3A_225 : memref<1x80xi32, #tpu.memory_space<vmem>> -> memref<80xi32, #tpu.memory_space<vmem>>
        %dma_start3A_227 = arith.constant 0 : i32
        %dma_start3A_228 = arith.constant 0 : i32
        %dma_start3A_229 = tpu.memref_slice %arg9[%dma_start3A_227, %dma_start3A_228] : memref<10240x48xf32, #tpu.memory_space<hbm>> -> memref<10240x48xf32, #tpu.memory_space<hbm>>
        tpu.enqueue_indirect_dma source(%dma_start3A_229 : memref<10240x48xf32, #tpu.memory_space<hbm>>) target(%dma_start3A_223 : memref<80x48xf32, #tpu.memory_space<vmem>>) offsets(%dma_start3A_226 : memref<80xi32, #tpu.memory_space<vmem>>) semaphore(%arg20 : memref<!tpu.dma_semaphore, #tpu.memory_space<semaphore_mem>>)
      } else {
      }
      %mul3A_172 = arith.constant 5 : i32
      %mul3A_173 = arith.muli %scan3A_104, %mul3A_172 : i32
      %add3A_174 = arith.constant 3 : i32
      %add3A_175 = arith.addi %mul3A_173, %add3A_174 : i32
      %dma_wait3A_176 = arith.constant 3 : i32
      %dma_wait3A_177 = arith.constant 0 : i32
      %dma_wait3A_178 = arith.constant 0 : i32
      %dma_wait3A_179 = tpu.memref_slice %arg12[%dma_wait3A_176, %dma_wait3A_177, %dma_wait3A_178] : memref<5x80x48xf32, #tpu.memory_space<vmem>> -> memref<1x80x48xf32, #tpu.memory_space<vmem>>
      %dma_wait3A_180 = tpu.memref_squeeze %dma_wait3A_179 : memref<1x80x48xf32, #tpu.memory_space<vmem>> -> memref<80x48xf32, #tpu.memory_space<vmem>>
      %dma_wait3A_181 = arith.constant 0 : i32
      %dma_wait3A_182 = tpu.memref_slice %arg10[%add3A_175, %dma_wait3A_181] : memref<125x80xi32, #tpu.memory_space<vmem>> -> memref<1x80xi32, #tpu.memory_space<vmem>>
      %dma_wait3A_183 = tpu.memref_squeeze %dma_wait3A_182 : memref<1x80xi32, #tpu.memory_space<vmem>> -> memref<80xi32, #tpu.memory_space<vmem>>
      %dma_wait3A_184 = arith.constant 0 : i32
      %dma_wait3A_185 = arith.constant 0 : i32
      %dma_wait3A_186 = tpu.memref_slice %arg9[%dma_wait3A_184, %dma_wait3A_185] : memref<10240x48xf32, #tpu.memory_space<hbm>> -> memref<10240x48xf32, #tpu.memory_space<hbm>>
      tpu.wait_indirect_dma semaphore(%arg21 : memref<!tpu.dma_semaphore, #tpu.memory_space<semaphore_mem>>) src(%dma_wait3A_186 : memref<10240x48xf32, #tpu.memory_space<hbm>>) dst(%dma_wait3A_180 : memref<80x48xf32, #tpu.memory_space<vmem>>)
      %run_scoped3A_187 = arith.constant 3 : i32
      "tpu.region"() ({
        %run_scoped3A_219 = tpu.sem_alloc : memref<!tpu.dma_semaphore, #tpu.memory_space<semaphore_mem>>
        %dma_start3A_220 = arith.constant 0 : i32
        %dma_start3A_221 = arith.constant 0 : i32
        %dma_start3A_222 = tpu.memref_slice %arg12[%run_scoped3A_187, %dma_start3A_220, %dma_start3A_221] : memref<5x80x48xf32, #tpu.memory_space<vmem>> -> memref<1x80x48xf32, #tpu.memory_space<vmem>>
        %dma_start3A_223 = tpu.memref_squeeze %dma_start3A_222 : memref<1x80x48xf32, #tpu.memory_space<vmem>> -> memref<80x48xf32, #tpu.memory_space<vmem>>
        %dma_start3A_224 = arith.constant 0 : i32
        %dma_start3A_225 = tpu.memref_slice %arg11[%add3A_175, %dma_start3A_224] : memref<125x80xi32, #tpu.memory_space<vmem>> -> memref<1x80xi32, #tpu.memory_space<vmem>>
        %dma_start3A_226 = tpu.memref_squeeze %dma_start3A_225 : memref<1x80xi32, #tpu.memory_space<vmem>> -> memref<80xi32, #tpu.memory_space<vmem>>
        %dma_start3A_227 = arith.constant 0 : i32
        %dma_start3A_228 = arith.constant 0 : i32
        %dma_start3A_229 = tpu.memref_slice %arg17[%dma_start3A_227, %dma_start3A_228] : memref<10240x48xf32, #tpu.memory_space<vmem_shared>> -> memref<10240x48xf32, #tpu.memory_space<vmem_shared>>
        tpu.enqueue_indirect_dma source(%dma_start3A_223 : memref<80x48xf32, #tpu.memory_space<vmem>>) target(%dma_start3A_229 : memref<10240x48xf32, #tpu.memory_space<vmem_shared>>) offsets(%dma_start3A_226 : memref<80xi32, #tpu.memory_space<vmem>>) semaphore(%run_scoped3A_219 : memref<!tpu.dma_semaphore, #tpu.memory_space<semaphore_mem>>) {add = true}
        %dma_wait3A_230 = arith.constant 0 : i32
        %dma_wait3A_231 = arith.constant 0 : i32
        %dma_wait3A_232 = tpu.memref_slice %arg12[%run_scoped3A_187, %dma_wait3A_230, %dma_wait3A_231] : memref<5x80x48xf32, #tpu.memory_space<vmem>> -> memref<1x80x48xf32, #tpu.memory_space<vmem>>
        %dma_wait3A_233 = tpu.memref_squeeze %dma_wait3A_232 : memref<1x80x48xf32, #tpu.memory_space<vmem>> -> memref<80x48xf32, #tpu.memory_space<vmem>>
        %dma_wait3A_234 = arith.constant 0 : i32
        %dma_wait3A_235 = tpu.memref_slice %arg11[%add3A_175, %dma_wait3A_234] : memref<125x80xi32, #tpu.memory_space<vmem>> -> memref<1x80xi32, #tpu.memory_space<vmem>>
        %dma_wait3A_236 = tpu.memref_squeeze %dma_wait3A_235 : memref<1x80xi32, #tpu.memory_space<vmem>> -> memref<80xi32, #tpu.memory_space<vmem>>
        %dma_wait3A_237 = arith.constant 0 : i32
        %dma_wait3A_238 = arith.constant 0 : i32
        %dma_wait3A_239 = tpu.memref_slice %arg17[%dma_wait3A_237, %dma_wait3A_238] : memref<10240x48xf32, #tpu.memory_space<vmem_shared>> -> memref<10240x48xf32, #tpu.memory_space<vmem_shared>>
        tpu.wait_indirect_dma semaphore(%run_scoped3A_219 : memref<!tpu.dma_semaphore, #tpu.memory_space<semaphore_mem>>) src(%dma_wait3A_233 : memref<80x48xf32, #tpu.memory_space<vmem>>) dst(%dma_wait3A_239 : memref<10240x48xf32, #tpu.memory_space<vmem_shared>>)
        tpu.yield
      }) : () -> ()
      %add3A_188 = arith.constant 5 : i32
      %add3A_189 = arith.addi %add3A_175, %add3A_188 : i32
      %lt3A_190 = arith.constant 125 : i32
      %lt3A_191 = arith.cmpi slt, %add3A_189, %lt3A_190 : i32
      %convert_element_type3A_192 = arith.extui %lt3A_191 : i1 to i32
      %cond3A_193 = arith.constant 0 : i32
      %cond3A_194 = arith.cmpi ne, %convert_element_type3A_192, %cond3A_193 : i32
      scf.if %cond3A_194 {
        %dma_start3A_219 = arith.constant 3 : i32
        %dma_start3A_220 = arith.constant 0 : i32
        %dma_start3A_221 = arith.constant 0 : i32
        %dma_start3A_222 = tpu.memref_slice %arg12[%dma_start3A_219, %dma_start3A_220, %dma_start3A_221] : memref<5x80x48xf32, #tpu.memory_space<vmem>> -> memref<1x80x48xf32, #tpu.memory_space<vmem>>
        %dma_start3A_223 = tpu.memref_squeeze %dma_start3A_222 : memref<1x80x48xf32, #tpu.memory_space<vmem>> -> memref<80x48xf32, #tpu.memory_space<vmem>>
        %dma_start3A_224 = arith.constant 0 : i32
        %dma_start3A_225 = tpu.memref_slice %arg10[%add3A_189, %dma_start3A_224] : memref<125x80xi32, #tpu.memory_space<vmem>> -> memref<1x80xi32, #tpu.memory_space<vmem>>
        %dma_start3A_226 = tpu.memref_squeeze %dma_start3A_225 : memref<1x80xi32, #tpu.memory_space<vmem>> -> memref<80xi32, #tpu.memory_space<vmem>>
        %dma_start3A_227 = arith.constant 0 : i32
        %dma_start3A_228 = arith.constant 0 : i32
        %dma_start3A_229 = tpu.memref_slice %arg9[%dma_start3A_227, %dma_start3A_228] : memref<10240x48xf32, #tpu.memory_space<hbm>> -> memref<10240x48xf32, #tpu.memory_space<hbm>>
        tpu.enqueue_indirect_dma source(%dma_start3A_229 : memref<10240x48xf32, #tpu.memory_space<hbm>>) target(%dma_start3A_223 : memref<80x48xf32, #tpu.memory_space<vmem>>) offsets(%dma_start3A_226 : memref<80xi32, #tpu.memory_space<vmem>>) semaphore(%arg21 : memref<!tpu.dma_semaphore, #tpu.memory_space<semaphore_mem>>)
      } else {
      }
      %mul3A_195 = arith.constant 5 : i32
      %mul3A_196 = arith.muli %scan3A_104, %mul3A_195 : i32
      %add3A_197 = arith.constant 4 : i32
      %add3A_198 = arith.addi %mul3A_196, %add3A_197 : i32
      %dma_wait3A_199 = arith.constant 4 : i32
      %dma_wait3A_200 = arith.constant 0 : i32
      %dma_wait3A_201 = arith.constant 0 : i32
      %dma_wait3A_202 = tpu.memref_slice %arg12[%dma_wait3A_199, %dma_wait3A_200, %dma_wait3A_201] : memref<5x80x48xf32, #tpu.memory_space<vmem>> -> memref<1x80x48xf32, #tpu.memory_space<vmem>>
      %dma_wait3A_203 = tpu.memref_squeeze %dma_wait3A_202 : memref<1x80x48xf32, #tpu.memory_space<vmem>> -> memref<80x48xf32, #tpu.memory_space<vmem>>
      %dma_wait3A_204 = arith.constant 0 : i32
      %dma_wait3A_205 = tpu.memref_slice %arg10[%add3A_198, %dma_wait3A_204] : memref<125x80xi32, #tpu.memory_space<vmem>> -> memref<1x80xi32, #tpu.memory_space<vmem>>
      %dma_wait3A_206 = tpu.memref_squeeze %dma_wait3A_205 : memref<1x80xi32, #tpu.memory_space<vmem>> -> memref<80xi32, #tpu.memory_space<vmem>>
      %dma_wait3A_207 = arith.constant 0 : i32
      %dma_wait3A_208 = arith.constant 0 : i32
      %dma_wait3A_209 = tpu.memref_slice %arg9[%dma_wait3A_207, %dma_wait3A_208] : memref<10240x48xf32, #tpu.memory_space<hbm>> -> memref<10240x48xf32, #tpu.memory_space<hbm>>
      tpu.wait_indirect_dma semaphore(%arg22 : memref<!tpu.dma_semaphore, #tpu.memory_space<semaphore_mem>>) src(%dma_wait3A_209 : memref<10240x48xf32, #tpu.memory_space<hbm>>) dst(%dma_wait3A_203 : memref<80x48xf32, #tpu.memory_space<vmem>>)
      %run_scoped3A_210 = arith.constant 4 : i32
      "tpu.region"() ({
        %run_scoped3A_219 = tpu.sem_alloc : memref<!tpu.dma_semaphore, #tpu.memory_space<semaphore_mem>>
        %dma_start3A_220 = arith.constant 0 : i32
        %dma_start3A_221 = arith.constant 0 : i32
        %dma_start3A_222 = tpu.memref_slice %arg12[%run_scoped3A_210, %dma_start3A_220, %dma_start3A_221] : memref<5x80x48xf32, #tpu.memory_space<vmem>> -> memref<1x80x48xf32, #tpu.memory_space<vmem>>
        %dma_start3A_223 = tpu.memref_squeeze %dma_start3A_222 : memref<1x80x48xf32, #tpu.memory_space<vmem>> -> memref<80x48xf32, #tpu.memory_space<vmem>>
        %dma_start3A_224 = arith.constant 0 : i32
        %dma_start3A_225 = tpu.memref_slice %arg11[%add3A_198, %dma_start3A_224] : memref<125x80xi32, #tpu.memory_space<vmem>> -> memref<1x80xi32, #tpu.memory_space<vmem>>
        %dma_start3A_226 = tpu.memref_squeeze %dma_start3A_225 : memref<1x80xi32, #tpu.memory_space<vmem>> -> memref<80xi32, #tpu.memory_space<vmem>>
        %dma_start3A_227 = arith.constant 0 : i32
        %dma_start3A_228 = arith.constant 0 : i32
        %dma_start3A_229 = tpu.memref_slice %arg17[%dma_start3A_227, %dma_start3A_228] : memref<10240x48xf32, #tpu.memory_space<vmem_shared>> -> memref<10240x48xf32, #tpu.memory_space<vmem_shared>>
        tpu.enqueue_indirect_dma source(%dma_start3A_223 : memref<80x48xf32, #tpu.memory_space<vmem>>) target(%dma_start3A_229 : memref<10240x48xf32, #tpu.memory_space<vmem_shared>>) offsets(%dma_start3A_226 : memref<80xi32, #tpu.memory_space<vmem>>) semaphore(%run_scoped3A_219 : memref<!tpu.dma_semaphore, #tpu.memory_space<semaphore_mem>>) {add = true}
        %dma_wait3A_230 = arith.constant 0 : i32
        %dma_wait3A_231 = arith.constant 0 : i32
        %dma_wait3A_232 = tpu.memref_slice %arg12[%run_scoped3A_210, %dma_wait3A_230, %dma_wait3A_231] : memref<5x80x48xf32, #tpu.memory_space<vmem>> -> memref<1x80x48xf32, #tpu.memory_space<vmem>>
        %dma_wait3A_233 = tpu.memref_squeeze %dma_wait3A_232 : memref<1x80x48xf32, #tpu.memory_space<vmem>> -> memref<80x48xf32, #tpu.memory_space<vmem>>
        %dma_wait3A_234 = arith.constant 0 : i32
        %dma_wait3A_235 = tpu.memref_slice %arg11[%add3A_198, %dma_wait3A_234] : memref<125x80xi32, #tpu.memory_space<vmem>> -> memref<1x80xi32, #tpu.memory_space<vmem>>
        %dma_wait3A_236 = tpu.memref_squeeze %dma_wait3A_235 : memref<1x80xi32, #tpu.memory_space<vmem>> -> memref<80xi32, #tpu.memory_space<vmem>>
        %dma_wait3A_237 = arith.constant 0 : i32
        %dma_wait3A_238 = arith.constant 0 : i32
        %dma_wait3A_239 = tpu.memref_slice %arg17[%dma_wait3A_237, %dma_wait3A_238] : memref<10240x48xf32, #tpu.memory_space<vmem_shared>> -> memref<10240x48xf32, #tpu.memory_space<vmem_shared>>
        tpu.wait_indirect_dma semaphore(%run_scoped3A_219 : memref<!tpu.dma_semaphore, #tpu.memory_space<semaphore_mem>>) src(%dma_wait3A_233 : memref<80x48xf32, #tpu.memory_space<vmem>>) dst(%dma_wait3A_239 : memref<10240x48xf32, #tpu.memory_space<vmem_shared>>)
        tpu.yield
      }) : () -> ()
      %add3A_211 = arith.constant 5 : i32
      %add3A_212 = arith.addi %add3A_198, %add3A_211 : i32
      %lt3A_213 = arith.constant 125 : i32
      %lt3A_214 = arith.cmpi slt, %add3A_212, %lt3A_213 : i32
      %convert_element_type3A_215 = arith.extui %lt3A_214 : i1 to i32
      %cond3A_216 = arith.constant 0 : i32
      %cond3A_217 = arith.cmpi ne, %convert_element_type3A_215, %cond3A_216 : i32
      scf.if %cond3A_217 {
        %dma_start3A_219 = arith.constant 4 : i32
        %dma_start3A_220 = arith.constant 0 : i32
        %dma_start3A_221 = arith.constant 0 : i32
        %dma_start3A_222 = tpu.memref_slice %arg12[%dma_start3A_219, %dma_start3A_220, %dma_start3A_221] : memref<5x80x48xf32, #tpu.memory_space<vmem>> -> memref<1x80x48xf32, #tpu.memory_space<vmem>>
        %dma_start3A_223 = tpu.memref_squeeze %dma_start3A_222 : memref<1x80x48xf32, #tpu.memory_space<vmem>> -> memref<80x48xf32, #tpu.memory_space<vmem>>
        %dma_start3A_224 = arith.constant 0 : i32
        %dma_start3A_225 = tpu.memref_slice %arg10[%add3A_212, %dma_start3A_224] : memref<125x80xi32, #tpu.memory_space<vmem>> -> memref<1x80xi32, #tpu.memory_space<vmem>>
        %dma_start3A_226 = tpu.memref_squeeze %dma_start3A_225 : memref<1x80xi32, #tpu.memory_space<vmem>> -> memref<80xi32, #tpu.memory_space<vmem>>
        %dma_start3A_227 = arith.constant 0 : i32
        %dma_start3A_228 = arith.constant 0 : i32
        %dma_start3A_229 = tpu.memref_slice %arg9[%dma_start3A_227, %dma_start3A_228] : memref<10240x48xf32, #tpu.memory_space<hbm>> -> memref<10240x48xf32, #tpu.memory_space<hbm>>
        tpu.enqueue_indirect_dma source(%dma_start3A_229 : memref<10240x48xf32, #tpu.memory_space<hbm>>) target(%dma_start3A_223 : memref<80x48xf32, #tpu.memory_space<vmem>>) offsets(%dma_start3A_226 : memref<80xi32, #tpu.memory_space<vmem>>) semaphore(%arg22 : memref<!tpu.dma_semaphore, #tpu.memory_space<semaphore_mem>>)
      } else {
      }
      %scan3A_218 = arith.constant 0 : i32
      scf.yield %scan3A_218 : i32
    }
    %scan3A_88 = arith.constant 25 : i32
    %barrier3A_89 = arith.constant 0 : index
    tpu.barrier barrier_id(%barrier3A_89)
    "tpu.region"() ({
      %run_scoped3A = tpu.sem_alloc : memref<!tpu.dma_semaphore, #tpu.memory_space<semaphore_mem>>
      %dma_start3A_104 = arith.constant 0 : i32
      %dma_start3A_105 = tpu.memref_slice %arg17[%mul3A_2, %dma_start3A_104] : memref<10240x48xf32, #tpu.memory_space<vmem_shared>> -> memref<640x48xf32, #tpu.memory_space<vmem_shared>>
      %dma_start3A_106 = arith.constant 0 : i32
      %dma_start3A_107 = tpu.memref_slice %arg17[%mul3A_2, %dma_start3A_106] : memref<10240x48xf32, #tpu.memory_space<vmem_shared>> -> memref<640x48xf32, #tpu.memory_space<vmem_shared>>
      tpu.enqueue_dma source(%dma_start3A_107 : memref<640x48xf32, #tpu.memory_space<vmem_shared>>) target(%arg13 : memref<640x48xf32, #tpu.memory_space<vmem>>) target_semaphore(%run_scoped3A : memref<!tpu.dma_semaphore, #tpu.memory_space<semaphore_mem>>)
      %dma_wait3A = arith.constant 0 : i32
      %dma_wait3A_108 = tpu.memref_slice %arg17[%mul3A_2, %dma_wait3A] : memref<10240x48xf32, #tpu.memory_space<vmem_shared>> -> memref<640x48xf32, #tpu.memory_space<vmem_shared>>
      %dma_wait3A_109 = arith.constant 0 : i32
      %dma_wait3A_110 = tpu.memref_slice %arg17[%mul3A_2, %dma_wait3A_109] : memref<10240x48xf32, #tpu.memory_space<vmem_shared>> -> memref<640x48xf32, #tpu.memory_space<vmem_shared>>
      tpu.wait_dma2 semaphore(%run_scoped3A : memref<!tpu.dma_semaphore, #tpu.memory_space<semaphore_mem>>) src(%dma_wait3A_110 : memref<640x48xf32, #tpu.memory_space<vmem_shared>>) dst(%arg13 : memref<640x48xf32, #tpu.memory_space<vmem>>)
      tpu.yield
    }) : () -> ()
    %scan3A_90 = arith.constant 0 : i32
    %scan3A_91 = arith.constant 0 : i32
    %scan3A_92 = arith.constant 40 : i32
    %scan3A_93 = arith.addi %scan3A_91, %scan3A_92 : i32
    %scan3A_94 = arith.constant 1 : i32
    %scan3A_95 = scf.for %scan3A_104 = %scan3A_91 to %scan3A_93 step %scan3A_94 iter_args(%scan3A_105 = %scan3A_90) -> (i32)  : i32 {
      %mul3A_106 = arith.constant 16 : i32
      %mul3A_107 = arith.muli %scan3A_104, %mul3A_106 : i32
      %get3A = arith.index_cast %mul3A_107 : i32 to index
      %get3A_108 = tpu.vector_load %arg14[%get3A] {strides = array<i32>} : memref<640xf32, #tpu.memory_space<vmem>>, vector<16xf32>,
      %mul3A_109 = arith.constant 16 : i32
      %mul3A_110 = arith.muli %scan3A_104, %mul3A_109 : i32
      %add3A_111 = arith.constant 0 : i32
      %add3A_112 = arith.addi %mul3A_110, %add3A_111 : i32
      %slice3A = vector.extract_strided_slice %get3A_108 {offsets = [0], sizes = [1], strides = [1]} : vector<16xf32> to vector<1xf32>
      %squeeze3A = vector.extract %slice3A[0] : f32 from vector<1xf32>
      %broadcast_in_dim3A = vector.broadcast %squeeze3A : f32 to vector<16xf32>
      %get3A_113 = arith.index_cast %add3A_112 : i32 to index
      %get3A_114 = arith.constant 0 : index
      %get3A_115 = tpu.vector_load %arg13[%get3A_113, %get3A_114] {strides = array<i32>} : memref<640x48xf32, #tpu.memory_space<vmem>>, vector<16xf32>,
      %mul3A_116 = arith.mulf %get3A_115, %broadcast_in_dim3A : vector<16xf32>
      %swap3A = arith.index_cast %add3A_112 : i32 to index
      %swap3A_117 = arith.constant 0 : index
      %swap3A_118 = tpu.vector_load %arg13[%swap3A, %swap3A_117] {strides = array<i32>} : memref<640x48xf32, #tpu.memory_space<vmem>>, vector<16xf32>,
      tpu.vector_store %arg13[%swap3A, %swap3A_117], %mul3A_116 {strides = array<i32>} : memref<640x48xf32, #tpu.memory_space<vmem>>, vector<16xf32>,
      %get3A_119 = arith.index_cast %add3A_112 : i32 to index
      %get3A_120 = arith.constant 16 : index
      %get3A_121 = tpu.vector_load %arg13[%get3A_119, %get3A_120] {strides = array<i32>} : memref<640x48xf32, #tpu.memory_space<vmem>>, vector<16xf32>,
      %mul3A_122 = arith.mulf %get3A_121, %broadcast_in_dim3A : vector<16xf32>
      %swap3A_123 = arith.index_cast %add3A_112 : i32 to index
      %swap3A_124 = arith.constant 16 : index
      %swap3A_125 = tpu.vector_load %arg13[%swap3A_123, %swap3A_124] {strides = array<i32>} : memref<640x48xf32, #tpu.memory_space<vmem>>, vector<16xf32>,
      tpu.vector_store %arg13[%swap3A_123, %swap3A_124], %mul3A_122 {strides = array<i32>} : memref<640x48xf32, #tpu.memory_space<vmem>>, vector<16xf32>,
      %get3A_126 = arith.index_cast %add3A_112 : i32 to index
      %get3A_127 = arith.constant 32 : index
      %get3A_128 = tpu.vector_load %arg13[%get3A_126, %get3A_127] {strides = array<i32>} : memref<640x48xf32, #tpu.memory_space<vmem>>, vector<16xf32>,
      %mul3A_129 = arith.mulf %get3A_128, %broadcast_in_dim3A : vector<16xf32>
      %swap3A_130 = arith.index_cast %add3A_112 : i32 to index
      %swap3A_131 = arith.constant 32 : index
      %swap3A_132 = tpu.vector_load %arg13[%swap3A_130, %swap3A_131] {strides = array<i32>} : memref<640x48xf32, #tpu.memory_space<vmem>>, vector<16xf32>,
      tpu.vector_store %arg13[%swap3A_130, %swap3A_131], %mul3A_129 {strides = array<i32>} : memref<640x48xf32, #tpu.memory_space<vmem>>, vector<16xf32>,
      %mul3A_133 = arith.constant 16 : i32
      %mul3A_134 = arith.muli %scan3A_104, %mul3A_133 : i32
      %add3A_135 = arith.constant 1 : i32
      %add3A_136 = arith.addi %mul3A_134, %add3A_135 : i32
      %slice3A_137 = vector.extract_strided_slice %get3A_108 {offsets = [1], sizes = [1], strides = [1]} : vector<16xf32> to vector<1xf32>
      %squeeze3A_138 = vector.extract %slice3A_137[0] : f32 from vector<1xf32>
      %broadcast_in_dim3A_139 = vector.broadcast %squeeze3A_138 : f32 to vector<16xf32>
      %get3A_140 = arith.index_cast %add3A_136 : i32 to index
      %get3A_141 = arith.constant 0 : index
      %get3A_142 = tpu.vector_load %arg13[%get3A_140, %get3A_141] {strides = array<i32>} : memref<640x48xf32, #tpu.memory_space<vmem>>, vector<16xf32>,
      %mul3A_143 = arith.mulf %get3A_142, %broadcast_in_dim3A_139 : vector<16xf32>
      %swap3A_144 = arith.index_cast %add3A_136 : i32 to index
      %swap3A_145 = arith.constant 0 : index
      %swap3A_146 = tpu.vector_load %arg13[%swap3A_144, %swap3A_145] {strides = array<i32>} : memref<640x48xf32, #tpu.memory_space<vmem>>, vector<16xf32>,
      tpu.vector_store %arg13[%swap3A_144, %swap3A_145], %mul3A_143 {strides = array<i32>} : memref<640x48xf32, #tpu.memory_space<vmem>>, vector<16xf32>,
      %get3A_147 = arith.index_cast %add3A_136 : i32 to index
      %get3A_148 = arith.constant 16 : index
      %get3A_149 = tpu.vector_load %arg13[%get3A_147, %get3A_148] {strides = array<i32>} : memref<640x48xf32, #tpu.memory_space<vmem>>, vector<16xf32>,
      %mul3A_150 = arith.mulf %get3A_149, %broadcast_in_dim3A_139 : vector<16xf32>
      %swap3A_151 = arith.index_cast %add3A_136 : i32 to index
      %swap3A_152 = arith.constant 16 : index
      %swap3A_153 = tpu.vector_load %arg13[%swap3A_151, %swap3A_152] {strides = array<i32>} : memref<640x48xf32, #tpu.memory_space<vmem>>, vector<16xf32>,
      tpu.vector_store %arg13[%swap3A_151, %swap3A_152], %mul3A_150 {strides = array<i32>} : memref<640x48xf32, #tpu.memory_space<vmem>>, vector<16xf32>,
      %get3A_154 = arith.index_cast %add3A_136 : i32 to index
      %get3A_155 = arith.constant 32 : index
      %get3A_156 = tpu.vector_load %arg13[%get3A_154, %get3A_155] {strides = array<i32>} : memref<640x48xf32, #tpu.memory_space<vmem>>, vector<16xf32>,
      %mul3A_157 = arith.mulf %get3A_156, %broadcast_in_dim3A_139 : vector<16xf32>
      %swap3A_158 = arith.index_cast %add3A_136 : i32 to index
      %swap3A_159 = arith.constant 32 : index
      %swap3A_160 = tpu.vector_load %arg13[%swap3A_158, %swap3A_159] {strides = array<i32>} : memref<640x48xf32, #tpu.memory_space<vmem>>, vector<16xf32>,
      tpu.vector_store %arg13[%swap3A_158, %swap3A_159], %mul3A_157 {strides = array<i32>} : memref<640x48xf32, #tpu.memory_space<vmem>>, vector<16xf32>,
      %mul3A_161 = arith.constant 16 : i32
      %mul3A_162 = arith.muli %scan3A_104, %mul3A_161 : i32
      %add3A_163 = arith.constant 2 : i32
      %add3A_164 = arith.addi %mul3A_162, %add3A_163 : i32
      %slice3A_165 = vector.extract_strided_slice %get3A_108 {offsets = [2], sizes = [1], strides = [1]} : vector<16xf32> to vector<1xf32>
      %squeeze3A_166 = vector.extract %slice3A_165[0] : f32 from vector<1xf32>
      %broadcast_in_dim3A_167 = vector.broadcast %squeeze3A_166 : f32 to vector<16xf32>
      %get3A_168 = arith.index_cast %add3A_164 : i32 to index
      %get3A_169 = arith.constant 0 : index
      %get3A_170 = tpu.vector_load %arg13[%get3A_168, %get3A_169] {strides = array<i32>} : memref<640x48xf32, #tpu.memory_space<vmem>>, vector<16xf32>,
      %mul3A_171 = arith.mulf %get3A_170, %broadcast_in_dim3A_167 : vector<16xf32>
      %swap3A_172 = arith.index_cast %add3A_164 : i32 to index
      %swap3A_173 = arith.constant 0 : index
      %swap3A_174 = tpu.vector_load %arg13[%swap3A_172, %swap3A_173] {strides = array<i32>} : memref<640x48xf32, #tpu.memory_space<vmem>>, vector<16xf32>,
      tpu.vector_store %arg13[%swap3A_172, %swap3A_173], %mul3A_171 {strides = array<i32>} : memref<640x48xf32, #tpu.memory_space<vmem>>, vector<16xf32>,
      %get3A_175 = arith.index_cast %add3A_164 : i32 to index
      %get3A_176 = arith.constant 16 : index
      %get3A_177 = tpu.vector_load %arg13[%get3A_175, %get3A_176] {strides = array<i32>} : memref<640x48xf32, #tpu.memory_space<vmem>>, vector<16xf32>,
      %mul3A_178 = arith.mulf %get3A_177, %broadcast_in_dim3A_167 : vector<16xf32>
      %swap3A_179 = arith.index_cast %add3A_164 : i32 to index
      %swap3A_180 = arith.constant 16 : index
      %swap3A_181 = tpu.vector_load %arg13[%swap3A_179, %swap3A_180] {strides = array<i32>} : memref<640x48xf32, #tpu.memory_space<vmem>>, vector<16xf32>,
      tpu.vector_store %arg13[%swap3A_179, %swap3A_180], %mul3A_178 {strides = array<i32>} : memref<640x48xf32, #tpu.memory_space<vmem>>, vector<16xf32>,
      %get3A_182 = arith.index_cast %add3A_164 : i32 to index
      %get3A_183 = arith.constant 32 : index
      %get3A_184 = tpu.vector_load %arg13[%get3A_182, %get3A_183] {strides = array<i32>} : memref<640x48xf32, #tpu.memory_space<vmem>>, vector<16xf32>,
      %mul3A_185 = arith.mulf %get3A_184, %broadcast_in_dim3A_167 : vector<16xf32>
      %swap3A_186 = arith.index_cast %add3A_164 : i32 to index
      %swap3A_187 = arith.constant 32 : index
      %swap3A_188 = tpu.vector_load %arg13[%swap3A_186, %swap3A_187] {strides = array<i32>} : memref<640x48xf32, #tpu.memory_space<vmem>>, vector<16xf32>,
      tpu.vector_store %arg13[%swap3A_186, %swap3A_187], %mul3A_185 {strides = array<i32>} : memref<640x48xf32, #tpu.memory_space<vmem>>, vector<16xf32>,
      %mul3A_189 = arith.constant 16 : i32
      %mul3A_190 = arith.muli %scan3A_104, %mul3A_189 : i32
      %add3A_191 = arith.constant 3 : i32
      %add3A_192 = arith.addi %mul3A_190, %add3A_191 : i32
      %slice3A_193 = vector.extract_strided_slice %get3A_108 {offsets = [3], sizes = [1], strides = [1]} : vector<16xf32> to vector<1xf32>
      %squeeze3A_194 = vector.extract %slice3A_193[0] : f32 from vector<1xf32>
      %broadcast_in_dim3A_195 = vector.broadcast %squeeze3A_194 : f32 to vector<16xf32>
      %get3A_196 = arith.index_cast %add3A_192 : i32 to index
      %get3A_197 = arith.constant 0 : index
      %get3A_198 = tpu.vector_load %arg13[%get3A_196, %get3A_197] {strides = array<i32>} : memref<640x48xf32, #tpu.memory_space<vmem>>, vector<16xf32>,
      %mul3A_199 = arith.mulf %get3A_198, %broadcast_in_dim3A_195 : vector<16xf32>
      %swap3A_200 = arith.index_cast %add3A_192 : i32 to index
      %swap3A_201 = arith.constant 0 : index
      %swap3A_202 = tpu.vector_load %arg13[%swap3A_200, %swap3A_201] {strides = array<i32>} : memref<640x48xf32, #tpu.memory_space<vmem>>, vector<16xf32>,
      tpu.vector_store %arg13[%swap3A_200, %swap3A_201], %mul3A_199 {strides = array<i32>} : memref<640x48xf32, #tpu.memory_space<vmem>>, vector<16xf32>,
      %get3A_203 = arith.index_cast %add3A_192 : i32 to index
      %get3A_204 = arith.constant 16 : index
      %get3A_205 = tpu.vector_load %arg13[%get3A_203, %get3A_204] {strides = array<i32>} : memref<640x48xf32, #tpu.memory_space<vmem>>, vector<16xf32>,
      %mul3A_206 = arith.mulf %get3A_205, %broadcast_in_dim3A_195 : vector<16xf32>
      %swap3A_207 = arith.index_cast %add3A_192 : i32 to index
      %swap3A_208 = arith.constant 16 : index
      %swap3A_209 = tpu.vector_load %arg13[%swap3A_207, %swap3A_208] {strides = array<i32>} : memref<640x48xf32, #tpu.memory_space<vmem>>, vector<16xf32>,
      tpu.vector_store %arg13[%swap3A_207, %swap3A_208], %mul3A_206 {strides = array<i32>} : memref<640x48xf32, #tpu.memory_space<vmem>>, vector<16xf32>,
      %get3A_210 = arith.index_cast %add3A_192 : i32 to index
      %get3A_211 = arith.constant 32 : index
      %get3A_212 = tpu.vector_load %arg13[%get3A_210, %get3A_211] {strides = array<i32>} : memref<640x48xf32, #tpu.memory_space<vmem>>, vector<16xf32>,
      %mul3A_213 = arith.mulf %get3A_212, %broadcast_in_dim3A_195 : vector<16xf32>
      %swap3A_214 = arith.index_cast %add3A_192 : i32 to index
      %swap3A_215 = arith.constant 32 : index
      %swap3A_216 = tpu.vector_load %arg13[%swap3A_214, %swap3A_215] {strides = array<i32>} : memref<640x48xf32, #tpu.memory_space<vmem>>, vector<16xf32>,
      tpu.vector_store %arg13[%swap3A_214, %swap3A_215], %mul3A_213 {strides = array<i32>} : memref<640x48xf32, #tpu.memory_space<vmem>>, vector<16xf32>,
      %mul3A_217 = arith.constant 16 : i32
      %mul3A_218 = arith.muli %scan3A_104, %mul3A_217 : i32
      %add3A_219 = arith.constant 4 : i32
      %add3A_220 = arith.addi %mul3A_218, %add3A_219 : i32
      %slice3A_221 = vector.extract_strided_slice %get3A_108 {offsets = [4], sizes = [1], strides = [1]} : vector<16xf32> to vector<1xf32>
      %squeeze3A_222 = vector.extract %slice3A_221[0] : f32 from vector<1xf32>
      %broadcast_in_dim3A_223 = vector.broadcast %squeeze3A_222 : f32 to vector<16xf32>
      %get3A_224 = arith.index_cast %add3A_220 : i32 to index
      %get3A_225 = arith.constant 0 : index
      %get3A_226 = tpu.vector_load %arg13[%get3A_224, %get3A_225] {strides = array<i32>} : memref<640x48xf32, #tpu.memory_space<vmem>>, vector<16xf32>,
      %mul3A_227 = arith.mulf %get3A_226, %broadcast_in_dim3A_223 : vector<16xf32>
      %swap3A_228 = arith.index_cast %add3A_220 : i32 to index
      %swap3A_229 = arith.constant 0 : index
      %swap3A_230 = tpu.vector_load %arg13[%swap3A_228, %swap3A_229] {strides = array<i32>} : memref<640x48xf32, #tpu.memory_space<vmem>>, vector<16xf32>,
      tpu.vector_store %arg13[%swap3A_228, %swap3A_229], %mul3A_227 {strides = array<i32>} : memref<640x48xf32, #tpu.memory_space<vmem>>, vector<16xf32>,
      %get3A_231 = arith.index_cast %add3A_220 : i32 to index
      %get3A_232 = arith.constant 16 : index
      %get3A_233 = tpu.vector_load %arg13[%get3A_231, %get3A_232] {strides = array<i32>} : memref<640x48xf32, #tpu.memory_space<vmem>>, vector<16xf32>,
      %mul3A_234 = arith.mulf %get3A_233, %broadcast_in_dim3A_223 : vector<16xf32>
      %swap3A_235 = arith.index_cast %add3A_220 : i32 to index
      %swap3A_236 = arith.constant 16 : index
      %swap3A_237 = tpu.vector_load %arg13[%swap3A_235, %swap3A_236] {strides = array<i32>} : memref<640x48xf32, #tpu.memory_space<vmem>>, vector<16xf32>,
      tpu.vector_store %arg13[%swap3A_235, %swap3A_236], %mul3A_234 {strides = array<i32>} : memref<640x48xf32, #tpu.memory_space<vmem>>, vector<16xf32>,
      %get3A_238 = arith.index_cast %add3A_220 : i32 to index
      %get3A_239 = arith.constant 32 : index
      %get3A_240 = tpu.vector_load %arg13[%get3A_238, %get3A_239] {strides = array<i32>} : memref<640x48xf32, #tpu.memory_space<vmem>>, vector<16xf32>,
      %mul3A_241 = arith.mulf %get3A_240, %broadcast_in_dim3A_223 : vector<16xf32>
      %swap3A_242 = arith.index_cast %add3A_220 : i32 to index
      %swap3A_243 = arith.constant 32 : index
      %swap3A_244 = tpu.vector_load %arg13[%swap3A_242, %swap3A_243] {strides = array<i32>} : memref<640x48xf32, #tpu.memory_space<vmem>>, vector<16xf32>,
      tpu.vector_store %arg13[%swap3A_242, %swap3A_243], %mul3A_241 {strides = array<i32>} : memref<640x48xf32, #tpu.memory_space<vmem>>, vector<16xf32>,
      %mul3A_245 = arith.constant 16 : i32
      %mul3A_246 = arith.muli %scan3A_104, %mul3A_245 : i32
      %add3A_247 = arith.constant 5 : i32
      %add3A_248 = arith.addi %mul3A_246, %add3A_247 : i32
      %slice3A_249 = vector.extract_strided_slice %get3A_108 {offsets = [5], sizes = [1], strides = [1]} : vector<16xf32> to vector<1xf32>
      %squeeze3A_250 = vector.extract %slice3A_249[0] : f32 from vector<1xf32>
      %broadcast_in_dim3A_251 = vector.broadcast %squeeze3A_250 : f32 to vector<16xf32>
      %get3A_252 = arith.index_cast %add3A_248 : i32 to index
      %get3A_253 = arith.constant 0 : index
      %get3A_254 = tpu.vector_load %arg13[%get3A_252, %get3A_253] {strides = array<i32>} : memref<640x48xf32, #tpu.memory_space<vmem>>, vector<16xf32>,
      %mul3A_255 = arith.mulf %get3A_254, %broadcast_in_dim3A_251 : vector<16xf32>
      %swap3A_256 = arith.index_cast %add3A_248 : i32 to index
      %swap3A_257 = arith.constant 0 : index
      %swap3A_258 = tpu.vector_load %arg13[%swap3A_256, %swap3A_257] {strides = array<i32>} : memref<640x48xf32, #tpu.memory_space<vmem>>, vector<16xf32>,
      tpu.vector_store %arg13[%swap3A_256, %swap3A_257], %mul3A_255 {strides = array<i32>} : memref<640x48xf32, #tpu.memory_space<vmem>>, vector<16xf32>,
      %get3A_259 = arith.index_cast %add3A_248 : i32 to index
      %get3A_260 = arith.constant 16 : index
      %get3A_261 = tpu.vector_load %arg13[%get3A_259, %get3A_260] {strides = array<i32>} : memref<640x48xf32, #tpu.memory_space<vmem>>, vector<16xf32>,
      %mul3A_262 = arith.mulf %get3A_261, %broadcast_in_dim3A_251 : vector<16xf32>
      %swap3A_263 = arith.index_cast %add3A_248 : i32 to index
      %swap3A_264 = arith.constant 16 : index
      %swap3A_265 = tpu.vector_load %arg13[%swap3A_263, %swap3A_264] {strides = array<i32>} : memref<640x48xf32, #tpu.memory_space<vmem>>, vector<16xf32>,
      tpu.vector_store %arg13[%swap3A_263, %swap3A_264], %mul3A_262 {strides = array<i32>} : memref<640x48xf32, #tpu.memory_space<vmem>>, vector<16xf32>,
      %get3A_266 = arith.index_cast %add3A_248 : i32 to index
      %get3A_267 = arith.constant 32 : index
      %get3A_268 = tpu.vector_load %arg13[%get3A_266, %get3A_267] {strides = array<i32>} : memref<640x48xf32, #tpu.memory_space<vmem>>, vector<16xf32>,
      %mul3A_269 = arith.mulf %get3A_268, %broadcast_in_dim3A_251 : vector<16xf32>
      %swap3A_270 = arith.index_cast %add3A_248 : i32 to index
      %swap3A_271 = arith.constant 32 : index
      %swap3A_272 = tpu.vector_load %arg13[%swap3A_270, %swap3A_271] {strides = array<i32>} : memref<640x48xf32, #tpu.memory_space<vmem>>, vector<16xf32>,
      tpu.vector_store %arg13[%swap3A_270, %swap3A_271], %mul3A_269 {strides = array<i32>} : memref<640x48xf32, #tpu.memory_space<vmem>>, vector<16xf32>,
      %mul3A_273 = arith.constant 16 : i32
      %mul3A_274 = arith.muli %scan3A_104, %mul3A_273 : i32
      %add3A_275 = arith.constant 6 : i32
      %add3A_276 = arith.addi %mul3A_274, %add3A_275 : i32
      %slice3A_277 = vector.extract_strided_slice %get3A_108 {offsets = [6], sizes = [1], strides = [1]} : vector<16xf32> to vector<1xf32>
      %squeeze3A_278 = vector.extract %slice3A_277[0] : f32 from vector<1xf32>
      %broadcast_in_dim3A_279 = vector.broadcast %squeeze3A_278 : f32 to vector<16xf32>
      %get3A_280 = arith.index_cast %add3A_276 : i32 to index
      %get3A_281 = arith.constant 0 : index
      %get3A_282 = tpu.vector_load %arg13[%get3A_280, %get3A_281] {strides = array<i32>} : memref<640x48xf32, #tpu.memory_space<vmem>>, vector<16xf32>,
      %mul3A_283 = arith.mulf %get3A_282, %broadcast_in_dim3A_279 : vector<16xf32>
      %swap3A_284 = arith.index_cast %add3A_276 : i32 to index
      %swap3A_285 = arith.constant 0 : index
      %swap3A_286 = tpu.vector_load %arg13[%swap3A_284, %swap3A_285] {strides = array<i32>} : memref<640x48xf32, #tpu.memory_space<vmem>>, vector<16xf32>,
      tpu.vector_store %arg13[%swap3A_284, %swap3A_285], %mul3A_283 {strides = array<i32>} : memref<640x48xf32, #tpu.memory_space<vmem>>, vector<16xf32>,
      %get3A_287 = arith.index_cast %add3A_276 : i32 to index
      %get3A_288 = arith.constant 16 : index
      %get3A_289 = tpu.vector_load %arg13[%get3A_287, %get3A_288] {strides = array<i32>} : memref<640x48xf32, #tpu.memory_space<vmem>>, vector<16xf32>,
      %mul3A_290 = arith.mulf %get3A_289, %broadcast_in_dim3A_279 : vector<16xf32>
      %swap3A_291 = arith.index_cast %add3A_276 : i32 to index
      %swap3A_292 = arith.constant 16 : index
      %swap3A_293 = tpu.vector_load %arg13[%swap3A_291, %swap3A_292] {strides = array<i32>} : memref<640x48xf32, #tpu.memory_space<vmem>>, vector<16xf32>,
      tpu.vector_store %arg13[%swap3A_291, %swap3A_292], %mul3A_290 {strides = array<i32>} : memref<640x48xf32, #tpu.memory_space<vmem>>, vector<16xf32>,
      %get3A_294 = arith.index_cast %add3A_276 : i32 to index
      %get3A_295 = arith.constant 32 : index
      %get3A_296 = tpu.vector_load %arg13[%get3A_294, %get3A_295] {strides = array<i32>} : memref<640x48xf32, #tpu.memory_space<vmem>>, vector<16xf32>,
      %mul3A_297 = arith.mulf %get3A_296, %broadcast_in_dim3A_279 : vector<16xf32>
      %swap3A_298 = arith.index_cast %add3A_276 : i32 to index
      %swap3A_299 = arith.constant 32 : index
      %swap3A_300 = tpu.vector_load %arg13[%swap3A_298, %swap3A_299] {strides = array<i32>} : memref<640x48xf32, #tpu.memory_space<vmem>>, vector<16xf32>,
      tpu.vector_store %arg13[%swap3A_298, %swap3A_299], %mul3A_297 {strides = array<i32>} : memref<640x48xf32, #tpu.memory_space<vmem>>, vector<16xf32>,
      %mul3A_301 = arith.constant 16 : i32
      %mul3A_302 = arith.muli %scan3A_104, %mul3A_301 : i32
      %add3A_303 = arith.constant 7 : i32
      %add3A_304 = arith.addi %mul3A_302, %add3A_303 : i32
      %slice3A_305 = vector.extract_strided_slice %get3A_108 {offsets = [7], sizes = [1], strides = [1]} : vector<16xf32> to vector<1xf32>
      %squeeze3A_306 = vector.extract %slice3A_305[0] : f32 from vector<1xf32>
      %broadcast_in_dim3A_307 = vector.broadcast %squeeze3A_306 : f32 to vector<16xf32>
      %get3A_308 = arith.index_cast %add3A_304 : i32 to index
      %get3A_309 = arith.constant 0 : index
      %get3A_310 = tpu.vector_load %arg13[%get3A_308, %get3A_309] {strides = array<i32>} : memref<640x48xf32, #tpu.memory_space<vmem>>, vector<16xf32>,
      %mul3A_311 = arith.mulf %get3A_310, %broadcast_in_dim3A_307 : vector<16xf32>
      %swap3A_312 = arith.index_cast %add3A_304 : i32 to index
      %swap3A_313 = arith.constant 0 : index
      %swap3A_314 = tpu.vector_load %arg13[%swap3A_312, %swap3A_313] {strides = array<i32>} : memref<640x48xf32, #tpu.memory_space<vmem>>, vector<16xf32>,
      tpu.vector_store %arg13[%swap3A_312, %swap3A_313], %mul3A_311 {strides = array<i32>} : memref<640x48xf32, #tpu.memory_space<vmem>>, vector<16xf32>,
      %get3A_315 = arith.index_cast %add3A_304 : i32 to index
      %get3A_316 = arith.constant 16 : index
      %get3A_317 = tpu.vector_load %arg13[%get3A_315, %get3A_316] {strides = array<i32>} : memref<640x48xf32, #tpu.memory_space<vmem>>, vector<16xf32>,
      %mul3A_318 = arith.mulf %get3A_317, %broadcast_in_dim3A_307 : vector<16xf32>
      %swap3A_319 = arith.index_cast %add3A_304 : i32 to index
      %swap3A_320 = arith.constant 16 : index
      %swap3A_321 = tpu.vector_load %arg13[%swap3A_319, %swap3A_320] {strides = array<i32>} : memref<640x48xf32, #tpu.memory_space<vmem>>, vector<16xf32>,
      tpu.vector_store %arg13[%swap3A_319, %swap3A_320], %mul3A_318 {strides = array<i32>} : memref<640x48xf32, #tpu.memory_space<vmem>>, vector<16xf32>,
      %get3A_322 = arith.index_cast %add3A_304 : i32 to index
      %get3A_323 = arith.constant 32 : index
      %get3A_324 = tpu.vector_load %arg13[%get3A_322, %get3A_323] {strides = array<i32>} : memref<640x48xf32, #tpu.memory_space<vmem>>, vector<16xf32>,
      %mul3A_325 = arith.mulf %get3A_324, %broadcast_in_dim3A_307 : vector<16xf32>
      %swap3A_326 = arith.index_cast %add3A_304 : i32 to index
      %swap3A_327 = arith.constant 32 : index
      %swap3A_328 = tpu.vector_load %arg13[%swap3A_326, %swap3A_327] {strides = array<i32>} : memref<640x48xf32, #tpu.memory_space<vmem>>, vector<16xf32>,
      tpu.vector_store %arg13[%swap3A_326, %swap3A_327], %mul3A_325 {strides = array<i32>} : memref<640x48xf32, #tpu.memory_space<vmem>>, vector<16xf32>,
      %mul3A_329 = arith.constant 16 : i32
      %mul3A_330 = arith.muli %scan3A_104, %mul3A_329 : i32
      %add3A_331 = arith.constant 8 : i32
      %add3A_332 = arith.addi %mul3A_330, %add3A_331 : i32
      %slice3A_333 = vector.extract_strided_slice %get3A_108 {offsets = [8], sizes = [1], strides = [1]} : vector<16xf32> to vector<1xf32>
      %squeeze3A_334 = vector.extract %slice3A_333[0] : f32 from vector<1xf32>
      %broadcast_in_dim3A_335 = vector.broadcast %squeeze3A_334 : f32 to vector<16xf32>
      %get3A_336 = arith.index_cast %add3A_332 : i32 to index
      %get3A_337 = arith.constant 0 : index
      %get3A_338 = tpu.vector_load %arg13[%get3A_336, %get3A_337] {strides = array<i32>} : memref<640x48xf32, #tpu.memory_space<vmem>>, vector<16xf32>,
      %mul3A_339 = arith.mulf %get3A_338, %broadcast_in_dim3A_335 : vector<16xf32>
      %swap3A_340 = arith.index_cast %add3A_332 : i32 to index
      %swap3A_341 = arith.constant 0 : index
      %swap3A_342 = tpu.vector_load %arg13[%swap3A_340, %swap3A_341] {strides = array<i32>} : memref<640x48xf32, #tpu.memory_space<vmem>>, vector<16xf32>,
      tpu.vector_store %arg13[%swap3A_340, %swap3A_341], %mul3A_339 {strides = array<i32>} : memref<640x48xf32, #tpu.memory_space<vmem>>, vector<16xf32>,
      %get3A_343 = arith.index_cast %add3A_332 : i32 to index
      %get3A_344 = arith.constant 16 : index
      %get3A_345 = tpu.vector_load %arg13[%get3A_343, %get3A_344] {strides = array<i32>} : memref<640x48xf32, #tpu.memory_space<vmem>>, vector<16xf32>,
      %mul3A_346 = arith.mulf %get3A_345, %broadcast_in_dim3A_335 : vector<16xf32>
      %swap3A_347 = arith.index_cast %add3A_332 : i32 to index
      %swap3A_348 = arith.constant 16 : index
      %swap3A_349 = tpu.vector_load %arg13[%swap3A_347, %swap3A_348] {strides = array<i32>} : memref<640x48xf32, #tpu.memory_space<vmem>>, vector<16xf32>,
      tpu.vector_store %arg13[%swap3A_347, %swap3A_348], %mul3A_346 {strides = array<i32>} : memref<640x48xf32, #tpu.memory_space<vmem>>, vector<16xf32>,
      %get3A_350 = arith.index_cast %add3A_332 : i32 to index
      %get3A_351 = arith.constant 32 : index
      %get3A_352 = tpu.vector_load %arg13[%get3A_350, %get3A_351] {strides = array<i32>} : memref<640x48xf32, #tpu.memory_space<vmem>>, vector<16xf32>,
      %mul3A_353 = arith.mulf %get3A_352, %broadcast_in_dim3A_335 : vector<16xf32>
      %swap3A_354 = arith.index_cast %add3A_332 : i32 to index
      %swap3A_355 = arith.constant 32 : index
      %swap3A_356 = tpu.vector_load %arg13[%swap3A_354, %swap3A_355] {strides = array<i32>} : memref<640x48xf32, #tpu.memory_space<vmem>>, vector<16xf32>,
      tpu.vector_store %arg13[%swap3A_354, %swap3A_355], %mul3A_353 {strides = array<i32>} : memref<640x48xf32, #tpu.memory_space<vmem>>, vector<16xf32>,
      %mul3A_357 = arith.constant 16 : i32
      %mul3A_358 = arith.muli %scan3A_104, %mul3A_357 : i32
      %add3A_359 = arith.constant 9 : i32
      %add3A_360 = arith.addi %mul3A_358, %add3A_359 : i32
      %slice3A_361 = vector.extract_strided_slice %get3A_108 {offsets = [9], sizes = [1], strides = [1]} : vector<16xf32> to vector<1xf32>
      %squeeze3A_362 = vector.extract %slice3A_361[0] : f32 from vector<1xf32>
      %broadcast_in_dim3A_363 = vector.broadcast %squeeze3A_362 : f32 to vector<16xf32>
      %get3A_364 = arith.index_cast %add3A_360 : i32 to index
      %get3A_365 = arith.constant 0 : index
      %get3A_366 = tpu.vector_load %arg13[%get3A_364, %get3A_365] {strides = array<i32>} : memref<640x48xf32, #tpu.memory_space<vmem>>, vector<16xf32>,
      %mul3A_367 = arith.mulf %get3A_366, %broadcast_in_dim3A_363 : vector<16xf32>
      %swap3A_368 = arith.index_cast %add3A_360 : i32 to index
      %swap3A_369 = arith.constant 0 : index
      %swap3A_370 = tpu.vector_load %arg13[%swap3A_368, %swap3A_369] {strides = array<i32>} : memref<640x48xf32, #tpu.memory_space<vmem>>, vector<16xf32>,
      tpu.vector_store %arg13[%swap3A_368, %swap3A_369], %mul3A_367 {strides = array<i32>} : memref<640x48xf32, #tpu.memory_space<vmem>>, vector<16xf32>,
      %get3A_371 = arith.index_cast %add3A_360 : i32 to index
      %get3A_372 = arith.constant 16 : index
      %get3A_373 = tpu.vector_load %arg13[%get3A_371, %get3A_372] {strides = array<i32>} : memref<640x48xf32, #tpu.memory_space<vmem>>, vector<16xf32>,
      %mul3A_374 = arith.mulf %get3A_373, %broadcast_in_dim3A_363 : vector<16xf32>
      %swap3A_375 = arith.index_cast %add3A_360 : i32 to index
      %swap3A_376 = arith.constant 16 : index
      %swap3A_377 = tpu.vector_load %arg13[%swap3A_375, %swap3A_376] {strides = array<i32>} : memref<640x48xf32, #tpu.memory_space<vmem>>, vector<16xf32>,
      tpu.vector_store %arg13[%swap3A_375, %swap3A_376], %mul3A_374 {strides = array<i32>} : memref<640x48xf32, #tpu.memory_space<vmem>>, vector<16xf32>,
      %get3A_378 = arith.index_cast %add3A_360 : i32 to index
      %get3A_379 = arith.constant 32 : index
      %get3A_380 = tpu.vector_load %arg13[%get3A_378, %get3A_379] {strides = array<i32>} : memref<640x48xf32, #tpu.memory_space<vmem>>, vector<16xf32>,
      %mul3A_381 = arith.mulf %get3A_380, %broadcast_in_dim3A_363 : vector<16xf32>
      %swap3A_382 = arith.index_cast %add3A_360 : i32 to index
      %swap3A_383 = arith.constant 32 : index
      %swap3A_384 = tpu.vector_load %arg13[%swap3A_382, %swap3A_383] {strides = array<i32>} : memref<640x48xf32, #tpu.memory_space<vmem>>, vector<16xf32>,
      tpu.vector_store %arg13[%swap3A_382, %swap3A_383], %mul3A_381 {strides = array<i32>} : memref<640x48xf32, #tpu.memory_space<vmem>>, vector<16xf32>,
      %mul3A_385 = arith.constant 16 : i32
      %mul3A_386 = arith.muli %scan3A_104, %mul3A_385 : i32
      %add3A_387 = arith.constant 10 : i32
      %add3A_388 = arith.addi %mul3A_386, %add3A_387 : i32
      %slice3A_389 = vector.extract_strided_slice %get3A_108 {offsets = [10], sizes = [1], strides = [1]} : vector<16xf32> to vector<1xf32>
      %squeeze3A_390 = vector.extract %slice3A_389[0] : f32 from vector<1xf32>
      %broadcast_in_dim3A_391 = vector.broadcast %squeeze3A_390 : f32 to vector<16xf32>
      %get3A_392 = arith.index_cast %add3A_388 : i32 to index
      %get3A_393 = arith.constant 0 : index
      %get3A_394 = tpu.vector_load %arg13[%get3A_392, %get3A_393] {strides = array<i32>} : memref<640x48xf32, #tpu.memory_space<vmem>>, vector<16xf32>,
      %mul3A_395 = arith.mulf %get3A_394, %broadcast_in_dim3A_391 : vector<16xf32>
      %swap3A_396 = arith.index_cast %add3A_388 : i32 to index
      %swap3A_397 = arith.constant 0 : index
      %swap3A_398 = tpu.vector_load %arg13[%swap3A_396, %swap3A_397] {strides = array<i32>} : memref<640x48xf32, #tpu.memory_space<vmem>>, vector<16xf32>,
      tpu.vector_store %arg13[%swap3A_396, %swap3A_397], %mul3A_395 {strides = array<i32>} : memref<640x48xf32, #tpu.memory_space<vmem>>, vector<16xf32>,
      %get3A_399 = arith.index_cast %add3A_388 : i32 to index
      %get3A_400 = arith.constant 16 : index
      %get3A_401 = tpu.vector_load %arg13[%get3A_399, %get3A_400] {strides = array<i32>} : memref<640x48xf32, #tpu.memory_space<vmem>>, vector<16xf32>,
      %mul3A_402 = arith.mulf %get3A_401, %broadcast_in_dim3A_391 : vector<16xf32>
      %swap3A_403 = arith.index_cast %add3A_388 : i32 to index
      %swap3A_404 = arith.constant 16 : index
      %swap3A_405 = tpu.vector_load %arg13[%swap3A_403, %swap3A_404] {strides = array<i32>} : memref<640x48xf32, #tpu.memory_space<vmem>>, vector<16xf32>,
      tpu.vector_store %arg13[%swap3A_403, %swap3A_404], %mul3A_402 {strides = array<i32>} : memref<640x48xf32, #tpu.memory_space<vmem>>, vector<16xf32>,
      %get3A_406 = arith.index_cast %add3A_388 : i32 to index
      %get3A_407 = arith.constant 32 : index
      %get3A_408 = tpu.vector_load %arg13[%get3A_406, %get3A_407] {strides = array<i32>} : memref<640x48xf32, #tpu.memory_space<vmem>>, vector<16xf32>,
      %mul3A_409 = arith.mulf %get3A_408, %broadcast_in_dim3A_391 : vector<16xf32>
      %swap3A_410 = arith.index_cast %add3A_388 : i32 to index
      %swap3A_411 = arith.constant 32 : index
      %swap3A_412 = tpu.vector_load %arg13[%swap3A_410, %swap3A_411] {strides = array<i32>} : memref<640x48xf32, #tpu.memory_space<vmem>>, vector<16xf32>,
      tpu.vector_store %arg13[%swap3A_410, %swap3A_411], %mul3A_409 {strides = array<i32>} : memref<640x48xf32, #tpu.memory_space<vmem>>, vector<16xf32>,
      %mul3A_413 = arith.constant 16 : i32
      %mul3A_414 = arith.muli %scan3A_104, %mul3A_413 : i32
      %add3A_415 = arith.constant 11 : i32
      %add3A_416 = arith.addi %mul3A_414, %add3A_415 : i32
      %slice3A_417 = vector.extract_strided_slice %get3A_108 {offsets = [11], sizes = [1], strides = [1]} : vector<16xf32> to vector<1xf32>
      %squeeze3A_418 = vector.extract %slice3A_417[0] : f32 from vector<1xf32>
      %broadcast_in_dim3A_419 = vector.broadcast %squeeze3A_418 : f32 to vector<16xf32>
      %get3A_420 = arith.index_cast %add3A_416 : i32 to index
      %get3A_421 = arith.constant 0 : index
      %get3A_422 = tpu.vector_load %arg13[%get3A_420, %get3A_421] {strides = array<i32>} : memref<640x48xf32, #tpu.memory_space<vmem>>, vector<16xf32>,
      %mul3A_423 = arith.mulf %get3A_422, %broadcast_in_dim3A_419 : vector<16xf32>
      %swap3A_424 = arith.index_cast %add3A_416 : i32 to index
      %swap3A_425 = arith.constant 0 : index
      %swap3A_426 = tpu.vector_load %arg13[%swap3A_424, %swap3A_425] {strides = array<i32>} : memref<640x48xf32, #tpu.memory_space<vmem>>, vector<16xf32>,
      tpu.vector_store %arg13[%swap3A_424, %swap3A_425], %mul3A_423 {strides = array<i32>} : memref<640x48xf32, #tpu.memory_space<vmem>>, vector<16xf32>,
      %get3A_427 = arith.index_cast %add3A_416 : i32 to index
      %get3A_428 = arith.constant 16 : index
      %get3A_429 = tpu.vector_load %arg13[%get3A_427, %get3A_428] {strides = array<i32>} : memref<640x48xf32, #tpu.memory_space<vmem>>, vector<16xf32>,
      %mul3A_430 = arith.mulf %get3A_429, %broadcast_in_dim3A_419 : vector<16xf32>
      %swap3A_431 = arith.index_cast %add3A_416 : i32 to index
      %swap3A_432 = arith.constant 16 : index
      %swap3A_433 = tpu.vector_load %arg13[%swap3A_431, %swap3A_432] {strides = array<i32>} : memref<640x48xf32, #tpu.memory_space<vmem>>, vector<16xf32>,
      tpu.vector_store %arg13[%swap3A_431, %swap3A_432], %mul3A_430 {strides = array<i32>} : memref<640x48xf32, #tpu.memory_space<vmem>>, vector<16xf32>,
      %get3A_434 = arith.index_cast %add3A_416 : i32 to index
      %get3A_435 = arith.constant 32 : index
      %get3A_436 = tpu.vector_load %arg13[%get3A_434, %get3A_435] {strides = array<i32>} : memref<640x48xf32, #tpu.memory_space<vmem>>, vector<16xf32>,
      %mul3A_437 = arith.mulf %get3A_436, %broadcast_in_dim3A_419 : vector<16xf32>
      %swap3A_438 = arith.index_cast %add3A_416 : i32 to index
      %swap3A_439 = arith.constant 32 : index
      %swap3A_440 = tpu.vector_load %arg13[%swap3A_438, %swap3A_439] {strides = array<i32>} : memref<640x48xf32, #tpu.memory_space<vmem>>, vector<16xf32>,
      tpu.vector_store %arg13[%swap3A_438, %swap3A_439], %mul3A_437 {strides = array<i32>} : memref<640x48xf32, #tpu.memory_space<vmem>>, vector<16xf32>,
      %mul3A_441 = arith.constant 16 : i32
      %mul3A_442 = arith.muli %scan3A_104, %mul3A_441 : i32
      %add3A_443 = arith.constant 12 : i32
      %add3A_444 = arith.addi %mul3A_442, %add3A_443 : i32
      %slice3A_445 = vector.extract_strided_slice %get3A_108 {offsets = [12], sizes = [1], strides = [1]} : vector<16xf32> to vector<1xf32>
      %squeeze3A_446 = vector.extract %slice3A_445[0] : f32 from vector<1xf32>
      %broadcast_in_dim3A_447 = vector.broadcast %squeeze3A_446 : f32 to vector<16xf32>
      %get3A_448 = arith.index_cast %add3A_444 : i32 to index
      %get3A_449 = arith.constant 0 : index
      %get3A_450 = tpu.vector_load %arg13[%get3A_448, %get3A_449] {strides = array<i32>} : memref<640x48xf32, #tpu.memory_space<vmem>>, vector<16xf32>,
      %mul3A_451 = arith.mulf %get3A_450, %broadcast_in_dim3A_447 : vector<16xf32>
      %swap3A_452 = arith.index_cast %add3A_444 : i32 to index
      %swap3A_453 = arith.constant 0 : index
      %swap3A_454 = tpu.vector_load %arg13[%swap3A_452, %swap3A_453] {strides = array<i32>} : memref<640x48xf32, #tpu.memory_space<vmem>>, vector<16xf32>,
      tpu.vector_store %arg13[%swap3A_452, %swap3A_453], %mul3A_451 {strides = array<i32>} : memref<640x48xf32, #tpu.memory_space<vmem>>, vector<16xf32>,
      %get3A_455 = arith.index_cast %add3A_444 : i32 to index
      %get3A_456 = arith.constant 16 : index
      %get3A_457 = tpu.vector_load %arg13[%get3A_455, %get3A_456] {strides = array<i32>} : memref<640x48xf32, #tpu.memory_space<vmem>>, vector<16xf32>,
      %mul3A_458 = arith.mulf %get3A_457, %broadcast_in_dim3A_447 : vector<16xf32>
      %swap3A_459 = arith.index_cast %add3A_444 : i32 to index
      %swap3A_460 = arith.constant 16 : index
      %swap3A_461 = tpu.vector_load %arg13[%swap3A_459, %swap3A_460] {strides = array<i32>} : memref<640x48xf32, #tpu.memory_space<vmem>>, vector<16xf32>,
      tpu.vector_store %arg13[%swap3A_459, %swap3A_460], %mul3A_458 {strides = array<i32>} : memref<640x48xf32, #tpu.memory_space<vmem>>, vector<16xf32>,
      %get3A_462 = arith.index_cast %add3A_444 : i32 to index
      %get3A_463 = arith.constant 32 : index
      %get3A_464 = tpu.vector_load %arg13[%get3A_462, %get3A_463] {strides = array<i32>} : memref<640x48xf32, #tpu.memory_space<vmem>>, vector<16xf32>,
      %mul3A_465 = arith.mulf %get3A_464, %broadcast_in_dim3A_447 : vector<16xf32>
      %swap3A_466 = arith.index_cast %add3A_444 : i32 to index
      %swap3A_467 = arith.constant 32 : index
      %swap3A_468 = tpu.vector_load %arg13[%swap3A_466, %swap3A_467] {strides = array<i32>} : memref<640x48xf32, #tpu.memory_space<vmem>>, vector<16xf32>,
      tpu.vector_store %arg13[%swap3A_466, %swap3A_467], %mul3A_465 {strides = array<i32>} : memref<640x48xf32, #tpu.memory_space<vmem>>, vector<16xf32>,
      %mul3A_469 = arith.constant 16 : i32
      %mul3A_470 = arith.muli %scan3A_104, %mul3A_469 : i32
      %add3A_471 = arith.constant 13 : i32
      %add3A_472 = arith.addi %mul3A_470, %add3A_471 : i32
      %slice3A_473 = vector.extract_strided_slice %get3A_108 {offsets = [13], sizes = [1], strides = [1]} : vector<16xf32> to vector<1xf32>
      %squeeze3A_474 = vector.extract %slice3A_473[0] : f32 from vector<1xf32>
      %broadcast_in_dim3A_475 = vector.broadcast %squeeze3A_474 : f32 to vector<16xf32>
      %get3A_476 = arith.index_cast %add3A_472 : i32 to index
      %get3A_477 = arith.constant 0 : index
      %get3A_478 = tpu.vector_load %arg13[%get3A_476, %get3A_477] {strides = array<i32>} : memref<640x48xf32, #tpu.memory_space<vmem>>, vector<16xf32>,
      %mul3A_479 = arith.mulf %get3A_478, %broadcast_in_dim3A_475 : vector<16xf32>
      %swap3A_480 = arith.index_cast %add3A_472 : i32 to index
      %swap3A_481 = arith.constant 0 : index
      %swap3A_482 = tpu.vector_load %arg13[%swap3A_480, %swap3A_481] {strides = array<i32>} : memref<640x48xf32, #tpu.memory_space<vmem>>, vector<16xf32>,
      tpu.vector_store %arg13[%swap3A_480, %swap3A_481], %mul3A_479 {strides = array<i32>} : memref<640x48xf32, #tpu.memory_space<vmem>>, vector<16xf32>,
      %get3A_483 = arith.index_cast %add3A_472 : i32 to index
      %get3A_484 = arith.constant 16 : index
      %get3A_485 = tpu.vector_load %arg13[%get3A_483, %get3A_484] {strides = array<i32>} : memref<640x48xf32, #tpu.memory_space<vmem>>, vector<16xf32>,
      %mul3A_486 = arith.mulf %get3A_485, %broadcast_in_dim3A_475 : vector<16xf32>
      %swap3A_487 = arith.index_cast %add3A_472 : i32 to index
      %swap3A_488 = arith.constant 16 : index
      %swap3A_489 = tpu.vector_load %arg13[%swap3A_487, %swap3A_488] {strides = array<i32>} : memref<640x48xf32, #tpu.memory_space<vmem>>, vector<16xf32>,
      tpu.vector_store %arg13[%swap3A_487, %swap3A_488], %mul3A_486 {strides = array<i32>} : memref<640x48xf32, #tpu.memory_space<vmem>>, vector<16xf32>,
      %get3A_490 = arith.index_cast %add3A_472 : i32 to index
      %get3A_491 = arith.constant 32 : index
      %get3A_492 = tpu.vector_load %arg13[%get3A_490, %get3A_491] {strides = array<i32>} : memref<640x48xf32, #tpu.memory_space<vmem>>, vector<16xf32>,
      %mul3A_493 = arith.mulf %get3A_492, %broadcast_in_dim3A_475 : vector<16xf32>
      %swap3A_494 = arith.index_cast %add3A_472 : i32 to index
      %swap3A_495 = arith.constant 32 : index
      %swap3A_496 = tpu.vector_load %arg13[%swap3A_494, %swap3A_495] {strides = array<i32>} : memref<640x48xf32, #tpu.memory_space<vmem>>, vector<16xf32>,
      tpu.vector_store %arg13[%swap3A_494, %swap3A_495], %mul3A_493 {strides = array<i32>} : memref<640x48xf32, #tpu.memory_space<vmem>>, vector<16xf32>,
      %mul3A_497 = arith.constant 16 : i32
      %mul3A_498 = arith.muli %scan3A_104, %mul3A_497 : i32
      %add3A_499 = arith.constant 14 : i32
      %add3A_500 = arith.addi %mul3A_498, %add3A_499 : i32
      %slice3A_501 = vector.extract_strided_slice %get3A_108 {offsets = [14], sizes = [1], strides = [1]} : vector<16xf32> to vector<1xf32>
      %squeeze3A_502 = vector.extract %slice3A_501[0] : f32 from vector<1xf32>
      %broadcast_in_dim3A_503 = vector.broadcast %squeeze3A_502 : f32 to vector<16xf32>
      %get3A_504 = arith.index_cast %add3A_500 : i32 to index
      %get3A_505 = arith.constant 0 : index
      %get3A_506 = tpu.vector_load %arg13[%get3A_504, %get3A_505] {strides = array<i32>} : memref<640x48xf32, #tpu.memory_space<vmem>>, vector<16xf32>,
      %mul3A_507 = arith.mulf %get3A_506, %broadcast_in_dim3A_503 : vector<16xf32>
      %swap3A_508 = arith.index_cast %add3A_500 : i32 to index
      %swap3A_509 = arith.constant 0 : index
      %swap3A_510 = tpu.vector_load %arg13[%swap3A_508, %swap3A_509] {strides = array<i32>} : memref<640x48xf32, #tpu.memory_space<vmem>>, vector<16xf32>,
      tpu.vector_store %arg13[%swap3A_508, %swap3A_509], %mul3A_507 {strides = array<i32>} : memref<640x48xf32, #tpu.memory_space<vmem>>, vector<16xf32>,
      %get3A_511 = arith.index_cast %add3A_500 : i32 to index
      %get3A_512 = arith.constant 16 : index
      %get3A_513 = tpu.vector_load %arg13[%get3A_511, %get3A_512] {strides = array<i32>} : memref<640x48xf32, #tpu.memory_space<vmem>>, vector<16xf32>,
      %mul3A_514 = arith.mulf %get3A_513, %broadcast_in_dim3A_503 : vector<16xf32>
      %swap3A_515 = arith.index_cast %add3A_500 : i32 to index
      %swap3A_516 = arith.constant 16 : index
      %swap3A_517 = tpu.vector_load %arg13[%swap3A_515, %swap3A_516] {strides = array<i32>} : memref<640x48xf32, #tpu.memory_space<vmem>>, vector<16xf32>,
      tpu.vector_store %arg13[%swap3A_515, %swap3A_516], %mul3A_514 {strides = array<i32>} : memref<640x48xf32, #tpu.memory_space<vmem>>, vector<16xf32>,
      %get3A_518 = arith.index_cast %add3A_500 : i32 to index
      %get3A_519 = arith.constant 32 : index
      %get3A_520 = tpu.vector_load %arg13[%get3A_518, %get3A_519] {strides = array<i32>} : memref<640x48xf32, #tpu.memory_space<vmem>>, vector<16xf32>,
      %mul3A_521 = arith.mulf %get3A_520, %broadcast_in_dim3A_503 : vector<16xf32>
      %swap3A_522 = arith.index_cast %add3A_500 : i32 to index
      %swap3A_523 = arith.constant 32 : index
      %swap3A_524 = tpu.vector_load %arg13[%swap3A_522, %swap3A_523] {strides = array<i32>} : memref<640x48xf32, #tpu.memory_space<vmem>>, vector<16xf32>,
      tpu.vector_store %arg13[%swap3A_522, %swap3A_523], %mul3A_521 {strides = array<i32>} : memref<640x48xf32, #tpu.memory_space<vmem>>, vector<16xf32>,
      %mul3A_525 = arith.constant 16 : i32
      %mul3A_526 = arith.muli %scan3A_104, %mul3A_525 : i32
      %add3A_527 = arith.constant 15 : i32
      %add3A_528 = arith.addi %mul3A_526, %add3A_527 : i32
      %slice3A_529 = vector.extract_strided_slice %get3A_108 {offsets = [15], sizes = [1], strides = [1]} : vector<16xf32> to vector<1xf32>
      %squeeze3A_530 = vector.extract %slice3A_529[0] : f32 from vector<1xf32>
      %broadcast_in_dim3A_531 = vector.broadcast %squeeze3A_530 : f32 to vector<16xf32>
      %get3A_532 = arith.index_cast %add3A_528 : i32 to index
      %get3A_533 = arith.constant 0 : index
      %get3A_534 = tpu.vector_load %arg13[%get3A_532, %get3A_533] {strides = array<i32>} : memref<640x48xf32, #tpu.memory_space<vmem>>, vector<16xf32>,
      %mul3A_535 = arith.mulf %get3A_534, %broadcast_in_dim3A_531 : vector<16xf32>
      %swap3A_536 = arith.index_cast %add3A_528 : i32 to index
      %swap3A_537 = arith.constant 0 : index
      %swap3A_538 = tpu.vector_load %arg13[%swap3A_536, %swap3A_537] {strides = array<i32>} : memref<640x48xf32, #tpu.memory_space<vmem>>, vector<16xf32>,
      tpu.vector_store %arg13[%swap3A_536, %swap3A_537], %mul3A_535 {strides = array<i32>} : memref<640x48xf32, #tpu.memory_space<vmem>>, vector<16xf32>,
      %get3A_539 = arith.index_cast %add3A_528 : i32 to index
      %get3A_540 = arith.constant 16 : index
      %get3A_541 = tpu.vector_load %arg13[%get3A_539, %get3A_540] {strides = array<i32>} : memref<640x48xf32, #tpu.memory_space<vmem>>, vector<16xf32>,
      %mul3A_542 = arith.mulf %get3A_541, %broadcast_in_dim3A_531 : vector<16xf32>
      %swap3A_543 = arith.index_cast %add3A_528 : i32 to index
      %swap3A_544 = arith.constant 16 : index
      %swap3A_545 = tpu.vector_load %arg13[%swap3A_543, %swap3A_544] {strides = array<i32>} : memref<640x48xf32, #tpu.memory_space<vmem>>, vector<16xf32>,
      tpu.vector_store %arg13[%swap3A_543, %swap3A_544], %mul3A_542 {strides = array<i32>} : memref<640x48xf32, #tpu.memory_space<vmem>>, vector<16xf32>,
      %get3A_546 = arith.index_cast %add3A_528 : i32 to index
      %get3A_547 = arith.constant 32 : index
      %get3A_548 = tpu.vector_load %arg13[%get3A_546, %get3A_547] {strides = array<i32>} : memref<640x48xf32, #tpu.memory_space<vmem>>, vector<16xf32>,
      %mul3A_549 = arith.mulf %get3A_548, %broadcast_in_dim3A_531 : vector<16xf32>
      %swap3A_550 = arith.index_cast %add3A_528 : i32 to index
      %swap3A_551 = arith.constant 32 : index
      %swap3A_552 = tpu.vector_load %arg13[%swap3A_550, %swap3A_551] {strides = array<i32>} : memref<640x48xf32, #tpu.memory_space<vmem>>, vector<16xf32>,
      tpu.vector_store %arg13[%swap3A_550, %swap3A_551], %mul3A_549 {strides = array<i32>} : memref<640x48xf32, #tpu.memory_space<vmem>>, vector<16xf32>,
      %scan3A_553 = arith.constant 0 : i32
      scf.yield %scan3A_553 : i32
    }
    %scan3A_96 = arith.constant 40 : i32
    %eq3A = arith.constant 0 : i32
    %eq3A_97 = arith.cmpi eq, %arg0, %eq3A : i32
    %convert_element_type3A = arith.extui %eq3A_97 : i1 to i32
    %cond3A = arith.constant 0 : i32
    %cond3A_98 = arith.cmpi ne, %convert_element_type3A, %cond3A : i32
    scf.if %cond3A_98 {
      "tpu.region"() ({
        %run_scoped3A = tpu.sem_alloc : memref<!tpu.dma_semaphore, #tpu.memory_space<semaphore_mem>>
        %dma_start3A_104 = arith.constant 0 : i32
        %dma_start3A_105 = tpu.memref_slice %arg7[%mul3A_2, %dma_start3A_104] : memref<10240x128xf32, #tpu.memory_space<hbm>> -> memref<640x48xf32, #tpu.memory_space<hbm>>
        %dma_start3A_106 = arith.constant 0 : i32
        %dma_start3A_107 = tpu.memref_slice %arg7[%mul3A_2, %dma_start3A_106] : memref<10240x128xf32, #tpu.memory_space<hbm>> -> memref<640x48xf32, #tpu.memory_space<hbm>>
        tpu.enqueue_dma source(%arg13 : memref<640x48xf32, #tpu.memory_space<vmem>>) target(%dma_start3A_107 : memref<640x48xf32, #tpu.memory_space<hbm>>) target_semaphore(%run_scoped3A : memref<!tpu.dma_semaphore, #tpu.memory_space<semaphore_mem>>)
        %dma_wait3A = arith.constant 0 : i32
        %dma_wait3A_108 = tpu.memref_slice %arg7[%mul3A_2, %dma_wait3A] : memref<10240x128xf32, #tpu.memory_space<hbm>> -> memref<640x48xf32, #tpu.memory_space<hbm>>
        %dma_wait3A_109 = arith.constant 0 : i32
        %dma_wait3A_110 = tpu.memref_slice %arg7[%mul3A_2, %dma_wait3A_109] : memref<10240x128xf32, #tpu.memory_space<hbm>> -> memref<640x48xf32, #tpu.memory_space<hbm>>
        tpu.wait_dma2 semaphore(%run_scoped3A : memref<!tpu.dma_semaphore, #tpu.memory_space<semaphore_mem>>) src(%arg13 : memref<640x48xf32, #tpu.memory_space<vmem>>) dst(%dma_wait3A_110 : memref<640x48xf32, #tpu.memory_space<hbm>>)
        tpu.yield
      }) : () -> ()
    } else {
    }
    %eq3A_99 = arith.constant 1 : i32
    %eq3A_100 = arith.cmpi eq, %arg0, %eq3A_99 : i32
    %convert_element_type3A_101 = arith.extui %eq3A_100 : i1 to i32
    %cond3A_102 = arith.constant 0 : i32
    %cond3A_103 = arith.cmpi ne, %convert_element_type3A_101, %cond3A_102 : i32
    scf.if %cond3A_103 {
      "tpu.region"() ({
        %run_scoped3A = tpu.sem_alloc : memref<!tpu.dma_semaphore, #tpu.memory_space<semaphore_mem>>
        %dma_start3A_104 = arith.constant 0 : i32
        %dma_start3A_105 = tpu.memref_slice %arg8[%mul3A_2, %dma_start3A_104] : memref<10240x128xf32, #tpu.memory_space<hbm>> -> memref<640x48xf32, #tpu.memory_space<hbm>>
        %dma_start3A_106 = arith.constant 0 : i32
        %dma_start3A_107 = tpu.memref_slice %arg8[%mul3A_2, %dma_start3A_106] : memref<10240x128xf32, #tpu.memory_space<hbm>> -> memref<640x48xf32, #tpu.memory_space<hbm>>
        tpu.enqueue_dma source(%arg13 : memref<640x48xf32, #tpu.memory_space<vmem>>) target(%dma_start3A_107 : memref<640x48xf32, #tpu.memory_space<hbm>>) target_semaphore(%run_scoped3A : memref<!tpu.dma_semaphore, #tpu.memory_space<semaphore_mem>>)
        %dma_wait3A = arith.constant 0 : i32
        %dma_wait3A_108 = tpu.memref_slice %arg8[%mul3A_2, %dma_wait3A] : memref<10240x128xf32, #tpu.memory_space<hbm>> -> memref<640x48xf32, #tpu.memory_space<hbm>>
        %dma_wait3A_109 = arith.constant 0 : i32
        %dma_wait3A_110 = tpu.memref_slice %arg8[%mul3A_2, %dma_wait3A_109] : memref<10240x128xf32, #tpu.memory_space<hbm>> -> memref<640x48xf32, #tpu.memory_space<hbm>>
        tpu.wait_dma2 semaphore(%run_scoped3A : memref<!tpu.dma_semaphore, #tpu.memory_space<semaphore_mem>>) src(%arg13 : memref<640x48xf32, #tpu.memory_space<vmem>>) dst(%dma_wait3A_110 : memref<640x48xf32, #tpu.memory_space<hbm>>)
        tpu.yield
      }) : () -> ()
    } else {
    }
    return
  }
}

module attributes {stable_mosaic.version = 14 : i64} {
  func.func @_tc1_body(%arg0: i32, %arg1: memref<1024x128xf32, #tpu.memory_space<vmem>>, %arg2: memref<128x128xf32, #tpu.memory_space<vmem>>, %arg3: memref<1024x128xf32, #tpu.memory_space<vmem>>) attributes {dimension_semantics = [#tpu.dimension_semantics<arbitrary>], iteration_bounds = array<i64: 10>, scalar_prefetch = 0 : i64, scratch_operands = 0 : i64, tpu.core_type = #tpu.core_type<tc>, window_params = [{transform_indices = @transform_0, window_bounds = array<i64: 1024, 128>}, {pipeline_mode = #tpu.pipeline_mode<synchronous>, transform_indices = @transform_1, window_bounds = array<i64: 128, 128>}, {transform_indices = @transform_2, window_bounds = array<i64: 1024, 128>}]} {
    %get3A = arith.constant 0 : index
    %get3A_0 = arith.constant 0 : index
    %get3A_1 = vector.load %arg1[%get3A, %get3A_0] : memref<1024x128xf32, #tpu.memory_space<vmem>>, vector<1024x128xf32>
    %get3A_2 = arith.constant 0 : index
    %get3A_3 = arith.constant 0 : index
    %get3A_4 = vector.load %arg2[%get3A_2, %get3A_3] : memref<128x128xf32, #tpu.memory_space<vmem>>, vector<128x128xf32>
    %dot_general3A = arith.constant dense<0.000000e+00> : vector<1024x128xf32>
    %dot_general3A_5 = tpu.matmul %get3A_1, %get3A_4, %dot_general3A {dimension_numbers = #tpu.dot_dimension_numbers<[1], [0], [0], [1], [0, 0, 1, 1], [], []>, transpose_lhs_hint = false} : vector<1024x128xf32>, vector<128x128xf32>, vector<1024x128xf32> -> vector<1024x128xf32>
    %swap3A = arith.constant 0 : index
    %swap3A_6 = arith.constant 0 : index
    %swap3A_7 = vector.load %arg3[%swap3A, %swap3A_6] : memref<1024x128xf32, #tpu.memory_space<vmem>>, vector<1024x128xf32>
    tpu.vector_store %arg3[%swap3A, %swap3A_6], %dot_general3A_5 {strides = array<i32>} : memref<1024x128xf32, #tpu.memory_space<vmem>>, vector<1024x128xf32>,
    return
  }
  func.func @transform_0(%arg0: i32) -> (i32, i32) {
    %c0_i32 = arith.constant 0 : i32
    %c0_i32_0 = arith.constant 0 : i32
    return %arg0, %c0_i32 : i32, i32
  }
  func.func @transform_1(%arg0: i32) -> (i32, i32) {
    %c0_i32 = arith.constant 0 : i32
    %c0_i32_0 = arith.constant 0 : i32
    %c0_i32_1 = arith.constant 0 : i32
    return %c0_i32, %c0_i32_0 : i32, i32
  }
  func.func @transform_2(%arg0: i32) -> (i32, i32) {
    %c0_i32 = arith.constant 0 : i32
    %c0_i32_0 = arith.constant 0 : i32
    return %arg0, %c0_i32 : i32, i32
  }
}

module attributes {stable_mosaic.version = 14 : i64} {
  func.func @_tc2_body(%arg0: i32, %arg1: memref<1024x128xf32, #tpu.memory_space<vmem>>, %arg2: memref<1024x128xf32, #tpu.memory_space<vmem>>, %arg3: memref<16x128xf32, #tpu.memory_space<vmem>>, %arg4: memref<1x16xf32, #tpu.memory_space<vmem>>, %arg5: memref<1024x128xf32, #tpu.memory_space<vmem>>) attributes {dimension_semantics = [#tpu.dimension_semantics<arbitrary>], iteration_bounds = array<i64: 10>, scalar_prefetch = 0 : i64, scratch_operands = 0 : i64, tpu.core_type = #tpu.core_type<tc>, window_params = [{transform_indices = @transform_0, window_bounds = array<i64: 1024, 128>}, {transform_indices = @transform_1, window_bounds = array<i64: 1024, 128>}, {pipeline_mode = #tpu.pipeline_mode<synchronous>, transform_indices = @transform_2, window_bounds = array<i64: 16, 128>}, {pipeline_mode = #tpu.pipeline_mode<synchronous>, transform_indices = @transform_3, window_bounds = array<i64: 1, 16>}, {transform_indices = @transform_4, window_bounds = array<i64: 1024, 128>}]} {
    %get3A = arith.constant 0 : index
    %get3A_0 = arith.constant 0 : index
    %get3A_1 = vector.load %arg1[%get3A, %get3A_0] : memref<1024x128xf32, #tpu.memory_space<vmem>>, vector<1024x16xf32>
    %get3A_2 = arith.constant 0 : index
    %get3A_3 = arith.constant 0 : index
    %get3A_4 = vector.load %arg2[%get3A_2, %get3A_3] : memref<1024x128xf32, #tpu.memory_space<vmem>>, vector<1024x16xf32>
    %add3A = arith.addf %get3A_1, %get3A_4 : vector<1024x16xf32>
    %get3A_5 = arith.constant 0 : index
    %get3A_6 = arith.constant 0 : index
    %get3A_7 = vector.load %arg4[%get3A_5, %get3A_6] : memref<1x16xf32, #tpu.memory_space<vmem>>, vector<1x16xf32>
    %add3A_8 = vector.broadcast %get3A_7 : vector<1x16xf32> to vector<1024x16xf32>
    %add3A_9 = arith.addf %add3A, %add3A_8 : vector<1024x16xf32>
    %max3A = arith.constant 0.000000e+00 : f32
    %max3A_10 = vector.broadcast %max3A : f32 to vector<1024x16xf32>
    %max3A_11 = arith.maximumf %add3A_9, %max3A_10 : vector<1024x16xf32>
    %get3A_12 = arith.constant 0 : index
    %get3A_13 = arith.constant 0 : index
    %get3A_14 = vector.load %arg3[%get3A_12, %get3A_13] : memref<16x128xf32, #tpu.memory_space<vmem>>, vector<16x128xf32>
    %dot_general3A = arith.constant dense<0.000000e+00> : vector<1024x128xf32>
    %dot_general3A_15 = tpu.matmul %max3A_11, %get3A_14, %dot_general3A {dimension_numbers = #tpu.dot_dimension_numbers<[1], [0], [0], [1], [0, 0, 1, 1], [], []>, transpose_lhs_hint = false} : vector<1024x16xf32>, vector<16x128xf32>, vector<1024x128xf32> -> vector<1024x128xf32>
    %swap3A = arith.constant 0 : index
    %swap3A_16 = arith.constant 0 : index
    %swap3A_17 = vector.load %arg5[%swap3A, %swap3A_16] : memref<1024x128xf32, #tpu.memory_space<vmem>>, vector<1024x128xf32>
    tpu.vector_store %arg5[%swap3A, %swap3A_16], %dot_general3A_15 {strides = array<i32>} : memref<1024x128xf32, #tpu.memory_space<vmem>>, vector<1024x128xf32>,
    return
  }
  func.func @transform_0(%arg0: i32) -> (i32, i32) {
    %c0_i32 = arith.constant 0 : i32
    %c0_i32_0 = arith.constant 0 : i32
    return %arg0, %c0_i32 : i32, i32
  }
  func.func @transform_1(%arg0: i32) -> (i32, i32) {
    %c0_i32 = arith.constant 0 : i32
    %c0_i32_0 = arith.constant 0 : i32
    return %arg0, %c0_i32 : i32, i32
  }
  func.func @transform_2(%arg0: i32) -> (i32, i32) {
    %c0_i32 = arith.constant 0 : i32
    %c0_i32_0 = arith.constant 0 : i32
    %c0_i32_1 = arith.constant 0 : i32
    return %c0_i32, %c0_i32_0 : i32, i32
  }
  func.func @transform_3(%arg0: i32) -> (i32, i32) {
    %c0_i32 = arith.constant 0 : i32
    %c0_i32_0 = arith.constant 0 : i32
    %c0_i32_1 = arith.constant 0 : i32
    return %c0_i32, %c0_i32_0 : i32, i32
  }
  func.func @transform_4(%arg0: i32) -> (i32, i32) {
    %c0_i32 = arith.constant 0 : i32
    %c0_i32_0 = arith.constant 0 : i32
    return %arg0, %c0_i32 : i32, i32
  }
}

module attributes {stable_mosaic.version = 14 : i64} {
  func.func @_tc3_body(%arg0: i32, %arg1: memref<1024x128xf32, #tpu.memory_space<vmem>>, %arg2: memref<1024x128xf32, #tpu.memory_space<vmem>>, %arg3: memref<1x40xf32, #tpu.memory_space<vmem>>, %arg4: memref<1024x40xf32, #tpu.memory_space<vmem>>) attributes {dimension_semantics = [#tpu.dimension_semantics<arbitrary>], iteration_bounds = array<i64: 10>, scalar_prefetch = 0 : i64, scratch_operands = 0 : i64, tpu.core_type = #tpu.core_type<tc>, window_params = [{transform_indices = @transform_0, window_bounds = array<i64: 1024, 128>}, {transform_indices = @transform_1, window_bounds = array<i64: 1024, 128>}, {pipeline_mode = #tpu.pipeline_mode<synchronous>, transform_indices = @transform_2, window_bounds = array<i64: 1, 40>}, {transform_indices = @transform_3, window_bounds = array<i64: 1024, 40>}]} {
    %get3A = arith.constant 0 : index
    %get3A_0 = arith.constant 0 : index
    %get3A_1 = vector.load %arg1[%get3A, %get3A_0] : memref<1024x128xf32, #tpu.memory_space<vmem>>, vector<1024x40xf32>
    %get3A_2 = arith.constant 0 : index
    %get3A_3 = arith.constant 0 : index
    %get3A_4 = vector.load %arg2[%get3A_2, %get3A_3] : memref<1024x128xf32, #tpu.memory_space<vmem>>, vector<1024x40xf32>
    %add3A = arith.addf %get3A_1, %get3A_4 : vector<1024x40xf32>
    %get3A_5 = arith.constant 0 : index
    %get3A_6 = arith.constant 0 : index
    %get3A_7 = vector.load %arg3[%get3A_5, %get3A_6] : memref<1x40xf32, #tpu.memory_space<vmem>>, vector<1x40xf32>
    %add3A_8 = vector.broadcast %get3A_7 : vector<1x40xf32> to vector<1024x40xf32>
    %add3A_9 = arith.addf %add3A, %add3A_8 : vector<1024x40xf32>
    %reduce_max3A = arith.constant dense<0xFF800000> : vector<1024xf32>
    %reduce_max3A_10 = vector.multi_reduction <maximumf>, %add3A_9, %reduce_max3A [1] : vector<1024x40xf32> to vector<1024xf32>
    %broadcast_in_dim3A = vector.shape_cast %reduce_max3A_10 : vector<1024xf32> to vector<1024x1xf32>
    %sub3A = vector.broadcast %broadcast_in_dim3A : vector<1024x1xf32> to vector<1024x40xf32>
    %sub3A_11 = arith.subf %add3A_9, %sub3A : vector<1024x40xf32>
    %exp3A = math.exp %sub3A_11 : vector<1024x40xf32>
    %reduce_sum3A = arith.constant dense<0.000000e+00> : vector<1024xf32>
    %reduce_sum3A_12 = vector.multi_reduction <add>, %exp3A, %reduce_sum3A [1] : vector<1024x40xf32> to vector<1024xf32>
    %broadcast_in_dim3A_13 = vector.shape_cast %reduce_sum3A_12 : vector<1024xf32> to vector<1024x1xf32>
    %log3A = math.log %broadcast_in_dim3A_13 : vector<1024x1xf32>
    %add3A_14 = arith.addf %log3A, %broadcast_in_dim3A : vector<1024x1xf32>
    %sub3A_15 = vector.broadcast %add3A_14 : vector<1024x1xf32> to vector<1024x40xf32>
    %sub3A_16 = arith.subf %add3A_9, %sub3A_15 : vector<1024x40xf32>
    %swap3A = arith.constant 0 : index
    %swap3A_17 = arith.constant 0 : index
    %swap3A_18 = vector.load %arg4[%swap3A, %swap3A_17] : memref<1024x40xf32, #tpu.memory_space<vmem>>, vector<1024x40xf32>
    tpu.vector_store %arg4[%swap3A, %swap3A_17], %sub3A_16 {strides = array<i32>} : memref<1024x40xf32, #tpu.memory_space<vmem>>, vector<1024x40xf32>,
    return
  }
  func.func @transform_0(%arg0: i32) -> (i32, i32) {
    %c0_i32 = arith.constant 0 : i32
    %c0_i32_0 = arith.constant 0 : i32
    return %arg0, %c0_i32 : i32, i32
  }
  func.func @transform_1(%arg0: i32) -> (i32, i32) {
    %c0_i32 = arith.constant 0 : i32
    %c0_i32_0 = arith.constant 0 : i32
    return %arg0, %c0_i32 : i32, i32
  }
  func.func @transform_2(%arg0: i32) -> (i32, i32) {
    %c0_i32 = arith.constant 0 : i32
    %c0_i32_0 = arith.constant 0 : i32
    %c0_i32_1 = arith.constant 0 : i32
    return %c0_i32, %c0_i32_0 : i32, i32
  }
  func.func @transform_3(%arg0: i32) -> (i32, i32) {
    %c0_i32 = arith.constant 0 : i32
    %c0_i32_0 = arith.constant 0 : i32
    return %arg0, %c0_i32 : i32, i32
  }
}

</mosaic_0001>

<sc_bundles>
// kernel: kernel.11.cloned.1.call-start
scs
__scs_entry_jumppad:
0x0: {  	(pc) =	sbr.rel $0x88, $3  }
0x1: {  	(tag) =	ssettag $0x0;
	lr =	simm.s32 $0x1  }
0x2: {  	[smem:$0x3F9B] =	sst lr;
	_ =	strace $0xD0000000  }
0x3: {  	_ = 	snop  }
0x4: {  	_ = 	snop  }
0x5: {  	_ = 	snop  }
0x6: {  	_ = 	snop  }
0x7: {  	_ = 	snop  }
__scs_overlays_trampoline_lowered:
0x8: {  	[smem:$0x3FAA] =	sst s0  }
0x9: {  	[smem:$0x3FAB] =	sst s1  }
0xa: {  	[smem:$0x3FAC] =	sst s2  }
0xb: {  	[smem:$0x3FAD] =	sst s3  }
0xc: {  	[smem:$0x3FAE] =	sst s4  }
0xd: {  	[smem:$0x3FAF] =	sst s5  }
0xe: {  	[smem:$0x3FB0] =	sst s6  }
0xf: {  	[smem:$0x3FB1] =	sst s7  }
0x10: {  	[smem:$0x3FB2] =	sst s8  }
0x11: {  	[smem:$0x3FB3] =	sst s9;
	s0 =	simm.s32 @!p0 $0x0  }
0x12: {  	s1 =	sld [smem:$0x3F99];
	s0 =	simm.s32 @p0 $0x1  }
0x13: {  	[smem:$0x3FB4] =	sst s0;
	s0 =	simm.s32 @!p1 $0x0  }
0x14: {  	s2 =	sld [smem:$0x3F98];
	s0 =	simm.s32 @p1 $0x1  }
0x15: {  	[smem:$0x3FB5] =	sst s0;
	s0 =	simm.s32 @!p2 $0x0  }
0x16: {  	s3 =	sld [smem:$0x3FDB];
	s0 =	simm.s32 @p2 $0x1  }
0x17: {  	s4 =	simm.s32 $0x1BF5;
	[smem:$0x3FB7] =	sst s0  }
0x18: {  	s0 =	sld [smem:$0x3F9A];
	_ =	swait.ge [sflag:s4], $0x0  }
0x19: {  	s7 =	sld [smem:$0x3F9B]  }
0x1a: {  	s8 =	sadd.s32 $0xFFFFE003, lr  }
0x1b: {  	s9 =	sadd.s32 $0xFFFFFEF7, lr;
	s5 =	simm.s32 $0xFFFFFFFF;
	p2 =	slt.u32 s8, $0xFFFFF086  }
0x1c: {  	p1 =	slt.u32 s9, $0xF7A;
	s5 =	simm.s32 @!p2 $0x0  }
0x1d: {  	s5 =	simm.s32 @p1 $0x1;
	p0 =	seq.s32 s7, s2  }
0x1e: {  	s7 =	smul.u32 @!p0 $0xF7A, s2;
	p2 =	seq.s32 @!p0 s5, $0x0  }
0x1f: {  	s9 =	smul.u32 $0xF7A, s1;
	s8 =	simm.s32 @!p0 $0x1BF5;
	p2 =	por !p2, p0  }
0x20: {  	[sflag:s8] =	ssyncset.s32 @!p0 $0xFFFFF086;
	s6 =	sadd.s32 @!p0 s3, s7;
	s7 =	simm.s32 @!p0 $0x108  }
0x21: {  	s3 =	sadd.s32 s3, s9;
	s6 =	sadd.s32 @!p0 $0x88, s6;
	s7 =	simm.s32 @p2 $0x1082  }
0x22: {  	[simem:s7], [sflag:s8] =	dma.local @!p0 [hbm:s6], $0xF7A  }
0x23: {  	s9 =	sor.u32 $0xD0000000, s2;
	s6 =	simm.s32 $0x108;
	_ =	swait.ge @!p0 [sflag:s8], $0x0  }
0x24: {  	s3 =	sadd.s32 $0x88, s3;
	s6 =	simm.s32 @!p1 $0x1082;
	[sflag:s4] =	ssyncset.s32 $0xFFFFF086  }
0x25: {  	[simem:s6], [sflag:s4] =	dma.local [hbm:s3], $0xF7A  }
0x26: {  	[smem:$0x3F9B] =	sst s1;
	(tag) =	ssettag s2;
	_ =	strace s9  }
0x27: {  	s1 =	sld [smem:$0x3FAB]  }
0x28: {  	s2 =	sld [smem:$0x3FAC]  }
0x29: {  	s4 =	sld [smem:$0x3FAE]  }
0x2a: {  	p0 =	seq.s32 s5, $0x0;
	s5 =	sld [smem:$0x3FAF]  }
0x2b: {  	s6 =	sld [smem:$0x3FB0]  }
0x2c: {  	s7 =	sld [smem:$0x3FB1]  }
0x2d: {  	s3 =	simm.s32 $0x108;
	s8 =	sld [smem:$0x3FB2]  }
0x2e: {  	s3 =	simm.s32 @!p0 $0x1082;
	s9 =	sld [smem:$0x3FB3]  }
0x2f: {  	lr =	sadd.s32 s0, s3;
	s0 =	sld [smem:$0x3FAA]  }
0x30: {  	s3 =	sld [smem:$0x3FAD]  }
0x31: {  	[smem:$0x3FB6] =	sst s10  }
0x32: {  	s10 =	sld [smem:$0x3FB4];
	_ =	sdelay $0x3  }
0x33: {  	p0 =	seq.s32 s10, $0x1;
	s10 =	sld [smem:$0x3FB6];
	_ =	sdelay $0x3  }
0x34: {  	[smem:$0x3FB6] =	sst s10  }
0x35: {  	s10 =	sld [smem:$0x3FB5];
	_ =	sdelay $0x3  }
0x36: {  	p1 =	seq.s32 s10, $0x1;
	s10 =	sld [smem:$0x3FB6];
	_ =	sdelay $0x3  }
0x37: {  	[smem:$0x3FB6] =	sst s10  }
0x38: {  	s10 =	sld [smem:$0x3FB7]  }
0x39: {  	_ = 	snop;
	(pc) =	sbr.ind lr, $3  }
0x3a: {  	_ = 	snop  }
0x3b: {  	_ = 	snop  }
0x3c: {  	p2 =	seq.s32 s10, $0x1;
	s10 =	sld [smem:$0x3FB6]  }
0x3d: {  	_ =	shalt  }
0x3e: {  	_ =	shalt  }
0x3f: {  	_ =	shalt  }
0x40: {  	_ =	shalt  }
0x41: {  	_ =	shalt  }
0x42: {  	_ =	shalt  }
0x43: {  	_ =	shalt  }
0x44: {  	_ =	shalt  }
0x45: {  	_ =	shalt  }
0x46: {  	_ =	shalt  }
0x47: {  	_ =	shalt  }
0x48: {  	_ =	shalt  }
0x49: {  	_ =	shalt  }
0x4a: {  	_ =	shalt  }
0x4b: {  	_ =	shalt  }
0x4c: {  	_ =	shalt  }
0x4d: {  	_ =	shalt  }
0x4e: {  	_ =	shalt  }
0x4f: {  	_ =	shalt  }
0x50: {  	_ =	shalt  }
0x51: {  	_ =	shalt  }
0x52: {  	_ =	shalt  }
0x53: {  	_ =	shalt  }
0x54: {  	_ =	shalt  }
0x55: {  	_ =	shalt  }
0x56: {  	_ =	shalt  }
0x57: {  	_ =	shalt  }
0x58: {  	_ =	shalt  }
0x59: {  	_ =	shalt  }
0x5a: {  	_ =	shalt  }
0x5b: {  	_ =	shalt  }
0x5c: {  	_ =	shalt  }
0x5d: {  	_ =	shalt  }
0x5e: {  	_ =	shalt  }
0x5f: {  	_ =	shalt  }
0x60: {  	_ =	shalt  }
0x61: {  	_ =	shalt  }
0x62: {  	_ =	shalt  }
0x63: {  	_ =	shalt  }
0x64: {  	_ =	shalt  }
0x65: {  	_ =	shalt  }
0x66: {  	_ =	shalt  }
0x67: {  	_ =	shalt  }
0x68: {  	_ =	shalt  }
0x69: {  	_ =	shalt  }
0x6a: {  	_ =	shalt  }
0x6b: {  	_ =	shalt  }
0x6c: {  	_ =	shalt  }
0x6d: {  	_ =	shalt  }
0x6e: {  	_ =	shalt  }
0x6f: {  	_ =	shalt  }
0x70: {  	_ =	shalt  }
0x71: {  	_ =	shalt  }
0x72: {  	_ =	shalt  }
0x73: {  	_ =	shalt  }
0x74: {  	_ =	shalt  }
0x75: {  	_ =	shalt  }
0x76: {  	_ =	shalt  }
0x77: {  	_ =	shalt  }
0x78: {  	_ =	shalt  }
0x79: {  	_ =	shalt  }
0x7a: {  	_ =	shalt  }
0x7b: {  	_ =	shalt  }
0x7c: {  	_ =	shalt  }
0x7d: {  	_ =	shalt  }
0x7e: {  	_ =	shalt  }
0x7f: {  	_ =	shalt  }
0x80: {  	_ =	shalt  }
0x81: {  	_ =	shalt  }
0x82: {  	_ =	shalt  }
0x83: {  	_ =	shalt  }
0x84: {  	_ =	shalt  }
0x85: {  	_ =	shalt  }
0x86: {  	_ =	shalt  }
0x87: {  	_ =	shalt  }
.Lfunc_end0:
.L_simem_size_0:
called_computation.1_lowered:
.L_overlay_start_0:
0x88: {  	s2 =	sld [smem:$0x3FD9]  }
0x89: {  	s3 =	sld [smem:$0x3FFE];
	_ =	sdelay $0x1  }
0x8a: {  	s1 =	srdreg.scid  }
0x8b: {  	s0 =	sand.u32 $0x1, s1  }
0x8c: {  	s17 =	sshll.u32 s0, $0xA;
	s2 =	sadd.s32 s3, s2  }
0x8d: {  	s2 =	sadd.s32 s2, s17  }
0x8e: {  	[smem:$0x3FC2] =	sst s2  }
0x8f: {  	_ = 	snop  }
0x90: {  	s2 =	sld [smem:$0x3FD0];
	(tm) =	ssettm $0x1  }
0x91: {  	s18 =	sld [smem:$0x3FFB];
	_ =	sdelay $0x3  }
0x92: {  	_ =	strace s18  }
0x93: {  	s3 =	sld [smem:$0x3FFC];
	_ =	sdelay $0x3  }
0x94: {  	_ =	strace s3  }
0x95: {  	s3 =	sld [smem:$0x3FFD];
	_ =	sdelay $0x3  }
0x96: {  	_ =	strace s3  }
0x97: {  	_ =	strace $0x8FFFFFFF  }
0x98: {  	s19 =	sld [smem:$0x3FDB];
	_ =	sdelay $0x1  }
0x99: {  	s4 =	simm.s32 $_scs_section_size  }
0x9a: {  	s5 =	simm.s32 $_size__tile_overlayer_lowered;
	s6 =	simm.s32 $_tile_overlayer_lowered  }
0x9b: {  	s22 =	simm.s32 $0x1BFF;
	s21 =	sshll.u32 s6, $0x1;
	s3 =	sadd.s32 s4, s19  }
0x9c: {  	s7 =	simm.s32 $0x0;
	s20 =	sshll.u32 s5, $0x1;
	s5 =	sadd.s32 s21, s3  }
0x9d: {  	[timem:s7], [sflag:s22] =	dma.local [hbm:s5], s20  }
0x9e: {  	_ =	swait.ge [sflag:s22], s20  }
0x9f: {  	s4 =	ssub.s32 $0x0, s20;
	[sflag:s22] =	ssyncset.done $0x0  }
0xa0: {  	[sflag:s22] =	ssyncadd.s32 s4;
	_ =	sdelay $0x1  }
0xa1: {  	s23 =	simm.s32 $0x1B8B  }
0xa2: {  	_ =	swait.ge [sflag:s23], $0x1  }
0xa3: {  	[sflag:s23] =	ssyncset.done $0x0  }
0xa4: {  	s25 =	simm.s32 $0x1B8E;
	s24 =	sld [smem:$0x3FFE];
	[sflag:s23] =	ssyncadd.s32 $0xFFFFFFFF  }
0xa5: {  	s26 =	simm.s32 $execute0_lowered;
	[smem:$0x3FD2] =	sst s25  }
0xa6: {  	s5 =	sshll.u32 s26, $0x1;
	_ =	strace $0x80000049;
	[dreg:$0x1] =	wrdreg $0xFFFFFFFF  }
0xa7: {  	s28 =	simm.s32 $_size_execute0_lowered;
	s3 =	sadd.s32 s3, s5;
	[dreg:$0x0] =	wrdreg $0x0  }
0xa8: {  	s5 =	sshll.u32 s28, $0x1;
	[dreg:$0x2] =	wrdreg s3  }
0xa9: {  	[dreg:$0x3] =	wrdreg s5  }
0xaa: {  	[dreg:$0x4] =	wrdreg $0xC0  }
0xab: {  	_ =	task [dreg:s7], $0x5FFFF  }
0xac: {  	[dreg:$0x1] =	wrdreg $0xFFFFFFFF  }
0xad: {  	[dreg:$0x0] =	wrdreg $0x60  }
0xae: {  	[dreg:$0x2] =	wrdreg s24  }
0xaf: {  	[dreg:$0x3] =	wrdreg s2  }
0xb0: {  	[dreg:$0x4] =	wrdreg $0x96A00  }
0xb1: {  	[dreg:$0x5] =	wrdreg $0x9  }
0xb2: {  	_ =	task.clear_ibuf [dreg:s7], $0x6FFFF;
	_ =	strace $0x90000049  }
0xb3: {  	s29 =	simm.s32 $0x9;
	_ =	strace $0x8000004B  }
0xb4: {  	_ =	swait.ge [sflag:s29], $0x1  }
0xb5: {  	[sflag:s29] =	ssyncadd.s32 $0xFFFFFFFF  }
0xb6: {  	_ =	strace $0x9000004B  }
0xb7: {  	_ =	sfence  }
0xb8: {  	s30 =	sld [smem:$0x0];
	_ =	sdelay $0x2  }
0xb9: {  	s31 =	sshll.u32 s1, $0xD;
	s1 =	sshrl.u32 s1, $0x2  }
0xba: {  	s3 =	sand.u32 $0x4000, s31;
	s1 =	sadd.s32 s1, s30  }
0xbb: {  	s0 =	sor.u32 s3, s0;
	s1 =	sshll.u32 s1, $0x11  }
0xbc: {  	s0 =	sor.u32 s1, s0  }
0xbd: {  	s0 =	sadd.s32 $0x8F2B, s0  }
0xbe: {  	[sflag:s0] =	ssyncadd.remote.s32 $0x1  }
0xbf: {  	_ =	sfence.sel $0xFFFF  }
0xc0: {  	[dreg:$0x0] =	wrdreg $0xFFFFFFFF;
	(pc) =	sbr.abs _section_cstart, $3  }
0xc1: {  	[dreg:$0x1] =	wrdreg $0xFFFFFFFF  }
0xc2: {  	_ =	task.clear_ibuf [dreg:s7], $0x2FFFF;
	_ =	strace $0x9FFFFFFF  }
0xc3: {  	(tm) =	ssettm $0x7FFFFFFF  }
tec
execute0_lowered:
.L_overlay_start_1:
0x0: {  	(tag) =	ssettag $0x1  }
0x1: {  	s0 =	rddreg [dreg:$0x0]  }
0x2: {  	s1 =	rddreg [dreg:$0x1];
	s3 =	srdreg.scid  }
0x3: {  	s2 =	rddreg [dreg:$0x2];
	s8 =	stileid.u32;
	s14 =	simm.s32 $0x6  }
0x4: {  	s20 =	simm.s32 $0x6720;
	s21 =	simm.s32 $0x50;
	s22 =	simm.s32 $0x4E20  }
0x5: {  	s28 =	simm.s32 $0x5D20;
	s30 =	simm.s32 $0x6220;
	s31 =	simm.s32 $0x1  }
0x6: {  	s15 =	simm.s32 $0x4;
	s16 =	simm.s32 $0x5;
	s6 =	smul.u32 $0x2800, s8  }
0x7: {  	s5 =	sand.u32 $0x1, s3;
	s3 =	simm.s32 $0x0;
	s7 =	smul.u32 $0x50, s8  }
0x8: {  	s4 =	sshll.u32 s5, $0x4;
	[smem:$0x7FF] =	sst s3;
	s9 =	ssub.s32 $0x2, s5  }
0x9: {  	p0 =	seq.s32 s5, $0x1;
	s5 =	simm.s32 $0x62000;
	s4 =	sor.u32 s8, s4  }
0xa: {  	_ =	strace $0x8000004A;
	s13 =	sadd.s32 s6, s0;
	s7 =	sadd.s32 s7, s0  }
0xb: {  	s11 =	sshrl.u32 s9, $0x1;
	s29 =	sshrl.u32 s6, $0x3;
	s5 =	simm.s32 @!p0 $0x3A000  }
0xc: {  	s8 =	smul.u32 $0x4E2, s4;
	s4 =	sadd.s32 $0x35000, s0;
	s23 =	ssub.s32 s9, s11  }
0xd: {  	s25 =	sadd.s32 $0xC400, s7;
	s26 =	sadd.s32 $0xCA00, s7;
	s9 =	sadd.s32 $0xD000, s13  }
0xe: {  	s11 =	sadd.s32 s6, s2;
	s13 =	sadd.s32 s5, s13;
	[dreg:$0x6] =	wrdreg s25  }
0xf: {  	s7 =	simm.s32 $0x10;
	[dreg:$0x7] =	wrdreg s26;
	s12 =	smax.u32 s23, $0x1  }
0x10: {  	s23 =	simm.s32 $0x5320;
	s25 =	simm.s32 $0x5820;
	s10 =	sadd.s32 s8, s0  }
0x11: {  	s1 =	sadd.s32 s1, s8;
	s8 =	simm.s32 $0x80;
	s0 =	simm.s32 $0x2  }
0x12: {  	[dreg:$0x4] =	wrdreg s1;
	s24 =	sadd.s32 $0x2600, s10;
	s10 =	sadd.s32 s4, s29  }
0x13: {  	s1 =	simm.s32 $0x3;
	[dreg:$0x5] =	wrdreg s24;
	s24 =	simm.s32 $0x0  }
.LBB2_1:
0x14: {  	s5 =	rddreg [dreg:$0x4]  }
0x15: {  	[tilespmem:s3], [sflag:$0x6] =	stream.linear.gather [hbm4b:s5+s3], $0x2710, $0x38;
	[tilespmem:$0xBEA0] =	vst v63  }
0x16: {  	_ =	swait.ge [sflag:s14], $0x2710  }
0x17: {  	[sflag:s14] =	ssyncset.done $0x0  }
0x18: {  	s6 =	simm.s32 $0x2710;
	s26 =	rddreg [dreg:$0x5];
	[sflag:s14] =	ssyncadd.s32 $0xFFFFD8F0  }
0x19: {  	[tilespmem:s6], [sflag:$0x6] =	stream.linear.gather [hbm4b:s26+s3], $0x2710, $0x38;
	[tilespmem:$0xBEA0] =	vst v63  }
0x1a: {  	_ =	swait.ge [sflag:s14], $0x2710  }
0x1b: {  	[sflag:s14] =	ssyncset.done $0x0  }
0x1c: {  	s18 =	simm.s32 $0x91A0;
	s17 =	rddreg [dreg:$0x6];
	[sflag:s14] =	ssyncadd.s32 $0xFFFFD8F0  }
0x1d: {  	[tilespmem:s18], [sflag:$0x6] =	stream.linear.gather [hbm4b:s17+s3], $0x280, $0x38;
	[tilespmem:$0xBEA0] =	vst v63  }
0x1e: {  	_ =	swait.ge [sflag:s14], $0x280  }
0x1f: {  	[sflag:s14] =	ssyncset.done $0x0  }
0x20: {  	s26 =	simm.s32 $0x9420;
	s19 =	rddreg [dreg:$0x7];
	[sflag:s14] =	ssyncadd.s32 $0xFFFFFD80  }
0x21: {  	[tilespmem:s26], [sflag:$0x6] =	stream.linear.gather [hbm4b:s19+s3], $0x280, $0x38;
	[tilespmem:$0xBEA0] =	vst v63  }
0x22: {  	_ =	swait.ge [sflag:s14], $0x280  }
0x23: {  	[sflag:s14] =	ssyncset.done $0x0  }
0x24: {  	[sflag:s14] =	ssyncadd.s32 $0xFFFFFD80  }
0x25: {  	[tilespmem:s20], [sflag:$0x6] =	stream.strided.gather [hbm4b:s9+s7], $0x2800, s8, s7, $0x38;
	[tilespmem:$0xBEA0] =	vst v63  }
0x26: {  	_ =	swait.ge [sflag:s14], $0x2800  }
0x27: {  	[sflag:s14] =	ssyncset.done $0x0  }
0x28: {  	s29 =	simm.s32 $0x0;
	[sflag:s14] =	ssyncadd.s32 $0xFFFFD800  }
0x29: {  	v0 =	vld [tilespmem:s29+$0x9420]  }
0x2a: {  	v1 =	vld [tilespmem:s29+$0x91A0];
	_ =	sdelay $0x2  }
0x2b: {  	s26 =	simm.s32 $0x10  }
0x2c: {  	v2 =	vld [tilespmem:s26+$0x9420]  }
0x2d: {  	v0 =	vadd.f32 v0, v1;
	v1 =	vld [tilespmem:s26+$0x91A0];
	_ =	sdelay $0x1  }
0x2e: {  	v0 =	vadd.f32 $-1.000000000e+00, v0;
	_ =	sdelay $0x1  }
0x2f: {  	s17 =	simm.s32 $0x20;
	v3 =	vshra.s32 v0, $0x1;
	v4 =	vmul.f32 $5.000000000e-01, v0  }
0x30: {  	v5 =	vld [tilespmem:s17+$0x91A0];
	v0 =	vsub.s32 $0x5F3759DF, v3;
	v1 =	vadd.f32 v2, v1  }
0x31: {  	v3 =	vld [tilespmem:s17+$0x9420];
	v2 =	vmul.f32 v0, v4  }
0x32: {  	v1 =	vadd.f32 $-1.000000000e+00, v1  }
0x33: {  	v2 =	vmul.f32 v0, v2  }
0x34: {  	s5 =	simm.s32 $0x30;
	v6 =	vshra.s32 v1, $0x1;
	v8 =	vmul.f32 $5.000000000e-01, v1  }
0x35: {  	v7 =	vld [tilespmem:s5+$0x91A0];
	v1 =	vsub.f32 $1.500000000e+00, v2;
	v2 =	vsub.s32 $0x5F3759DF, v6  }
0x36: {  	v6 =	vld [tilespmem:s5+$0x9420];
	v3 =	vadd.f32 v3, v5;
	v5 =	vmul.f32 v2, v8  }
0x37: {  	s6 =	simm.s32 $0x40;
	v1 =	vmul.f32 v0, v1  }
0x38: {  	v10 =	vld [tilespmem:s6+$0x9420];
	v0 =	vadd.f32 $-1.000000000e+00, v3;
	v3 =	vmul.f32 v2, v5  }
0x39: {  	v11 =	vld [tilespmem:s6+$0x91A0];
	v5 =	vmul.f32 v1, v4  }
0x3a: {  	v9 =	vshra.s32 v0, $0x1;
	v0 =	vmul.f32 $5.000000000e-01, v0;
	v3 =	vsub.f32 $1.500000000e+00, v3  }
0x3b: {  	v9 =	vsub.s32 $0x5F3759DF, v9;
	v6 =	vadd.f32 v6, v7;
	v5 =	vmul.f32 v5, v1  }
0x3c: {  	v7 =	vmul.f32 v9, v0;
	v2 =	vmul.f32 v2, v3  }
0x3d: {  	v3 =	vsub.f32 $1.500000000e+00, v5;
	v5 =	vadd.f32 $-1.000000000e+00, v6  }
0x3e: {  	v10 =	vadd.f32 v10, v11;
	v6 =	vmul.f32 v9, v7;
	v7 =	vmul.f32 v2, v8  }
0x3f: {  	v3 =	vmul.f32 v3, v1;
	v12 =	vshra.s32 v5, $0x1;
	v1 =	vmul.f32 $5.000000000e-01, v5  }
0x40: {  	s7 =	simm.s32 $0x50;
	v6 =	vsub.f32 $1.500000000e+00, v6;
	v5 =	vsub.s32 $0x5F3759DF, v12;
	v7 =	vmul.f32 v7, v2  }
0x41: {  	v13 =	vld [tilespmem:s7+$0x91A0];
	v12 =	vmul.f32 v3, v4;
	v11 =	vmul.f32 v5, v1  }
0x42: {  	v10 =	vadd.f32 $-1.000000000e+00, v10;
	v4 =	vmul.f32 v9, v6;
	v9 =	vld [tilespmem:s7+$0x9420];
	v6 =	vsub.f32 $1.500000000e+00, v7  }
0x43: {  	v7 =	vmul.f32 v12, v3;
	v11 =	vmul.f32 v5, v11  }
0x44: {  	v15 =	vshra.s32 v10, $0x1;
	v14 =	vmul.f32 v4, v0;
	v2 =	vmul.f32 v6, v2  }
0x45: {  	v6 =	vmul.f32 $5.000000000e-01, v10;
	v7 =	vsub.f32 $1.500000000e+00, v7;
	v12 =	vsub.f32 $1.500000000e+00, v11  }
0x46: {  	s18 =	simm.s32 $0x60;
	s8 =	simm.s32 $0x1C0;
	v11 =	vsub.s32 $0x5F3759DF, v15;
	v10 =	vmul.f32 v14, v4;
	v8 =	vmul.f32 v2, v8  }
.LBB2_2:
0x47: {  	s19 =	sshra.s32 s8, $0x2;
	p0 =	sne.s32 s8, $0x9C0;
	s8 =	sadd.s32 $0x40, s8;
	v14 =	vadd.f32 v9, v13;
	v9 =	vld [tilespmem:s18+$0x9420];
	v15 =	vmul.f32 v11, v6;
	v12 =	vmul.f32 v5, v12;
	v16 =	vmovc v6  }
.Ltmp0:
0x48: {  	v5 =	vmovc v11;
	v13 =	vld [tilespmem:s18+$0x91A0];
	v6 =	vsub.f32 $1.500000000e+00, v10;
	v8 =	vmul.f32 v8, v2;
	v10 =	vmul.f32 v7, v3;
	v3 =	vmovc v2;
	(pc) =	sbr.rel @p0 .LBB2_2-.Ltmp0, $4  }
0x49: {  	v11 =	vadd.f32 $-1.000000000e+00, v14;
	v14 =	vmul.f32 v5, v15;
	v15 =	vmul.f32 v12, v1  }
0x4a: {  	v2 =	vmul.f32 v6, v4;
	v7 =	vsub.f32 $1.500000000e+00, v8;
	[tilespmem:s29+$0x8F20] =	vst v10;
	v4 =	vmov v12;
	s29 =	smov.u32 s26;
	s26 =	smov.u32 s17;
	s17 =	smov.u32 s5  }
0x4b: {  	s5 =	smov.u32 s6;
	s6 =	smov.u32 s7;
	s7 =	smov.u32 s18;
	v8 =	vshra.s32 v11, $0x1;
	v6 =	vmul.f32 $5.000000000e-01, v11;
	v12 =	vsub.f32 $1.500000000e+00, v14  }
0x4c: {  	s18 =	smov.u32 s19;
	v10 =	vmul.f32 v15, v4;
	v11 =	vsub.s32 $0x5F3759DF, v8;
	v8 =	vmul.f32 v2, v0;
	v0 =	vmovc v1;
	v1 =	vmovc v16  }
0x4d: {  	v14 =	vld [tilespmem:s18+$0x9420]  }
0x4e: {  	v15 =	vld [tilespmem:s18+$0x91A0];
	_ =	sdelay $0x3  }
0x4f: {  	v9 =	vadd.f32 v9, v13  }
0x50: {  	v49 =	vadd.f32 v14, v15  }
0x51: {  	v9 =	vadd.f32 $-1.000000000e+00, v9  }
0x52: {  	v13 =	vadd.f32 $-1.000000000e+00, v49  }
0x53: {  	v50 =	vmul.f32 v11, v6;
	v51 =	vshra.s32 v9, $0x1;
	v9 =	vmul.f32 $5.000000000e-01, v9  }
0x54: {  	v15 =	vsub.s32 $0x5F3759DF, v51;
	v16 =	vshra.s32 v13, $0x1;
	v13 =	vmul.f32 $5.000000000e-01, v13  }
0x55: {  	v17 =	vmul.f32 v15, v9;
	v16 =	vsub.s32 $0x5F3759DF, v16  }
0x56: {  	v14 =	vmul.f32 v11, v50;
	v18 =	vmul.f32 v16, v13  }
0x57: {  	v17 =	vmul.f32 v15, v17  }
0x58: {  	v5 =	vmul.f32 v5, v12;
	v14 =	vsub.f32 $1.500000000e+00, v14;
	v52 =	vmul.f32 v16, v18  }
0x59: {  	v3 =	vmul.f32 v7, v3;
	v10 =	vsub.f32 $1.500000000e+00, v10;
	v54 =	vsub.f32 $1.500000000e+00, v17  }
0x5a: {  	v55 =	vmul.f32 v5, v1;
	v53 =	vmul.f32 v11, v14;
	v12 =	vsub.f32 $1.500000000e+00, v52  }
0x5b: {  	v4 =	vmul.f32 v10, v4;
	v14 =	vmul.f32 v15, v54  }
0x5c: {  	v56 =	vmul.f32 v53, v6;
	v12 =	vmul.f32 v16, v12  }
0x5d: {  	v7 =	vmul.f32 v55, v5;
	v57 =	vmul.f32 v14, v9  }
0x5e: {  	v15 =	vmul.f32 v56, v53;
	v58 =	vmul.f32 v12, v13  }
0x5f: {  	v7 =	vsub.f32 $1.500000000e+00, v7;
	v16 =	vmul.f32 v57, v14  }
0x60: {  	v0 =	vmul.f32 v4, v0;
	v15 =	vsub.f32 $1.500000000e+00, v15;
	v10 =	vmul.f32 v58, v12  }
0x61: {  	v8 =	vmul.f32 v8, v2;
	v5 =	vmul.f32 v7, v5;
	v60 =	vsub.f32 $1.500000000e+00, v16  }
0x62: {  	v0 =	vmul.f32 v0, v4;
	v59 =	vmul.f32 v15, v53;
	v10 =	vsub.f32 $1.500000000e+00, v10  }
0x63: {  	v1 =	vmul.f32 v5, v1;
	v11 =	vmul.f32 v60, v14  }
0x64: {  	v61 =	vmul.f32 v59, v6;
	v10 =	vmul.f32 v10, v12  }
0x65: {  	v8 =	vsub.f32 $1.500000000e+00, v8;
	v1 =	vmul.f32 v1, v5;
	v9 =	vmul.f32 v11, v9  }
0x66: {  	v0 =	vsub.f32 $1.500000000e+00, v0;
	v6 =	vmul.f32 v61, v59;
	v12 =	vmul.f32 v10, v13  }
0x67: {  	v2 =	vmul.f32 v8, v2;
	v1 =	vsub.f32 $1.500000000e+00, v1;
	v62 =	vmul.f32 v9, v11  }
0x68: {  	[tilespmem:s29+$0x8F20] =	vst v3;
	v0 =	vmul.f32 v0, v4;
	v3 =	vsub.f32 $1.500000000e+00, v6;
	v63 =	vmul.f32 v12, v10  }
0x69: {  	[tilespmem:s26+$0x8F20] =	vst v2;
	v1 =	vmul.f32 v1, v5;
	v2 =	vsub.f32 $1.500000000e+00, v62  }
0x6a: {  	[tilespmem:s17+$0x8F20] =	vst v0;
	v0 =	vmul.f32 v3, v59;
	v3 =	vsub.f32 $1.500000000e+00, v63  }
0x6b: {  	[tilespmem:s5+$0x8F20] =	vst v1;
	v1 =	vmul.f32 v2, v11  }
0x6c: {  	[tilespmem:s6+$0x8F20] =	vst v0;
	v0 =	vmul.f32 v3, v10  }
0x6d: {  	[tilespmem:s7+$0x8F20] =	vst v1  }
0x6e: {  	s17 =	simm.s32 $0x67A0;
	[tilespmem:s18+$0x8F20] =	vst v0  }
0x6f: {  	s5 =	simm.s32 $0x67A0;
	s6 =	simm.s32 $0x40;
	s7 =	simm.s32 $0x0;
	v0 =	vld [tilespmem:s17+$0xFFFFFFB0]  }
.LBB2_4:
0x70: {  	p0 =	sne.s32 s6, $0x9C0;
	v1 =	vld [tilespmem:s7+$0x8F20]  }
0x71: {  	v2 =	vld [tilespmem:s17+$0xFFFFFF90]  }
0x72: {  	v3 =	vld [tilespmem:s17+$0xFFFFFF80]  }
0x73: {  	v4 =	vld [tilespmem:s17+$0xFFFFFFA0]  }
0x74: {  	v5 =	vld [tilespmem:s17+$0xFFFFFFF0]  }
0x75: {  	v6 =	vbroadcast v1, $0x0;
	v7 =	vbroadcast v1, $0x1;
	v8 =	vld [tilespmem:s17+$0xFFFFFFD0]  }
0x76: {  	v9 =	vbroadcast v1, $0x2;
	v10 =	vbroadcast v1, $0x3;
	v11 =	vld [tilespmem:s17+$0xFFFFFFC0]  }
0x77: {  	v3 =	vmul.f32 v6, v3;
	v2 =	vmul.f32 v2, v7;
	v6 =	vld [tilespmem:s17+$0xFFFFFFE0]  }
0x78: {  	v0 =	vmul.f32 v0, v10;
	v4 =	vmul.f32 v4, v9;
	v7 =	vld [tilespmem:s17+$0x30]  }
0x79: {  	v9 =	vbroadcast v1, $0x5;
	[tilespmem:s17+$0xFFFFFF80] =	vst v3;
	v3 =	vbroadcast v1, $0x4;
	v10 =	vld [tilespmem:s17+$0x10]  }
0x7a: {  	v12 =	vbroadcast v1, $0x7;
	[tilespmem:s17+$0xFFFFFF90] =	vst v2;
	v2 =	vbroadcast v1, $0x6;
	v13 =	vld [tilespmem:s17+$0x0]  }
0x7b: {  	[tilespmem:s17+$0xFFFFFFA0] =	vst v4;
	v3 =	vmul.f32 v11, v3;
	v4 =	vmul.f32 v8, v9;
	v8 =	vld [tilespmem:s17+$0x20]  }
0x7c: {  	[tilespmem:s17+$0xFFFFFFB0] =	vst v0;
	v0 =	vmul.f32 v6, v2;
	v2 =	vmul.f32 v5, v12;
	v5 =	vld [tilespmem:s17+$0x70]  }
0x7d: {  	v6 =	vbroadcast v1, $0x9;
	[tilespmem:s17+$0xFFFFFFC0] =	vst v3;
	v3 =	vbroadcast v1, $0x8;
	v9 =	vld [tilespmem:s17+$0x50]  }
0x7e: {  	v11 =	vbroadcast v1, $0xB;
	[tilespmem:s17+$0xFFFFFFD0] =	vst v4;
	v4 =	vbroadcast v1, $0xA;
	v12 =	vld [tilespmem:s17+$0x40]  }
0x7f: {  	[tilespmem:s17+$0xFFFFFFE0] =	vst v0;
	v0 =	vmul.f32 v13, v3;
	v3 =	vmul.f32 v10, v6;
	v6 =	vld [tilespmem:s17+$0x60]  }
0x80: {  	[tilespmem:s17+$0xFFFFFFF0] =	vst v2;
	v2 =	vmul.f32 v8, v4;
	v4 =	vmul.f32 v7, v11  }
0x81: {  	v7 =	vbroadcast v1, $0xD;
	[tilespmem:s17+$0x0] =	vst v0;
	v0 =	vbroadcast v1, $0xC  }
0x82: {  	[tilespmem:s17+$0x10] =	vst v3;
	v3 =	vbroadcast v1, $0xE;
	v1 =	vbroadcast v1, $0xF  }
0x83: {  	[tilespmem:s17+$0x20] =	vst v2;
	v0 =	vmul.f32 v12, v0;
	v2 =	vmul.f32 v9, v7  }
.Ltmp1:
0x84: {  	[tilespmem:s17+$0x30] =	vst v4;
	v3 =	vmul.f32 v6, v3;
	v1 =	vmul.f32 v5, v1;
	(pc) =	sbr.rel @p0 .LBB2_4-.Ltmp1, $4  }
0x85: {  	[tilespmem:s17+$0x40] =	vst v0  }
0x86: {  	[tilespmem:s17+$0x50] =	vst v2  }
0x87: {  	s17 =	sadd.s32 $0x100, s17;
	[tilespmem:s5+$0x60] =	vst v3  }
0x88: {  	s7 =	sshra.s32 s6, $0x2;
	s6 =	sadd.s32 $0x40, s6;
	v0 =	vld [tilespmem:s17+$0xFFFFFFB0];
	[tilespmem:s5+$0x70] =	vst v1;
	s5 =	smov.u32 s17  }
0x89: {  	v1 =	vld [tilespmem:s7+$0x8F20];
	_ =	sdelay $0x1  }
0x8a: {  	v2 =	vld [tilespmem:s17+$0xFFFFFF80]  }
0x8b: {  	v3 =	vld [tilespmem:s17+$0xFFFFFF90]  }
0x8c: {  	v4 =	vld [tilespmem:s17+$0xFFFFFFA0]  }
0x8d: {  	v5 =	vbroadcast v1, $0x0  }
0x8e: {  	v7 =	vld [tilespmem:s17+$0xFFFFFFC0];
	v6 =	vbroadcast v1, $0x1  }
0x8f: {  	v8 =	vld [tilespmem:s17+$0xFFFFFFD0];
	v9 =	vbroadcast v1, $0x2;
	v2 =	vmul.f32 v5, v2  }
0x90: {  	v10 =	vld [tilespmem:s17+$0xFFFFFFF0];
	v5 =	vbroadcast v1, $0x3;
	v3 =	vmul.f32 v3, v6  }
0x91: {  	v6 =	vld [tilespmem:s17+$0xFFFFFFE0];
	v4 =	vmul.f32 v4, v9;
	[tilespmem:s17+$0xFFFFFF80] =	vst v2;
	v2 =	vbroadcast v1, $0x4  }
0x92: {  	v0 =	vmul.f32 v0, v5;
	v5 =	vbroadcast v1, $0x5;
	[tilespmem:s17+$0xFFFFFF90] =	vst v3;
	v3 =	vld [tilespmem:s17+$0x0]  }
0x93: {  	v60 =	vld [tilespmem:s17+$0x10];
	[tilespmem:s17+$0xFFFFFFA0] =	vst v4;
	v4 =	vbroadcast v1, $0x7;
	v2 =	vmul.f32 v7, v2  }
0x94: {  	v11 =	vbroadcast v1, $0x6;
	v5 =	vmul.f32 v8, v5;
	v7 =	vld [tilespmem:s17+$0x20];
	[tilespmem:s17+$0xFFFFFFB0] =	vst v0  }
0x95: {  	v0 =	vld [tilespmem:s17+$0x30];
	v4 =	vmul.f32 v10, v4;
	[tilespmem:s17+$0xFFFFFFC0] =	vst v2;
	v2 =	vbroadcast v1, $0x8  }
0x96: {  	v8 =	vbroadcast v1, $0x9;
	v6 =	vmul.f32 v6, v11;
	[tilespmem:s17+$0xFFFFFFD0] =	vst v5;
	v5 =	vld [tilespmem:s17+$0x40]  }
0x97: {  	v61 =	vld [tilespmem:s17+$0x50];
	v62 =	vbroadcast v1, $0xA;
	[tilespmem:s17+$0xFFFFFFF0] =	vst v4;
	v2 =	vmul.f32 v3, v2  }
0x98: {  	[tilespmem:s17+$0xFFFFFFE0] =	vst v6;
	v6 =	vmul.f32 v60, v8;
	v8 =	vld [tilespmem:s17+$0x60];
	v3 =	vbroadcast v1, $0xB  }
0x99: {  	v4 =	vld [tilespmem:s17+$0x70];
	v7 =	vmul.f32 v7, v62;
	[tilespmem:s17+$0x0] =	vst v2;
	v2 =	vbroadcast v1, $0xC  }
0x9a: {  	[tilespmem:s17+$0x10] =	vst v6;
	v0 =	vmul.f32 v0, v3;
	v3 =	vbroadcast v1, $0xD  }
0x9b: {  	v6 =	vbroadcast v1, $0xE;
	[tilespmem:s17+$0x20] =	vst v7;
	v2 =	vmul.f32 v5, v2  }
0x9c: {  	v1 =	vbroadcast v1, $0xF;
	v3 =	vmul.f32 v61, v3;
	[tilespmem:s17+$0x30] =	vst v0  }
0x9d: {  	v0 =	vmul.f32 v8, v6;
	[tilespmem:s17+$0x40] =	vst v2  }
0x9e: {  	v1 =	vmul.f32 v4, v1;
	[tilespmem:s17+$0x50] =	vst v3  }
0x9f: {  	[tilespmem:s5+$0x60] =	vst v0  }
0xa0: {  	s29 =	simm.s32 $0x0;
	[tilespmem:s5+$0x70] =	vst v1  }
0xa1: {  	[hbm4b:s10+s29] =	stream.linear.scatter [tilespmem:s20], [sflag:$0x6], $0x2800, $0x38;
	[tilespmem:$0xBEA0] =	vst v63  }
0xa2: {  	_ =	swait.ge [sflag:s14], $0x2800  }
0xa3: {  	[sflag:s14] =	ssyncset.done $0x0  }
0xa4: {  	s5 =	simm.s32 $0x0;
	[sflag:s14] =	ssyncadd.s32 $0xFFFFD800  }
0xa5: {  	v0 =	vld [tilespmem:s5+$0x6720]  }
0xa6: {  	v1 =	vld [tilespmem:s5+$0x6730]  }
0xa7: {  	v2 =	vld [tilespmem:s5+$0x6740]  }
0xa8: {  	v3 =	vld [tilespmem:s5+$0x6750]  }
0xa9: {  	v4 =	vld [tilespmem:s5+$0x6760]  }
0xaa: {  	v5 =	vld [tilespmem:s5+$0x6770];
	v0 =	vmul.f32 $5.000000000e-01, v0  }
0xab: {  	v6 =	vld [tilespmem:s5+$0x6780];
	v1 =	vmul.f32 $5.000000000e-01, v1  }
0xac: {  	v7 =	vld [tilespmem:s5+$0x6790];
	[tilespmem:s5+$0x6720] =	vst v0;
	v0 =	vmul.f32 $5.000000000e-01, v2  }
0xad: {  	v8 =	vld [tilespmem:s5+$0x67A0];
	[tilespmem:s5+$0x6730] =	vst v1;
	v1 =	vmul.f32 $5.000000000e-01, v3  }
0xae: {  	v63 =	vld [tilespmem:s5+$0x67B0];
	[tilespmem:s5+$0x6740] =	vst v0;
	v0 =	vmul.f32 $5.000000000e-01, v4  }
0xaf: {  	v2 =	vmul.f32 $5.000000000e-01, v5;
	[tilespmem:s5+$0x6750] =	vst v1;
	v1 =	vld [tilespmem:s5+$0x67C0]  }
0xb0: {  	v3 =	vmul.f32 $5.000000000e-01, v6;
	[tilespmem:s5+$0x6760] =	vst v0;
	v0 =	vld [tilespmem:s5+$0x67D0]  }
0xb1: {  	[tilespmem:s5+$0x6770] =	vst v2;
	v2 =	vld [tilespmem:s5+$0x67E0];
	v4 =	vmul.f32 $5.000000000e-01, v7  }
0xb2: {  	v6 =	vmul.f32 $5.000000000e-01, v8;
	[tilespmem:s5+$0x6780] =	vst v3;
	v3 =	vld [tilespmem:s5+$0x67F0]  }
0xb3: {  	s6 =	simm.s32 $0x400;
	s8 =	simm.s32 $0x80;
	v5 =	vmul.f32 $5.000000000e-01, v63;
	[tilespmem:s5+$0x6790] =	vst v4;
	v4 =	vld [tilespmem:s5+$0x6800]  }
.LBB2_6:
0xb4: {  	s7 =	sshra.s32 s6, $0x2;
	p0 =	sne.s32 s6, $0x9C00;
	[tilespmem:s5+$0x67A0] =	vst v6;
	v1 =	vmul.f32 $5.000000000e-01, v1;
	v6 =	vld [tilespmem:s5+$0x6810]  }
0xb5: {  	v7 =	vld [tilespmem:s7+$0x6720];
	[tilespmem:s5+$0x67B0] =	vst v5;
	v0 =	vmul.f32 $5.000000000e-01, v0  }
0xb6: {  	v5 =	vld [tilespmem:s7+$0x6730];
	[tilespmem:s5+$0x67C0] =	vst v1;
	v1 =	vmul.f32 $5.000000000e-01, v2  }
0xb7: {  	v2 =	vld [tilespmem:s7+$0x6740];
	[tilespmem:s5+$0x67D0] =	vst v0;
	v0 =	vmul.f32 $5.000000000e-01, v3  }
0xb8: {  	v3 =	vld [tilespmem:s7+$0x6750];
	[tilespmem:s5+$0x67E0] =	vst v1;
	v1 =	vmul.f32 $5.000000000e-01, v4  }
0xb9: {  	v4 =	vld [tilespmem:s7+$0x6760];
	[tilespmem:s5+$0x67F0] =	vst v0;
	v0 =	vmul.f32 $5.000000000e-01, v6  }
0xba: {  	v6 =	vmul.f32 $5.000000000e-01, v7;
	v7 =	vld [tilespmem:s7+$0x6770];
	[tilespmem:s5+$0x6800] =	vst v1  }
0xbb: {  	v1 =	vmul.f32 $5.000000000e-01, v5;
	v5 =	vld [tilespmem:s7+$0x6780];
	[tilespmem:s5+$0x6810] =	vst v0;
	s5 =	smov.u32 s7  }
0xbc: {  	[tilespmem:s5+$0x6720] =	vst v6;
	v0 =	vmul.f32 $5.000000000e-01, v2;
	v2 =	vld [tilespmem:s5+$0x6790]  }
0xbd: {  	[tilespmem:s5+$0x6730] =	vst v1;
	v1 =	vmul.f32 $5.000000000e-01, v3;
	v3 =	vld [tilespmem:s5+$0x67A0]  }
0xbe: {  	[tilespmem:s5+$0x6740] =	vst v0;
	v0 =	vmul.f32 $5.000000000e-01, v4;
	v4 =	vld [tilespmem:s5+$0x67B0]  }
.Ltmp2:
0xbf: {  	[tilespmem:s5+$0x6750] =	vst v1;
	v6 =	vmul.f32 $5.000000000e-01, v7;
	v1 =	vld [tilespmem:s5+$0x67C0];
	(pc) =	sbr.rel @p0 .LBB2_6-.Ltmp2, $4  }
0xc0: {  	[tilespmem:s5+$0x6760] =	vst v0;
	v5 =	vmul.f32 $5.000000000e-01, v5;
	v0 =	vld [tilespmem:s5+$0x67D0]  }
0xc1: {  	[tilespmem:s5+$0x6770] =	vst v6;
	v7 =	vmul.f32 $5.000000000e-01, v2;
	v2 =	vld [tilespmem:s5+$0x67E0]  }
0xc2: {  	[tilespmem:s5+$0x6780] =	vst v5;
	v6 =	vmul.f32 $5.000000000e-01, v3;
	v3 =	vld [tilespmem:s5+$0x67F0]  }
0xc3: {  	s6 =	sadd.s32 $0x400, s6;
	[tilespmem:s5+$0x6790] =	vst v7;
	v5 =	vmul.f32 $5.000000000e-01, v4;
	v4 =	vld [tilespmem:s5+$0x6800]  }
0xc4: {  	[tilespmem:s5+$0x67A0] =	vst v6;
	v1 =	vmul.f32 $5.000000000e-01, v1;
	v59 =	vld [tilespmem:s5+$0x6810]  }
0xc5: {  	[tilespmem:s5+$0x67B0] =	vst v5;
	v0 =	vmul.f32 $5.000000000e-01, v0  }
0xc6: {  	[tilespmem:s5+$0x67C0] =	vst v1;
	v60 =	vmul.f32 $5.000000000e-01, v2  }
0xc7: {  	[tilespmem:s5+$0x67D0] =	vst v0;
	v61 =	vmul.f32 $5.000000000e-01, v3  }
0xc8: {  	[tilespmem:s5+$0x67E0] =	vst v60;
	v62 =	vmul.f32 $5.000000000e-01, v4  }
0xc9: {  	[tilespmem:s5+$0x67F0] =	vst v61;
	v63 =	vmul.f32 $5.000000000e-01, v59  }
0xca: {  	[tilespmem:s5+$0x6800] =	vst v62  }
0xcb: {  	[tilespmem:s5+$0x6810] =	vst v63  }
0xcc: {  	[spmem:s11] =	stream.linear.scatter [tilespmem:s20], [sflag:$0x6], $0x2800, $0x38;
	[tilespmem:$0xBEA0] =	vst v63  }
0xcd: {  	_ =	swait.ge [sflag:s14], $0x2800  }
0xce: {  	[sflag:s14] =	ssyncset.done $0x0  }
0xcf: {  	[sflag:s14] =	ssyncadd.s32 $0xFFFFD800  }
0xd0: {  	s7 =	simm.s32 $0x0;
	[bflag:$0x0] =	sbarrier.arrive $0xFFFF  }
0xd1: {  	[tilespmem:s22], [sflag:$0x1] =	stream.indirect.gather [hbm4b:s4+s21], $0x10, s7, s21, $0xb8;
	[tilespmem:$0xBEA0] =	vst v63  }
0xd2: {  	_ = 	snop  }
0xd3: {  	[tilespmem:s23], [sflag:$0x2] =	stream.indirect.gather [hbm4b:s4+s21], $0x10, s21, s21, $0xb8;
	[tilespmem:$0xBEA0] =	vst v63  }
0xd4: {  	s17 =	simm.s32 $0xA0  }
0xd5: {  	[tilespmem:s25], [sflag:$0x3] =	stream.indirect.gather [hbm4b:s4+s21], $0x10, s17, s21, $0xb8;
	[tilespmem:$0xBEA0] =	vst v63  }
0xd6: {  	s18 =	simm.s32 $0xF0  }
0xd7: {  	[tilespmem:s28], [sflag:$0x4] =	stream.indirect.gather [hbm4b:s4+s21], $0x10, s18, s21, $0xb8;
	[tilespmem:$0xBEA0] =	vst v63  }
0xd8: {  	s19 =	simm.s32 $0x140  }
0xd9: {  	[tilespmem:s30], [sflag:$0x5] =	stream.indirect.gather [hbm4b:s4+s21], $0x10, s19, s21, $0xb8;
	[tilespmem:$0xBEA0] =	vst v63  }
0xda: {  	_ =	swait.ge [sflag:s31], $0x500  }
0xdb: {  	[sflag:s31] =	ssyncset.done $0x0  }
0xdc: {  	s26 =	simm.s32 $0x2710;
	[sflag:s31] =	ssyncadd.s32 $0xFFFFFB00  }
0xdd: {  	[spmem:s2] =	stream.indirect.scatter.add.f32 [tilespmem:s22], [sflag:$0x6], $0x10, s26, s21, $0xb8;
	[tilespmem:$0xBEA0] =	vst v63  }
0xde: {  	_ =	swait.ge [sflag:s14], $0x500  }
0xdf: {  	[sflag:s14] =	ssyncset.done $0x0  }
0xe0: {  	s29 =	simm.s32 $0x190;
	[sflag:s14] =	ssyncadd.s32 $0xFFFFFB00  }
0xe1: {  	[tilespmem:s22], [sflag:$0x1] =	stream.indirect.gather [hbm4b:s4+s21], $0x10, s29, s21, $0xb8;
	[tilespmem:$0xBEA0] =	vst v63  }
0xe2: {  	_ =	swait.ge [sflag:s0], $0x500  }
0xe3: {  	[sflag:s0] =	ssyncset.done $0x0  }
0xe4: {  	s6 =	simm.s32 $0x2760;
	[sflag:s0] =	ssyncadd.s32 $0xFFFFFB00  }
0xe5: {  	[spmem:s2] =	stream.indirect.scatter.add.f32 [tilespmem:s23], [sflag:$0x6], $0x10, s6, s21, $0xb8;
	[tilespmem:$0xBEA0] =	vst v63  }
0xe6: {  	_ =	swait.ge [sflag:s14], $0x500  }
0xe7: {  	[sflag:s14] =	ssyncset.done $0x0  }
0xe8: {  	s7 =	simm.s32 $0x1E0;
	[sflag:s14] =	ssyncadd.s32 $0xFFFFFB00  }
0xe9: {  	[tilespmem:s23], [sflag:$0x2] =	stream.indirect.gather [hbm4b:s4+s21], $0x10, s7, s21, $0xb8;
	[tilespmem:$0xBEA0] =	vst v63  }
0xea: {  	_ =	swait.ge [sflag:s1], $0x500  }
0xeb: {  	[sflag:s1] =	ssyncset.done $0x0  }
0xec: {  	s17 =	simm.s32 $0x27B0;
	[sflag:s1] =	ssyncadd.s32 $0xFFFFFB00  }
0xed: {  	[spmem:s2] =	stream.indirect.scatter.add.f32 [tilespmem:s25], [sflag:$0x6], $0x10, s17, s21, $0xb8;
	[tilespmem:$0xBEA0] =	vst v63  }
0xee: {  	_ =	swait.ge [sflag:s14], $0x500  }
0xef: {  	[sflag:s14] =	ssyncset.done $0x0  }
0xf0: {  	s18 =	simm.s32 $0x230;
	[sflag:s14] =	ssyncadd.s32 $0xFFFFFB00  }
0xf1: {  	[tilespmem:s25], [sflag:$0x3] =	stream.indirect.gather [hbm4b:s4+s21], $0x10, s18, s21, $0xb8;
	[tilespmem:$0xBEA0] =	vst v63  }
0xf2: {  	_ =	swait.ge [sflag:s15], $0x500  }
0xf3: {  	[sflag:s15] =	ssyncset.done $0x0  }
0xf4: {  	s19 =	simm.s32 $0x2800;
	[sflag:s15] =	ssyncadd.s32 $0xFFFFFB00  }
0xf5: {  	[spmem:s2] =	stream.indirect.scatter.add.f32 [tilespmem:s28], [sflag:$0x6], $0x10, s19, s21, $0xb8;
	[tilespmem:$0xBEA0] =	vst v63  }
0xf6: {  	_ =	swait.ge [sflag:s14], $0x500  }
0xf7: {  	[sflag:s14] =	ssyncset.done $0x0  }
0xf8: {  	s26 =	simm.s32 $0x280;
	[sflag:s14] =	ssyncadd.s32 $0xFFFFFB00  }
0xf9: {  	[tilespmem:s28], [sflag:$0x4] =	stream.indirect.gather [hbm4b:s4+s21], $0x10, s26, s21, $0xb8;
	[tilespmem:$0xBEA0] =	vst v63  }
0xfa: {  	_ =	swait.ge [sflag:s16], $0x500  }
0xfb: {  	[sflag:s16] =	ssyncset.done $0x0  }
0xfc: {  	s29 =	simm.s32 $0x2850;
	[sflag:s16] =	ssyncadd.s32 $0xFFFFFB00  }
0xfd: {  	[spmem:s2] =	stream.indirect.scatter.add.f32 [tilespmem:s30], [sflag:$0x6], $0x10, s29, s21, $0xb8;
	[tilespmem:$0xBEA0] =	vst v63  }
0xfe: {  	_ =	swait.ge [sflag:s14], $0x500  }
0xff: {  	[sflag:s14] =	ssyncset.done $0x0  }
0x100: {  	s5 =	simm.s32 $0x640;
	s6 =	simm.s32 $0x2D0;
	[sflag:s14] =	ssyncadd.s32 $0xFFFFFB00  }
.LBB2_8:
0x101: {  	[tilespmem:s30], [sflag:$0x5] =	stream.indirect.gather [hbm4b:s4+s21], $0x10, s6, s21, $0xb8;
	[tilespmem:$0xBEA0] =	vst v63  }
0x102: {  	s6 =	smov.u32 s5  }
0x103: {  	p0 =	sne.s32 s5, $0x8FC0;
	s5 =	sadd.s32 $0x640, s5;
	_ =	swait.ge [sflag:s31], $0x500  }
0x104: {  	s6 =	sshra.s32 s6, $0x2;
	[sflag:s31] =	ssyncset.done $0x0  }
0x105: {  	s7 =	sadd.s32 $0x2710, s6;
	[sflag:s31] =	ssyncadd.s32 $0xFFFFFB00  }
0x106: {  	[spmem:s2] =	stream.indirect.scatter.add.f32 [tilespmem:s22], [sflag:$0x6], $0x10, s7, s21, $0xb8;
	[tilespmem:$0xBEA0] =	vst v63  }
0x107: {  	_ =	swait.ge [sflag:s14], $0x500  }
0x108: {  	[sflag:s14] =	ssyncset.done $0x0  }
0x109: {  	s7 =	sadd.s32 $0x190, s6;
	[sflag:s14] =	ssyncadd.s32 $0xFFFFFB00  }
0x10a: {  	[tilespmem:s22], [sflag:$0x1] =	stream.indirect.gather [hbm4b:s4+s21], $0x10, s7, s21, $0xb8;
	[tilespmem:$0xBEA0] =	vst v63  }
0x10b: {  	_ =	swait.ge [sflag:s0], $0x500  }
0x10c: {  	[sflag:s0] =	ssyncset.done $0x0  }
0x10d: {  	s7 =	sadd.s32 $0x2760, s6;
	[sflag:s0] =	ssyncadd.s32 $0xFFFFFB00  }
0x10e: {  	[spmem:s2] =	stream.indirect.scatter.add.f32 [tilespmem:s23], [sflag:$0x6], $0x10, s7, s21, $0xb8;
	[tilespmem:$0xBEA0] =	vst v63  }
0x10f: {  	_ =	swait.ge [sflag:s14], $0x500  }
0x110: {  	[sflag:s14] =	ssyncset.done $0x0  }
0x111: {  	s7 =	sadd.s32 $0x1E0, s6;
	[sflag:s14] =	ssyncadd.s32 $0xFFFFFB00  }
0x112: {  	[tilespmem:s23], [sflag:$0x2] =	stream.indirect.gather [hbm4b:s4+s21], $0x10, s7, s21, $0xb8;
	[tilespmem:$0xBEA0] =	vst v63  }
0x113: {  	_ =	swait.ge [sflag:s1], $0x500  }
0x114: {  	[sflag:s1] =	ssyncset.done $0x0  }
0x115: {  	s7 =	sadd.s32 $0x27B0, s6;
	[sflag:s1] =	ssyncadd.s32 $0xFFFFFB00  }
0x116: {  	[spmem:s2] =	stream.indirect.scatter.add.f32 [tilespmem:s25], [sflag:$0x6], $0x10, s7, s21, $0xb8;
	[tilespmem:$0xBEA0] =	vst v63  }
0x117: {  	_ =	swait.ge [sflag:s14], $0x500  }
0x118: {  	[sflag:s14] =	ssyncset.done $0x0  }
0x119: {  	s7 =	sadd.s32 $0x230, s6;
	[sflag:s14] =	ssyncadd.s32 $0xFFFFFB00  }
0x11a: {  	[tilespmem:s25], [sflag:$0x3] =	stream.indirect.gather [hbm4b:s4+s21], $0x10, s7, s21, $0xb8;
	[tilespmem:$0xBEA0] =	vst v63  }
0x11b: {  	_ =	swait.ge [sflag:s15], $0x500  }
0x11c: {  	[sflag:s15] =	ssyncset.done $0x0  }
0x11d: {  	s7 =	sadd.s32 $0x2800, s6;
	[sflag:s15] =	ssyncadd.s32 $0xFFFFFB00  }
0x11e: {  	[spmem:s2] =	stream.indirect.scatter.add.f32 [tilespmem:s28], [sflag:$0x6], $0x10, s7, s21, $0xb8;
	[tilespmem:$0xBEA0] =	vst v63  }
0x11f: {  	_ =	swait.ge [sflag:s14], $0x500  }
0x120: {  	[sflag:s14] =	ssyncset.done $0x0  }
0x121: {  	s7 =	sadd.s32 $0x280, s6;
	[sflag:s14] =	ssyncadd.s32 $0xFFFFFB00  }
0x122: {  	[tilespmem:s28], [sflag:$0x4] =	stream.indirect.gather [hbm4b:s4+s21], $0x10, s7, s21, $0xb8;
	[tilespmem:$0xBEA0] =	vst v63  }
0x123: {  	_ =	swait.ge [sflag:s16], $0x500  }
0x124: {  	[sflag:s16] =	ssyncset.done $0x0  }
.Ltmp3:
0x125: {  	s7 =	sadd.s32 $0x2850, s6;
	[sflag:s16] =	ssyncadd.s32 $0xFFFFFB00;
	(pc) =	sbr.rel @p0 .LBB2_8-.Ltmp3, $4  }
0x126: {  	[spmem:s2] =	stream.indirect.scatter.add.f32 [tilespmem:s30], [sflag:$0x6], $0x10, s7, s21, $0xb8;
	[tilespmem:$0xBEA0] =	vst v63  }
0x127: {  	_ =	swait.ge [sflag:s14], $0x500  }
0x128: {  	[sflag:s14] =	ssyncset.done $0x0  }
0x129: {  	s6 =	sadd.s32 $0x2D0, s6;
	[sflag:s14] =	ssyncadd.s32 $0xFFFFFB00  }
0x12a: {  	[tilespmem:s30], [sflag:$0x5] =	stream.indirect.gather [hbm4b:s4+s21], $0x10, s6, s21, $0xb8;
	[tilespmem:$0xBEA0] =	vst v63  }
0x12b: {  	_ =	swait.ge [sflag:s31], $0x500  }
0x12c: {  	[sflag:s31] =	ssyncset.done $0x0  }
0x12d: {  	s5 =	simm.s32 $0x4C90;
	[sflag:s31] =	ssyncadd.s32 $0xFFFFFB00  }
0x12e: {  	[spmem:s2] =	stream.indirect.scatter.add.f32 [tilespmem:s22], [sflag:$0x6], $0x10, s5, s21, $0xb8;
	[tilespmem:$0xBEA0] =	vst v63  }
0x12f: {  	_ =	swait.ge [sflag:s14], $0x500  }
0x130: {  	[sflag:s14] =	ssyncset.done $0x0  }
0x131: {  	[sflag:s14] =	ssyncadd.s32 $0xFFFFFB00  }
0x132: {  	_ =	swait.ge [sflag:s0], $0x500  }
0x133: {  	[sflag:s0] =	ssyncset.done $0x0  }
0x134: {  	s18 =	simm.s32 $0x4CE0;
	[sflag:s0] =	ssyncadd.s32 $0xFFFFFB00  }
0x135: {  	[spmem:s2] =	stream.indirect.scatter.add.f32 [tilespmem:s23], [sflag:$0x6], $0x10, s18, s21, $0xb8;
	[tilespmem:$0xBEA0] =	vst v63  }
0x136: {  	_ =	swait.ge [sflag:s14], $0x500  }
0x137: {  	[sflag:s14] =	ssyncset.done $0x0  }
0x138: {  	[sflag:s14] =	ssyncadd.s32 $0xFFFFFB00  }
0x139: {  	_ =	swait.ge [sflag:s1], $0x500  }
0x13a: {  	[sflag:s1] =	ssyncset.done $0x0  }
0x13b: {  	s19 =	simm.s32 $0x4D30;
	[sflag:s1] =	ssyncadd.s32 $0xFFFFFB00  }
0x13c: {  	[spmem:s2] =	stream.indirect.scatter.add.f32 [tilespmem:s25], [sflag:$0x6], $0x10, s19, s21, $0xb8;
	[tilespmem:$0xBEA0] =	vst v63  }
0x13d: {  	_ =	swait.ge [sflag:s14], $0x500  }
0x13e: {  	[sflag:s14] =	ssyncset.done $0x0  }
0x13f: {  	[sflag:s14] =	ssyncadd.s32 $0xFFFFFB00  }
0x140: {  	_ =	swait.ge [sflag:s15], $0x500  }
0x141: {  	[sflag:s15] =	ssyncset.done $0x0  }
0x142: {  	s26 =	simm.s32 $0x4D80;
	[sflag:s15] =	ssyncadd.s32 $0xFFFFFB00  }
0x143: {  	[spmem:s2] =	stream.indirect.scatter.add.f32 [tilespmem:s28], [sflag:$0x6], $0x10, s26, s21, $0xb8;
	[tilespmem:$0xBEA0] =	vst v63  }
0x144: {  	_ =	swait.ge [sflag:s14], $0x500  }
0x145: {  	[sflag:s14] =	ssyncset.done $0x0  }
0x146: {  	[sflag:s14] =	ssyncadd.s32 $0xFFFFFB00  }
0x147: {  	_ =	swait.ge [sflag:s16], $0x500  }
0x148: {  	[sflag:s16] =	ssyncset.done $0x0  }
0x149: {  	s29 =	simm.s32 $0x4DD0;
	[sflag:s16] =	ssyncadd.s32 $0xFFFFFB00  }
0x14a: {  	[spmem:s2] =	stream.indirect.scatter.add.f32 [tilespmem:s30], [sflag:$0x6], $0x10, s29, s21, $0xb8;
	[tilespmem:$0xBEA0] =	vst v63  }
0x14b: {  	_ =	swait.ge [sflag:s14], $0x500  }
0x14c: {  	[sflag:s14] =	ssyncset.done $0x0  }
0x14d: {  	[sflag:s14] =	ssyncadd.s32 $0xFFFFFB00  }
0x14e: {  	[bflag:$0x0] =	sbarrier.arrive $0xFFFF  }
0x14f: {  	[tilespmem:s20], [sflag:$0x6] =	stream.linear.gather [spmem:s11], $0x2800, $0x38;
	[tilespmem:$0xBEA0] =	vst v63  }
0x150: {  	_ =	swait.ge [sflag:s14], $0x2800  }
0x151: {  	[sflag:s14] =	ssyncset.done $0x0  }
0x152: {  	s17 =	simm.s32 $0x67A0;
	[sflag:s14] =	ssyncadd.s32 $0xFFFFD800  }
0x153: {  	s7 =	simm.s32 $0x0;
	s6 =	simm.s32 $0x40;
	s5 =	simm.s32 $0x67A0;
	v0 =	vld [tilespmem:s17+$0xFFFFFFB0]  }
.LBB2_10:
0x154: {  	p0 =	sne.s32 s6, $0x9C0;
	v1 =	vld [tilespmem:s7+$0x8F20]  }
0x155: {  	v2 =	vld [tilespmem:s17+$0xFFFFFF90]  }
0x156: {  	v3 =	vld [tilespmem:s17+$0xFFFFFF80]  }
0x157: {  	v4 =	vld [tilespmem:s17+$0xFFFFFFA0]  }
0x158: {  	v5 =	vld [tilespmem:s17+$0xFFFFFFF0]  }
0x159: {  	v6 =	vbroadcast v1, $0x0;
	v7 =	vbroadcast v1, $0x1;
	v8 =	vld [tilespmem:s17+$0xFFFFFFD0]  }
0x15a: {  	v9 =	vbroadcast v1, $0x2;
	v10 =	vbroadcast v1, $0x3;
	v11 =	vld [tilespmem:s17+$0xFFFFFFC0]  }
0x15b: {  	v3 =	vmul.f32 v6, v3;
	v2 =	vmul.f32 v2, v7;
	v6 =	vld [tilespmem:s17+$0xFFFFFFE0]  }
0x15c: {  	v0 =	vmul.f32 v0, v10;
	v4 =	vmul.f32 v4, v9;
	v7 =	vld [tilespmem:s17+$0x30]  }
0x15d: {  	v9 =	vbroadcast v1, $0x5;
	[tilespmem:s17+$0xFFFFFF80] =	vst v3;
	v3 =	vbroadcast v1, $0x4;
	v10 =	vld [tilespmem:s17+$0x10]  }
0x15e: {  	v12 =	vbroadcast v1, $0x7;
	[tilespmem:s17+$0xFFFFFF90] =	vst v2;
	v2 =	vbroadcast v1, $0x6;
	v13 =	vld [tilespmem:s17+$0x0]  }
0x15f: {  	[tilespmem:s17+$0xFFFFFFA0] =	vst v4;
	v3 =	vmul.f32 v11, v3;
	v4 =	vmul.f32 v8, v9;
	v8 =	vld [tilespmem:s17+$0x20]  }
0x160: {  	[tilespmem:s17+$0xFFFFFFB0] =	vst v0;
	v0 =	vmul.f32 v6, v2;
	v2 =	vmul.f32 v5, v12;
	v5 =	vld [tilespmem:s17+$0x70]  }
0x161: {  	v6 =	vbroadcast v1, $0x9;
	[tilespmem:s17+$0xFFFFFFC0] =	vst v3;
	v3 =	vbroadcast v1, $0x8;
	v9 =	vld [tilespmem:s17+$0x50]  }
0x162: {  	v11 =	vbroadcast v1, $0xB;
	[tilespmem:s17+$0xFFFFFFD0] =	vst v4;
	v4 =	vbroadcast v1, $0xA;
	v12 =	vld [tilespmem:s17+$0x40]  }
0x163: {  	[tilespmem:s17+$0xFFFFFFE0] =	vst v0;
	v0 =	vmul.f32 v13, v3;
	v3 =	vmul.f32 v10, v6;
	v6 =	vld [tilespmem:s17+$0x60]  }
0x164: {  	[tilespmem:s17+$0xFFFFFFF0] =	vst v2;
	v2 =	vmul.f32 v8, v4;
	v4 =	vmul.f32 v7, v11  }
0x165: {  	v7 =	vbroadcast v1, $0xD;
	[tilespmem:s17+$0x0] =	vst v0;
	v0 =	vbroadcast v1, $0xC  }
0x166: {  	[tilespmem:s17+$0x10] =	vst v3;
	v3 =	vbroadcast v1, $0xE;
	v1 =	vbroadcast v1, $0xF  }
0x167: {  	[tilespmem:s17+$0x20] =	vst v2;
	v0 =	vmul.f32 v12, v0;
	v2 =	vmul.f32 v9, v7  }
.Ltmp4:
0x168: {  	[tilespmem:s17+$0x30] =	vst v4;
	v3 =	vmul.f32 v6, v3;
	v1 =	vmul.f32 v5, v1;
	(pc) =	sbr.rel @p0 .LBB2_10-.Ltmp4, $4  }
0x169: {  	[tilespmem:s17+$0x40] =	vst v0  }
0x16a: {  	[tilespmem:s17+$0x50] =	vst v2  }
0x16b: {  	s17 =	sadd.s32 $0x100, s17;
	[tilespmem:s5+$0x60] =	vst v3  }
0x16c: {  	s7 =	sshra.s32 s6, $0x2;
	s6 =	sadd.s32 $0x40, s6;
	v0 =	vld [tilespmem:s17+$0xFFFFFFB0];
	[tilespmem:s5+$0x70] =	vst v1;
	s5 =	smov.u32 s17  }
0x16d: {  	v1 =	vld [tilespmem:s7+$0x8F20];
	_ =	sdelay $0x1  }
0x16e: {  	v2 =	vld [tilespmem:s17+$0xFFFFFF80]  }
0x16f: {  	v3 =	vld [tilespmem:s17+$0xFFFFFF90]  }
0x170: {  	v4 =	vld [tilespmem:s17+$0xFFFFFFA0]  }
0x171: {  	v5 =	vbroadcast v1, $0x0  }
0x172: {  	v8 =	vld [tilespmem:s17+$0xFFFFFFD0];
	v6 =	vbroadcast v1, $0x1  }
0x173: {  	v43 =	vld [tilespmem:s17+$0xFFFFFFE0];
	v9 =	vbroadcast v1, $0x2;
	v2 =	vmul.f32 v5, v2  }
0x174: {  	v47 =	vld [tilespmem:s17+$0x10];
	v42 =	vbroadcast v1, $0x3;
	v3 =	vmul.f32 v3, v6  }
0x175: {  	v7 =	vld [tilespmem:s17+$0xFFFFFFC0];
	v45 =	vbroadcast v1, $0x5;
	v4 =	vmul.f32 v4, v9;
	[tilespmem:s17+$0xFFFFFF80] =	vst v2  }
0x176: {  	v10 =	vld [tilespmem:s17+$0xFFFFFFF0];
	v11 =	vbroadcast v1, $0x6;
	v0 =	vmul.f32 v0, v42;
	[tilespmem:s17+$0xFFFFFF90] =	vst v3  }
0x177: {  	v49 =	vld [tilespmem:s17+$0x20];
	v52 =	vbroadcast v1, $0x9;
	v5 =	vmul.f32 v8, v45;
	[tilespmem:s17+$0xFFFFFFA0] =	vst v4  }
0x178: {  	v50 =	vld [tilespmem:s17+$0x30];
	v44 =	vbroadcast v1, $0x4;
	v6 =	vmul.f32 v43, v11;
	[tilespmem:s17+$0xFFFFFFB0] =	vst v0  }
0x179: {  	v46 =	vld [tilespmem:s17+$0x0];
	v48 =	vbroadcast v1, $0x7;
	v57 =	vmul.f32 v47, v52;
	[tilespmem:s17+$0xFFFFFFD0] =	vst v5  }
0x17a: {  	v54 =	vld [tilespmem:s17+$0x50];
	v55 =	vbroadcast v1, $0xA;
	v2 =	vmul.f32 v7, v44;
	[tilespmem:s17+$0xFFFFFFE0] =	vst v6  }
0x17b: {  	v53 =	vld [tilespmem:s17+$0x40];
	v56 =	vbroadcast v1, $0xB;
	v4 =	vmul.f32 v10, v48;
	[tilespmem:s17+$0x10] =	vst v57  }
0x17c: {  	v58 =	vld [tilespmem:s17+$0x60];
	v51 =	vbroadcast v1, $0x8;
	v7 =	vmul.f32 v49, v55;
	[tilespmem:s17+$0xFFFFFFC0] =	vst v2  }
0x17d: {  	v59 =	vld [tilespmem:s17+$0x70];
	v61 =	vbroadcast v1, $0xD;
	v0 =	vmul.f32 v50, v56;
	[tilespmem:s17+$0xFFFFFFF0] =	vst v4  }
0x17e: {  	v60 =	vbroadcast v1, $0xC;
	v2 =	vmul.f32 v46, v51;
	[tilespmem:s17+$0x20] =	vst v7  }
0x17f: {  	v62 =	vbroadcast v1, $0xE;
	v3 =	vmul.f32 v54, v61;
	[tilespmem:s17+$0x30] =	vst v0  }
0x180: {  	v1 =	vbroadcast v1, $0xF;
	[tilespmem:s17+$0x0] =	vst v2;
	v2 =	vmul.f32 v53, v60  }
0x181: {  	v63 =	vmul.f32 v58, v62;
	[tilespmem:s17+$0x50] =	vst v3  }
0x182: {  	s24 =	sadd.s32 $0x1, s24;
	v1 =	vmul.f32 v59, v1;
	[tilespmem:s17+$0x40] =	vst v2  }
0x183: {  	p0 =	sne.s32 s24, s12;
	[tilespmem:s5+$0x60] =	vst v63  }
.Ltmp5:
0x184: {  	s7 =	simm.s32 $0x10;
	[tilespmem:s5+$0x70] =	vst v1;
	(pc) =	sbr.rel @p0 .LBB2_1-.Ltmp5, $4  }
0x185: {  	[hbm4b:s13+s7] =	stream.strided.scatter [tilespmem:s20], [sflag:$0x6], $0x2800, s8, s7, $0x38;
	[tilespmem:$0xBEA0] =	vst v63  }
0x186: {  	_ =	swait.ge [sflag:s14], $0x2800  }
0x187: {  	[sflag:s14] =	ssyncset.done $0x0  }
0x188: {  	[sflag:s14] =	ssyncadd.s32 $0xFFFFD800  }
0x189: {  	_ =	sfence.sel $0x180000  }
0x18a: {  	[bflag:$0x0] =	sbarrier.arrive $0xFFFF  }
0x18b: {  	_ =	strace $0x9000004A  }
0x18c: {  	s0 =	stileid.u32;
	[bflag:$0x2] =	sbarrier.arrive $0xFFFF  }
0x18d: {  	p0 =	sne.s32 s0, $0x0;
	s0 =	rddreg [dreg:$0x3]  }
0x18e: {  	s0 =	sadd.s32 @!p0 $0x100000, s0  }
0x18f: {  	[sflag:s0] =	ssyncadd.tile.s32 @!p0 $0x1;
	_ =	shalt  }
.Lfunc_end2:
_tile_overlayer_lowered:
.L_overlay_start_2:
0x190: {  	(tag) =	ssettag $0x2  }
0x191: {  	s0 =	rddreg [dreg:$0x0];
	s2 =	stileid.u32  }
0x192: {  	s1 =	rddreg [dreg:$0x1];
	p0 =	sne.s32 s2, $0x0  }
0x193: {  	s3 =	rddreg [dreg:$0x2];
	[bflag:$0x3] =	sbarrier.arrive $0xFFFF;
	s2 =	simm.s32 @!p0 $0x1C06  }
0x194: {  	[timem:s3], [sflag:s2] =	dma.local @!p0 [hbm:s0], s1  }
0x195: {  	s0 =	simm.s32 @!p0 $0x6  }
0x196: {  	_ =	swait.ge @!p0 [sflag:s0], s1  }
0x197: {  	s1 =	ssub.s32 @!p0 $0x0, s1;
	[sflag:s0] =	ssyncset.done @!p0 $0x0  }
0x198: {  	[sflag:s0] =	ssyncadd.s32 @!p0 s1  }
0x199: {  	[bflag:$0x3] =	sbarrier.arrive $0xFFFF  }
0x19a: {  	_ =	shalt  }

// kernel: kernel.14.cloned.1.call-start
scs
__scs_entry_jumppad:
0x0: {  	(pc) =	sbr.rel $0x88, $3  }
0x1: {  	(tag) =	ssettag $0x0;
	lr =	simm.s32 $0x1  }
0x2: {  	[smem:$0x3F9B] =	sst lr;
	_ =	strace $0xD0000000  }
0x3: {  	_ = 	snop  }
0x4: {  	_ = 	snop  }
0x5: {  	_ = 	snop  }
0x6: {  	_ = 	snop  }
0x7: {  	_ = 	snop  }
__scs_overlays_trampoline_lowered:
0x8: {  	[smem:$0x3FAA] =	sst s0  }
0x9: {  	[smem:$0x3FAB] =	sst s1  }
0xa: {  	[smem:$0x3FAC] =	sst s2  }
0xb: {  	[smem:$0x3FAD] =	sst s3  }
0xc: {  	[smem:$0x3FAE] =	sst s4  }
0xd: {  	[smem:$0x3FAF] =	sst s5  }
0xe: {  	[smem:$0x3FB0] =	sst s6  }
0xf: {  	[smem:$0x3FB1] =	sst s7  }
0x10: {  	[smem:$0x3FB2] =	sst s8  }
0x11: {  	[smem:$0x3FB3] =	sst s9;
	s0 =	simm.s32 @!p0 $0x0  }
0x12: {  	s1 =	sld [smem:$0x3F99];
	s0 =	simm.s32 @p0 $0x1  }
0x13: {  	[smem:$0x3FB4] =	sst s0;
	s0 =	simm.s32 @!p1 $0x0  }
0x14: {  	s2 =	sld [smem:$0x3F98];
	s0 =	simm.s32 @p1 $0x1  }
0x15: {  	[smem:$0x3FB5] =	sst s0;
	s0 =	simm.s32 @!p2 $0x0  }
0x16: {  	s3 =	sld [smem:$0x3FDB];
	s0 =	simm.s32 @p2 $0x1  }
0x17: {  	s4 =	simm.s32 $0x1BF5;
	[smem:$0x3FB7] =	sst s0  }
0x18: {  	s0 =	sld [smem:$0x3F9A];
	_ =	swait.ge [sflag:s4], $0x0  }
0x19: {  	s7 =	sld [smem:$0x3F9B]  }
0x1a: {  	s8 =	sadd.s32 $0xFFFFE003, lr  }
0x1b: {  	s9 =	sadd.s32 $0xFFFFFEF7, lr;
	s5 =	simm.s32 $0xFFFFFFFF;
	p2 =	slt.u32 s8, $0xFFFFF086  }
0x1c: {  	p1 =	slt.u32 s9, $0xF7A;
	s5 =	simm.s32 @!p2 $0x0  }
0x1d: {  	s5 =	simm.s32 @p1 $0x1;
	p0 =	seq.s32 s7, s2  }
0x1e: {  	s7 =	smul.u32 @!p0 $0xF7A, s2;
	p2 =	seq.s32 @!p0 s5, $0x0  }
0x1f: {  	s9 =	smul.u32 $0xF7A, s1;
	s8 =	simm.s32 @!p0 $0x1BF5;
	p2 =	por !p2, p0  }
0x20: {  	[sflag:s8] =	ssyncset.s32 @!p0 $0xFFFFF086;
	s6 =	sadd.s32 @!p0 s3, s7;
	s7 =	simm.s32 @!p0 $0x108  }
0x21: {  	s3 =	sadd.s32 s3, s9;
	s6 =	sadd.s32 @!p0 $0x88, s6;
	s7 =	simm.s32 @p2 $0x1082  }
0x22: {  	[simem:s7], [sflag:s8] =	dma.local @!p0 [hbm:s6], $0xF7A  }
0x23: {  	s9 =	sor.u32 $0xD0000000, s2;
	s6 =	simm.s32 $0x108;
	_ =	swait.ge @!p0 [sflag:s8], $0x0  }
0x24: {  	s3 =	sadd.s32 $0x88, s3;
	s6 =	simm.s32 @!p1 $0x1082;
	[sflag:s4] =	ssyncset.s32 $0xFFFFF086  }
0x25: {  	[simem:s6], [sflag:s4] =	dma.local [hbm:s3], $0xF7A  }
0x26: {  	[smem:$0x3F9B] =	sst s1;
	(tag) =	ssettag s2;
	_ =	strace s9  }
0x27: {  	s1 =	sld [smem:$0x3FAB]  }
0x28: {  	s2 =	sld [smem:$0x3FAC]  }
0x29: {  	s4 =	sld [smem:$0x3FAE]  }
0x2a: {  	p0 =	seq.s32 s5, $0x0;
	s5 =	sld [smem:$0x3FAF]  }
0x2b: {  	s6 =	sld [smem:$0x3FB0]  }
0x2c: {  	s7 =	sld [smem:$0x3FB1]  }
0x2d: {  	s3 =	simm.s32 $0x108;
	s8 =	sld [smem:$0x3FB2]  }
0x2e: {  	s3 =	simm.s32 @!p0 $0x1082;
	s9 =	sld [smem:$0x3FB3]  }
0x2f: {  	lr =	sadd.s32 s0, s3;
	s0 =	sld [smem:$0x3FAA]  }
0x30: {  	s3 =	sld [smem:$0x3FAD]  }
0x31: {  	[smem:$0x3FB6] =	sst s10  }
0x32: {  	s10 =	sld [smem:$0x3FB4];
	_ =	sdelay $0x3  }
0x33: {  	p0 =	seq.s32 s10, $0x1;
	s10 =	sld [smem:$0x3FB6];
	_ =	sdelay $0x3  }
0x34: {  	[smem:$0x3FB6] =	sst s10  }
0x35: {  	s10 =	sld [smem:$0x3FB5];
	_ =	sdelay $0x3  }
0x36: {  	p1 =	seq.s32 s10, $0x1;
	s10 =	sld [smem:$0x3FB6];
	_ =	sdelay $0x3  }
0x37: {  	[smem:$0x3FB6] =	sst s10  }
0x38: {  	s10 =	sld [smem:$0x3FB7]  }
0x39: {  	_ = 	snop;
	(pc) =	sbr.ind lr, $3  }
0x3a: {  	_ = 	snop  }
0x3b: {  	_ = 	snop  }
0x3c: {  	p2 =	seq.s32 s10, $0x1;
	s10 =	sld [smem:$0x3FB6]  }
0x3d: {  	_ =	shalt  }
0x3e: {  	_ =	shalt  }
0x3f: {  	_ =	shalt  }
0x40: {  	_ =	shalt  }
0x41: {  	_ =	shalt  }
0x42: {  	_ =	shalt  }
0x43: {  	_ =	shalt  }
0x44: {  	_ =	shalt  }
0x45: {  	_ =	shalt  }
0x46: {  	_ =	shalt  }
0x47: {  	_ =	shalt  }
0x48: {  	_ =	shalt  }
0x49: {  	_ =	shalt  }
0x4a: {  	_ =	shalt  }
0x4b: {  	_ =	shalt  }
0x4c: {  	_ =	shalt  }
0x4d: {  	_ =	shalt  }
0x4e: {  	_ =	shalt  }
0x4f: {  	_ =	shalt  }
0x50: {  	_ =	shalt  }
0x51: {  	_ =	shalt  }
0x52: {  	_ =	shalt  }
0x53: {  	_ =	shalt  }
0x54: {  	_ =	shalt  }
0x55: {  	_ =	shalt  }
0x56: {  	_ =	shalt  }
0x57: {  	_ =	shalt  }
0x58: {  	_ =	shalt  }
0x59: {  	_ =	shalt  }
0x5a: {  	_ =	shalt  }
0x5b: {  	_ =	shalt  }
0x5c: {  	_ =	shalt  }
0x5d: {  	_ =	shalt  }
0x5e: {  	_ =	shalt  }
0x5f: {  	_ =	shalt  }
0x60: {  	_ =	shalt  }
0x61: {  	_ =	shalt  }
0x62: {  	_ =	shalt  }
0x63: {  	_ =	shalt  }
0x64: {  	_ =	shalt  }
0x65: {  	_ =	shalt  }
0x66: {  	_ =	shalt  }
0x67: {  	_ =	shalt  }
0x68: {  	_ =	shalt  }
0x69: {  	_ =	shalt  }
0x6a: {  	_ =	shalt  }
0x6b: {  	_ =	shalt  }
0x6c: {  	_ =	shalt  }
0x6d: {  	_ =	shalt  }
0x6e: {  	_ =	shalt  }
0x6f: {  	_ =	shalt  }
0x70: {  	_ =	shalt  }
0x71: {  	_ =	shalt  }
0x72: {  	_ =	shalt  }
0x73: {  	_ =	shalt  }
0x74: {  	_ =	shalt  }
0x75: {  	_ =	shalt  }
0x76: {  	_ =	shalt  }
0x77: {  	_ =	shalt  }
0x78: {  	_ =	shalt  }
0x79: {  	_ =	shalt  }
0x7a: {  	_ =	shalt  }
0x7b: {  	_ =	shalt  }
0x7c: {  	_ =	shalt  }
0x7d: {  	_ =	shalt  }
0x7e: {  	_ =	shalt  }
0x7f: {  	_ =	shalt  }
0x80: {  	_ =	shalt  }
0x81: {  	_ =	shalt  }
0x82: {  	_ =	shalt  }
0x83: {  	_ =	shalt  }
0x84: {  	_ =	shalt  }
0x85: {  	_ =	shalt  }
0x86: {  	_ =	shalt  }
0x87: {  	_ =	shalt  }
.Lfunc_end0:
.L_simem_size_0:
called_computation.2_lowered:
.L_overlay_start_0:
0x88: {  	s2 =	sld [smem:$0x3FD9]  }
0x89: {  	s3 =	sld [smem:$0x3FFE];
	_ =	sdelay $0x1  }
0x8a: {  	s1 =	srdreg.scid  }
0x8b: {  	s0 =	sand.u32 $0x1, s1  }
0x8c: {  	s17 =	sshll.u32 s0, $0xA;
	s2 =	sadd.s32 s3, s2  }
0x8d: {  	s2 =	sadd.s32 s2, s17  }
0x8e: {  	[smem:$0x3FC2] =	sst s2  }
0x8f: {  	_ = 	snop  }
0x90: {  	s2 =	sld [smem:$0x3FD0];
	(tm) =	ssettm $0x1  }
0x91: {  	s18 =	sld [smem:$0x3FFB];
	_ =	sdelay $0x3  }
0x92: {  	_ =	strace s18  }
0x93: {  	s3 =	sld [smem:$0x3FFC];
	_ =	sdelay $0x3  }
0x94: {  	_ =	strace s3  }
0x95: {  	s3 =	sld [smem:$0x3FFD];
	_ =	sdelay $0x3  }
0x96: {  	_ =	strace s3  }
0x97: {  	_ =	strace $0x8FFFFFFF  }
0x98: {  	s19 =	sld [smem:$0x3FDB];
	_ =	sdelay $0x1  }
0x99: {  	s4 =	simm.s32 $_scs_section_size  }
0x9a: {  	s5 =	simm.s32 $_size__tile_overlayer_lowered;
	s6 =	simm.s32 $_tile_overlayer_lowered  }
0x9b: {  	s22 =	simm.s32 $0x1BFF;
	s21 =	sshll.u32 s6, $0x1;
	s3 =	sadd.s32 s4, s19  }
0x9c: {  	s7 =	simm.s32 $0x0;
	s20 =	sshll.u32 s5, $0x1;
	s5 =	sadd.s32 s21, s3  }
0x9d: {  	[timem:s7], [sflag:s22] =	dma.local [hbm:s5], s20  }
0x9e: {  	_ =	swait.ge [sflag:s22], s20  }
0x9f: {  	s4 =	ssub.s32 $0x0, s20;
	[sflag:s22] =	ssyncset.done $0x0  }
0xa0: {  	[sflag:s22] =	ssyncadd.s32 s4;
	_ =	sdelay $0x1  }
0xa1: {  	s23 =	simm.s32 $0x1B8B  }
0xa2: {  	_ =	swait.ge [sflag:s23], $0x1  }
0xa3: {  	[sflag:s23] =	ssyncset.done $0x0  }
0xa4: {  	s25 =	simm.s32 $0x1B8E;
	s24 =	sld [smem:$0x3FFE];
	[sflag:s23] =	ssyncadd.s32 $0xFFFFFFFF  }
0xa5: {  	s26 =	simm.s32 $execute0_lowered;
	[smem:$0x3FD2] =	sst s25  }
0xa6: {  	s5 =	sshll.u32 s26, $0x1;
	_ =	strace $0x8000004C;
	[dreg:$0x1] =	wrdreg $0xFFFFFFFF  }
0xa7: {  	s28 =	simm.s32 $_size_execute0_lowered;
	s3 =	sadd.s32 s3, s5;
	[dreg:$0x0] =	wrdreg $0x0  }
0xa8: {  	s5 =	sshll.u32 s28, $0x1;
	[dreg:$0x2] =	wrdreg s3  }
0xa9: {  	[dreg:$0x3] =	wrdreg s5  }
0xaa: {  	[dreg:$0x4] =	wrdreg $0xC0  }
0xab: {  	_ =	task [dreg:s7], $0x5FFFF  }
0xac: {  	[dreg:$0x1] =	wrdreg $0xFFFFFFFF  }
0xad: {  	[dreg:$0x0] =	wrdreg $0x60  }
0xae: {  	[dreg:$0x2] =	wrdreg s24  }
0xaf: {  	[dreg:$0x3] =	wrdreg s2  }
0xb0: {  	[dreg:$0x4] =	wrdreg $0x118A00  }
0xb1: {  	[dreg:$0x5] =	wrdreg $0x9  }
0xb2: {  	_ =	task.clear_ibuf [dreg:s7], $0x6FFFF;
	_ =	strace $0x9000004C  }
0xb3: {  	s29 =	simm.s32 $0x9;
	_ =	strace $0x8000004E  }
0xb4: {  	_ =	swait.ge [sflag:s29], $0x1  }
0xb5: {  	[sflag:s29] =	ssyncadd.s32 $0xFFFFFFFF  }
0xb6: {  	_ =	strace $0x9000004E  }
0xb7: {  	_ =	sfence  }
0xb8: {  	s30 =	sld [smem:$0x0];
	_ =	sdelay $0x2  }
0xb9: {  	s31 =	sshll.u32 s1, $0xD;
	s1 =	sshrl.u32 s1, $0x2  }
0xba: {  	s3 =	sand.u32 $0x4000, s31;
	s1 =	sadd.s32 s1, s30  }
0xbb: {  	s0 =	sor.u32 s3, s0;
	s1 =	sshll.u32 s1, $0x11  }
0xbc: {  	s0 =	sor.u32 s1, s0  }
0xbd: {  	s0 =	sadd.s32 $0x8F2B, s0  }
0xbe: {  	[sflag:s0] =	ssyncadd.remote.s32 $0x1  }
0xbf: {  	_ =	sfence.sel $0xFFFF  }
0xc0: {  	[dreg:$0x0] =	wrdreg $0xFFFFFFFF;
	(pc) =	sbr.abs _section_cstart, $3  }
0xc1: {  	[dreg:$0x1] =	wrdreg $0xFFFFFFFF  }
0xc2: {  	_ =	task.clear_ibuf [dreg:s7], $0x2FFFF;
	_ =	strace $0x9FFFFFFF  }
0xc3: {  	(tm) =	ssettm $0x7FFFFFFF  }
tec
execute0_lowered:
.L_overlay_start_1:
0x0: {  	(tag) =	ssettag $0x1  }
0x1: {  	s0 =	rddreg [dreg:$0x0]  }
0x2: {  	s1 =	rddreg [dreg:$0x1]  }
0x3: {  	s2 =	rddreg [dreg:$0x2];
	s3 =	srdreg.scid  }
0x4: {  	s10 =	stileid.u32;
	s14 =	simm.s32 $0x6;
	s20 =	simm.s32 $0x9920  }
0x5: {  	s21 =	simm.s32 $0x50;
	s28 =	simm.s32 $0x7B20;
	s30 =	simm.s32 $0x8A20  }
0x6: {  	s31 =	simm.s32 $0x1;
	s15 =	simm.s32 $0x4;
	s4 =	smul.u32 $0x2800, s10  }
0x7: {  	s16 =	simm.s32 $0x5;
	s5 =	sand.u32 $0x1, s3;
	s7 =	smul.u32 $0x50, s10  }
0x8: {  	s3 =	simm.s32 $0x0;
	s23 =	smul.u32 $0x7800, s10;
	s6 =	sshll.u32 s5, $0x4  }
0x9: {  	[smem:$0x7FF] =	sst s3;
	s8 =	ssub.s32 $0x2, s5;
	p0 =	seq.s32 s5, $0x1  }
0xa: {  	s5 =	simm.s32 $0x6C000;
	s6 =	sor.u32 s10, s6;
	_ =	strace $0x8000004D  }
0xb: {  	s13 =	sadd.s32 s4, s0;
	s7 =	sadd.s32 s7, s0;
	s4 =	sadd.s32 $0x35000, s0  }
0xc: {  	s22 =	sshrl.u32 s8, $0x1;
	s29 =	sshrl.u32 s23, $0x3;
	s5 =	simm.s32 @!p0 $0x44000  }
0xd: {  	s11 =	sadd.s32 s23, s2;
	s23 =	simm.s32 $0x5D20;
	s25 =	sadd.s32 $0xC400, s7  }
0xe: {  	s6 =	smul.u32 $0x4E2, s6;
	s26 =	sadd.s32 $0xCA00, s7;
	[dreg:$0x6] =	wrdreg s25  }
0xf: {  	s10 =	sadd.s32 s4, s29;
	s7 =	simm.s32 $0x30;
	[dreg:$0x7] =	wrdreg s26  }
0x10: {  	s25 =	simm.s32 $0x6C20;
	s9 =	sadd.s32 s6, s0;
	s0 =	ssub.s32 s8, s22  }
0x11: {  	s1 =	sadd.s32 s1, s6;
	s8 =	simm.s32 $0x80;
	s22 =	simm.s32 $0x4E20  }
0x12: {  	[dreg:$0x4] =	wrdreg s1;
	s24 =	sadd.s32 $0x2600, s9;
	s9 =	sadd.s32 $0xD000, s13  }
0x13: {  	s12 =	smax.u32 s0, $0x1;
	s13 =	sadd.s32 s5, s13;
	s0 =	simm.s32 $0x2  }
0x14: {  	s1 =	simm.s32 $0x3;
	[dreg:$0x5] =	wrdreg s24;
	s24 =	simm.s32 $0x0  }
.LBB2_1:
0x15: {  	s5 =	rddreg [dreg:$0x4]  }
0x16: {  	[tilespmem:s3], [sflag:$0x6] =	stream.linear.gather [hbm4b:s5+s3], $0x2710, $0x38;
	[tilespmem:$0x190A0] =	vst v63  }
0x17: {  	_ =	swait.ge [sflag:s14], $0x2710  }
0x18: {  	[sflag:s14] =	ssyncset.done $0x0  }
0x19: {  	s6 =	simm.s32 $0x2710;
	s26 =	rddreg [dreg:$0x5];
	[sflag:s14] =	ssyncadd.s32 $0xFFFFD8F0  }
0x1a: {  	[tilespmem:s6], [sflag:$0x6] =	stream.linear.gather [hbm4b:s26+s3], $0x2710, $0x38;
	[tilespmem:$0x190A0] =	vst v63  }
0x1b: {  	_ =	swait.ge [sflag:s14], $0x2710  }
0x1c: {  	[sflag:s14] =	ssyncset.done $0x0  }
0x1d: {  	s18 =	simm.s32 $0x113A0;
	s17 =	rddreg [dreg:$0x6];
	[sflag:s14] =	ssyncadd.s32 $0xFFFFD8F0  }
0x1e: {  	[tilespmem:s18], [sflag:$0x6] =	stream.linear.gather [hbm4b:s17+s3], $0x280, $0x38;
	[tilespmem:$0x190A0] =	vst v63  }
0x1f: {  	_ =	swait.ge [sflag:s14], $0x280  }
0x20: {  	[sflag:s14] =	ssyncset.done $0x0  }
0x21: {  	s26 =	simm.s32 $0x11620;
	s19 =	rddreg [dreg:$0x7];
	[sflag:s14] =	ssyncadd.s32 $0xFFFFFD80  }
0x22: {  	[tilespmem:s26], [sflag:$0x6] =	stream.linear.gather [hbm4b:s19+s3], $0x280, $0x38;
	[tilespmem:$0x190A0] =	vst v63  }
0x23: {  	_ =	swait.ge [sflag:s14], $0x280  }
0x24: {  	[sflag:s14] =	ssyncset.done $0x0  }
0x25: {  	[sflag:s14] =	ssyncadd.s32 $0xFFFFFD80  }
0x26: {  	[tilespmem:s20], [sflag:$0x6] =	stream.strided.gather [hbm4b:s9+s7], $0x7800, s8, s7, $0x38;
	[tilespmem:$0x190A0] =	vst v63  }
0x27: {  	_ =	swait.ge [sflag:s14], $0x7800  }
0x28: {  	[sflag:s14] =	ssyncset.done $0x0  }
0x29: {  	s18 =	simm.s32 $0x0;
	[sflag:s14] =	ssyncadd.s32 $0xFFFF8800  }
0x2a: {  	v0 =	vld [tilespmem:s18+$0x11620]  }
0x2b: {  	v1 =	vld [tilespmem:s18+$0x113A0];
	_ =	sdelay $0x2  }
0x2c: {  	s17 =	simm.s32 $0x10  }
0x2d: {  	v2 =	vld [tilespmem:s17+$0x11620]  }
0x2e: {  	v0 =	vadd.f32 v0, v1;
	v1 =	vld [tilespmem:s17+$0x113A0];
	_ =	sdelay $0x1  }
0x2f: {  	v0 =	vadd.f32 $-1.000000000e+00, v0;
	_ =	sdelay $0x1  }
0x30: {  	s26 =	simm.s32 $0x20;
	v3 =	vshra.s32 v0, $0x1;
	v4 =	vmul.f32 $5.000000000e-01, v0  }
0x31: {  	v5 =	vld [tilespmem:s26+$0x113A0];
	v0 =	vsub.s32 $0x5F3759DF, v3;
	v1 =	vadd.f32 v2, v1  }
0x32: {  	v3 =	vld [tilespmem:s26+$0x11620];
	v2 =	vmul.f32 v0, v4  }
0x33: {  	v1 =	vadd.f32 $-1.000000000e+00, v1  }
0x34: {  	v2 =	vmul.f32 v0, v2  }
0x35: {  	s29 =	simm.s32 $0x30;
	v6 =	vshra.s32 v1, $0x1;
	v9 =	vmul.f32 $5.000000000e-01, v1  }
0x36: {  	v7 =	vld [tilespmem:s29+$0x113A0];
	v1 =	vsub.f32 $1.500000000e+00, v2;
	v2 =	vsub.s32 $0x5F3759DF, v6  }
0x37: {  	v6 =	vld [tilespmem:s29+$0x11620];
	v3 =	vadd.f32 v3, v5;
	v5 =	vmul.f32 v2, v9  }
0x38: {  	v1 =	vmul.f32 v0, v1  }
0x39: {  	v0 =	vadd.f32 $-1.000000000e+00, v3;
	v3 =	vmul.f32 v2, v5  }
0x3a: {  	v5 =	vmul.f32 v1, v4  }
0x3b: {  	s19 =	simm.s32 $0x40;
	v8 =	vshra.s32 v0, $0x1;
	v0 =	vmul.f32 $5.000000000e-01, v0;
	v3 =	vsub.f32 $1.500000000e+00, v3  }
0x3c: {  	v10 =	vld [tilespmem:s19+$0x11620];
	v8 =	vsub.s32 $0x5F3759DF, v8;
	v6 =	vadd.f32 v6, v7;
	v5 =	vmul.f32 v5, v1  }
0x3d: {  	v11 =	vld [tilespmem:s19+$0x113A0];
	v7 =	vmul.f32 v8, v0  }
0x3e: {  	v3 =	vmul.f32 v2, v3;
	v2 =	vsub.f32 $1.500000000e+00, v5;
	v5 =	vadd.f32 $-1.000000000e+00, v6  }
0x3f: {  	v6 =	vmul.f32 v8, v7  }
0x40: {  	v2 =	vmul.f32 v2, v1;
	v12 =	vshra.s32 v5, $0x1;
	v1 =	vmul.f32 $5.000000000e-01, v5  }
0x41: {  	v7 =	vmul.f32 v3, v9;
	v5 =	vsub.f32 $1.500000000e+00, v6;
	v6 =	vsub.s32 $0x5F3759DF, v12  }
0x42: {  	v10 =	vadd.f32 v10, v11;
	v11 =	vmul.f32 v6, v1  }
0x43: {  	v7 =	vmul.f32 v7, v3  }
0x44: {  	s5 =	simm.s32 $0x50;
	v12 =	vmul.f32 v2, v4;
	v11 =	vmul.f32 v6, v11  }
0x45: {  	v4 =	vmul.f32 v8, v5;
	v8 =	vld [tilespmem:s5+$0x11620]  }
0x46: {  	v5 =	vsub.f32 $1.500000000e+00, v7;
	v7 =	vmul.f32 v12, v2;
	v12 =	vsub.f32 $1.500000000e+00, v11;
	v11 =	vld [tilespmem:s5+$0x113A0]  }
0x47: {  	v10 =	vadd.f32 $-1.000000000e+00, v10  }
0x48: {  	v13 =	vmul.f32 v4, v0;
	v3 =	vmul.f32 v5, v3  }
0x49: {  	v14 =	vshra.s32 v10, $0x1;
	v5 =	vsub.f32 $1.500000000e+00, v7;
	v7 =	vmul.f32 $5.000000000e-01, v10  }
0x4a: {  	s6 =	simm.s32 $0x60;
	s7 =	simm.s32 $0x1C0;
	v10 =	vsub.s32 $0x5F3759DF, v14;
	v13 =	vmul.f32 v13, v4;
	v9 =	vmul.f32 v3, v9  }
.LBB2_2:
0x4b: {  	s8 =	sshra.s32 s7, $0x2;
	p0 =	sne.s32 s7, $0x9C0;
	s7 =	sadd.s32 $0x40, s7;
	v14 =	vadd.f32 v8, v11;
	v8 =	vld [tilespmem:s6+$0x11620];
	v15 =	vmul.f32 v10, v7;
	v12 =	vmul.f32 v6, v12;
	v16 =	vmovc v7  }
.Ltmp0:
0x4c: {  	v6 =	vmovc v10;
	v11 =	vld [tilespmem:s6+$0x113A0];
	v7 =	vsub.f32 $1.500000000e+00, v13;
	v9 =	vmul.f32 v9, v3;
	v13 =	vmul.f32 v5, v2;
	v2 =	vmovc v3;
	(pc) =	sbr.rel @p0 .LBB2_2-.Ltmp0, $4  }
0x4d: {  	v10 =	vadd.f32 $-1.000000000e+00, v14;
	v14 =	vmul.f32 v6, v15;
	v15 =	vmul.f32 v12, v1  }
0x4e: {  	v3 =	vmul.f32 v7, v4;
	v5 =	vsub.f32 $1.500000000e+00, v9;
	[tilespmem:s18+$0x11120] =	vst v13;
	v4 =	vmov v12;
	s18 =	smov.u32 s17;
	s17 =	smov.u32 s26;
	s26 =	smov.u32 s29  }
0x4f: {  	s29 =	smov.u32 s19;
	s19 =	smov.u32 s5;
	s5 =	smov.u32 s6;
	v9 =	vshra.s32 v10, $0x1;
	v7 =	vmul.f32 $5.000000000e-01, v10;
	v12 =	vsub.f32 $1.500000000e+00, v14  }
0x50: {  	s6 =	smov.u32 s8;
	v13 =	vmul.f32 v15, v4;
	v10 =	vsub.s32 $0x5F3759DF, v9;
	v9 =	vmul.f32 v3, v0;
	v0 =	vmovc v1;
	v1 =	vmovc v16  }
0x51: {  	v14 =	vld [tilespmem:s6+$0x11620]  }
0x52: {  	v15 =	vld [tilespmem:s6+$0x113A0];
	_ =	sdelay $0x3  }
0x53: {  	v8 =	vadd.f32 v8, v11  }
0x54: {  	v11 =	vadd.f32 v14, v15  }
0x55: {  	v8 =	vadd.f32 $-1.000000000e+00, v8  }
0x56: {  	v11 =	vadd.f32 $-1.000000000e+00, v11  }
0x57: {  	v14 =	vmul.f32 v10, v7;
	v15 =	vshra.s32 v8, $0x1;
	v8 =	vmul.f32 $5.000000000e-01, v8  }
0x58: {  	v15 =	vsub.s32 $0x5F3759DF, v15;
	v16 =	vshra.s32 v11, $0x1;
	v11 =	vmul.f32 $5.000000000e-01, v11  }
0x59: {  	v17 =	vmul.f32 v15, v8;
	v16 =	vsub.s32 $0x5F3759DF, v16  }
0x5a: {  	v14 =	vmul.f32 v10, v14;
	v18 =	vmul.f32 v16, v11  }
0x5b: {  	v6 =	vmul.f32 v6, v12;
	v17 =	vmul.f32 v15, v17  }
0x5c: {  	v13 =	vsub.f32 $1.500000000e+00, v13;
	v12 =	vsub.f32 $1.500000000e+00, v14;
	v14 =	vmul.f32 v16, v18  }
0x5d: {  	v17 =	vsub.f32 $1.500000000e+00, v17  }
0x5e: {  	v4 =	vmul.f32 v13, v4;
	v10 =	vmul.f32 v10, v12;
	v12 =	vsub.f32 $1.500000000e+00, v14  }
0x5f: {  	v18 =	vmul.f32 v6, v1;
	v13 =	vmul.f32 v15, v17  }
0x60: {  	v14 =	vmul.f32 v10, v7;
	v12 =	vmul.f32 v16, v12  }
0x61: {  	v15 =	vmul.f32 v18, v6;
	v16 =	vmul.f32 v13, v8  }
0x62: {  	v14 =	vmul.f32 v14, v10;
	v17 =	vmul.f32 v12, v11  }
0x63: {  	v2 =	vmul.f32 v5, v2;
	v15 =	vsub.f32 $1.500000000e+00, v15;
	v16 =	vmul.f32 v16, v13  }
0x64: {  	v0 =	vmul.f32 v4, v0;
	v14 =	vsub.f32 $1.500000000e+00, v14;
	v17 =	vmul.f32 v17, v12  }
0x65: {  	v9 =	vmul.f32 v9, v3;
	v5 =	vmul.f32 v15, v6;
	v6 =	vsub.f32 $1.500000000e+00, v16  }
0x66: {  	v0 =	vmul.f32 v0, v4;
	v10 =	vmul.f32 v14, v10;
	v14 =	vsub.f32 $1.500000000e+00, v17  }
0x67: {  	v1 =	vmul.f32 v5, v1;
	v6 =	vmul.f32 v6, v13  }
0x68: {  	v7 =	vmul.f32 v10, v7;
	v12 =	vmul.f32 v14, v12  }
0x69: {  	v9 =	vsub.f32 $1.500000000e+00, v9;
	v1 =	vmul.f32 v1, v5;
	v8 =	vmul.f32 v6, v8  }
0x6a: {  	v0 =	vsub.f32 $1.500000000e+00, v0;
	v7 =	vmul.f32 v7, v10;
	v11 =	vmul.f32 v12, v11  }
0x6b: {  	v3 =	vmul.f32 v9, v3;
	v1 =	vsub.f32 $1.500000000e+00, v1;
	v8 =	vmul.f32 v8, v6  }
0x6c: {  	[tilespmem:s18+$0x11120] =	vst v2;
	v0 =	vmul.f32 v0, v4;
	v2 =	vsub.f32 $1.500000000e+00, v7;
	v4 =	vmul.f32 v11, v12  }
0x6d: {  	[tilespmem:s17+$0x11120] =	vst v3;
	v1 =	vmul.f32 v1, v5;
	v3 =	vsub.f32 $1.500000000e+00, v8  }
0x6e: {  	[tilespmem:s26+$0x11120] =	vst v0;
	v0 =	vmul.f32 v2, v10;
	v2 =	vsub.f32 $1.500000000e+00, v4  }
0x6f: {  	[tilespmem:s29+$0x11120] =	vst v1;
	v1 =	vmul.f32 v3, v6  }
0x70: {  	[tilespmem:s19+$0x11120] =	vst v0;
	v0 =	vmul.f32 v2, v12  }
0x71: {  	[tilespmem:s5+$0x11120] =	vst v1  }
0x72: {  	s26 =	simm.s32 $0x9AA0;
	[tilespmem:s6+$0x11120] =	vst v0  }
0x73: {  	v10 =	vld [tilespmem:s26+$0x160]  }
0x74: {  	v0 =	vld [tilespmem:s26+$0xFFFFFFF0]  }
0x75: {  	v1 =	vld [tilespmem:s26+$0xFFFFFEA0]  }
0x76: {  	v2 =	vld [tilespmem:s26+$0xFFFFFFA0]  }
0x77: {  	v14 =	vld [tilespmem:s26+$0xFFFFFE90]  }
0x78: {  	v18 =	vld [tilespmem:s26+$0x90]  }
0x79: {  	v16 =	vld [tilespmem:s26+$0xFFFFFEE0]  }
0x7a: {  	v25 =	vld [tilespmem:s26+$0x150]  }
0x7b: {  	v4 =	vld [tilespmem:s26+$0x0]  }
0x7c: {  	v11 =	vld [tilespmem:s26+$0xB0]  }
0x7d: {  	v15 =	vld [tilespmem:s26+$0xFFFFFFB0]  }
0x7e: {  	v19 =	vld [tilespmem:s26+$0xFFFFFEF0]  }
0x7f: {  	v20 =	vld [tilespmem:s26+$0x120]  }
0x80: {  	v24 =	vld [tilespmem:s26+$0x170]  }
0x81: {  	v26 =	vld [tilespmem:s26+$0xFFFFFF00]  }
0x82: {  	v6 =	vld [tilespmem:s26+$0xFFFFFFC0]  }
0x83: {  	v17 =	vld [tilespmem:s26+$0x70]  }
0x84: {  	s19 =	simm.s32 $0x0;
	v22 =	vld [tilespmem:s26+$0x140]  }
0x85: {  	v13 =	vld [tilespmem:s19+$0x11120]  }
0x86: {  	v3 =	vld [tilespmem:s26+$0x60]  }
0x87: {  	v8 =	vld [tilespmem:s26+$0xFFFFFE80]  }
0x88: {  	v9 =	vld [tilespmem:s26+$0x10]  }
0x89: {  	v12 =	vld [tilespmem:s26+$0xFFFFFF90]  }
0x8a: {  	v28 =	vld [tilespmem:s26+$0x100];
	v5 =	vbroadcast v13, $0x0;
	v21 =	vbroadcast v13, $0xF  }
0x8b: {  	v27 =	vld [tilespmem:s26+$0x110];
	v23 =	vbroadcast v13, $0x2;
	v7 =	vbroadcast v13, $0xE  }
0x8c: {  	v31 =	vmul.f32 v5, v8;
	v8 =	vld [tilespmem:s26+$0xFFFFFF20];
	v30 =	vmul.f32 v25, v21  }
0x8d: {  	s17 =	simm.s32 $0x9AA0;
	s29 =	simm.s32 $0x40;
	v29 =	vmul.f32 v16, v23;
	v16 =	vld [tilespmem:s26+$0xFFFFFF40];
	v25 =	vbroadcast v13, $0xD  }
.LBB2_4:
0x8e: {  	p0 =	sne.s32 s29, $0x9C0  }
0x8f: {  	[tilespmem:s26+$0xFFFFFE80] =	vst v31;
	v26 =	vmul.f32 v26, v23;
	v31 =	vld [tilespmem:s26+$0xFFFFFF50];
	v24 =	vmul.f32 v24, v21;
	s17 =	sadd.s32 $0x300, s17;
	s18 =	smov.u32 s29;
	s29 =	sadd.s32 $0x40, s29  }
0x90: {  	v32 =	vbroadcast v13, $0xB;
	v33 =	vld [tilespmem:s26+$0xF0];
	v28 =	vmul.f32 v28, v25;
	[tilespmem:s26+$0x150] =	vst v30  }
0x91: {  	v30 =	vld [tilespmem:s26+$0xFFFFFEC0];
	[tilespmem:s26+$0xFFFFFEE0] =	vst v29;
	v29 =	vbroadcast v13, $0x6;
	v27 =	vmul.f32 v27, v25  }
0x92: {  	v20 =	vmul.f32 v20, v7;
	v22 =	vmul.f32 v22, v7;
	v34 =	vld [tilespmem:s26+$0x80];
	[tilespmem:s26+$0x100] =	vst v28  }
0x93: {  	v35 =	vbroadcast v13, $0xA;
	v18 =	vmul.f32 v18, v32;
	v28 =	vld [tilespmem:s26+$0xFFFFFED0];
	[tilespmem:s26+$0x170] =	vst v24  }
0x94: {  	v10 =	vmul.f32 v10, v21;
	v24 =	vbroadcast v13, $0x1;
	[tilespmem:s26+$0xFFFFFF00] =	vst v26;
	v26 =	vld [tilespmem:s26+$0xC0]  }
0x95: {  	v19 =	vmul.f32 v19, v23;
	[tilespmem:s26+$0x90] =	vst v18;
	v18 =	vmul.f32 v33, v25;
	v21 =	vld [tilespmem:s26+$0x130]  }
0x96: {  	v25 =	vbroadcast v13, $0x5;
	v23 =	vmul.f32 v30, v24;
	v30 =	vld [tilespmem:s26+$0xD0];
	[tilespmem:s26+$0x120] =	vst v20  }
0x97: {  	v14 =	vmul.f32 v14, v5;
	v20 =	vld [tilespmem:s26+$0x30];
	v33 =	vmul.f32 v34, v35;
	[tilespmem:s26+$0x110] =	vst v27  }
0x98: {  	v27 =	vmul.f32 v28, v24;
	v28 =	vbroadcast v13, $0x3;
	v34 =	vld [tilespmem:s26+$0xE0];
	[tilespmem:s26+$0x140] =	vst v22  }
0x99: {  	v17 =	vmul.f32 v17, v35;
	v22 =	vbroadcast v13, $0xC;
	[tilespmem:s26+$0xFFFFFEF0] =	vst v19;
	v19 =	vld [tilespmem:s26+$0xFFFFFF70]  }
0x9a: {  	v36 =	vbroadcast v13, $0x8;
	v15 =	vmul.f32 v15, v29;
	[tilespmem:s26+$0xFFFFFE90] =	vst v14;
	v14 =	vld [tilespmem:s26+$0xFFFFFF60]  }
0x9b: {  	v38 =	vbroadcast v13, $0x7;
	v37 =	vld [tilespmem:s26+$0xFFFFFEB0];
	[tilespmem:s26+$0x70] =	vst v17;
	v17 =	vmul.f32 v26, v22  }
0x9c: {  	v26 =	vbroadcast v13, $0x9;
	v30 =	vmul.f32 v30, v22;
	[tilespmem:s26+$0xFFFFFFB0] =	vst v15;
	v15 =	vld [tilespmem:s26+$0xFFFFFFD0]  }
0x9d: {  	v13 =	vbroadcast v13, $0x4;
	v39 =	vld [tilespmem:s26+$0xFFFFFF80];
	v22 =	vmul.f32 v34, v22;
	[tilespmem:s26+$0xF0] =	vst v18  }
0x9e: {  	v11 =	vmul.f32 v11, v32;
	v18 =	vmul.f32 v20, v26;
	v20 =	vld [tilespmem:s26+$0xA0];
	[tilespmem:s26+$0x160] =	vst v10  }
0x9f: {  	v16 =	vmul.f32 v16, v13;
	v10 =	vmul.f32 v31, v13;
	v31 =	vld [tilespmem:s26+$0x50];
	[tilespmem:s26+$0xC0] =	vst v17  }
0xa0: {  	v13 =	vmul.f32 v14, v13;
	v17 =	vmul.f32 v37, v24;
	[tilespmem:s26+$0x30] =	vst v18;
	v14 =	vld [tilespmem:s26+$0x40]  }
0xa1: {  	v19 =	vmul.f32 v19, v25;
	v24 =	vmul.f32 v15, v38;
	v15 =	vld [tilespmem:s26+$0x20];
	[tilespmem:s26+$0x80] =	vst v33  }
0xa2: {  	v12 =	vmul.f32 v12, v25;
	v18 =	vld [tilespmem:s26+$0xFFFFFF10];
	v33 =	vmul.f32 v39, v25;
	[tilespmem:s26+$0xB0] =	vst v11  }
0xa3: {  	v4 =	vmul.f32 v4, v36;
	[tilespmem:s26+$0xFFFFFF50] =	vst v10;
	v11 =	vld [tilespmem:s26+$0xFFFFFFE0];
	v20 =	vmul.f32 v20, v32  }
0xa4: {  	v9 =	vmul.f32 v9, v36;
	v6 =	vmul.f32 v6, v29;
	v10 =	vld [tilespmem:s17+$0x160];
	[tilespmem:s26+$0xFFFFFEC0] =	vst v23  }
0xa5: {  	v25 =	vmul.f32 v31, v26;
	v23 =	vld [tilespmem:s26+$0xFFFFFF30];
	[tilespmem:s26+$0xFFFFFF40] =	vst v16;
	v16 =	vmul.f32 v14, v26  }
0xa6: {  	v7 =	vmul.f32 v21, v7;
	[tilespmem:s26+$0xFFFFFED0] =	vst v27;
	v26 =	vmul.f32 v15, v36  }
0xa7: {  	v8 =	vmul.f32 v8, v28;
	v15 =	vmul.f32 v18, v28;
	[tilespmem:s26+$0x0] =	vst v4  }
0xa8: {  	v4 =	vmul.f32 v0, v38;
	v21 =	vmul.f32 v11, v38;
	[tilespmem:s26+$0xD0] =	vst v30  }
0xa9: {  	v3 =	vmul.f32 v3, v35;
	v0 =	vmul.f32 v2, v29;
	[tilespmem:s26+$0xFFFFFF90] =	vst v12  }
0xaa: {  	v1 =	vmul.f32 v1, v5;
	v2 =	vmul.f32 v23, v28;
	[tilespmem:s26+$0xFFFFFFC0] =	vst v6  }
0xab: {  	[tilespmem:s26+$0x10] =	vst v9  }
0xac: {  	[tilespmem:s26+$0xFFFFFFA0] =	vst v0  }
0xad: {  	[tilespmem:s26+$0xFFFFFEA0] =	vst v1  }
0xae: {  	v0 =	vld [tilespmem:s17+$0xFFFFFFF0];
	[tilespmem:s26+$0xFFFFFF30] =	vst v2  }
0xaf: {  	v1 =	vld [tilespmem:s17+$0xFFFFFEA0];
	[tilespmem:s26+$0xFFFFFF20] =	vst v8  }
0xb0: {  	v2 =	vld [tilespmem:s17+$0xFFFFFFA0];
	[tilespmem:s26+$0x60] =	vst v3  }
0xb1: {  	v14 =	vld [tilespmem:s17+$0xFFFFFE90];
	[tilespmem:s26+$0xFFFFFFF0] =	vst v4  }
0xb2: {  	v18 =	vld [tilespmem:s17+$0x90];
	[tilespmem:s26+$0x130] =	vst v7  }
0xb3: {  	v29 =	vld [tilespmem:s17+$0xFFFFFEE0];
	[tilespmem:s26+$0xA0] =	vst v20  }
0xb4: {  	v30 =	vld [tilespmem:s17+$0x150];
	[tilespmem:s26+$0xFFFFFF70] =	vst v19  }
0xb5: {  	v4 =	vld [tilespmem:s17+$0x0];
	[tilespmem:s26+$0xE0] =	vst v22  }
0xb6: {  	v11 =	vld [tilespmem:s17+$0xB0];
	[tilespmem:s26+$0xFFFFFF10] =	vst v15  }
0xb7: {  	v15 =	vld [tilespmem:s17+$0xFFFFFFB0];
	[tilespmem:s26+$0xFFFFFFD0] =	vst v24  }
0xb8: {  	v19 =	vld [tilespmem:s17+$0xFFFFFEF0];
	[tilespmem:s26+$0xFFFFFFE0] =	vst v21  }
0xb9: {  	v20 =	vld [tilespmem:s17+$0x120];
	[tilespmem:s26+$0x20] =	vst v26  }
0xba: {  	v24 =	vld [tilespmem:s17+$0x170];
	[tilespmem:s26+$0xFFFFFF60] =	vst v13  }
0xbb: {  	v26 =	vld [tilespmem:s17+$0xFFFFFF00];
	[tilespmem:s26+$0x50] =	vst v25  }
0xbc: {  	v6 =	vld [tilespmem:s17+$0xFFFFFFC0];
	[tilespmem:s26+$0xFFFFFEB0] =	vst v17  }
0xbd: {  	v17 =	vld [tilespmem:s17+$0x70];
	[tilespmem:s26+$0xFFFFFF80] =	vst v33  }
0xbe: {  	s5 =	sshra.s32 s18, $0x2;
	v22 =	vld [tilespmem:s17+$0x140];
	[tilespmem:s26+$0x40] =	vst v16;
	s26 =	smov.u32 s17  }
0xbf: {  	v13 =	vld [tilespmem:s5+$0x11120]  }
0xc0: {  	v3 =	vld [tilespmem:s17+$0x60]  }
0xc1: {  	v8 =	vld [tilespmem:s17+$0xFFFFFE80]  }
0xc2: {  	v9 =	vld [tilespmem:s17+$0x10]  }
.Ltmp1:
0xc3: {  	v12 =	vld [tilespmem:s17+$0xFFFFFF90];
	(pc) =	sbr.rel @p0 .LBB2_4-.Ltmp1, $4  }
0xc4: {  	v5 =	vbroadcast v13, $0x0;
	v28 =	vld [tilespmem:s17+$0x100];
	v21 =	vbroadcast v13, $0xF  }
0xc5: {  	v23 =	vbroadcast v13, $0x2;
	v7 =	vbroadcast v13, $0xE;
	v27 =	vld [tilespmem:s17+$0x110]  }
0xc6: {  	v31 =	vmul.f32 v5, v8;
	v8 =	vld [tilespmem:s17+$0xFFFFFF20];
	v30 =	vmul.f32 v30, v21  }
0xc7: {  	v25 =	vbroadcast v13, $0xD;
	v29 =	vmul.f32 v29, v23;
	v16 =	vld [tilespmem:s17+$0xFFFFFF40]  }
0xc8: {  	[tilespmem:s26+$0xFFFFFE80] =	vst v31  }
0xc9: {  	[tilespmem:s26+$0x150] =	vst v30;
	v24 =	vmul.f32 v24, v21  }
0xca: {  	v26 =	vmul.f32 v26, v23;
	[tilespmem:s26+$0xFFFFFEE0] =	vst v29  }
0xcb: {  	v20 =	vmul.f32 v20, v7;
	[tilespmem:s26+$0x170] =	vst v24  }
0xcc: {  	v22 =	vmul.f32 v22, v7;
	[tilespmem:s26+$0xFFFFFF00] =	vst v26  }
0xcd: {  	v19 =	vmul.f32 v19, v23;
	[tilespmem:s26+$0x120] =	vst v20  }
0xce: {  	v14 =	vmul.f32 v14, v5;
	[tilespmem:s26+$0x140] =	vst v22  }
0xcf: {  	v10 =	vmul.f32 v10, v21;
	[tilespmem:s26+$0xFFFFFEF0] =	vst v19  }
0xd0: {  	v31 =	vbroadcast v13, $0xB;
	v1 =	vmul.f32 v1, v5;
	[tilespmem:s26+$0xFFFFFE90] =	vst v14  }
0xd1: {  	v28 =	vmul.f32 v28, v25;
	[tilespmem:s26+$0x160] =	vst v10  }
0xd2: {  	v37 =	vbroadcast v13, $0x6;
	v18 =	vmul.f32 v18, v31;
	[tilespmem:s26+$0xFFFFFEA0] =	vst v1  }
0xd3: {  	v35 =	vmul.f32 v27, v25;
	[tilespmem:s26+$0x100] =	vst v28  }
0xd4: {  	v56 =	vbroadcast v13, $0x8;
	v40 =	vmul.f32 v15, v37;
	[tilespmem:s26+$0x90] =	vst v18  }
0xd5: {  	v59 =	vbroadcast v13, $0x5;
	v11 =	vmul.f32 v11, v31;
	[tilespmem:s26+$0x110] =	vst v35  }
0xd6: {  	v4 =	vmul.f32 v4, v56;
	[tilespmem:s26+$0xFFFFFFB0] =	vst v40  }
0xd7: {  	v20 =	vbroadcast v13, $0xA;
	v12 =	vmul.f32 v12, v59;
	[tilespmem:s26+$0xB0] =	vst v11  }
0xd8: {  	v50 =	vbroadcast v13, $0x4;
	v2 =	vmul.f32 v2, v37;
	[tilespmem:s26+$0x0] =	vst v4  }
0xd9: {  	v32 =	vld [tilespmem:s26+$0xF0];
	v17 =	vmul.f32 v17, v20;
	[tilespmem:s26+$0xFFFFFF90] =	vst v12  }
0xda: {  	v34 =	vld [tilespmem:s26+$0xC0];
	v16 =	vmul.f32 v16, v50;
	[tilespmem:s26+$0xFFFFFFA0] =	vst v2  }
0xdb: {  	v38 =	vld [tilespmem:s26+$0x30];
	v4 =	vmul.f32 v6, v37;
	[tilespmem:s26+$0x70] =	vst v17  }
0xdc: {  	v62 =	vld [tilespmem:s26+$0x80];
	v6 =	vmul.f32 v9, v56;
	[tilespmem:s26+$0xFFFFFF40] =	vst v16  }
0xdd: {  	v36 =	vld [tilespmem:s26+$0xFFFFFF50];
	v43 =	vbroadcast v13, $0xC;
	v1 =	vmul.f32 v3, v20;
	[tilespmem:s26+$0xFFFFFFC0] =	vst v4  }
0xde: {  	v61 =	vld [tilespmem:s26+$0xFFFFFEC0];
	v45 =	vbroadcast v13, $0x9;
	v41 =	vmul.f32 v32, v25;
	[tilespmem:s26+$0x10] =	vst v6  }
0xdf: {  	v63 =	vld [tilespmem:s26+$0xFFFFFED0];
	v24 =	vmul.f32 v34, v43;
	[tilespmem:s26+$0x60] =	vst v1  }
0xe0: {  	v39 =	vld [tilespmem:s26+$0xD0];
	v47 =	vmul.f32 v38, v45;
	[tilespmem:s26+$0xF0] =	vst v41  }
0xe1: {  	v52 =	vbroadcast v13, $0x1;
	v49 =	vmul.f32 v62, v20;
	[tilespmem:s26+$0xC0] =	vst v24  }
0xe2: {  	v48 =	vld [tilespmem:s26+$0xA0];
	v23 =	vmul.f32 v36, v50;
	[tilespmem:s26+$0x30] =	vst v47  }
0xe3: {  	v58 =	vld [tilespmem:s26+$0xFFFFFF30];
	v54 =	vmul.f32 v61, v52;
	[tilespmem:s26+$0x80] =	vst v49  }
0xe4: {  	v2 =	vbroadcast v13, $0x7;
	v57 =	vmul.f32 v63, v52;
	[tilespmem:s26+$0xFFFFFF50] =	vst v23  }
0xe5: {  	v44 =	vld [tilespmem:s26+$0xFFFFFF70];
	v60 =	vmul.f32 v39, v43;
	[tilespmem:s26+$0xFFFFFEC0] =	vst v54  }
0xe6: {  	v18 =	vld [tilespmem:s26+$0x130];
	v62 =	vbroadcast v13, $0x3;
	v0 =	vmul.f32 v0, v2;
	[tilespmem:s26+$0xFFFFFED0] =	vst v57  }
0xe7: {  	v34 =	vld [tilespmem:s26+$0xFFFFFF10];
	v1 =	vmul.f32 v48, v31;
	[tilespmem:s26+$0xD0] =	vst v60  }
0xe8: {  	v53 =	vld [tilespmem:s26+$0xFFFFFFD0];
	v4 =	vmul.f32 v58, v62;
	[tilespmem:s26+$0xFFFFFFF0] =	vst v0  }
0xe9: {  	v61 =	vld [tilespmem:s26+$0xFFFFFFE0];
	v5 =	vmul.f32 v8, v62;
	[tilespmem:s26+$0xA0] =	vst v1  }
0xea: {  	v42 =	vld [tilespmem:s26+$0xE0];
	v0 =	vmul.f32 v44, v59;
	[tilespmem:s26+$0xFFFFFF30] =	vst v4  }
0xeb: {  	v35 =	vld [tilespmem:s26+$0x20];
	[tilespmem:s26+$0xFFFFFF20] =	vst v5;
	v3 =	vmul.f32 v18, v7  }
0xec: {  	v46 =	vld [tilespmem:s26+$0xFFFFFF60];
	v1 =	vmul.f32 v34, v62;
	[tilespmem:s26+$0xFFFFFF70] =	vst v0  }
0xed: {  	v51 =	vld [tilespmem:s26+$0x50];
	v0 =	vmul.f32 v53, v2;
	[tilespmem:s26+$0x130] =	vst v3  }
0xee: {  	v33 =	vld [tilespmem:s26+$0xFFFFFEB0];
	v2 =	vmul.f32 v61, v2;
	[tilespmem:s26+$0xFFFFFF10] =	vst v1  }
0xef: {  	v55 =	vld [tilespmem:s26+$0xFFFFFF80];
	v3 =	vmul.f32 v42, v43;
	[tilespmem:s26+$0xFFFFFFD0] =	vst v0  }
0xf0: {  	v63 =	vld [tilespmem:s26+$0x40];
	v1 =	vmul.f32 v35, v56;
	[tilespmem:s26+$0xFFFFFFE0] =	vst v2  }
0xf1: {  	v0 =	vmul.f32 v46, v50;
	[tilespmem:s26+$0xE0] =	vst v3  }
0xf2: {  	v2 =	vmul.f32 v51, v45;
	[tilespmem:s26+$0x20] =	vst v1  }
0xf3: {  	v1 =	vmul.f32 v33, v52;
	[tilespmem:s26+$0xFFFFFF60] =	vst v0  }
0xf4: {  	v0 =	vmul.f32 v55, v59;
	[tilespmem:s26+$0x50] =	vst v2  }
0xf5: {  	v2 =	vmul.f32 v63, v45;
	[tilespmem:s26+$0xFFFFFEB0] =	vst v1  }
0xf6: {  	[tilespmem:s26+$0xFFFFFF80] =	vst v0  }
0xf7: {  	s5 =	simm.s32 $0x0;
	[tilespmem:s26+$0x40] =	vst v2  }
0xf8: {  	[hbm4b:s10+s5] =	stream.linear.scatter [tilespmem:s20], [sflag:$0x6], $0x7800, $0x38;
	[tilespmem:$0x190A0] =	vst v63  }
0xf9: {  	_ =	swait.ge [sflag:s14], $0x7800  }
0xfa: {  	[sflag:s14] =	ssyncset.done $0x0  }
0xfb: {  	s26 =	simm.s32 $0x0;
	[sflag:s14] =	ssyncadd.s32 $0xFFFF8800  }
0xfc: {  	v0 =	vld [tilespmem:s26+$0x9920]  }
0xfd: {  	v1 =	vld [tilespmem:s26+$0x9930]  }
0xfe: {  	v2 =	vld [tilespmem:s26+$0x9940]  }
0xff: {  	v3 =	vld [tilespmem:s26+$0x9950]  }
0x100: {  	v4 =	vld [tilespmem:s26+$0x9960]  }
0x101: {  	v5 =	vld [tilespmem:s26+$0x9970];
	v0 =	vmul.f32 $5.000000000e-01, v0  }
0x102: {  	v6 =	vld [tilespmem:s26+$0x9980];
	v1 =	vmul.f32 $5.000000000e-01, v1  }
0x103: {  	v2 =	vmul.f32 $5.000000000e-01, v2;
	[tilespmem:s26+$0x9920] =	vst v0;
	v0 =	vld [tilespmem:s26+$0x9990]  }
0x104: {  	v3 =	vmul.f32 $5.000000000e-01, v3;
	[tilespmem:s26+$0x9930] =	vst v1;
	v1 =	vld [tilespmem:s26+$0x99A0]  }
0x105: {  	v4 =	vmul.f32 $5.000000000e-01, v4;
	[tilespmem:s26+$0x9940] =	vst v2;
	v2 =	vld [tilespmem:s26+$0x99B0]  }
0x106: {  	v5 =	vmul.f32 $5.000000000e-01, v5;
	[tilespmem:s26+$0x9950] =	vst v3;
	v3 =	vld [tilespmem:s26+$0x99C0]  }
0x107: {  	v6 =	vmul.f32 $5.000000000e-01, v6;
	[tilespmem:s26+$0x9960] =	vst v4;
	v4 =	vld [tilespmem:s26+$0x99D0]  }
0x108: {  	[tilespmem:s26+$0x9970] =	vst v5;
	v5 =	vld [tilespmem:s26+$0x99E0];
	v0 =	vmul.f32 $5.000000000e-01, v0  }
0x109: {  	[tilespmem:s26+$0x9980] =	vst v6;
	v6 =	vld [tilespmem:s26+$0x99F0];
	v1 =	vmul.f32 $5.000000000e-01, v1  }
0x10a: {  	v2 =	vmul.f32 $5.000000000e-01, v2;
	[tilespmem:s26+$0x9990] =	vst v0;
	v0 =	vld [tilespmem:s26+$0x9A00]  }
0x10b: {  	v3 =	vmul.f32 $5.000000000e-01, v3;
	[tilespmem:s26+$0x99A0] =	vst v1;
	v1 =	vld [tilespmem:s26+$0x9A10]  }
0x10c: {  	v4 =	vmul.f32 $5.000000000e-01, v4;
	[tilespmem:s26+$0x99B0] =	vst v2;
	v2 =	vld [tilespmem:s26+$0x9A20]  }
0x10d: {  	v5 =	vmul.f32 $5.000000000e-01, v5;
	[tilespmem:s26+$0x99C0] =	vst v3;
	v3 =	vld [tilespmem:s26+$0x9A30]  }
0x10e: {  	v6 =	vmul.f32 $5.000000000e-01, v6;
	[tilespmem:s26+$0x99D0] =	vst v4;
	v4 =	vld [tilespmem:s26+$0x9A40]  }
0x10f: {  	[tilespmem:s26+$0x99E0] =	vst v5;
	v5 =	vld [tilespmem:s26+$0x9A50];
	v0 =	vmul.f32 $5.000000000e-01, v0  }
0x110: {  	[tilespmem:s26+$0x99F0] =	vst v6;
	v6 =	vld [tilespmem:s26+$0x9A60];
	v1 =	vmul.f32 $5.000000000e-01, v1  }
0x111: {  	v2 =	vmul.f32 $5.000000000e-01, v2;
	[tilespmem:s26+$0x9A00] =	vst v0;
	v0 =	vld [tilespmem:s26+$0x9A70]  }
0x112: {  	v3 =	vmul.f32 $5.000000000e-01, v3;
	[tilespmem:s26+$0x9A10] =	vst v1;
	v1 =	vld [tilespmem:s26+$0x9A80]  }
0x113: {  	v4 =	vmul.f32 $5.000000000e-01, v4;
	[tilespmem:s26+$0x9A20] =	vst v2;
	v2 =	vld [tilespmem:s26+$0x9A90]  }
0x114: {  	v5 =	vmul.f32 $5.000000000e-01, v5;
	[tilespmem:s26+$0x9A30] =	vst v3;
	v3 =	vld [tilespmem:s26+$0x9AA0]  }
0x115: {  	v6 =	vmul.f32 $5.000000000e-01, v6;
	[tilespmem:s26+$0x9A40] =	vst v4;
	v4 =	vld [tilespmem:s26+$0x9AB0]  }
0x116: {  	[tilespmem:s26+$0x9A50] =	vst v5;
	v5 =	vld [tilespmem:s26+$0x9AC0];
	v0 =	vmul.f32 $5.000000000e-01, v0  }
0x117: {  	[tilespmem:s26+$0x9A60] =	vst v6;
	v6 =	vld [tilespmem:s26+$0x9AD0];
	v1 =	vmul.f32 $5.000000000e-01, v1  }
0x118: {  	v2 =	vmul.f32 $5.000000000e-01, v2;
	[tilespmem:s26+$0x9A70] =	vst v0;
	v0 =	vld [tilespmem:s26+$0x9AE0]  }
0x119: {  	v3 =	vmul.f32 $5.000000000e-01, v3;
	[tilespmem:s26+$0x9A80] =	vst v1;
	v1 =	vld [tilespmem:s26+$0x9AF0]  }
0x11a: {  	v4 =	vmul.f32 $5.000000000e-01, v4;
	[tilespmem:s26+$0x9A90] =	vst v2;
	v2 =	vld [tilespmem:s26+$0x9B00]  }
0x11b: {  	v5 =	vmul.f32 $5.000000000e-01, v5;
	[tilespmem:s26+$0x9AA0] =	vst v3;
	v3 =	vld [tilespmem:s26+$0x9B10]  }
0x11c: {  	v6 =	vmul.f32 $5.000000000e-01, v6;
	[tilespmem:s26+$0x9AB0] =	vst v4;
	v4 =	vld [tilespmem:s26+$0x9B20]  }
0x11d: {  	[tilespmem:s26+$0x9AC0] =	vst v5;
	v5 =	vld [tilespmem:s26+$0x9B30];
	v0 =	vmul.f32 $5.000000000e-01, v0  }
0x11e: {  	[tilespmem:s26+$0x9AD0] =	vst v6;
	v6 =	vld [tilespmem:s26+$0x9B40];
	v1 =	vmul.f32 $5.000000000e-01, v1  }
0x11f: {  	v2 =	vmul.f32 $5.000000000e-01, v2;
	[tilespmem:s26+$0x9AE0] =	vst v0;
	v0 =	vld [tilespmem:s26+$0x9B50]  }
0x120: {  	v3 =	vmul.f32 $5.000000000e-01, v3;
	[tilespmem:s26+$0x9AF0] =	vst v1;
	v1 =	vld [tilespmem:s26+$0x9B60]  }
0x121: {  	v4 =	vmul.f32 $5.000000000e-01, v4;
	[tilespmem:s26+$0x9B00] =	vst v2;
	v2 =	vld [tilespmem:s26+$0x9B70]  }
0x122: {  	v5 =	vmul.f32 $5.000000000e-01, v5;
	[tilespmem:s26+$0x9B10] =	vst v3;
	v3 =	vld [tilespmem:s26+$0x9B80]  }
0x123: {  	v6 =	vmul.f32 $5.000000000e-01, v6;
	[tilespmem:s26+$0x9B20] =	vst v4;
	v4 =	vld [tilespmem:s26+$0x9B90]  }
0x124: {  	[tilespmem:s26+$0x9B30] =	vst v5;
	v5 =	vld [tilespmem:s26+$0x9BA0];
	v0 =	vmul.f32 $5.000000000e-01, v0  }
0x125: {  	v7 =	vld [tilespmem:s26+$0x9BB0];
	[tilespmem:s26+$0x9B40] =	vst v6;
	v6 =	vmul.f32 $5.000000000e-01, v1  }
0x126: {  	v1 =	vld [tilespmem:s26+$0x9BC0];
	v2 =	vmul.f32 $5.000000000e-01, v2;
	[tilespmem:s26+$0x9B50] =	vst v0  }
0x127: {  	v3 =	vmul.f32 $5.000000000e-01, v3;
	[tilespmem:s26+$0x9B60] =	vst v6;
	v0 =	vld [tilespmem:s26+$0x9BD0]  }
0x128: {  	v4 =	vmul.f32 $5.000000000e-01, v4;
	[tilespmem:s26+$0x9B70] =	vst v2;
	v2 =	vld [tilespmem:s26+$0x9BE0]  }
0x129: {  	[tilespmem:s26+$0x9B80] =	vst v3;
	v3 =	vld [tilespmem:s26+$0x9BF0];
	v6 =	vmul.f32 $5.000000000e-01, v5  }
0x12a: {  	s17 =	simm.s32 $0xC00;
	[tilespmem:s26+$0x9B90] =	vst v4;
	v5 =	vmul.f32 $5.000000000e-01, v7;
	v4 =	vld [tilespmem:s26+$0x9C00]  }
.LBB2_6:
0x12b: {  	s5 =	sshra.s32 s17, $0x2;
	p0 =	sne.s32 s17, $0x1D400;
	[tilespmem:s26+$0x9BA0] =	vst v6;
	v1 =	vmul.f32 $5.000000000e-01, v1;
	v6 =	vld [tilespmem:s26+$0x9C10]  }
0x12c: {  	v7 =	vld [tilespmem:s5+$0x9920];
	[tilespmem:s26+$0x9BB0] =	vst v5;
	v0 =	vmul.f32 $5.000000000e-01, v0  }
0x12d: {  	v5 =	vld [tilespmem:s5+$0x9930];
	[tilespmem:s26+$0x9BC0] =	vst v1;
	v1 =	vmul.f32 $5.000000000e-01, v2  }
0x12e: {  	v2 =	vld [tilespmem:s5+$0x9940];
	[tilespmem:s26+$0x9BD0] =	vst v0;
	v0 =	vmul.f32 $5.000000000e-01, v3  }
0x12f: {  	v3 =	vld [tilespmem:s5+$0x9950];
	[tilespmem:s26+$0x9BE0] =	vst v1;
	v1 =	vmul.f32 $5.000000000e-01, v4  }
0x130: {  	v4 =	vld [tilespmem:s5+$0x9960];
	[tilespmem:s26+$0x9BF0] =	vst v0;
	v0 =	vmul.f32 $5.000000000e-01, v6  }
0x131: {  	v6 =	vmul.f32 $5.000000000e-01, v7;
	v7 =	vld [tilespmem:s5+$0x9970];
	[tilespmem:s26+$0x9C00] =	vst v1  }
0x132: {  	v1 =	vmul.f32 $5.000000000e-01, v5;
	v5 =	vld [tilespmem:s5+$0x9980];
	[tilespmem:s26+$0x9C10] =	vst v0;
	s26 =	smov.u32 s5  }
0x133: {  	[tilespmem:s26+$0x9920] =	vst v6;
	v0 =	vmul.f32 $5.000000000e-01, v2;
	v2 =	vld [tilespmem:s26+$0x9990]  }
0x134: {  	[tilespmem:s26+$0x9930] =	vst v1;
	v1 =	vmul.f32 $5.000000000e-01, v3;
	v3 =	vld [tilespmem:s26+$0x99A0]  }
0x135: {  	[tilespmem:s26+$0x9940] =	vst v0;
	v0 =	vmul.f32 $5.000000000e-01, v4;
	v4 =	vld [tilespmem:s26+$0x99B0]  }
0x136: {  	[tilespmem:s26+$0x9950] =	vst v1;
	v1 =	vmul.f32 $5.000000000e-01, v7;
	v6 =	vld [tilespmem:s26+$0x99C0]  }
0x137: {  	[tilespmem:s26+$0x9960] =	vst v0;
	v0 =	vmul.f32 $5.000000000e-01, v5;
	v5 =	vld [tilespmem:s26+$0x99D0]  }
0x138: {  	[tilespmem:s26+$0x9970] =	vst v1;
	v1 =	vmul.f32 $5.000000000e-01, v2;
	v2 =	vld [tilespmem:s26+$0x99E0]  }
0x139: {  	[tilespmem:s26+$0x9980] =	vst v0;
	v0 =	vmul.f32 $5.000000000e-01, v3;
	v3 =	vld [tilespmem:s26+$0x99F0]  }
0x13a: {  	[tilespmem:s26+$0x9990] =	vst v1;
	v1 =	vmul.f32 $5.000000000e-01, v4;
	v4 =	vld [tilespmem:s26+$0x9A00]  }
0x13b: {  	[tilespmem:s26+$0x99A0] =	vst v0;
	v0 =	vmul.f32 $5.000000000e-01, v6;
	v6 =	vld [tilespmem:s26+$0x9A10]  }
0x13c: {  	[tilespmem:s26+$0x99B0] =	vst v1;
	v1 =	vmul.f32 $5.000000000e-01, v5;
	v5 =	vld [tilespmem:s26+$0x9A20]  }
0x13d: {  	[tilespmem:s26+$0x99C0] =	vst v0;
	v0 =	vmul.f32 $5.000000000e-01, v2;
	v2 =	vld [tilespmem:s26+$0x9A30]  }
0x13e: {  	[tilespmem:s26+$0x99D0] =	vst v1;
	v1 =	vmul.f32 $5.000000000e-01, v3;
	v3 =	vld [tilespmem:s26+$0x9A40]  }
0x13f: {  	[tilespmem:s26+$0x99E0] =	vst v0;
	v0 =	vmul.f32 $5.000000000e-01, v4;
	v4 =	vld [tilespmem:s26+$0x9A50]  }
0x140: {  	[tilespmem:s26+$0x99F0] =	vst v1;
	v1 =	vmul.f32 $5.000000000e-01, v6;
	v6 =	vld [tilespmem:s26+$0x9A60]  }
0x141: {  	[tilespmem:s26+$0x9A00] =	vst v0;
	v0 =	vmul.f32 $5.000000000e-01, v5;
	v5 =	vld [tilespmem:s26+$0x9A70]  }
0x142: {  	[tilespmem:s26+$0x9A10] =	vst v1;
	v1 =	vmul.f32 $5.000000000e-01, v2;
	v2 =	vld [tilespmem:s26+$0x9A80]  }
0x143: {  	[tilespmem:s26+$0x9A20] =	vst v0;
	v0 =	vmul.f32 $5.000000000e-01, v3;
	v3 =	vld [tilespmem:s26+$0x9A90]  }
0x144: {  	[tilespmem:s26+$0x9A30] =	vst v1;
	v1 =	vmul.f32 $5.000000000e-01, v4;
	v4 =	vld [tilespmem:s26+$0x9AA0]  }
0x145: {  	[tilespmem:s26+$0x9A40] =	vst v0;
	v0 =	vmul.f32 $5.000000000e-01, v6;
	v6 =	vld [tilespmem:s26+$0x9AB0]  }
0x146: {  	[tilespmem:s26+$0x9A50] =	vst v1;
	v1 =	vmul.f32 $5.000000000e-01, v5;
	v5 =	vld [tilespmem:s26+$0x9AC0]  }
0x147: {  	[tilespmem:s26+$0x9A60] =	vst v0;
	v0 =	vmul.f32 $5.000000000e-01, v2;
	v2 =	vld [tilespmem:s26+$0x9AD0]  }
0x148: {  	[tilespmem:s26+$0x9A70] =	vst v1;
	v1 =	vmul.f32 $5.000000000e-01, v3;
	v3 =	vld [tilespmem:s26+$0x9AE0]  }
0x149: {  	[tilespmem:s26+$0x9A80] =	vst v0;
	v0 =	vmul.f32 $5.000000000e-01, v4;
	v4 =	vld [tilespmem:s26+$0x9AF0]  }
0x14a: {  	[tilespmem:s26+$0x9A90] =	vst v1;
	v1 =	vmul.f32 $5.000000000e-01, v6;
	v6 =	vld [tilespmem:s26+$0x9B00]  }
0x14b: {  	[tilespmem:s26+$0x9AA0] =	vst v0;
	v0 =	vmul.f32 $5.000000000e-01, v5;
	v5 =	vld [tilespmem:s26+$0x9B10]  }
0x14c: {  	[tilespmem:s26+$0x9AB0] =	vst v1;
	v1 =	vmul.f32 $5.000000000e-01, v2;
	v2 =	vld [tilespmem:s26+$0x9B20]  }
0x14d: {  	[tilespmem:s26+$0x9AC0] =	vst v0;
	v0 =	vmul.f32 $5.000000000e-01, v3;
	v3 =	vld [tilespmem:s26+$0x9B30]  }
0x14e: {  	[tilespmem:s26+$0x9AD0] =	vst v1;
	v1 =	vmul.f32 $5.000000000e-01, v4;
	v4 =	vld [tilespmem:s26+$0x9B40]  }
0x14f: {  	[tilespmem:s26+$0x9AE0] =	vst v0;
	v0 =	vmul.f32 $5.000000000e-01, v6;
	v6 =	vld [tilespmem:s26+$0x9B50]  }
0x150: {  	[tilespmem:s26+$0x9AF0] =	vst v1;
	v1 =	vmul.f32 $5.000000000e-01, v5;
	v5 =	vld [tilespmem:s26+$0x9B60]  }
0x151: {  	[tilespmem:s26+$0x9B00] =	vst v0;
	v0 =	vmul.f32 $5.000000000e-01, v2;
	v2 =	vld [tilespmem:s26+$0x9B70]  }
0x152: {  	[tilespmem:s26+$0x9B10] =	vst v1;
	v1 =	vmul.f32 $5.000000000e-01, v3;
	v3 =	vld [tilespmem:s26+$0x9B80]  }
0x153: {  	[tilespmem:s26+$0x9B20] =	vst v0;
	v0 =	vmul.f32 $5.000000000e-01, v4;
	v4 =	vld [tilespmem:s26+$0x9B90]  }
0x154: {  	[tilespmem:s26+$0x9B30] =	vst v1;
	v1 =	vmul.f32 $5.000000000e-01, v6;
	v6 =	vld [tilespmem:s26+$0x9BA0]  }
0x155: {  	[tilespmem:s26+$0x9B40] =	vst v0;
	v0 =	vmul.f32 $5.000000000e-01, v5;
	v5 =	vld [tilespmem:s26+$0x9BB0]  }
.Ltmp2:
0x156: {  	[tilespmem:s26+$0x9B50] =	vst v1;
	v2 =	vmul.f32 $5.000000000e-01, v2;
	v1 =	vld [tilespmem:s26+$0x9BC0];
	(pc) =	sbr.rel @p0 .LBB2_6-.Ltmp2, $4  }
0x157: {  	[tilespmem:s26+$0x9B60] =	vst v0;
	v3 =	vmul.f32 $5.000000000e-01, v3;
	v0 =	vld [tilespmem:s26+$0x9BD0]  }
0x158: {  	[tilespmem:s26+$0x9B70] =	vst v2;
	v4 =	vmul.f32 $5.000000000e-01, v4;
	v2 =	vld [tilespmem:s26+$0x9BE0]  }
0x159: {  	[tilespmem:s26+$0x9B80] =	vst v3;
	v6 =	vmul.f32 $5.000000000e-01, v6;
	v3 =	vld [tilespmem:s26+$0x9BF0]  }
0x15a: {  	s17 =	sadd.s32 $0xC00, s17;
	[tilespmem:s26+$0x9B90] =	vst v4;
	v5 =	vmul.f32 $5.000000000e-01, v5;
	v4 =	vld [tilespmem:s26+$0x9C00]  }
0x15b: {  	[tilespmem:s26+$0x9BA0] =	vst v6;
	v1 =	vmul.f32 $5.000000000e-01, v1;
	v59 =	vld [tilespmem:s26+$0x9C10]  }
0x15c: {  	[tilespmem:s26+$0x9BB0] =	vst v5;
	v0 =	vmul.f32 $5.000000000e-01, v0  }
0x15d: {  	[tilespmem:s26+$0x9BC0] =	vst v1;
	v60 =	vmul.f32 $5.000000000e-01, v2  }
0x15e: {  	[tilespmem:s26+$0x9BD0] =	vst v0;
	v61 =	vmul.f32 $5.000000000e-01, v3  }
0x15f: {  	[tilespmem:s26+$0x9BE0] =	vst v60;
	v62 =	vmul.f32 $5.000000000e-01, v4  }
0x160: {  	[tilespmem:s26+$0x9BF0] =	vst v61;
	v63 =	vmul.f32 $5.000000000e-01, v59  }
0x161: {  	[tilespmem:s26+$0x9C00] =	vst v62  }
0x162: {  	[tilespmem:s26+$0x9C10] =	vst v63  }
0x163: {  	[spmem:s11] =	stream.linear.scatter [tilespmem:s20], [sflag:$0x6], $0x7800, $0x38;
	[tilespmem:$0x190A0] =	vst v63  }
0x164: {  	_ =	swait.ge [sflag:s14], $0x7800  }
0x165: {  	[sflag:s14] =	ssyncset.done $0x0  }
0x166: {  	[sflag:s14] =	ssyncadd.s32 $0xFFFF8800  }
0x167: {  	s5 =	simm.s32 $0x0;
	[bflag:$0x0] =	sbarrier.arrive $0xFFFF  }
0x168: {  	[tilespmem:s22], [sflag:$0x1] =	stream.indirect.gather [hbm4b:s4+s21], $0x30, s5, s21, $0xb8;
	[tilespmem:$0x190A0] =	vst v63  }
0x169: {  	_ = 	snop  }
0x16a: {  	[tilespmem:s23], [sflag:$0x2] =	stream.indirect.gather [hbm4b:s4+s21], $0x30, s21, s21, $0xb8;
	[tilespmem:$0x190A0] =	vst v63  }
0x16b: {  	s18 =	simm.s32 $0xA0  }
0x16c: {  	[tilespmem:s25], [sflag:$0x3] =	stream.indirect.gather [hbm4b:s4+s21], $0x30, s18, s21, $0xb8;
	[tilespmem:$0x190A0] =	vst v63  }
0x16d: {  	s19 =	simm.s32 $0xF0  }
0x16e: {  	[tilespmem:s28], [sflag:$0x4] =	stream.indirect.gather [hbm4b:s4+s21], $0x30, s19, s21, $0xb8;
	[tilespmem:$0x190A0] =	vst v63  }
0x16f: {  	s26 =	simm.s32 $0x140  }
0x170: {  	[tilespmem:s30], [sflag:$0x5] =	stream.indirect.gather [hbm4b:s4+s21], $0x30, s26, s21, $0xb8;
	[tilespmem:$0x190A0] =	vst v63  }
0x171: {  	_ =	swait.ge [sflag:s31], $0xF00  }
0x172: {  	[sflag:s31] =	ssyncset.done $0x0  }
0x173: {  	s29 =	simm.s32 $0x2710;
	[sflag:s31] =	ssyncadd.s32 $0xFFFFF100  }
0x174: {  	[spmem:s2] =	stream.indirect.scatter.add.f32 [tilespmem:s22], [sflag:$0x6], $0x30, s29, s21, $0xb8;
	[tilespmem:$0x190A0] =	vst v63  }
0x175: {  	_ =	swait.ge [sflag:s14], $0xF00  }
0x176: {  	[sflag:s14] =	ssyncset.done $0x0  }
0x177: {  	s6 =	simm.s32 $0x190;
	[sflag:s14] =	ssyncadd.s32 $0xFFFFF100  }
0x178: {  	[tilespmem:s22], [sflag:$0x1] =	stream.indirect.gather [hbm4b:s4+s21], $0x30, s6, s21, $0xb8;
	[tilespmem:$0x190A0] =	vst v63  }
0x179: {  	_ =	swait.ge [sflag:s0], $0xF00  }
0x17a: {  	[sflag:s0] =	ssyncset.done $0x0  }
0x17b: {  	s7 =	simm.s32 $0x2760;
	[sflag:s0] =	ssyncadd.s32 $0xFFFFF100  }
0x17c: {  	[spmem:s2] =	stream.indirect.scatter.add.f32 [tilespmem:s23], [sflag:$0x6], $0x30, s7, s21, $0xb8;
	[tilespmem:$0x190A0] =	vst v63  }
0x17d: {  	_ =	swait.ge [sflag:s14], $0xF00  }
0x17e: {  	[sflag:s14] =	ssyncset.done $0x0  }
0x17f: {  	s8 =	simm.s32 $0x1E0;
	[sflag:s14] =	ssyncadd.s32 $0xFFFFF100  }
0x180: {  	[tilespmem:s23], [sflag:$0x2] =	stream.indirect.gather [hbm4b:s4+s21], $0x30, s8, s21, $0xb8;
	[tilespmem:$0x190A0] =	vst v63  }
0x181: {  	_ =	swait.ge [sflag:s1], $0xF00  }
0x182: {  	[sflag:s1] =	ssyncset.done $0x0  }
0x183: {  	s17 =	simm.s32 $0x27B0;
	[sflag:s1] =	ssyncadd.s32 $0xFFFFF100  }
0x184: {  	[spmem:s2] =	stream.indirect.scatter.add.f32 [tilespmem:s25], [sflag:$0x6], $0x30, s17, s21, $0xb8;
	[tilespmem:$0x190A0] =	vst v63  }
0x185: {  	_ =	swait.ge [sflag:s14], $0xF00  }
0x186: {  	[sflag:s14] =	ssyncset.done $0x0  }
0x187: {  	s18 =	simm.s32 $0x230;
	[sflag:s14] =	ssyncadd.s32 $0xFFFFF100  }
0x188: {  	[tilespmem:s25], [sflag:$0x3] =	stream.indirect.gather [hbm4b:s4+s21], $0x30, s18, s21, $0xb8;
	[tilespmem:$0x190A0] =	vst v63  }
0x189: {  	_ =	swait.ge [sflag:s15], $0xF00  }
0x18a: {  	[sflag:s15] =	ssyncset.done $0x0  }
0x18b: {  	s19 =	simm.s32 $0x2800;
	[sflag:s15] =	ssyncadd.s32 $0xFFFFF100  }
0x18c: {  	[spmem:s2] =	stream.indirect.scatter.add.f32 [tilespmem:s28], [sflag:$0x6], $0x30, s19, s21, $0xb8;
	[tilespmem:$0x190A0] =	vst v63  }
0x18d: {  	_ =	swait.ge [sflag:s14], $0xF00  }
0x18e: {  	[sflag:s14] =	ssyncset.done $0x0  }
0x18f: {  	s26 =	simm.s32 $0x280;
	[sflag:s14] =	ssyncadd.s32 $0xFFFFF100  }
0x190: {  	[tilespmem:s28], [sflag:$0x4] =	stream.indirect.gather [hbm4b:s4+s21], $0x30, s26, s21, $0xb8;
	[tilespmem:$0x190A0] =	vst v63  }
0x191: {  	_ =	swait.ge [sflag:s16], $0xF00  }
0x192: {  	[sflag:s16] =	ssyncset.done $0x0  }
0x193: {  	s29 =	simm.s32 $0x2850;
	[sflag:s16] =	ssyncadd.s32 $0xFFFFF100  }
0x194: {  	[spmem:s2] =	stream.indirect.scatter.add.f32 [tilespmem:s30], [sflag:$0x6], $0x30, s29, s21, $0xb8;
	[tilespmem:$0x190A0] =	vst v63  }
0x195: {  	_ =	swait.ge [sflag:s14], $0xF00  }
0x196: {  	s5 =	simm.s32 $0x640;
	[sflag:s14] =	ssyncset.done $0x0  }
0x197: {  	s6 =	simm.s32 $0x2D0;
	s8 =	simm.s32 $0x80;
	[sflag:s14] =	ssyncadd.s32 $0xFFFFF100  }
.LBB2_8:
0x198: {  	[tilespmem:s30], [sflag:$0x5] =	stream.indirect.gather [hbm4b:s4+s21], $0x30, s6, s21, $0xb8;
	[tilespmem:$0x190A0] =	vst v63  }
0x199: {  	s6 =	smov.u32 s5  }
0x19a: {  	p0 =	sne.s32 s5, $0x8FC0;
	s5 =	sadd.s32 $0x640, s5;
	_ =	swait.ge [sflag:s31], $0xF00  }
0x19b: {  	s6 =	sshra.s32 s6, $0x2;
	[sflag:s31] =	ssyncset.done $0x0  }
0x19c: {  	s7 =	sadd.s32 $0x2710, s6;
	[sflag:s31] =	ssyncadd.s32 $0xFFFFF100  }
0x19d: {  	[spmem:s2] =	stream.indirect.scatter.add.f32 [tilespmem:s22], [sflag:$0x6], $0x30, s7, s21, $0xb8;
	[tilespmem:$0x190A0] =	vst v63  }
0x19e: {  	_ =	swait.ge [sflag:s14], $0xF00  }
0x19f: {  	[sflag:s14] =	ssyncset.done $0x0  }
0x1a0: {  	s7 =	sadd.s32 $0x190, s6;
	[sflag:s14] =	ssyncadd.s32 $0xFFFFF100  }
0x1a1: {  	[tilespmem:s22], [sflag:$0x1] =	stream.indirect.gather [hbm4b:s4+s21], $0x30, s7, s21, $0xb8;
	[tilespmem:$0x190A0] =	vst v63  }
0x1a2: {  	_ =	swait.ge [sflag:s0], $0xF00  }
0x1a3: {  	[sflag:s0] =	ssyncset.done $0x0  }
0x1a4: {  	s7 =	sadd.s32 $0x2760, s6;
	[sflag:s0] =	ssyncadd.s32 $0xFFFFF100  }
0x1a5: {  	[spmem:s2] =	stream.indirect.scatter.add.f32 [tilespmem:s23], [sflag:$0x6], $0x30, s7, s21, $0xb8;
	[tilespmem:$0x190A0] =	vst v63  }
0x1a6: {  	_ =	swait.ge [sflag:s14], $0xF00  }
0x1a7: {  	[sflag:s14] =	ssyncset.done $0x0  }
0x1a8: {  	s7 =	sadd.s32 $0x1E0, s6;
	[sflag:s14] =	ssyncadd.s32 $0xFFFFF100  }
0x1a9: {  	[tilespmem:s23], [sflag:$0x2] =	stream.indirect.gather [hbm4b:s4+s21], $0x30, s7, s21, $0xb8;
	[tilespmem:$0x190A0] =	vst v63  }
0x1aa: {  	_ =	swait.ge [sflag:s1], $0xF00  }
0x1ab: {  	[sflag:s1] =	ssyncset.done $0x0  }
0x1ac: {  	s7 =	sadd.s32 $0x27B0, s6;
	[sflag:s1] =	ssyncadd.s32 $0xFFFFF100  }
0x1ad: {  	[spmem:s2] =	stream.indirect.scatter.add.f32 [tilespmem:s25], [sflag:$0x6], $0x30, s7, s21, $0xb8;
	[tilespmem:$0x190A0] =	vst v63  }
0x1ae: {  	_ =	swait.ge [sflag:s14], $0xF00  }
0x1af: {  	[sflag:s14] =	ssyncset.done $0x0  }
0x1b0: {  	s7 =	sadd.s32 $0x230, s6;
	[sflag:s14] =	ssyncadd.s32 $0xFFFFF100  }
0x1b1: {  	[tilespmem:s25], [sflag:$0x3] =	stream.indirect.gather [hbm4b:s4+s21], $0x30, s7, s21, $0xb8;
	[tilespmem:$0x190A0] =	vst v63  }
0x1b2: {  	_ =	swait.ge [sflag:s15], $0xF00  }
0x1b3: {  	[sflag:s15] =	ssyncset.done $0x0  }
0x1b4: {  	s7 =	sadd.s32 $0x2800, s6;
	[sflag:s15] =	ssyncadd.s32 $0xFFFFF100  }
0x1b5: {  	[spmem:s2] =	stream.indirect.scatter.add.f32 [tilespmem:s28], [sflag:$0x6], $0x30, s7, s21, $0xb8;
	[tilespmem:$0x190A0] =	vst v63  }
0x1b6: {  	_ =	swait.ge [sflag:s14], $0xF00  }
0x1b7: {  	[sflag:s14] =	ssyncset.done $0x0  }
0x1b8: {  	s7 =	sadd.s32 $0x280, s6;
	[sflag:s14] =	ssyncadd.s32 $0xFFFFF100  }
0x1b9: {  	[tilespmem:s28], [sflag:$0x4] =	stream.indirect.gather [hbm4b:s4+s21], $0x30, s7, s21, $0xb8;
	[tilespmem:$0x190A0] =	vst v63  }
0x1ba: {  	_ =	swait.ge [sflag:s16], $0xF00  }
0x1bb: {  	[sflag:s16] =	ssyncset.done $0x0  }
.Ltmp3:
0x1bc: {  	s7 =	sadd.s32 $0x2850, s6;
	[sflag:s16] =	ssyncadd.s32 $0xFFFFF100;
	(pc) =	sbr.rel @p0 .LBB2_8-.Ltmp3, $4  }
0x1bd: {  	[spmem:s2] =	stream.indirect.scatter.add.f32 [tilespmem:s30], [sflag:$0x6], $0x30, s7, s21, $0xb8;
	[tilespmem:$0x190A0] =	vst v63  }
0x1be: {  	_ =	swait.ge [sflag:s14], $0xF00  }
0x1bf: {  	[sflag:s14] =	ssyncset.done $0x0  }
0x1c0: {  	s6 =	sadd.s32 $0x2D0, s6;
	[sflag:s14] =	ssyncadd.s32 $0xFFFFF100  }
0x1c1: {  	[tilespmem:s30], [sflag:$0x5] =	stream.indirect.gather [hbm4b:s4+s21], $0x30, s6, s21, $0xb8;
	[tilespmem:$0x190A0] =	vst v63  }
0x1c2: {  	_ =	swait.ge [sflag:s31], $0xF00  }
0x1c3: {  	[sflag:s31] =	ssyncset.done $0x0  }
0x1c4: {  	s5 =	simm.s32 $0x4C90;
	[sflag:s31] =	ssyncadd.s32 $0xFFFFF100  }
0x1c5: {  	[spmem:s2] =	stream.indirect.scatter.add.f32 [tilespmem:s22], [sflag:$0x6], $0x30, s5, s21, $0xb8;
	[tilespmem:$0x190A0] =	vst v63  }
0x1c6: {  	_ =	swait.ge [sflag:s14], $0xF00  }
0x1c7: {  	[sflag:s14] =	ssyncset.done $0x0  }
0x1c8: {  	[sflag:s14] =	ssyncadd.s32 $0xFFFFF100  }
0x1c9: {  	_ =	swait.ge [sflag:s0], $0xF00  }
0x1ca: {  	[sflag:s0] =	ssyncset.done $0x0  }
0x1cb: {  	s6 =	simm.s32 $0x4CE0;
	[sflag:s0] =	ssyncadd.s32 $0xFFFFF100  }
0x1cc: {  	[spmem:s2] =	stream.indirect.scatter.add.f32 [tilespmem:s23], [sflag:$0x6], $0x30, s6, s21, $0xb8;
	[tilespmem:$0x190A0] =	vst v63  }
0x1cd: {  	_ =	swait.ge [sflag:s14], $0xF00  }
0x1ce: {  	[sflag:s14] =	ssyncset.done $0x0  }
0x1cf: {  	[sflag:s14] =	ssyncadd.s32 $0xFFFFF100  }
0x1d0: {  	_ =	swait.ge [sflag:s1], $0xF00  }
0x1d1: {  	[sflag:s1] =	ssyncset.done $0x0  }
0x1d2: {  	s7 =	simm.s32 $0x4D30;
	[sflag:s1] =	ssyncadd.s32 $0xFFFFF100  }
0x1d3: {  	[spmem:s2] =	stream.indirect.scatter.add.f32 [tilespmem:s25], [sflag:$0x6], $0x30, s7, s21, $0xb8;
	[tilespmem:$0x190A0] =	vst v63  }
0x1d4: {  	_ =	swait.ge [sflag:s14], $0xF00  }
0x1d5: {  	[sflag:s14] =	ssyncset.done $0x0  }
0x1d6: {  	[sflag:s14] =	ssyncadd.s32 $0xFFFFF100  }
0x1d7: {  	_ =	swait.ge [sflag:s15], $0xF00  }
0x1d8: {  	[sflag:s15] =	ssyncset.done $0x0  }
0x1d9: {  	s17 =	simm.s32 $0x4D80;
	[sflag:s15] =	ssyncadd.s32 $0xFFFFF100  }
0x1da: {  	[spmem:s2] =	stream.indirect.scatter.add.f32 [tilespmem:s28], [sflag:$0x6], $0x30, s17, s21, $0xb8;
	[tilespmem:$0x190A0] =	vst v63  }
0x1db: {  	_ =	swait.ge [sflag:s14], $0xF00  }
0x1dc: {  	[sflag:s14] =	ssyncset.done $0x0  }
0x1dd: {  	[sflag:s14] =	ssyncadd.s32 $0xFFFFF100  }
0x1de: {  	_ =	swait.ge [sflag:s16], $0xF00  }
0x1df: {  	[sflag:s16] =	ssyncset.done $0x0  }
0x1e0: {  	s18 =	simm.s32 $0x4DD0;
	[sflag:s16] =	ssyncadd.s32 $0xFFFFF100  }
0x1e1: {  	[spmem:s2] =	stream.indirect.scatter.add.f32 [tilespmem:s30], [sflag:$0x6], $0x30, s18, s21, $0xb8;
	[tilespmem:$0x190A0] =	vst v63  }
0x1e2: {  	_ =	swait.ge [sflag:s14], $0xF00  }
0x1e3: {  	[sflag:s14] =	ssyncset.done $0x0  }
0x1e4: {  	[sflag:s14] =	ssyncadd.s32 $0xFFFFF100  }
0x1e5: {  	[bflag:$0x0] =	sbarrier.arrive $0xFFFF  }
0x1e6: {  	[tilespmem:s20], [sflag:$0x6] =	stream.linear.gather [spmem:s11], $0x7800, $0x38;
	[tilespmem:$0x190A0] =	vst v63  }
0x1e7: {  	_ =	swait.ge [sflag:s14], $0x7800  }
0x1e8: {  	[sflag:s14] =	ssyncset.done $0x0  }
0x1e9: {  	s26 =	simm.s32 $0x9AA0;
	[sflag:s14] =	ssyncadd.s32 $0xFFFF8800  }
0x1ea: {  	v10 =	vld [tilespmem:s26+$0x160]  }
0x1eb: {  	v0 =	vld [tilespmem:s26+$0xFFFFFFF0]  }
0x1ec: {  	v1 =	vld [tilespmem:s26+$0xFFFFFEA0]  }
0x1ed: {  	v2 =	vld [tilespmem:s26+$0xFFFFFFA0]  }
0x1ee: {  	v14 =	vld [tilespmem:s26+$0xFFFFFE90]  }
0x1ef: {  	v18 =	vld [tilespmem:s26+$0x90]  }
0x1f0: {  	v16 =	vld [tilespmem:s26+$0xFFFFFEE0]  }
0x1f1: {  	v25 =	vld [tilespmem:s26+$0x150]  }
0x1f2: {  	v4 =	vld [tilespmem:s26+$0x0]  }
0x1f3: {  	v11 =	vld [tilespmem:s26+$0xB0]  }
0x1f4: {  	v15 =	vld [tilespmem:s26+$0xFFFFFFB0]  }
0x1f5: {  	v19 =	vld [tilespmem:s26+$0xFFFFFEF0]  }
0x1f6: {  	v20 =	vld [tilespmem:s26+$0x120]  }
0x1f7: {  	v24 =	vld [tilespmem:s26+$0x170]  }
0x1f8: {  	v26 =	vld [tilespmem:s26+$0xFFFFFF00]  }
0x1f9: {  	v6 =	vld [tilespmem:s26+$0xFFFFFFC0]  }
0x1fa: {  	v17 =	vld [tilespmem:s26+$0x70]  }
0x1fb: {  	s19 =	simm.s32 $0x0;
	v22 =	vld [tilespmem:s26+$0x140]  }
0x1fc: {  	v13 =	vld [tilespmem:s19+$0x11120]  }
0x1fd: {  	v3 =	vld [tilespmem:s26+$0x60]  }
0x1fe: {  	v8 =	vld [tilespmem:s26+$0xFFFFFE80]  }
0x1ff: {  	v9 =	vld [tilespmem:s26+$0x10]  }
0x200: {  	v12 =	vld [tilespmem:s26+$0xFFFFFF90]  }
0x201: {  	v28 =	vld [tilespmem:s26+$0x100];
	v5 =	vbroadcast v13, $0x0;
	v21 =	vbroadcast v13, $0xF  }
0x202: {  	v27 =	vld [tilespmem:s26+$0x110];
	v23 =	vbroadcast v13, $0x2;
	v7 =	vbroadcast v13, $0xE  }
0x203: {  	v31 =	vmul.f32 v5, v8;
	v8 =	vld [tilespmem:s26+$0xFFFFFF20];
	v30 =	vmul.f32 v25, v21  }
0x204: {  	s29 =	simm.s32 $0x40;
	s17 =	simm.s32 $0x9AA0;
	v29 =	vmul.f32 v16, v23;
	v16 =	vld [tilespmem:s26+$0xFFFFFF40];
	v25 =	vbroadcast v13, $0xD  }
.LBB2_10:
0x205: {  	p0 =	sne.s32 s29, $0x9C0  }
0x206: {  	[tilespmem:s26+$0xFFFFFE80] =	vst v31;
	v26 =	vmul.f32 v26, v23;
	v31 =	vld [tilespmem:s26+$0xFFFFFF50];
	v24 =	vmul.f32 v24, v21;
	s17 =	sadd.s32 $0x300, s17;
	s18 =	smov.u32 s29;
	s29 =	sadd.s32 $0x40, s29  }
0x207: {  	v32 =	vbroadcast v13, $0xB;
	v33 =	vld [tilespmem:s26+$0xF0];
	v28 =	vmul.f32 v28, v25;
	[tilespmem:s26+$0x150] =	vst v30  }
0x208: {  	v30 =	vld [tilespmem:s26+$0xFFFFFEC0];
	[tilespmem:s26+$0xFFFFFEE0] =	vst v29;
	v29 =	vbroadcast v13, $0x6;
	v27 =	vmul.f32 v27, v25  }
0x209: {  	v20 =	vmul.f32 v20, v7;
	v22 =	vmul.f32 v22, v7;
	v34 =	vld [tilespmem:s26+$0x80];
	[tilespmem:s26+$0x100] =	vst v28  }
0x20a: {  	v35 =	vbroadcast v13, $0xA;
	v18 =	vmul.f32 v18, v32;
	v28 =	vld [tilespmem:s26+$0xFFFFFED0];
	[tilespmem:s26+$0x170] =	vst v24  }
0x20b: {  	v10 =	vmul.f32 v10, v21;
	v24 =	vbroadcast v13, $0x1;
	[tilespmem:s26+$0xFFFFFF00] =	vst v26;
	v26 =	vld [tilespmem:s26+$0xC0]  }
0x20c: {  	v19 =	vmul.f32 v19, v23;
	[tilespmem:s26+$0x90] =	vst v18;
	v18 =	vmul.f32 v33, v25;
	v21 =	vld [tilespmem:s26+$0x130]  }
0x20d: {  	v25 =	vbroadcast v13, $0x5;
	v23 =	vmul.f32 v30, v24;
	v30 =	vld [tilespmem:s26+$0xD0];
	[tilespmem:s26+$0x120] =	vst v20  }
0x20e: {  	v14 =	vmul.f32 v14, v5;
	v20 =	vld [tilespmem:s26+$0x30];
	v33 =	vmul.f32 v34, v35;
	[tilespmem:s26+$0x110] =	vst v27  }
0x20f: {  	v27 =	vmul.f32 v28, v24;
	v28 =	vbroadcast v13, $0x3;
	v34 =	vld [tilespmem:s26+$0xE0];
	[tilespmem:s26+$0x140] =	vst v22  }
0x210: {  	v17 =	vmul.f32 v17, v35;
	v22 =	vbroadcast v13, $0xC;
	[tilespmem:s26+$0xFFFFFEF0] =	vst v19;
	v19 =	vld [tilespmem:s26+$0xFFFFFF70]  }
0x211: {  	v36 =	vbroadcast v13, $0x8;
	v15 =	vmul.f32 v15, v29;
	[tilespmem:s26+$0xFFFFFE90] =	vst v14;
	v14 =	vld [tilespmem:s26+$0xFFFFFF60]  }
0x212: {  	v38 =	vbroadcast v13, $0x7;
	v37 =	vld [tilespmem:s26+$0xFFFFFEB0];
	[tilespmem:s26+$0x70] =	vst v17;
	v17 =	vmul.f32 v26, v22  }
0x213: {  	v26 =	vbroadcast v13, $0x9;
	v30 =	vmul.f32 v30, v22;
	[tilespmem:s26+$0xFFFFFFB0] =	vst v15;
	v15 =	vld [tilespmem:s26+$0xFFFFFFD0]  }
0x214: {  	v13 =	vbroadcast v13, $0x4;
	v39 =	vld [tilespmem:s26+$0xFFFFFF80];
	v22 =	vmul.f32 v34, v22;
	[tilespmem:s26+$0xF0] =	vst v18  }
0x215: {  	v11 =	vmul.f32 v11, v32;
	v18 =	vmul.f32 v20, v26;
	v20 =	vld [tilespmem:s26+$0xA0];
	[tilespmem:s26+$0x160] =	vst v10  }
0x216: {  	v16 =	vmul.f32 v16, v13;
	v10 =	vmul.f32 v31, v13;
	v31 =	vld [tilespmem:s26+$0x50];
	[tilespmem:s26+$0xC0] =	vst v17  }
0x217: {  	v13 =	vmul.f32 v14, v13;
	v17 =	vmul.f32 v37, v24;
	[tilespmem:s26+$0x30] =	vst v18;
	v14 =	vld [tilespmem:s26+$0x40]  }
0x218: {  	v19 =	vmul.f32 v19, v25;
	v24 =	vmul.f32 v15, v38;
	v15 =	vld [tilespmem:s26+$0x20];
	[tilespmem:s26+$0x80] =	vst v33  }
0x219: {  	v12 =	vmul.f32 v12, v25;
	v18 =	vld [tilespmem:s26+$0xFFFFFF10];
	v33 =	vmul.f32 v39, v25;
	[tilespmem:s26+$0xB0] =	vst v11  }
0x21a: {  	v4 =	vmul.f32 v4, v36;
	[tilespmem:s26+$0xFFFFFF50] =	vst v10;
	v11 =	vld [tilespmem:s26+$0xFFFFFFE0];
	v20 =	vmul.f32 v20, v32  }
0x21b: {  	v9 =	vmul.f32 v9, v36;
	v6 =	vmul.f32 v6, v29;
	v10 =	vld [tilespmem:s17+$0x160];
	[tilespmem:s26+$0xFFFFFEC0] =	vst v23  }
0x21c: {  	v25 =	vmul.f32 v31, v26;
	v23 =	vld [tilespmem:s26+$0xFFFFFF30];
	[tilespmem:s26+$0xFFFFFF40] =	vst v16;
	v16 =	vmul.f32 v14, v26  }
0x21d: {  	v7 =	vmul.f32 v21, v7;
	[tilespmem:s26+$0xFFFFFED0] =	vst v27;
	v26 =	vmul.f32 v15, v36  }
0x21e: {  	v8 =	vmul.f32 v8, v28;
	v15 =	vmul.f32 v18, v28;
	[tilespmem:s26+$0x0] =	vst v4  }
0x21f: {  	v4 =	vmul.f32 v0, v38;
	v21 =	vmul.f32 v11, v38;
	[tilespmem:s26+$0xD0] =	vst v30  }
0x220: {  	v3 =	vmul.f32 v3, v35;
	v0 =	vmul.f32 v2, v29;
	[tilespmem:s26+$0xFFFFFF90] =	vst v12  }
0x221: {  	v1 =	vmul.f32 v1, v5;
	v2 =	vmul.f32 v23, v28;
	[tilespmem:s26+$0xFFFFFFC0] =	vst v6  }
0x222: {  	[tilespmem:s26+$0x10] =	vst v9  }
0x223: {  	[tilespmem:s26+$0xFFFFFFA0] =	vst v0  }
0x224: {  	[tilespmem:s26+$0xFFFFFEA0] =	vst v1  }
0x225: {  	v0 =	vld [tilespmem:s17+$0xFFFFFFF0];
	[tilespmem:s26+$0xFFFFFF30] =	vst v2  }
0x226: {  	v1 =	vld [tilespmem:s17+$0xFFFFFEA0];
	[tilespmem:s26+$0xFFFFFF20] =	vst v8  }
0x227: {  	v2 =	vld [tilespmem:s17+$0xFFFFFFA0];
	[tilespmem:s26+$0x60] =	vst v3  }
0x228: {  	v14 =	vld [tilespmem:s17+$0xFFFFFE90];
	[tilespmem:s26+$0xFFFFFFF0] =	vst v4  }
0x229: {  	v18 =	vld [tilespmem:s17+$0x90];
	[tilespmem:s26+$0x130] =	vst v7  }
0x22a: {  	v29 =	vld [tilespmem:s17+$0xFFFFFEE0];
	[tilespmem:s26+$0xA0] =	vst v20  }
0x22b: {  	v30 =	vld [tilespmem:s17+$0x150];
	[tilespmem:s26+$0xFFFFFF70] =	vst v19  }
0x22c: {  	v4 =	vld [tilespmem:s17+$0x0];
	[tilespmem:s26+$0xE0] =	vst v22  }
0x22d: {  	v11 =	vld [tilespmem:s17+$0xB0];
	[tilespmem:s26+$0xFFFFFF10] =	vst v15  }
0x22e: {  	v15 =	vld [tilespmem:s17+$0xFFFFFFB0];
	[tilespmem:s26+$0xFFFFFFD0] =	vst v24  }
0x22f: {  	v19 =	vld [tilespmem:s17+$0xFFFFFEF0];
	[tilespmem:s26+$0xFFFFFFE0] =	vst v21  }
0x230: {  	v20 =	vld [tilespmem:s17+$0x120];
	[tilespmem:s26+$0x20] =	vst v26  }
0x231: {  	v24 =	vld [tilespmem:s17+$0x170];
	[tilespmem:s26+$0xFFFFFF60] =	vst v13  }
0x232: {  	v26 =	vld [tilespmem:s17+$0xFFFFFF00];
	[tilespmem:s26+$0x50] =	vst v25  }
0x233: {  	v6 =	vld [tilespmem:s17+$0xFFFFFFC0];
	[tilespmem:s26+$0xFFFFFEB0] =	vst v17  }
0x234: {  	v17 =	vld [tilespmem:s17+$0x70];
	[tilespmem:s26+$0xFFFFFF80] =	vst v33  }
0x235: {  	s5 =	sshra.s32 s18, $0x2;
	v22 =	vld [tilespmem:s17+$0x140];
	[tilespmem:s26+$0x40] =	vst v16;
	s26 =	smov.u32 s17  }
0x236: {  	v13 =	vld [tilespmem:s5+$0x11120]  }
0x237: {  	v3 =	vld [tilespmem:s17+$0x60]  }
0x238: {  	v8 =	vld [tilespmem:s17+$0xFFFFFE80]  }
0x239: {  	v9 =	vld [tilespmem:s17+$0x10]  }
.Ltmp4:
0x23a: {  	v12 =	vld [tilespmem:s17+$0xFFFFFF90];
	(pc) =	sbr.rel @p0 .LBB2_10-.Ltmp4, $4  }
0x23b: {  	v5 =	vbroadcast v13, $0x0;
	v28 =	vld [tilespmem:s17+$0x100];
	v21 =	vbroadcast v13, $0xF  }
0x23c: {  	v23 =	vbroadcast v13, $0x2;
	v7 =	vbroadcast v13, $0xE;
	v27 =	vld [tilespmem:s17+$0x110]  }
0x23d: {  	v31 =	vmul.f32 v5, v8;
	v8 =	vld [tilespmem:s17+$0xFFFFFF20];
	v30 =	vmul.f32 v30, v21  }
0x23e: {  	v25 =	vbroadcast v13, $0xD;
	v29 =	vmul.f32 v29, v23;
	v16 =	vld [tilespmem:s17+$0xFFFFFF40]  }
0x23f: {  	[tilespmem:s26+$0xFFFFFE80] =	vst v31  }
0x240: {  	[tilespmem:s26+$0x150] =	vst v30;
	v24 =	vmul.f32 v24, v21  }
0x241: {  	v26 =	vmul.f32 v26, v23;
	[tilespmem:s26+$0xFFFFFEE0] =	vst v29  }
0x242: {  	v20 =	vmul.f32 v20, v7;
	[tilespmem:s26+$0x170] =	vst v24  }
0x243: {  	v22 =	vmul.f32 v22, v7;
	[tilespmem:s26+$0xFFFFFF00] =	vst v26  }
0x244: {  	v19 =	vmul.f32 v19, v23;
	[tilespmem:s26+$0x120] =	vst v20  }
0x245: {  	v14 =	vmul.f32 v14, v5;
	[tilespmem:s26+$0x140] =	vst v22  }
0x246: {  	v10 =	vmul.f32 v10, v21;
	[tilespmem:s26+$0xFFFFFEF0] =	vst v19  }
0x247: {  	v31 =	vbroadcast v13, $0xB;
	v1 =	vmul.f32 v1, v5;
	[tilespmem:s26+$0xFFFFFE90] =	vst v14  }
0x248: {  	v28 =	vmul.f32 v28, v25;
	[tilespmem:s26+$0x160] =	vst v10  }
0x249: {  	v50 =	vbroadcast v13, $0x6;
	v18 =	vmul.f32 v18, v31;
	[tilespmem:s26+$0xFFFFFEA0] =	vst v1  }
0x24a: {  	v48 =	vmul.f32 v27, v25;
	[tilespmem:s26+$0x100] =	vst v28  }
0x24b: {  	v38 =	vbroadcast v13, $0x8;
	v53 =	vmul.f32 v15, v50;
	[tilespmem:s26+$0x90] =	vst v18  }
0x24c: {  	v41 =	vbroadcast v13, $0x5;
	v11 =	vmul.f32 v11, v31;
	[tilespmem:s26+$0x110] =	vst v48  }
0x24d: {  	v32 =	vld [tilespmem:s26+$0xF0];
	v4 =	vmul.f32 v4, v38;
	[tilespmem:s26+$0xFFFFFFB0] =	vst v53  }
0x24e: {  	v47 =	vld [tilespmem:s26+$0xC0];
	v20 =	vbroadcast v13, $0xA;
	v12 =	vmul.f32 v12, v41;
	[tilespmem:s26+$0xB0] =	vst v11  }
0x24f: {  	v51 =	vld [tilespmem:s26+$0x30];
	v60 =	vbroadcast v13, $0x4;
	v2 =	vmul.f32 v2, v50;
	[tilespmem:s26+$0x0] =	vst v4  }
0x250: {  	v45 =	vld [tilespmem:s26+$0x80];
	v17 =	vmul.f32 v17, v20;
	[tilespmem:s26+$0xFFFFFF90] =	vst v12  }
0x251: {  	v49 =	vld [tilespmem:s26+$0xFFFFFF50];
	v55 =	vbroadcast v13, $0xC;
	v16 =	vmul.f32 v16, v60;
	[tilespmem:s26+$0xFFFFFFA0] =	vst v2  }
0x252: {  	v44 =	vld [tilespmem:s26+$0xFFFFFEC0];
	v14 =	vbroadcast v13, $0x9;
	v54 =	vmul.f32 v32, v25;
	[tilespmem:s26+$0x70] =	vst v17  }
0x253: {  	v46 =	vld [tilespmem:s26+$0xFFFFFED0];
	v24 =	vmul.f32 v47, v55;
	[tilespmem:s26+$0xFFFFFF40] =	vst v16  }
0x254: {  	v52 =	vld [tilespmem:s26+$0xD0];
	v57 =	vmul.f32 v51, v14;
	[tilespmem:s26+$0xF0] =	vst v54  }
0x255: {  	v62 =	vbroadcast v13, $0x1;
	v59 =	vmul.f32 v45, v20;
	[tilespmem:s26+$0xC0] =	vst v24  }
0x256: {  	v23 =	vmul.f32 v49, v60;
	[tilespmem:s26+$0x30] =	vst v57  }
0x257: {  	v36 =	vmul.f32 v44, v62;
	[tilespmem:s26+$0x80] =	vst v59  }
0x258: {  	v58 =	vld [tilespmem:s26+$0xA0];
	v39 =	vmul.f32 v46, v62;
	[tilespmem:s26+$0xFFFFFF50] =	vst v23  }
0x259: {  	v35 =	vld [tilespmem:s26+$0x20];
	v42 =	vmul.f32 v52, v55;
	[tilespmem:s26+$0xFFFFFEC0] =	vst v36  }
0x25a: {  	v40 =	vld [tilespmem:s26+$0xFFFFFF30];
	v44 =	vmul.f32 v6, v50;
	[tilespmem:s26+$0xFFFFFED0] =	vst v39  }
0x25b: {  	v45 =	vmul.f32 v9, v38;
	[tilespmem:s26+$0xD0] =	vst v42  }
0x25c: {  	v51 =	vmul.f32 v3, v20;
	[tilespmem:s26+$0xFFFFFFC0] =	vst v44  }
0x25d: {  	v56 =	vld [tilespmem:s26+$0xFFFFFF70];
	v46 =	vbroadcast v13, $0x3;
	v53 =	vmul.f32 v58, v31;
	[tilespmem:s26+$0x10] =	vst v45  }
0x25e: {  	v34 =	vld [tilespmem:s26+$0xFFFFFF10];
	v58 =	vmul.f32 v35, v38;
	[tilespmem:s26+$0x60] =	vst v51  }
0x25f: {  	v63 =	vld [tilespmem:s26+$0xFFFFFFD0];
	v49 =	vbroadcast v13, $0x7;
	v48 =	vmul.f32 v40, v46;
	[tilespmem:s26+$0xA0] =	vst v53  }
0x260: {  	v43 =	vld [tilespmem:s26+$0xFFFFFFE0];
	v50 =	vmul.f32 v8, v46;
	[tilespmem:s26+$0x20] =	vst v58  }
0x261: {  	v21 =	vld [tilespmem:s26+$0xFFFFFF60];
	v0 =	vmul.f32 v0, v49;
	[tilespmem:s26+$0xFFFFFF30] =	vst v48  }
0x262: {  	v61 =	vld [tilespmem:s26+$0x50];
	v54 =	vmul.f32 v56, v41;
	[tilespmem:s26+$0xFFFFFF20] =	vst v50  }
0x263: {  	v33 =	vld [tilespmem:s26+$0xFFFFFEB0];
	v56 =	vmul.f32 v34, v46;
	[tilespmem:s26+$0xFFFFFFF0] =	vst v0  }
0x264: {  	v37 =	vld [tilespmem:s26+$0xFFFFFF80];
	v57 =	vmul.f32 v63, v49;
	[tilespmem:s26+$0xFFFFFF70] =	vst v54  }
0x265: {  	v18 =	vld [tilespmem:s26+$0x130];
	v2 =	vmul.f32 v43, v49;
	[tilespmem:s26+$0xFFFFFF10] =	vst v56  }
0x266: {  	v25 =	vld [tilespmem:s26+$0xE0];
	v59 =	vmul.f32 v21, v60;
	[tilespmem:s26+$0xFFFFFFD0] =	vst v57  }
0x267: {  	v47 =	vld [tilespmem:s26+$0x40];
	v60 =	vmul.f32 v61, v14;
	[tilespmem:s26+$0xFFFFFFE0] =	vst v2  }
0x268: {  	v61 =	vmul.f32 v33, v62;
	[tilespmem:s26+$0xFFFFFF60] =	vst v59  }
0x269: {  	v62 =	vmul.f32 v37, v41;
	[tilespmem:s26+$0x50] =	vst v60  }
0x26a: {  	v52 =	vmul.f32 v18, v7;
	[tilespmem:s26+$0xFFFFFEB0] =	vst v61  }
0x26b: {  	[tilespmem:s26+$0xFFFFFF80] =	vst v62;
	v55 =	vmul.f32 v25, v55  }
0x26c: {  	s24 =	sadd.s32 $0x1, s24;
	v63 =	vmul.f32 v47, v14;
	[tilespmem:s26+$0x130] =	vst v52  }
0x26d: {  	p0 =	sne.s32 s24, s12;
	[tilespmem:s26+$0xE0] =	vst v55  }
.Ltmp5:
0x26e: {  	s7 =	simm.s32 $0x30;
	[tilespmem:s26+$0x40] =	vst v63;
	(pc) =	sbr.rel @p0 .LBB2_1-.Ltmp5, $4  }
0x26f: {  	[hbm4b:s13+s7] =	stream.strided.scatter [tilespmem:s20], [sflag:$0x6], $0x7800, s8, s7, $0x38;
	[tilespmem:$0x190A0] =	vst v63  }
0x270: {  	_ =	swait.ge [sflag:s14], $0x7800  }
0x271: {  	[sflag:s14] =	ssyncset.done $0x0  }
0x272: {  	[sflag:s14] =	ssyncadd.s32 $0xFFFF8800  }
0x273: {  	_ =	sfence.sel $0x180000  }
0x274: {  	[bflag:$0x0] =	sbarrier.arrive $0xFFFF  }
0x275: {  	_ =	strace $0x9000004D  }
0x276: {  	s0 =	stileid.u32;
	[bflag:$0x2] =	sbarrier.arrive $0xFFFF  }
0x277: {  	p0 =	sne.s32 s0, $0x0;
	s0 =	rddreg [dreg:$0x3]  }
0x278: {  	s0 =	sadd.s32 @!p0 $0x100000, s0  }
0x279: {  	[sflag:s0] =	ssyncadd.tile.s32 @!p0 $0x1;
	_ =	shalt  }
.Lfunc_end2:
_tile_overlayer_lowered:
.L_overlay_start_2:
0x27a: {  	(tag) =	ssettag $0x2  }
0x27b: {  	s0 =	rddreg [dreg:$0x0];
	s2 =	stileid.u32  }
0x27c: {  	s1 =	rddreg [dreg:$0x1];
	p0 =	sne.s32 s2, $0x0  }
0x27d: {  	s3 =	rddreg [dreg:$0x2];
	[bflag:$0x3] =	sbarrier.arrive $0xFFFF;
	s2 =	simm.s32 @!p0 $0x1C06  }
0x27e: {  	[timem:s3], [sflag:s2] =	dma.local @!p0 [hbm:s0], s1  }
0x27f: {  	s0 =	simm.s32 @!p0 $0x6  }
0x280: {  	_ =	swait.ge @!p0 [sflag:s0], s1  }
0x281: {  	s1 =	ssub.s32 @!p0 $0x0, s1;
	[sflag:s0] =	ssyncset.done @!p0 $0x0  }
0x282: {  	[sflag:s0] =	ssyncadd.s32 @!p0 s1  }
0x283: {  	[bflag:$0x3] =	sbarrier.arrive $0xFFFF  }
0x284: {  	_ =	shalt  }

// kernel: kernel.8.cloned.1.call-start
scs
__scs_entry_jumppad:
0x0: {  	(pc) =	sbr.rel $0x88, $3  }
0x1: {  	(tag) =	ssettag $0x0;
	lr =	simm.s32 $0x1  }
0x2: {  	[smem:$0x3F9B] =	sst lr;
	_ =	strace $0xD0000000  }
0x3: {  	_ = 	snop  }
0x4: {  	_ = 	snop  }
0x5: {  	_ = 	snop  }
0x6: {  	_ = 	snop  }
0x7: {  	_ = 	snop  }
__scs_overlays_trampoline_lowered:
0x8: {  	[smem:$0x3FAA] =	sst s0  }
0x9: {  	[smem:$0x3FAB] =	sst s1  }
0xa: {  	[smem:$0x3FAC] =	sst s2  }
0xb: {  	[smem:$0x3FAD] =	sst s3  }
0xc: {  	[smem:$0x3FAE] =	sst s4  }
0xd: {  	[smem:$0x3FAF] =	sst s5  }
0xe: {  	[smem:$0x3FB0] =	sst s6  }
0xf: {  	[smem:$0x3FB1] =	sst s7  }
0x10: {  	[smem:$0x3FB2] =	sst s8  }
0x11: {  	[smem:$0x3FB3] =	sst s9;
	s0 =	simm.s32 @!p0 $0x0  }
0x12: {  	s1 =	sld [smem:$0x3F99];
	s0 =	simm.s32 @p0 $0x1  }
0x13: {  	[smem:$0x3FB4] =	sst s0;
	s0 =	simm.s32 @!p1 $0x0  }
0x14: {  	s2 =	sld [smem:$0x3F98];
	s0 =	simm.s32 @p1 $0x1  }
0x15: {  	[smem:$0x3FB5] =	sst s0;
	s0 =	simm.s32 @!p2 $0x0  }
0x16: {  	s3 =	sld [smem:$0x3FDB];
	s0 =	simm.s32 @p2 $0x1  }
0x17: {  	s4 =	simm.s32 $0x1BF5;
	[smem:$0x3FB7] =	sst s0  }
0x18: {  	s0 =	sld [smem:$0x3F9A];
	_ =	swait.ge [sflag:s4], $0x0  }
0x19: {  	s7 =	sld [smem:$0x3F9B]  }
0x1a: {  	s8 =	sadd.s32 $0xFFFFE003, lr  }
0x1b: {  	s9 =	sadd.s32 $0xFFFFFEF7, lr;
	s5 =	simm.s32 $0xFFFFFFFF;
	p2 =	slt.u32 s8, $0xFFFFF086  }
0x1c: {  	p1 =	slt.u32 s9, $0xF7A;
	s5 =	simm.s32 @!p2 $0x0  }
0x1d: {  	s5 =	simm.s32 @p1 $0x1;
	p0 =	seq.s32 s7, s2  }
0x1e: {  	s7 =	smul.u32 @!p0 $0xF7A, s2;
	p2 =	seq.s32 @!p0 s5, $0x0  }
0x1f: {  	s9 =	smul.u32 $0xF7A, s1;
	s8 =	simm.s32 @!p0 $0x1BF5;
	p2 =	por !p2, p0  }
0x20: {  	[sflag:s8] =	ssyncset.s32 @!p0 $0xFFFFF086;
	s6 =	sadd.s32 @!p0 s3, s7;
	s7 =	simm.s32 @!p0 $0x108  }
0x21: {  	s3 =	sadd.s32 s3, s9;
	s6 =	sadd.s32 @!p0 $0x88, s6;
	s7 =	simm.s32 @p2 $0x1082  }
0x22: {  	[simem:s7], [sflag:s8] =	dma.local @!p0 [hbm:s6], $0xF7A  }
0x23: {  	s9 =	sor.u32 $0xD0000000, s2;
	s6 =	simm.s32 $0x108;
	_ =	swait.ge @!p0 [sflag:s8], $0x0  }
0x24: {  	s3 =	sadd.s32 $0x88, s3;
	s6 =	simm.s32 @!p1 $0x1082;
	[sflag:s4] =	ssyncset.s32 $0xFFFFF086  }
0x25: {  	[simem:s6], [sflag:s4] =	dma.local [hbm:s3], $0xF7A  }
0x26: {  	[smem:$0x3F9B] =	sst s1;
	(tag) =	ssettag s2;
	_ =	strace s9  }
0x27: {  	s1 =	sld [smem:$0x3FAB]  }
0x28: {  	s2 =	sld [smem:$0x3FAC]  }
0x29: {  	s4 =	sld [smem:$0x3FAE]  }
0x2a: {  	p0 =	seq.s32 s5, $0x0;
	s5 =	sld [smem:$0x3FAF]  }
0x2b: {  	s6 =	sld [smem:$0x3FB0]  }
0x2c: {  	s7 =	sld [smem:$0x3FB1]  }
0x2d: {  	s3 =	simm.s32 $0x108;
	s8 =	sld [smem:$0x3FB2]  }
0x2e: {  	s3 =	simm.s32 @!p0 $0x1082;
	s9 =	sld [smem:$0x3FB3]  }
0x2f: {  	lr =	sadd.s32 s0, s3;
	s0 =	sld [smem:$0x3FAA]  }
0x30: {  	s3 =	sld [smem:$0x3FAD]  }
0x31: {  	[smem:$0x3FB6] =	sst s10  }
0x32: {  	s10 =	sld [smem:$0x3FB4];
	_ =	sdelay $0x3  }
0x33: {  	p0 =	seq.s32 s10, $0x1;
	s10 =	sld [smem:$0x3FB6];
	_ =	sdelay $0x3  }
0x34: {  	[smem:$0x3FB6] =	sst s10  }
0x35: {  	s10 =	sld [smem:$0x3FB5];
	_ =	sdelay $0x3  }
0x36: {  	p1 =	seq.s32 s10, $0x1;
	s10 =	sld [smem:$0x3FB6];
	_ =	sdelay $0x3  }
0x37: {  	[smem:$0x3FB6] =	sst s10  }
0x38: {  	s10 =	sld [smem:$0x3FB7]  }
0x39: {  	_ = 	snop;
	(pc) =	sbr.ind lr, $3  }
0x3a: {  	_ = 	snop  }
0x3b: {  	_ = 	snop  }
0x3c: {  	p2 =	seq.s32 s10, $0x1;
	s10 =	sld [smem:$0x3FB6]  }
0x3d: {  	_ =	shalt  }
0x3e: {  	_ =	shalt  }
0x3f: {  	_ =	shalt  }
0x40: {  	_ =	shalt  }
0x41: {  	_ =	shalt  }
0x42: {  	_ =	shalt  }
0x43: {  	_ =	shalt  }
0x44: {  	_ =	shalt  }
0x45: {  	_ =	shalt  }
0x46: {  	_ =	shalt  }
0x47: {  	_ =	shalt  }
0x48: {  	_ =	shalt  }
0x49: {  	_ =	shalt  }
0x4a: {  	_ =	shalt  }
0x4b: {  	_ =	shalt  }
0x4c: {  	_ =	shalt  }
0x4d: {  	_ =	shalt  }
0x4e: {  	_ =	shalt  }
0x4f: {  	_ =	shalt  }
0x50: {  	_ =	shalt  }
0x51: {  	_ =	shalt  }
0x52: {  	_ =	shalt  }
0x53: {  	_ =	shalt  }
0x54: {  	_ =	shalt  }
0x55: {  	_ =	shalt  }
0x56: {  	_ =	shalt  }
0x57: {  	_ =	shalt  }
0x58: {  	_ =	shalt  }
0x59: {  	_ =	shalt  }
0x5a: {  	_ =	shalt  }
0x5b: {  	_ =	shalt  }
0x5c: {  	_ =	shalt  }
0x5d: {  	_ =	shalt  }
0x5e: {  	_ =	shalt  }
0x5f: {  	_ =	shalt  }
0x60: {  	_ =	shalt  }
0x61: {  	_ =	shalt  }
0x62: {  	_ =	shalt  }
0x63: {  	_ =	shalt  }
0x64: {  	_ =	shalt  }
0x65: {  	_ =	shalt  }
0x66: {  	_ =	shalt  }
0x67: {  	_ =	shalt  }
0x68: {  	_ =	shalt  }
0x69: {  	_ =	shalt  }
0x6a: {  	_ =	shalt  }
0x6b: {  	_ =	shalt  }
0x6c: {  	_ =	shalt  }
0x6d: {  	_ =	shalt  }
0x6e: {  	_ =	shalt  }
0x6f: {  	_ =	shalt  }
0x70: {  	_ =	shalt  }
0x71: {  	_ =	shalt  }
0x72: {  	_ =	shalt  }
0x73: {  	_ =	shalt  }
0x74: {  	_ =	shalt  }
0x75: {  	_ =	shalt  }
0x76: {  	_ =	shalt  }
0x77: {  	_ =	shalt  }
0x78: {  	_ =	shalt  }
0x79: {  	_ =	shalt  }
0x7a: {  	_ =	shalt  }
0x7b: {  	_ =	shalt  }
0x7c: {  	_ =	shalt  }
0x7d: {  	_ =	shalt  }
0x7e: {  	_ =	shalt  }
0x7f: {  	_ =	shalt  }
0x80: {  	_ =	shalt  }
0x81: {  	_ =	shalt  }
0x82: {  	_ =	shalt  }
0x83: {  	_ =	shalt  }
0x84: {  	_ =	shalt  }
0x85: {  	_ =	shalt  }
0x86: {  	_ =	shalt  }
0x87: {  	_ =	shalt  }
.Lfunc_end0:
.L_simem_size_0:
called_computation_lowered:
.L_overlay_start_0:
0x88: {  	s2 =	sld [smem:$0x3FD9]  }
0x89: {  	s3 =	sld [smem:$0x3FFE];
	_ =	sdelay $0x1  }
0x8a: {  	s1 =	srdreg.scid  }
0x8b: {  	s0 =	sand.u32 $0x1, s1  }
0x8c: {  	s16 =	sshll.u32 s0, $0xA;
	s2 =	sadd.s32 s3, s2  }
0x8d: {  	s2 =	sadd.s32 s2, s16  }
0x8e: {  	[smem:$0x3FC2] =	sst s2  }
0x8f: {  	_ = 	snop  }
0x90: {  	(tm) =	ssettm $0x1  }
0x91: {  	s17 =	sld [smem:$0x3FFB];
	_ =	sdelay $0x3  }
0x92: {  	_ =	strace s17  }
0x93: {  	s2 =	sld [smem:$0x3FFC];
	_ =	sdelay $0x3  }
0x94: {  	_ =	strace s2  }
0x95: {  	s2 =	sld [smem:$0x3FFD];
	_ =	sdelay $0x3  }
0x96: {  	_ =	strace s2  }
0x97: {  	_ =	strace $0x8FFFFFFF  }
0x98: {  	s18 =	sld [smem:$0x3FDB];
	_ =	sdelay $0x1  }
0x99: {  	s19 =	simm.s32 $_scs_section_size  }
0x9a: {  	s4 =	simm.s32 $_size__tile_overlayer_lowered;
	s5 =	simm.s32 $_tile_overlayer_lowered  }
0x9b: {  	s22 =	simm.s32 $0x1BFF;
	s21 =	sshll.u32 s5, $0x1;
	s2 =	sadd.s32 s19, s18  }
0x9c: {  	s6 =	simm.s32 $0x0;
	s20 =	sshll.u32 s4, $0x1;
	s4 =	sadd.s32 s21, s2  }
0x9d: {  	[timem:s6], [sflag:s22] =	dma.local [hbm:s4], s20  }
0x9e: {  	_ =	swait.ge [sflag:s22], s20  }
0x9f: {  	s3 =	ssub.s32 $0x0, s20;
	[sflag:s22] =	ssyncset.done $0x0  }
0xa0: {  	[sflag:s22] =	ssyncadd.s32 s3;
	_ =	sdelay $0x1  }
0xa1: {  	s23 =	simm.s32 $0x1B8B  }
0xa2: {  	_ =	swait.ge [sflag:s23], $0x1  }
0xa3: {  	[sflag:s23] =	ssyncset.done $0x0  }
0xa4: {  	s25 =	simm.s32 $0x1B8E;
	s24 =	sld [smem:$0x3FFE];
	[sflag:s23] =	ssyncadd.s32 $0xFFFFFFFF  }
0xa5: {  	s26 =	simm.s32 $execute0_lowered;
	[smem:$0x3FD2] =	sst s25  }
0xa6: {  	s4 =	sshll.u32 s26, $0x1;
	_ =	strace $0x80000046;
	[dreg:$0x1] =	wrdreg $0xFFFFFFFF  }
0xa7: {  	s28 =	simm.s32 $_size_execute0_lowered;
	s2 =	sadd.s32 s2, s4;
	[dreg:$0x0] =	wrdreg $0x0  }
0xa8: {  	s4 =	sshll.u32 s28, $0x1;
	[dreg:$0x2] =	wrdreg s2  }
0xa9: {  	[dreg:$0x3] =	wrdreg s4  }
0xaa: {  	[dreg:$0x4] =	wrdreg $0xC0  }
0xab: {  	_ =	task [dreg:s6], $0x5FFFF  }
0xac: {  	[dreg:$0x1] =	wrdreg $0xFFFFFFFF  }
0xad: {  	[dreg:$0x0] =	wrdreg $0x60  }
0xae: {  	[dreg:$0x2] =	wrdreg s24  }
0xaf: {  	[dreg:$0x3] =	wrdreg $0x29900  }
0xb0: {  	[dreg:$0x4] =	wrdreg $0x9  }
0xb1: {  	_ =	task.clear_ibuf [dreg:s6], $0x5FFFF;
	_ =	strace $0x90000046  }
0xb2: {  	s29 =	simm.s32 $0x9;
	_ =	strace $0x80000048  }
0xb3: {  	_ =	swait.ge [sflag:s29], $0x1  }
0xb4: {  	[sflag:s29] =	ssyncadd.s32 $0xFFFFFFFF  }
0xb5: {  	_ =	strace $0x90000048  }
0xb6: {  	_ =	sfence  }
0xb7: {  	s30 =	sld [smem:$0x0];
	_ =	sdelay $0x2  }
0xb8: {  	s31 =	sshll.u32 s1, $0xD;
	s1 =	sshrl.u32 s1, $0x2  }
0xb9: {  	s3 =	sand.u32 $0x4000, s31;
	s1 =	sadd.s32 s1, s30  }
0xba: {  	s0 =	sor.u32 s3, s0;
	s1 =	sshll.u32 s1, $0x11  }
0xbb: {  	s0 =	sor.u32 s1, s0  }
0xbc: {  	s0 =	sadd.s32 $0x8F2B, s0  }
0xbd: {  	[sflag:s0] =	ssyncadd.remote.s32 $0x1  }
0xbe: {  	_ =	sfence.sel $0xFFFF  }
0xbf: {  	[dreg:$0x0] =	wrdreg $0xFFFFFFFF;
	(pc) =	sbr.abs _section_cstart, $3  }
0xc0: {  	[dreg:$0x1] =	wrdreg $0xFFFFFFFF  }
0xc1: {  	_ =	task.clear_ibuf [dreg:s6], $0x2FFFF;
	_ =	strace $0x9FFFFFFF  }
0xc2: {  	(tm) =	ssettm $0x7FFFFFFF  }
0xc3: {  	_ =	shalt  }
tec
execute0_lowered:
.L_overlay_start_1:
0x0: {  	(tag) =	ssettag $0x1  }
0x1: {  	s0 =	srdreg.scid;
	s7 =	rddreg [dreg:$0x0]  }
0x2: {  	s2 =	rddreg [dreg:$0x1];
	s1 =	stileid.u32  }
0x3: {  	s3 =	simm.s32 $0x0;
	s10 =	simm.s32 $0x50;
	s11 =	simm.s32 $0x1  }
0x4: {  	s14 =	simm.s32 $0x0;
	s4 =	sand.u32 $0x1, s0;
	s0 =	rddreg [dreg:$0x2]  }
0x5: {  	[smem:$0x7FF] =	sst s3;
	s9 =	smul.u32 $0x280, s1;
	s12 =	sshll.u32 s1, $0x6  }
0x6: {  	s5 =	sshll.u32 s4, $0x4;
	_ =	strace $0x80000047;
	s6 =	ssub.s32 $0x2, s4  }
0x7: {  	p0 =	seq.s32 s4, $0x1;
	s5 =	sor.u32 s1, s5;
	s8 =	sshrl.u32 s6, $0x1  }
0x8: {  	s5 =	smul.u32 $0x4E2, s5;
	s6 =	ssub.s32 s6, s8;
	s8 =	simm.s32 $0xCA00  }
0x9: {  	s12 =	sor.u32 $0x1C02, s12;
	s8 =	simm.s32 @!p0 $0xC400;
	s6 =	smax.u32 s6, $0x1  }
0xa: {  	s5 =	sadd.s32 s5, s7;
	s7 =	sadd.s32 s8, s7;
	s8 =	simm.s32 $0x2  }
0xb: {  	s4 =	sadd.s32 $0x2600, s5;
	s5 =	sadd.s32 s9, s2;
	s9 =	sshrl.u32 s9, $0x3  }
0xc: {  	v0 =	vimm.f32 $1.000000000e+00;
	s7 =	sadd.s32 s7, s9;
	s9 =	simm.s32 $0x2710;
	s13 =	sshrl.u32 s5, $0x3  }
.LBB2_1:
0xd: {  	[tilespmem:s3], [sflag:$0x2] =	stream.linear.gather [hbm4b:s4+s3], $0x2710, $0x38;
	[tilespmem:$0x2C10] =	vst v63  }
0xe: {  	_ =	swait.ge [sflag:s8], $0x2710  }
0xf: {  	[sflag:s8] =	ssyncset.done $0x0  }
0x10: {  	[sflag:s8] =	ssyncadd.s32 $0xFFFFD8F0  }
0x11: {  	[tilespmem:$0x2710] =	vst v0  }
0x12: {  	[tilespmem:$0x2720] =	vst v0  }
0x13: {  	[tilespmem:$0x2730] =	vst v0  }
0x14: {  	[tilespmem:$0x2740] =	vst v0  }
0x15: {  	[tilespmem:$0x2750] =	vst v0  }
0x16: {  	[tilespmem:$0x2760] =	vst v0  }
0x17: {  	[tilespmem:$0x2770] =	vst v0  }
0x18: {  	[tilespmem:$0x2780] =	vst v0  }
0x19: {  	[tilespmem:$0x2790] =	vst v0  }
0x1a: {  	[tilespmem:$0x27A0] =	vst v0  }
0x1b: {  	[tilespmem:$0x27B0] =	vst v0  }
0x1c: {  	[tilespmem:$0x27C0] =	vst v0  }
0x1d: {  	[tilespmem:$0x27D0] =	vst v0  }
0x1e: {  	[tilespmem:$0x27E0] =	vst v0  }
0x1f: {  	[tilespmem:$0x27F0] =	vst v0  }
0x20: {  	[tilespmem:$0x2800] =	vst v0  }
0x21: {  	[tilespmem:$0x2810] =	vst v0  }
0x22: {  	[tilespmem:$0x2820] =	vst v0  }
0x23: {  	[tilespmem:$0x2830] =	vst v0  }
0x24: {  	[tilespmem:$0x2840] =	vst v0  }
0x25: {  	[tilespmem:$0x2850] =	vst v0  }
0x26: {  	[tilespmem:$0x2860] =	vst v0  }
0x27: {  	[tilespmem:$0x2870] =	vst v0  }
0x28: {  	[tilespmem:$0x2880] =	vst v0  }
0x29: {  	[tilespmem:$0x2890] =	vst v0  }
0x2a: {  	[tilespmem:$0x28A0] =	vst v0  }
0x2b: {  	[tilespmem:$0x28B0] =	vst v0  }
0x2c: {  	[tilespmem:$0x28C0] =	vst v0  }
0x2d: {  	[tilespmem:$0x28D0] =	vst v0  }
0x2e: {  	[tilespmem:$0x28E0] =	vst v0  }
0x2f: {  	[tilespmem:$0x28F0] =	vst v0  }
0x30: {  	[tilespmem:$0x2900] =	vst v0  }
0x31: {  	[tilespmem:$0x2910] =	vst v0  }
0x32: {  	[tilespmem:$0x2920] =	vst v0  }
0x33: {  	[tilespmem:$0x2930] =	vst v0  }
0x34: {  	[tilespmem:$0x2940] =	vst v0  }
0x35: {  	[tilespmem:$0x2950] =	vst v0  }
0x36: {  	[tilespmem:$0x2960] =	vst v0  }
0x37: {  	[tilespmem:$0x2970] =	vst v0  }
0x38: {  	[tilespmem:$0x2980] =	vst v0  }
0x39: {  	[spmem:s5] =	stream.linear.scatter [tilespmem:s9], [sflag:$0x2], $0x280, $0x38;
	[tilespmem:$0x2C10] =	vst v63  }
0x3a: {  	_ =	swait.ge [sflag:s8], $0x280  }
0x3b: {  	[sflag:s8] =	ssyncset.done $0x0  }
0x3c: {  	[sflag:s8] =	ssyncadd.s32 $0xFFFFFD80  }
0x3d: {  	s15 =	simm.s32 $0x0;
	[bflag:$0x0] =	sbarrier.arrive $0xFFFF  }
.LBB2_2:
0x3e: {  	p0 =	sne.s32 s15, $0x9B00  }
.Ltmp0:
0x3f: {  	_ = 	snop;
	(pc) =	sbr.rel @p0 .LBB2_2-.Ltmp0, $3  }
0x40: {  	_ =	sdelay $0x1  }
0x41: {  	s16 =	sshra.s32 s15, $0x2;
	s15 =	sadd.s32 $0x140, s15  }
0x42: {  	[spmem:s2] =	stream.indirect.scatter.add.f32 [tilespmem:s9], [sflag:$0x1], $0x1, s16, s10, $0xb8;
	[tilespmem:$0x2C10] =	vst v63  }
0x43: {  	_ =	swait.ge [sflag:s11], $0x50  }
0x44: {  	s15 =	simm.s32 $0x7C;
	[sflag:s11] =	ssyncset.done $0x0  }
.LBB2_4:
0x45: {  	p0 =	sne.s32 s15, $0x1;
	s15 =	sadd.s32 $0xFFFFFFFF, s15;
	[sflag:s11] =	ssyncadd.s32 $0xFFFFFFB0  }
.Ltmp1:
0x46: {  	(pc) =	sbr.rel @p0 .LBB2_4-.Ltmp1, $3  }
0x47: {  	_ =	sdelay $0x1  }
0x48: {  	_ =	swait.ge [sflag:s11], $0x50  }
0x49: {  	[sflag:s11] =	ssyncset.done $0x0  }
0x4a: {  	s14 =	sadd.s32 $0x1, s14  }
0x4b: {  	[sflag:s11] =	ssyncadd.s32 $0xFFFFFFB0;
	p0 =	sne.s32 s14, s6  }
.Ltmp2:
0x4c: {  	[bflag:$0x0] =	sbarrier.arrive $0xFFFF;
	(pc) =	sbr.rel @p0 .LBB2_1-.Ltmp2, $4  }
0x4d: {  	[hbm:s7], [sflag:s12] =	dma.local [spmem:s13], $0x50  }
0x4e: {  	_ =	swait.ge [sflag:s8], $0x50  }
0x4f: {  	[sflag:s8] =	ssyncset.done $0x0  }
0x50: {  	[sflag:s8] =	ssyncadd.s32 $0xFFFFFFB0  }
0x51: {  	_ =	sfence.sel $0x180000  }
0x52: {  	[bflag:$0x0] =	sbarrier.arrive $0xFFFF  }
0x53: {  	p0 =	sne.s32 s1, $0x0;
	_ =	strace $0x90000047  }
0x54: {  	s0 =	sadd.s32 @!p0 $0x100000, s0;
	[bflag:$0x2] =	sbarrier.arrive $0xFFFF  }
0x55: {  	[sflag:s0] =	ssyncadd.tile.s32 @!p0 $0x1;
	_ =	shalt  }
.Lfunc_end2:
_tile_overlayer_lowered:
.L_overlay_start_2:
0x56: {  	(tag) =	ssettag $0x2  }
0x57: {  	s0 =	rddreg [dreg:$0x0];
	s2 =	stileid.u32  }
0x58: {  	s1 =	rddreg [dreg:$0x1];
	p0 =	sne.s32 s2, $0x0  }
0x59: {  	s3 =	rddreg [dreg:$0x2];
	[bflag:$0x3] =	sbarrier.arrive $0xFFFF;
	s2 =	simm.s32 @!p0 $0x1C02  }
0x5a: {  	[timem:s3], [sflag:s2] =	dma.local @!p0 [hbm:s0], s1  }
0x5b: {  	s0 =	simm.s32 @!p0 $0x2  }
0x5c: {  	_ =	swait.ge @!p0 [sflag:s0], s1  }
0x5d: {  	s1 =	ssub.s32 @!p0 $0x0, s1;
	[sflag:s0] =	ssyncset.done @!p0 $0x0  }
0x5e: {  	[sflag:s0] =	ssyncadd.s32 @!p0 s1  }
0x5f: {  	[bflag:$0x3] =	sbarrier.arrive $0xFFFF  }
0x60: {  	_ =	shalt  }

</sc_bundles>
